<compile_context>
chip_gen: v7x
topology: tpu7x:2x2x1
jax: 0.10.2.dev20260603
libtpu: 0.0.44.dev20260713+nightly
codegen_flags: <defaults>
</compile_context>

<pallas_src>
import functools

import jax
import jax.numpy as jnp
from jax import lax
from jax.experimental import pallas as pl
from jax.experimental.pallas import tpu as pltpu
from jax.experimental.pallas import tpu_sc as plsc

D_MODEL = 768
D_HID = 256
D_FF = 2 * D_HID
N_EXP = 64
T = 2048

NW = 32
BPW = T // NW
NWR = 16
TPW = T // NWR
TM = 256

_IB = lax.GatherScatterMode.PROMISE_IN_BOUNDS


def _take(v, idx):
    return v.at[idx].get(mode="promise_in_bounds")


def _cumsum16(v, lane):
    zero = jnp.zeros((16,), jnp.int32)
    for sh in (1, 2, 4, 8):
        shifted = _take(v, jnp.maximum(lane - sh, 0))
        v = v + jnp.where(lane >= sh, shifted, zero)
    return v


def _sc_route_dispatch(e_ids, x, scale2d):
    mesh = plsc.VectorSubcoreMesh(core_axis_name="c", subcore_axis_name="s")

    @functools.partial(
        pl.kernel,
        mesh=mesh,
        out_type=[
            jax.ShapeDtypeStruct((T,), jnp.int32),
            jax.ShapeDtypeStruct((80,), jnp.int32),
            jax.ShapeDtypeStruct((T, D_MODEL), jnp.float32),
            jax.ShapeDtypeStruct((T, 128), jnp.float32),
        ],
        scratch_types=[
            pltpu.VMEM((TPW,), jnp.int32),
            pltpu.VMEM((TPW,), jnp.int32),
            pltpu.VMEM((N_EXP,), jnp.int32),
            pltpu.VMEM((NWR * N_EXP,), jnp.int32),
            pltpu.VMEM((80,), jnp.int32),
            pltpu.VMEM((BPW,), jnp.int32),
            pltpu.VMEM((BPW, D_MODEL), jnp.float32),
            pltpu.VMEM((BPW, 128), jnp.float32),
            pltpu.VMEM_SHARED((NWR * N_EXP,), jnp.int32),
            pltpu.SemaphoreType.DMA,
            pltpu.SemaphoreType.DMA,
        ],
    )
    def route_k(e_hbm, x_hbm, scale_hbm, rank_hbm, offs_hbm, xs_hbm, ss_hbm,
                ids_v, pos_v, hist_v, grid_v, offs_v,
                idx_v, rows_v, srows_v, shared, sem1, sem2):
        cid = lax.axis_index("c")
        sid = lax.axis_index("s")
        if True:
            lane = lax.broadcasted_iota(jnp.int32, (16,), 0)
            zero = jnp.zeros((16,), jnp.int32)
            ev = [lane + 16 * g for g in range(4)]
            base_t = sid * TPW
            pltpu.sync_copy(e_hbm.at[pl.ds(base_t, TPW)], ids_v)

            def outer(r, bs):
                idv = ids_v[pl.ds(r * 16, 16)]
                posreg = zero
                b = list(bs)
                for k in range(16):
                    idb = _take(idv, jnp.full((16,), k, jnp.int32))
                    lsel = idb & 15
                    grp = idb >> 4
                    pos = zero
                    for g in range(4):
                        pos = pos + jnp.where(grp == g,
                                              _take(b[g], lsel), zero)
                    posreg = posreg + jnp.where(lane == k, pos, zero)
                    for g in range(4):
                        b[g] = b[g] + jnp.where(ev[g] == idb, 1, 0)
                pos_v[pl.ds(r * 16, 16)] = posreg
                return tuple(b)

            bfin = lax.fori_loop(0, TPW // 16, outer,
                                 (zero, zero, zero, zero))
            for g in range(4):
                hist_v[pl.ds(g * 16, 16)] = bfin[g]
            pltpu.sync_copy(hist_v, shared.at[pl.ds(sid * N_EXP, N_EXP)])
            plsc.subcore_barrier()
            pltpu.sync_copy(shared, grid_v)

            sid_v = jnp.broadcast_to(sid, (16,))
            c = [zero] * 4
            pw = [zero] * 4
            for w in range(NWR):
                wv = jnp.full((16,), w, jnp.int32)
                for g in range(4):
                    row = grid_v[pl.ds(w * N_EXP + g * 16, 16)]
                    c[g] = c[g] + row
                    wlt = jnp.minimum(jnp.maximum(sid_v - wv, 0), 1)
                    pw[g] = pw[g] + row * wlt
            cs = [_cumsum16(c[g], lane) for g in range(4)]
            excl = [cs[g] - c[g] for g in range(4)]
            tot = [_take(cs[g], jnp.full((16,), 15, jnp.int32))
                   for g in range(4)]
            basev = [excl[0]]
            run = tot[0]
            for g in range(1, 4):
                basev.append(excl[g] + run)
                run = run + tot[g]
            wb = [basev[g] + pw[g] for g in range(4)]

            @pl.when((sid == 0) & (cid == 0))
            def _offs():
                for g in range(4):
                    offs_v[pl.ds(g * 16, 16)] = basev[g]
                offs_v[pl.ds(64, 16)] = jnp.full((16,), T, jnp.int32)
                pltpu.sync_copy(offs_v, offs_hbm)

            def fix(r, carry):
                idv = ids_v[pl.ds(r * 16, 16)]
                lp = pos_v[pl.ds(r * 16, 16)]
                lsel = idv & 15
                grp = idv >> 4
                add = zero
                for g in range(4):
                    add = add + jnp.where(grp == g, _take(wb[g], lsel), zero)
                pos_v[pl.ds(r * 16, 16)] = lp + add
                return carry

            lax.fori_loop(0, TPW // 16, fix, 0)

            half = cid * BPW
            for q in range(BPW // 16):
                idx_v[pl.ds(q * 16, 16)] = pos_v[pl.ds(half + q * 16, 16)]
            dbase = base_t + half
            pltpu.sync_copy(idx_v, rank_hbm.at[pl.ds(dbase, BPW)])
            pltpu.sync_copy(x_hbm.at[pl.ds(dbase, BPW)], rows_v)
            pltpu.sync_copy(scale_hbm.at[pl.ds(dbase, BPW)], srows_v)
            cp1 = pltpu.async_copy(rows_v, xs_hbm.at[idx_v], sem1)
            cp2 = pltpu.async_copy(srows_v, ss_hbm.at[idx_v], sem2)
            cp1.wait()
            cp2.wait()

    return route_k(e_ids, x, scale2d)


def _sc_dispatch(x, scale2d, rank):
    mesh = plsc.VectorSubcoreMesh(core_axis_name="c", subcore_axis_name="s")

    @functools.partial(
        pl.kernel,
        mesh=mesh,
        out_type=[
            jax.ShapeDtypeStruct((T, D_MODEL), jnp.float32),
            jax.ShapeDtypeStruct((T, 128), jnp.float32),
        ],
        scratch_types=[
            pltpu.VMEM((BPW,), jnp.int32),
            pltpu.VMEM((BPW, D_MODEL), jnp.float32),
            pltpu.VMEM((BPW, 128), jnp.float32),
            pltpu.SemaphoreType.DMA,
            pltpu.SemaphoreType.DMA,
        ],
    )
    def dispatch_k(x_hbm, scale_hbm, rank_hbm, xs_hbm, ss_hbm,
                   idx_v, rows_v, srows_v, sem1, sem2):
        wid = lax.axis_index("s") * 2 + lax.axis_index("c")
        base = wid * BPW
        pltpu.sync_copy(rank_hbm.at[pl.ds(base, BPW)], idx_v)
        pltpu.sync_copy(x_hbm.at[pl.ds(base, BPW)], rows_v)
        pltpu.sync_copy(scale_hbm.at[pl.ds(base, BPW)], srows_v)
        cp1 = pltpu.async_copy(rows_v, xs_hbm.at[idx_v], sem1)
        cp2 = pltpu.async_copy(srows_v, ss_hbm.at[idx_v], sem2)
        cp1.wait()
        cp2.wait()

    return dispatch_k(x, scale2d, rank)


def _sc_combine(table, rank):
    mesh = plsc.VectorSubcoreMesh(core_axis_name="c", subcore_axis_name="s")

    @functools.partial(
        pl.kernel,
        mesh=mesh,
        out_type=jax.ShapeDtypeStruct((T, D_MODEL), jnp.float32),
        scratch_types=[
            pltpu.VMEM((BPW,), jnp.int32),
            pltpu.VMEM((BPW, D_MODEL), jnp.float32),
            pltpu.SemaphoreType.DMA,
        ],
    )
    def combine_k(table_hbm, idx_hbm, out_hbm, idx_v, rows_v, sem):
        wid = lax.axis_index("s") * 2 + lax.axis_index("c")
        base = wid * BPW
        pltpu.sync_copy(idx_hbm.at[pl.ds(base, BPW)], idx_v)
        pltpu.async_copy(table_hbm.at[idx_v], rows_v, sem).wait()
        pltpu.sync_copy(rows_v, out_hbm.at[pl.ds(base, BPW)])

    return combine_k(table, rank)


def _tc_gmm_kernel(offs_ref, xs_ref, ss_ref, w1_ref, w2_ref, out_ref):
    e = pl.program_id(0)

    @pl.when(e == 0)
    def _init():
        out_ref[...] = jnp.zeros_like(out_ref)

    start = offs_ref[e]
    end = offs_ref[e + 1]
    t0 = start // TM
    t1 = (end + TM - 1) // TM
    w1 = w1_ref[0]
    w2 = w2_ref[0]

    def body(ti, carry):
        r0 = ti * TM
        rows = xs_ref[pl.ds(r0, TM), :]
        y = lax.dot_general(rows, w1, (((1,), (1,)), ((), ())),
                            preferred_element_type=jnp.float32)
        y1 = y[:, :D_HID]
        g = y[:, D_HID:]
        rid = r0 + lax.broadcasted_iota(jnp.int32, (TM, 1), 0)
        m = (rid >= start) & (rid < end)
        sc = ss_ref[pl.ds(r0, TM), 0:1]
        msc = jnp.where(m, sc, 0.0)
        h = y1 * g * jax.nn.sigmoid(g) * msc
        yo = lax.dot_general(h, w2, (((1,), (1,)), ((), ())),
                             preferred_element_type=jnp.float32)
        out_ref[pl.ds(r0, TM), :] += yo
        return carry

    lax.fori_loop(t0, t1, body, 0)


def _tc_gmm(offsets, xs, ss, fc1_weights, fc2_weights):
    return pl.pallas_call(
        _tc_gmm_kernel,
        grid=(N_EXP,),
        in_specs=[
            pl.BlockSpec(memory_space=pltpu.SMEM),
            pl.BlockSpec((T, D_MODEL), lambda e: (0, 0)),
            pl.BlockSpec((T, 128), lambda e: (0, 0)),
            pl.BlockSpec((1, D_FF, D_MODEL), lambda e: (e, 0, 0)),
            pl.BlockSpec((1, D_MODEL, D_HID), lambda e: (e, 0, 0)),
        ],
        out_specs=pl.BlockSpec((T, D_MODEL), lambda e: (0, 0)),
        out_shape=jax.ShapeDtypeStruct((T, D_MODEL), jnp.float32),
        compiler_params=pltpu.CompilerParams(
            dimension_semantics=("arbitrary",)),
    )(offsets, xs, ss, fc1_weights, fc2_weights)


def kernel(x, weights, indices, fc1_weights, fc2_weights):
    e_ids = indices[:, 0].astype(jnp.int32)
    scale = weights[:, 0].astype(jnp.float32)
    scale2d = jnp.broadcast_to(scale[:, None], (T, 128))

    rank, offsets, xs, ss = _sc_route_dispatch(e_ids, x, scale2d)
    out_sorted = _tc_gmm(offsets, xs, ss, fc1_weights, fc2_weights)
    return _sc_combine(out_sorted, rank)

# --- scband reference (transcript-rebuilt; emitter-appended) ---
"""Pipeline reference for scband-mo-e-16226386444690 (READ-ONLY COPY).

The authoritative reference and input builder live on the scoring server;
editing this copy changes nothing except your own understanding.
"""

import jax, jax.numpy as jnp
import numpy as np

IN_FEATURES = 768
D_INTERMEDIATE = 256
N_EXPERTS = 64
TOP_K = 1
N_TOKENS = 2048


def setup_inputs(seed: int = 0) -> dict:
    key = jax.random.key(seed)
    k1, k2, k3, k4, k5 = jax.random.split(key, 5)
    x = jax.random.normal(k1, (N_TOKENS, IN_FEATURES), dtype=jnp.float32)
    weights = jax.random.uniform(k2, (N_TOKENS, TOP_K), dtype=jnp.float32)
    indices = jax.random.randint(k3, (N_TOKENS, TOP_K), 0, N_EXPERTS)
    # learned parameters, sized per init_kwargs (matches _RoutedExperts.__init__)
    fc1_weights = jax.random.normal(k4, (N_EXPERTS, 2 * D_INTERMEDIATE, IN_FEATURES), dtype=jnp.float32) / (IN_FEATURES ** 0.5)
    fc2_weights = jax.random.normal(k5, (N_EXPERTS, IN_FEATURES, D_INTERMEDIATE), dtype=jnp.float32) / (D_INTERMEDIATE ** 0.5)
    return {
        "x": x,
        "weights": weights,
        "indices": indices,
        "fc1_weights": fc1_weights,
        "fc2_weights": fc2_weights,
    }


def reference(x, weights, indices, fc1_weights, fc2_weights):
    # Faithful single-process (ep_mesh=None) routed-experts forward.
    # Math identical to RoutedExpertsTorchEPForLoop / NoEP variants:
    #   out[t] = sum_k weights[t, k] * expert_{indices[t, k]}(x[t])
    # where each expert is a gated MLP: fc2( (y * silu(gate)) ), y,gate = chunk(fc1(x)).
    n_experts = fc1_weights.shape[0]
    out = jnp.zeros_like(x)
    for e in range(n_experts):
        # combined routing weight for tokens that selected expert e (sums over activated slots)
        m = jnp.sum(jnp.where(indices == e, weights, 0.0), axis=-1)  # [T]
        y = x @ fc1_weights[e].T  # [T, 2*d_intermediate]
        y1, gate = jnp.split(y, 2, axis=-1)
        h = y1 * jax.nn.silu(gate)
        yo = h @ fc2_weights[e].T  # [T, in_features]
        out = out + m[:, None] * yo
    return out

if __name__ == "__main__":
    import jax
    _d = setup_inputs()
    print(jax.jit(kernel)(*tuple(_d.values())))

</pallas_src>

<mosaic_0001>
#map = affine_map<(d0, d1) -> (0)>
#map1 = affine_map<(d0, d1) -> (0, 0)>
module attributes {stable_mosaic.version = 14 : i64} {
  func.func @route_k(%arg0: i32, %arg1: i32, %arg2: memref<2048xi32, #tpu.memory_space<hbm>>, %arg3: memref<2048x768xf32, #tpu.memory_space<hbm>>, %arg4: memref<2048x128xf32, #tpu.memory_space<hbm>>, %arg5: memref<2048xi32, #tpu.memory_space<hbm>>, %arg6: memref<80xi32, #tpu.memory_space<hbm>>, %arg7: memref<2048x768xf32, #tpu.memory_space<hbm>>, %arg8: memref<2048x128xf32, #tpu.memory_space<hbm>>, %arg9: memref<128xi32, #tpu.memory_space<vmem>>, %arg10: memref<128xi32, #tpu.memory_space<vmem>>, %arg11: memref<64xi32, #tpu.memory_space<vmem>>, %arg12: memref<1024xi32, #tpu.memory_space<vmem>>, %arg13: memref<80xi32, #tpu.memory_space<vmem>>, %arg14: memref<64xi32, #tpu.memory_space<vmem>>, %arg15: memref<64x768xf32, #tpu.memory_space<vmem>>, %arg16: memref<64x128xf32, #tpu.memory_space<vmem>>, %arg17: memref<1024xi32, #tpu.memory_space<vmem_shared>>, %arg18: memref<!tpu.dma_semaphore, #tpu.memory_space<semaphore_mem>>, %arg19: memref<!tpu.dma_semaphore, #tpu.memory_space<semaphore_mem>>) attributes {dimension_semantics = [#tpu.dimension_semantics<core_parallel>, #tpu.dimension_semantics<subcore_parallel>], iteration_bounds = array<i64: 2, 16>, scalar_prefetch = 0 : i64, scratch_operands = 11 : i64, tpu.core_type = #tpu.core_type<sc_vector_subcore>, window_params = [{transform_indices = #map}, {transform_indices = #map1}, {transform_indices = #map1}, {transform_indices = #map}, {transform_indices = #map}, {transform_indices = #map1}, {transform_indices = #map1}]} {
    %iota3A = tpu.iota {dimensions = array<i32: 0>} : vector<16xi32>
    %broadcast_in_dim3A = arith.constant 0 : i32
    %broadcast_in_dim3A_0 = vector.broadcast %broadcast_in_dim3A : i32 to vector<16xi32>
    %add3A = arith.constant 0 : i32
    %add3A_1 = vector.broadcast %add3A : i32 to vector<16xi32>
    %add3A_2 = arith.addi %iota3A, %add3A_1 : vector<16xi32>
    %add3A_3 = arith.constant 16 : i32
    %add3A_4 = vector.broadcast %add3A_3 : i32 to vector<16xi32>
    %add3A_5 = arith.addi %iota3A, %add3A_4 : vector<16xi32>
    %add3A_6 = arith.constant 32 : i32
    %add3A_7 = vector.broadcast %add3A_6 : i32 to vector<16xi32>
    %add3A_8 = arith.addi %iota3A, %add3A_7 : vector<16xi32>
    %add3A_9 = arith.constant 48 : i32
    %add3A_10 = vector.broadcast %add3A_9 : i32 to vector<16xi32>
    %add3A_11 = arith.addi %iota3A, %add3A_10 : vector<16xi32>
    %mul3A = arith.constant 128 : i32
    %mul3A_12 = arith.muli %arg1, %mul3A : i32
    "tpu.region"() ({
      %run_scoped3A = tpu.sem_alloc : memref<!tpu.dma_semaphore, #tpu.memory_space<semaphore_mem>>
      %dma_start3A_1357 = tpu.memref_slice %arg2[%mul3A_12] : memref<2048xi32, #tpu.memory_space<hbm>> -> memref<128xi32, #tpu.memory_space<hbm>>
      %dma_start3A_1358 = tpu.memref_slice %arg2[%mul3A_12] : memref<2048xi32, #tpu.memory_space<hbm>> -> memref<128xi32, #tpu.memory_space<hbm>>
      tpu.enqueue_dma source(%dma_start3A_1358 : memref<128xi32, #tpu.memory_space<hbm>>) target(%arg9 : memref<128xi32, #tpu.memory_space<vmem>>) target_semaphore(%run_scoped3A : memref<!tpu.dma_semaphore, #tpu.memory_space<semaphore_mem>>)
      %dma_wait3A_1359 = tpu.memref_slice %arg2[%mul3A_12] : memref<2048xi32, #tpu.memory_space<hbm>> -> memref<128xi32, #tpu.memory_space<hbm>>
      %dma_wait3A_1360 = tpu.memref_slice %arg2[%mul3A_12] : memref<2048xi32, #tpu.memory_space<hbm>> -> memref<128xi32, #tpu.memory_space<hbm>>
      tpu.wait_dma2 semaphore(%run_scoped3A : memref<!tpu.dma_semaphore, #tpu.memory_space<semaphore_mem>>) src(%dma_wait3A_1360 : memref<128xi32, #tpu.memory_space<hbm>>) dst(%arg9 : memref<128xi32, #tpu.memory_space<vmem>>)
      tpu.yield
    }) : () -> ()
    %scan3A = arith.constant 0 : i32
    %scan3A_13 = arith.constant 8 : i32
    %scan3A_14 = arith.addi %scan3A, %scan3A_13 : i32
    %scan3A_15 = arith.constant 1 : i32
    %scan3A_16:4 = scf.for %scan3A_1357 = %scan3A to %scan3A_14 step %scan3A_15 iter_args(%scan3A_1358 = %broadcast_in_dim3A_0, %scan3A_1359 = %broadcast_in_dim3A_0, %scan3A_1360 = %broadcast_in_dim3A_0, %scan3A_1361 = %broadcast_in_dim3A_0) -> (vector<16xi32>, vector<16xi32>, vector<16xi32>, vector<16xi32>)  : i32 {
      %mul3A_1362 = arith.constant 16 : i32
      %mul3A_1363 = arith.muli %scan3A_1357, %mul3A_1362 : i32
      %get3A_1364 = arith.index_cast %mul3A_1363 : i32 to index
      %get3A_1365 = tpu.vector_load %arg9[%get3A_1364] {strides = array<i32>} : memref<128xi32, #tpu.memory_space<vmem>>, vector<16xi32>,
      %get3A_1366 = vector.shape_cast %get3A_1365 : vector<16xi32> to vector<16xi32>
      %broadcast_in_dim3A_1367 = arith.constant 0 : i32
      %broadcast_in_dim3A_1368 = vector.broadcast %broadcast_in_dim3A_1367 : i32 to vector<16xi32>
      %lt3A_1369 = arith.constant 0 : i32
      %lt3A_1370 = vector.broadcast %lt3A_1369 : i32 to vector<16xi32>
      %lt3A_1371 = arith.cmpi slt, %broadcast_in_dim3A_1368, %lt3A_1370 : vector<16xi32>
      %add3A_1372 = arith.constant 16 : i32
      %add3A_1373 = vector.broadcast %add3A_1372 : i32 to vector<16xi32>
      %add3A_1374 = arith.addi %broadcast_in_dim3A_1368, %add3A_1373 : vector<16xi32>
      %select_n3A_1375 = arith.select %lt3A_1371, %add3A_1374, %broadcast_in_dim3A_1368 : vector<16xi1>, vector<16xi32>
      %broadcast_in_dim3A_1376 = vector.shape_cast %select_n3A_1375 : vector<16xi32> to vector<16x1xi32>
      %gather3A_1377 = vector.shape_cast %broadcast_in_dim3A_1376 : vector<16x1xi32> to vector<16xi32>
      %gather3A_1378 = tpu.dynamic_gather %get3A_1366[%gather3A_1377] in [0] : vector<16xi32>, vector<16xi32> -> vector<16xi32>
      %and3A_1379 = arith.constant 15 : i32
      %and3A_1380 = vector.broadcast %and3A_1379 : i32 to vector<16xi32>
      %and3A_1381 = arith.andi %gather3A_1378, %and3A_1380 : vector<16xi32>
      %shift_right_arithmetic3A = arith.constant 4 : i32
      %shift_right_arithmetic3A_1382 = vector.broadcast %shift_right_arithmetic3A : i32 to vector<16xi32>
      %shift_right_arithmetic3A_1383 = arith.shrsi %gather3A_1378, %shift_right_arithmetic3A_1382 : vector<16xi32>
      %eq3A_1384 = arith.constant 0 : i32
      %eq3A_1385 = vector.broadcast %eq3A_1384 : i32 to vector<16xi32>
      %eq3A_1386 = arith.cmpi eq, %shift_right_arithmetic3A_1383, %eq3A_1385 : vector<16xi32>
      %lt3A_1387 = arith.constant 0 : i32
      %lt3A_1388 = vector.broadcast %lt3A_1387 : i32 to vector<16xi32>
      %lt3A_1389 = arith.cmpi slt, %and3A_1381, %lt3A_1388 : vector<16xi32>
      %add3A_1390 = arith.constant 16 : i32
      %add3A_1391 = vector.broadcast %add3A_1390 : i32 to vector<16xi32>
      %add3A_1392 = arith.addi %and3A_1381, %add3A_1391 : vector<16xi32>
      %select_n3A_1393 = arith.select %lt3A_1389, %add3A_1392, %and3A_1381 : vector<16xi1>, vector<16xi32>
      %broadcast_in_dim3A_1394 = vector.shape_cast %select_n3A_1393 : vector<16xi32> to vector<16x1xi32>
      %gather3A_1395 = vector.shape_cast %broadcast_in_dim3A_1394 : vector<16x1xi32> to vector<16xi32>
      %gather3A_1396 = tpu.dynamic_gather %scan3A_1358[%gather3A_1395] in [0] : vector<16xi32>, vector<16xi32> -> vector<16xi32>
      %select_n3A_1397 = arith.select %eq3A_1386, %gather3A_1396, %broadcast_in_dim3A_0 : vector<16xi1>, vector<16xi32>
      %add3A_1398 = arith.addi %broadcast_in_dim3A_0, %select_n3A_1397 : vector<16xi32>
      %eq3A_1399 = arith.constant 1 : i32
      %eq3A_1400 = vector.broadcast %eq3A_1399 : i32 to vector<16xi32>
      %eq3A_1401 = arith.cmpi eq, %shift_right_arithmetic3A_1383, %eq3A_1400 : vector<16xi32>
      %lt3A_1402 = arith.constant 0 : i32
      %lt3A_1403 = vector.broadcast %lt3A_1402 : i32 to vector<16xi32>
      %lt3A_1404 = arith.cmpi slt, %and3A_1381, %lt3A_1403 : vector<16xi32>
      %add3A_1405 = arith.constant 16 : i32
      %add3A_1406 = vector.broadcast %add3A_1405 : i32 to vector<16xi32>
      %add3A_1407 = arith.addi %and3A_1381, %add3A_1406 : vector<16xi32>
      %select_n3A_1408 = arith.select %lt3A_1404, %add3A_1407, %and3A_1381 : vector<16xi1>, vector<16xi32>
      %broadcast_in_dim3A_1409 = vector.shape_cast %select_n3A_1408 : vector<16xi32> to vector<16x1xi32>
      %gather3A_1410 = vector.shape_cast %broadcast_in_dim3A_1409 : vector<16x1xi32> to vector<16xi32>
      %gather3A_1411 = tpu.dynamic_gather %scan3A_1359[%gather3A_1410] in [0] : vector<16xi32>, vector<16xi32> -> vector<16xi32>
      %select_n3A_1412 = arith.select %eq3A_1401, %gather3A_1411, %broadcast_in_dim3A_0 : vector<16xi1>, vector<16xi32>
      %add3A_1413 = arith.addi %add3A_1398, %select_n3A_1412 : vector<16xi32>
      %eq3A_1414 = arith.constant 2 : i32
      %eq3A_1415 = vector.broadcast %eq3A_1414 : i32 to vector<16xi32>
      %eq3A_1416 = arith.cmpi eq, %shift_right_arithmetic3A_1383, %eq3A_1415 : vector<16xi32>
      %lt3A_1417 = arith.constant 0 : i32
      %lt3A_1418 = vector.broadcast %lt3A_1417 : i32 to vector<16xi32>
      %lt3A_1419 = arith.cmpi slt, %and3A_1381, %lt3A_1418 : vector<16xi32>
      %add3A_1420 = arith.constant 16 : i32
      %add3A_1421 = vector.broadcast %add3A_1420 : i32 to vector<16xi32>
      %add3A_1422 = arith.addi %and3A_1381, %add3A_1421 : vector<16xi32>
      %select_n3A_1423 = arith.select %lt3A_1419, %add3A_1422, %and3A_1381 : vector<16xi1>, vector<16xi32>
      %broadcast_in_dim3A_1424 = vector.shape_cast %select_n3A_1423 : vector<16xi32> to vector<16x1xi32>
      %gather3A_1425 = vector.shape_cast %broadcast_in_dim3A_1424 : vector<16x1xi32> to vector<16xi32>
      %gather3A_1426 = tpu.dynamic_gather %scan3A_1360[%gather3A_1425] in [0] : vector<16xi32>, vector<16xi32> -> vector<16xi32>
      %select_n3A_1427 = arith.select %eq3A_1416, %gather3A_1426, %broadcast_in_dim3A_0 : vector<16xi1>, vector<16xi32>
      %add3A_1428 = arith.addi %add3A_1413, %select_n3A_1427 : vector<16xi32>
      %eq3A_1429 = arith.constant 3 : i32
      %eq3A_1430 = vector.broadcast %eq3A_1429 : i32 to vector<16xi32>
      %eq3A_1431 = arith.cmpi eq, %shift_right_arithmetic3A_1383, %eq3A_1430 : vector<16xi32>
      %lt3A_1432 = arith.constant 0 : i32
      %lt3A_1433 = vector.broadcast %lt3A_1432 : i32 to vector<16xi32>
      %lt3A_1434 = arith.cmpi slt, %and3A_1381, %lt3A_1433 : vector<16xi32>
      %add3A_1435 = arith.constant 16 : i32
      %add3A_1436 = vector.broadcast %add3A_1435 : i32 to vector<16xi32>
      %add3A_1437 = arith.addi %and3A_1381, %add3A_1436 : vector<16xi32>
      %select_n3A_1438 = arith.select %lt3A_1434, %add3A_1437, %and3A_1381 : vector<16xi1>, vector<16xi32>
      %broadcast_in_dim3A_1439 = vector.shape_cast %select_n3A_1438 : vector<16xi32> to vector<16x1xi32>
      %gather3A_1440 = vector.shape_cast %broadcast_in_dim3A_1439 : vector<16x1xi32> to vector<16xi32>
      %gather3A_1441 = tpu.dynamic_gather %scan3A_1361[%gather3A_1440] in [0] : vector<16xi32>, vector<16xi32> -> vector<16xi32>
      %select_n3A_1442 = arith.select %eq3A_1431, %gather3A_1441, %broadcast_in_dim3A_0 : vector<16xi1>, vector<16xi32>
      %add3A_1443 = arith.addi %add3A_1428, %select_n3A_1442 : vector<16xi32>
      %eq3A_1444 = arith.constant 0 : i32
      %eq3A_1445 = vector.broadcast %eq3A_1444 : i32 to vector<16xi32>
      %eq3A_1446 = arith.cmpi eq, %iota3A, %eq3A_1445 : vector<16xi32>
      %select_n3A_1447 = arith.select %eq3A_1446, %add3A_1443, %broadcast_in_dim3A_0 : vector<16xi1>, vector<16xi32>
      %add3A_1448 = arith.addi %broadcast_in_dim3A_0, %select_n3A_1447 : vector<16xi32>
      %eq3A_1449 = arith.cmpi eq, %add3A_2, %gather3A_1378 : vector<16xi32>
      %jit3A = arith.constant 1 : i32
      %jit3A_1450 = arith.constant 0 : i32
      %broadcast_in_dim3A_1451 = vector.broadcast %jit3A : i32 to vector<16xi32>
      %broadcast_in_dim3A_1452 = vector.broadcast %jit3A_1450 : i32 to vector<16xi32>
      %select_n3A_1453 = arith.select %eq3A_1449, %broadcast_in_dim3A_1451, %broadcast_in_dim3A_1452 : vector<16xi1>, vector<16xi32>
      %add3A_1454 = arith.addi %scan3A_1358, %select_n3A_1453 : vector<16xi32>
      %eq3A_1455 = arith.cmpi eq, %add3A_5, %gather3A_1378 : vector<16xi32>
      %jit3A_1456 = arith.constant 1 : i32
      %jit3A_1457 = arith.constant 0 : i32
      %broadcast_in_dim3A_1458 = vector.broadcast %jit3A_1456 : i32 to vector<16xi32>
      %broadcast_in_dim3A_1459 = vector.broadcast %jit3A_1457 : i32 to vector<16xi32>
      %select_n3A_1460 = arith.select %eq3A_1455, %broadcast_in_dim3A_1458, %broadcast_in_dim3A_1459 : vector<16xi1>, vector<16xi32>
      %add3A_1461 = arith.addi %scan3A_1359, %select_n3A_1460 : vector<16xi32>
      %eq3A_1462 = arith.cmpi eq, %add3A_8, %gather3A_1378 : vector<16xi32>
      %jit3A_1463 = arith.constant 1 : i32
      %jit3A_1464 = arith.constant 0 : i32
      %broadcast_in_dim3A_1465 = vector.broadcast %jit3A_1463 : i32 to vector<16xi32>
      %broadcast_in_dim3A_1466 = vector.broadcast %jit3A_1464 : i32 to vector<16xi32>
      %select_n3A_1467 = arith.select %eq3A_1462, %broadcast_in_dim3A_1465, %broadcast_in_dim3A_1466 : vector<16xi1>, vector<16xi32>
      %add3A_1468 = arith.addi %scan3A_1360, %select_n3A_1467 : vector<16xi32>
      %eq3A_1469 = arith.cmpi eq, %add3A_11, %gather3A_1378 : vector<16xi32>
      %jit3A_1470 = arith.constant 1 : i32
      %jit3A_1471 = arith.constant 0 : i32
      %broadcast_in_dim3A_1472 = vector.broadcast %jit3A_1470 : i32 to vector<16xi32>
      %broadcast_in_dim3A_1473 = vector.broadcast %jit3A_1471 : i32 to vector<16xi32>
      %select_n3A_1474 = arith.select %eq3A_1469, %broadcast_in_dim3A_1472, %broadcast_in_dim3A_1473 : vector<16xi1>, vector<16xi32>
      %add3A_1475 = arith.addi %scan3A_1361, %select_n3A_1474 : vector<16xi32>
      %broadcast_in_dim3A_1476 = arith.constant 1 : i32
      %broadcast_in_dim3A_1477 = vector.broadcast %broadcast_in_dim3A_1476 : i32 to vector<16xi32>
      %lt3A_1478 = arith.constant 0 : i32
      %lt3A_1479 = vector.broadcast %lt3A_1478 : i32 to vector<16xi32>
      %lt3A_1480 = arith.cmpi slt, %broadcast_in_dim3A_1477, %lt3A_1479 : vector<16xi32>
      %add3A_1481 = arith.constant 16 : i32
      %add3A_1482 = vector.broadcast %add3A_1481 : i32 to vector<16xi32>
      %add3A_1483 = arith.addi %broadcast_in_dim3A_1477, %add3A_1482 : vector<16xi32>
      %select_n3A_1484 = arith.select %lt3A_1480, %add3A_1483, %broadcast_in_dim3A_1477 : vector<16xi1>, vector<16xi32>
      %broadcast_in_dim3A_1485 = vector.shape_cast %select_n3A_1484 : vector<16xi32> to vector<16x1xi32>
      %gather3A_1486 = vector.shape_cast %broadcast_in_dim3A_1485 : vector<16x1xi32> to vector<16xi32>
      %gather3A_1487 = tpu.dynamic_gather %get3A_1366[%gather3A_1486] in [0] : vector<16xi32>, vector<16xi32> -> vector<16xi32>
      %and3A_1488 = arith.constant 15 : i32
      %and3A_1489 = vector.broadcast %and3A_1488 : i32 to vector<16xi32>
      %and3A_1490 = arith.andi %gather3A_1487, %and3A_1489 : vector<16xi32>
      %shift_right_arithmetic3A_1491 = arith.constant 4 : i32
      %shift_right_arithmetic3A_1492 = vector.broadcast %shift_right_arithmetic3A_1491 : i32 to vector<16xi32>
      %shift_right_arithmetic3A_1493 = arith.shrsi %gather3A_1487, %shift_right_arithmetic3A_1492 : vector<16xi32>
      %eq3A_1494 = arith.constant 0 : i32
      %eq3A_1495 = vector.broadcast %eq3A_1494 : i32 to vector<16xi32>
      %eq3A_1496 = arith.cmpi eq, %shift_right_arithmetic3A_1493, %eq3A_1495 : vector<16xi32>
      %lt3A_1497 = arith.constant 0 : i32
      %lt3A_1498 = vector.broadcast %lt3A_1497 : i32 to vector<16xi32>
      %lt3A_1499 = arith.cmpi slt, %and3A_1490, %lt3A_1498 : vector<16xi32>
      %add3A_1500 = arith.constant 16 : i32
      %add3A_1501 = vector.broadcast %add3A_1500 : i32 to vector<16xi32>
      %add3A_1502 = arith.addi %and3A_1490, %add3A_1501 : vector<16xi32>
      %select_n3A_1503 = arith.select %lt3A_1499, %add3A_1502, %and3A_1490 : vector<16xi1>, vector<16xi32>
      %broadcast_in_dim3A_1504 = vector.shape_cast %select_n3A_1503 : vector<16xi32> to vector<16x1xi32>
      %gather3A_1505 = vector.shape_cast %broadcast_in_dim3A_1504 : vector<16x1xi32> to vector<16xi32>
      %gather3A_1506 = tpu.dynamic_gather %add3A_1454[%gather3A_1505] in [0] : vector<16xi32>, vector<16xi32> -> vector<16xi32>
      %select_n3A_1507 = arith.select %eq3A_1496, %gather3A_1506, %broadcast_in_dim3A_0 : vector<16xi1>, vector<16xi32>
      %add3A_1508 = arith.addi %broadcast_in_dim3A_0, %select_n3A_1507 : vector<16xi32>
      %eq3A_1509 = arith.constant 1 : i32
      %eq3A_1510 = vector.broadcast %eq3A_1509 : i32 to vector<16xi32>
      %eq3A_1511 = arith.cmpi eq, %shift_right_arithmetic3A_1493, %eq3A_1510 : vector<16xi32>
      %lt3A_1512 = arith.constant 0 : i32
      %lt3A_1513 = vector.broadcast %lt3A_1512 : i32 to vector<16xi32>
      %lt3A_1514 = arith.cmpi slt, %and3A_1490, %lt3A_1513 : vector<16xi32>
      %add3A_1515 = arith.constant 16 : i32
      %add3A_1516 = vector.broadcast %add3A_1515 : i32 to vector<16xi32>
      %add3A_1517 = arith.addi %and3A_1490, %add3A_1516 : vector<16xi32>
      %select_n3A_1518 = arith.select %lt3A_1514, %add3A_1517, %and3A_1490 : vector<16xi1>, vector<16xi32>
      %broadcast_in_dim3A_1519 = vector.shape_cast %select_n3A_1518 : vector<16xi32> to vector<16x1xi32>
      %gather3A_1520 = vector.shape_cast %broadcast_in_dim3A_1519 : vector<16x1xi32> to vector<16xi32>
      %gather3A_1521 = tpu.dynamic_gather %add3A_1461[%gather3A_1520] in [0] : vector<16xi32>, vector<16xi32> -> vector<16xi32>
      %select_n3A_1522 = arith.select %eq3A_1511, %gather3A_1521, %broadcast_in_dim3A_0 : vector<16xi1>, vector<16xi32>
      %add3A_1523 = arith.addi %add3A_1508, %select_n3A_1522 : vector<16xi32>
      %eq3A_1524 = arith.constant 2 : i32
      %eq3A_1525 = vector.broadcast %eq3A_1524 : i32 to vector<16xi32>
      %eq3A_1526 = arith.cmpi eq, %shift_right_arithmetic3A_1493, %eq3A_1525 : vector<16xi32>
      %lt3A_1527 = arith.constant 0 : i32
      %lt3A_1528 = vector.broadcast %lt3A_1527 : i32 to vector<16xi32>
      %lt3A_1529 = arith.cmpi slt, %and3A_1490, %lt3A_1528 : vector<16xi32>
      %add3A_1530 = arith.constant 16 : i32
      %add3A_1531 = vector.broadcast %add3A_1530 : i32 to vector<16xi32>
      %add3A_1532 = arith.addi %and3A_1490, %add3A_1531 : vector<16xi32>
      %select_n3A_1533 = arith.select %lt3A_1529, %add3A_1532, %and3A_1490 : vector<16xi1>, vector<16xi32>
      %broadcast_in_dim3A_1534 = vector.shape_cast %select_n3A_1533 : vector<16xi32> to vector<16x1xi32>
      %gather3A_1535 = vector.shape_cast %broadcast_in_dim3A_1534 : vector<16x1xi32> to vector<16xi32>
      %gather3A_1536 = tpu.dynamic_gather %add3A_1468[%gather3A_1535] in [0] : vector<16xi32>, vector<16xi32> -> vector<16xi32>
      %select_n3A_1537 = arith.select %eq3A_1526, %gather3A_1536, %broadcast_in_dim3A_0 : vector<16xi1>, vector<16xi32>
      %add3A_1538 = arith.addi %add3A_1523, %select_n3A_1537 : vector<16xi32>
      %eq3A_1539 = arith.constant 3 : i32
      %eq3A_1540 = vector.broadcast %eq3A_1539 : i32 to vector<16xi32>
      %eq3A_1541 = arith.cmpi eq, %shift_right_arithmetic3A_1493, %eq3A_1540 : vector<16xi32>
      %lt3A_1542 = arith.constant 0 : i32
      %lt3A_1543 = vector.broadcast %lt3A_1542 : i32 to vector<16xi32>
      %lt3A_1544 = arith.cmpi slt, %and3A_1490, %lt3A_1543 : vector<16xi32>
      %add3A_1545 = arith.constant 16 : i32
      %add3A_1546 = vector.broadcast %add3A_1545 : i32 to vector<16xi32>
      %add3A_1547 = arith.addi %and3A_1490, %add3A_1546 : vector<16xi32>
      %select_n3A_1548 = arith.select %lt3A_1544, %add3A_1547, %and3A_1490 : vector<16xi1>, vector<16xi32>
      %broadcast_in_dim3A_1549 = vector.shape_cast %select_n3A_1548 : vector<16xi32> to vector<16x1xi32>
      %gather3A_1550 = vector.shape_cast %broadcast_in_dim3A_1549 : vector<16x1xi32> to vector<16xi32>
      %gather3A_1551 = tpu.dynamic_gather %add3A_1475[%gather3A_1550] in [0] : vector<16xi32>, vector<16xi32> -> vector<16xi32>
      %select_n3A_1552 = arith.select %eq3A_1541, %gather3A_1551, %broadcast_in_dim3A_0 : vector<16xi1>, vector<16xi32>
      %add3A_1553 = arith.addi %add3A_1538, %select_n3A_1552 : vector<16xi32>
      %eq3A_1554 = arith.constant 1 : i32
      %eq3A_1555 = vector.broadcast %eq3A_1554 : i32 to vector<16xi32>
      %eq3A_1556 = arith.cmpi eq, %iota3A, %eq3A_1555 : vector<16xi32>
      %select_n3A_1557 = arith.select %eq3A_1556, %add3A_1553, %broadcast_in_dim3A_0 : vector<16xi1>, vector<16xi32>
      %add3A_1558 = arith.addi %add3A_1448, %select_n3A_1557 : vector<16xi32>
      %eq3A_1559 = arith.cmpi eq, %add3A_2, %gather3A_1487 : vector<16xi32>
      %jit3A_1560 = arith.constant 1 : i32
      %jit3A_1561 = arith.constant 0 : i32
      %broadcast_in_dim3A_1562 = vector.broadcast %jit3A_1560 : i32 to vector<16xi32>
      %broadcast_in_dim3A_1563 = vector.broadcast %jit3A_1561 : i32 to vector<16xi32>
      %select_n3A_1564 = arith.select %eq3A_1559, %broadcast_in_dim3A_1562, %broadcast_in_dim3A_1563 : vector<16xi1>, vector<16xi32>
      %add3A_1565 = arith.addi %add3A_1454, %select_n3A_1564 : vector<16xi32>
      %eq3A_1566 = arith.cmpi eq, %add3A_5, %gather3A_1487 : vector<16xi32>
      %jit3A_1567 = arith.constant 1 : i32
      %jit3A_1568 = arith.constant 0 : i32
      %broadcast_in_dim3A_1569 = vector.broadcast %jit3A_1567 : i32 to vector<16xi32>
      %broadcast_in_dim3A_1570 = vector.broadcast %jit3A_1568 : i32 to vector<16xi32>
      %select_n3A_1571 = arith.select %eq3A_1566, %broadcast_in_dim3A_1569, %broadcast_in_dim3A_1570 : vector<16xi1>, vector<16xi32>
      %add3A_1572 = arith.addi %add3A_1461, %select_n3A_1571 : vector<16xi32>
      %eq3A_1573 = arith.cmpi eq, %add3A_8, %gather3A_1487 : vector<16xi32>
      %jit3A_1574 = arith.constant 1 : i32
      %jit3A_1575 = arith.constant 0 : i32
      %broadcast_in_dim3A_1576 = vector.broadcast %jit3A_1574 : i32 to vector<16xi32>
      %broadcast_in_dim3A_1577 = vector.broadcast %jit3A_1575 : i32 to vector<16xi32>
      %select_n3A_1578 = arith.select %eq3A_1573, %broadcast_in_dim3A_1576, %broadcast_in_dim3A_1577 : vector<16xi1>, vector<16xi32>
      %add3A_1579 = arith.addi %add3A_1468, %select_n3A_1578 : vector<16xi32>
      %eq3A_1580 = arith.cmpi eq, %add3A_11, %gather3A_1487 : vector<16xi32>
      %jit3A_1581 = arith.constant 1 : i32
      %jit3A_1582 = arith.constant 0 : i32
      %broadcast_in_dim3A_1583 = vector.broadcast %jit3A_1581 : i32 to vector<16xi32>
      %broadcast_in_dim3A_1584 = vector.broadcast %jit3A_1582 : i32 to vector<16xi32>
      %select_n3A_1585 = arith.select %eq3A_1580, %broadcast_in_dim3A_1583, %broadcast_in_dim3A_1584 : vector<16xi1>, vector<16xi32>
      %add3A_1586 = arith.addi %add3A_1475, %select_n3A_1585 : vector<16xi32>
      %broadcast_in_dim3A_1587 = arith.constant 2 : i32
      %broadcast_in_dim3A_1588 = vector.broadcast %broadcast_in_dim3A_1587 : i32 to vector<16xi32>
      %lt3A_1589 = arith.constant 0 : i32
      %lt3A_1590 = vector.broadcast %lt3A_1589 : i32 to vector<16xi32>
      %lt3A_1591 = arith.cmpi slt, %broadcast_in_dim3A_1588, %lt3A_1590 : vector<16xi32>
      %add3A_1592 = arith.constant 16 : i32
      %add3A_1593 = vector.broadcast %add3A_1592 : i32 to vector<16xi32>
      %add3A_1594 = arith.addi %broadcast_in_dim3A_1588, %add3A_1593 : vector<16xi32>
      %select_n3A_1595 = arith.select %lt3A_1591, %add3A_1594, %broadcast_in_dim3A_1588 : vector<16xi1>, vector<16xi32>
      %broadcast_in_dim3A_1596 = vector.shape_cast %select_n3A_1595 : vector<16xi32> to vector<16x1xi32>
      %gather3A_1597 = vector.shape_cast %broadcast_in_dim3A_1596 : vector<16x1xi32> to vector<16xi32>
      %gather3A_1598 = tpu.dynamic_gather %get3A_1366[%gather3A_1597] in [0] : vector<16xi32>, vector<16xi32> -> vector<16xi32>
      %and3A_1599 = arith.constant 15 : i32
      %and3A_1600 = vector.broadcast %and3A_1599 : i32 to vector<16xi32>
      %and3A_1601 = arith.andi %gather3A_1598, %and3A_1600 : vector<16xi32>
      %shift_right_arithmetic3A_1602 = arith.constant 4 : i32
      %shift_right_arithmetic3A_1603 = vector.broadcast %shift_right_arithmetic3A_1602 : i32 to vector<16xi32>
      %shift_right_arithmetic3A_1604 = arith.shrsi %gather3A_1598, %shift_right_arithmetic3A_1603 : vector<16xi32>
      %eq3A_1605 = arith.constant 0 : i32
      %eq3A_1606 = vector.broadcast %eq3A_1605 : i32 to vector<16xi32>
      %eq3A_1607 = arith.cmpi eq, %shift_right_arithmetic3A_1604, %eq3A_1606 : vector<16xi32>
      %lt3A_1608 = arith.constant 0 : i32
      %lt3A_1609 = vector.broadcast %lt3A_1608 : i32 to vector<16xi32>
      %lt3A_1610 = arith.cmpi slt, %and3A_1601, %lt3A_1609 : vector<16xi32>
      %add3A_1611 = arith.constant 16 : i32
      %add3A_1612 = vector.broadcast %add3A_1611 : i32 to vector<16xi32>
      %add3A_1613 = arith.addi %and3A_1601, %add3A_1612 : vector<16xi32>
      %select_n3A_1614 = arith.select %lt3A_1610, %add3A_1613, %and3A_1601 : vector<16xi1>, vector<16xi32>
      %broadcast_in_dim3A_1615 = vector.shape_cast %select_n3A_1614 : vector<16xi32> to vector<16x1xi32>
      %gather3A_1616 = vector.shape_cast %broadcast_in_dim3A_1615 : vector<16x1xi32> to vector<16xi32>
      %gather3A_1617 = tpu.dynamic_gather %add3A_1565[%gather3A_1616] in [0] : vector<16xi32>, vector<16xi32> -> vector<16xi32>
      %select_n3A_1618 = arith.select %eq3A_1607, %gather3A_1617, %broadcast_in_dim3A_0 : vector<16xi1>, vector<16xi32>
      %add3A_1619 = arith.addi %broadcast_in_dim3A_0, %select_n3A_1618 : vector<16xi32>
      %eq3A_1620 = arith.constant 1 : i32
      %eq3A_1621 = vector.broadcast %eq3A_1620 : i32 to vector<16xi32>
      %eq3A_1622 = arith.cmpi eq, %shift_right_arithmetic3A_1604, %eq3A_1621 : vector<16xi32>
      %lt3A_1623 = arith.constant 0 : i32
      %lt3A_1624 = vector.broadcast %lt3A_1623 : i32 to vector<16xi32>
      %lt3A_1625 = arith.cmpi slt, %and3A_1601, %lt3A_1624 : vector<16xi32>
      %add3A_1626 = arith.constant 16 : i32
      %add3A_1627 = vector.broadcast %add3A_1626 : i32 to vector<16xi32>
      %add3A_1628 = arith.addi %and3A_1601, %add3A_1627 : vector<16xi32>
      %select_n3A_1629 = arith.select %lt3A_1625, %add3A_1628, %and3A_1601 : vector<16xi1>, vector<16xi32>
      %broadcast_in_dim3A_1630 = vector.shape_cast %select_n3A_1629 : vector<16xi32> to vector<16x1xi32>
      %gather3A_1631 = vector.shape_cast %broadcast_in_dim3A_1630 : vector<16x1xi32> to vector<16xi32>
      %gather3A_1632 = tpu.dynamic_gather %add3A_1572[%gather3A_1631] in [0] : vector<16xi32>, vector<16xi32> -> vector<16xi32>
      %select_n3A_1633 = arith.select %eq3A_1622, %gather3A_1632, %broadcast_in_dim3A_0 : vector<16xi1>, vector<16xi32>
      %add3A_1634 = arith.addi %add3A_1619, %select_n3A_1633 : vector<16xi32>
      %eq3A_1635 = arith.constant 2 : i32
      %eq3A_1636 = vector.broadcast %eq3A_1635 : i32 to vector<16xi32>
      %eq3A_1637 = arith.cmpi eq, %shift_right_arithmetic3A_1604, %eq3A_1636 : vector<16xi32>
      %lt3A_1638 = arith.constant 0 : i32
      %lt3A_1639 = vector.broadcast %lt3A_1638 : i32 to vector<16xi32>
      %lt3A_1640 = arith.cmpi slt, %and3A_1601, %lt3A_1639 : vector<16xi32>
      %add3A_1641 = arith.constant 16 : i32
      %add3A_1642 = vector.broadcast %add3A_1641 : i32 to vector<16xi32>
      %add3A_1643 = arith.addi %and3A_1601, %add3A_1642 : vector<16xi32>
      %select_n3A_1644 = arith.select %lt3A_1640, %add3A_1643, %and3A_1601 : vector<16xi1>, vector<16xi32>
      %broadcast_in_dim3A_1645 = vector.shape_cast %select_n3A_1644 : vector<16xi32> to vector<16x1xi32>
      %gather3A_1646 = vector.shape_cast %broadcast_in_dim3A_1645 : vector<16x1xi32> to vector<16xi32>
      %gather3A_1647 = tpu.dynamic_gather %add3A_1579[%gather3A_1646] in [0] : vector<16xi32>, vector<16xi32> -> vector<16xi32>
      %select_n3A_1648 = arith.select %eq3A_1637, %gather3A_1647, %broadcast_in_dim3A_0 : vector<16xi1>, vector<16xi32>
      %add3A_1649 = arith.addi %add3A_1634, %select_n3A_1648 : vector<16xi32>
      %eq3A_1650 = arith.constant 3 : i32
      %eq3A_1651 = vector.broadcast %eq3A_1650 : i32 to vector<16xi32>
      %eq3A_1652 = arith.cmpi eq, %shift_right_arithmetic3A_1604, %eq3A_1651 : vector<16xi32>
      %lt3A_1653 = arith.constant 0 : i32
      %lt3A_1654 = vector.broadcast %lt3A_1653 : i32 to vector<16xi32>
      %lt3A_1655 = arith.cmpi slt, %and3A_1601, %lt3A_1654 : vector<16xi32>
      %add3A_1656 = arith.constant 16 : i32
      %add3A_1657 = vector.broadcast %add3A_1656 : i32 to vector<16xi32>
      %add3A_1658 = arith.addi %and3A_1601, %add3A_1657 : vector<16xi32>
      %select_n3A_1659 = arith.select %lt3A_1655, %add3A_1658, %and3A_1601 : vector<16xi1>, vector<16xi32>
      %broadcast_in_dim3A_1660 = vector.shape_cast %select_n3A_1659 : vector<16xi32> to vector<16x1xi32>
      %gather3A_1661 = vector.shape_cast %broadcast_in_dim3A_1660 : vector<16x1xi32> to vector<16xi32>
      %gather3A_1662 = tpu.dynamic_gather %add3A_1586[%gather3A_1661] in [0] : vector<16xi32>, vector<16xi32> -> vector<16xi32>
      %select_n3A_1663 = arith.select %eq3A_1652, %gather3A_1662, %broadcast_in_dim3A_0 : vector<16xi1>, vector<16xi32>
      %add3A_1664 = arith.addi %add3A_1649, %select_n3A_1663 : vector<16xi32>
      %eq3A_1665 = arith.constant 2 : i32
      %eq3A_1666 = vector.broadcast %eq3A_1665 : i32 to vector<16xi32>
      %eq3A_1667 = arith.cmpi eq, %iota3A, %eq3A_1666 : vector<16xi32>
      %select_n3A_1668 = arith.select %eq3A_1667, %add3A_1664, %broadcast_in_dim3A_0 : vector<16xi1>, vector<16xi32>
      %add3A_1669 = arith.addi %add3A_1558, %select_n3A_1668 : vector<16xi32>
      %eq3A_1670 = arith.cmpi eq, %add3A_2, %gather3A_1598 : vector<16xi32>
      %jit3A_1671 = arith.constant 1 : i32
      %jit3A_1672 = arith.constant 0 : i32
      %broadcast_in_dim3A_1673 = vector.broadcast %jit3A_1671 : i32 to vector<16xi32>
      %broadcast_in_dim3A_1674 = vector.broadcast %jit3A_1672 : i32 to vector<16xi32>
      %select_n3A_1675 = arith.select %eq3A_1670, %broadcast_in_dim3A_1673, %broadcast_in_dim3A_1674 : vector<16xi1>, vector<16xi32>
      %add3A_1676 = arith.addi %add3A_1565, %select_n3A_1675 : vector<16xi32>
      %eq3A_1677 = arith.cmpi eq, %add3A_5, %gather3A_1598 : vector<16xi32>
      %jit3A_1678 = arith.constant 1 : i32
      %jit3A_1679 = arith.constant 0 : i32
      %broadcast_in_dim3A_1680 = vector.broadcast %jit3A_1678 : i32 to vector<16xi32>
      %broadcast_in_dim3A_1681 = vector.broadcast %jit3A_1679 : i32 to vector<16xi32>
      %select_n3A_1682 = arith.select %eq3A_1677, %broadcast_in_dim3A_1680, %broadcast_in_dim3A_1681 : vector<16xi1>, vector<16xi32>
      %add3A_1683 = arith.addi %add3A_1572, %select_n3A_1682 : vector<16xi32>
      %eq3A_1684 = arith.cmpi eq, %add3A_8, %gather3A_1598 : vector<16xi32>
      %jit3A_1685 = arith.constant 1 : i32
      %jit3A_1686 = arith.constant 0 : i32
      %broadcast_in_dim3A_1687 = vector.broadcast %jit3A_1685 : i32 to vector<16xi32>
      %broadcast_in_dim3A_1688 = vector.broadcast %jit3A_1686 : i32 to vector<16xi32>
      %select_n3A_1689 = arith.select %eq3A_1684, %broadcast_in_dim3A_1687, %broadcast_in_dim3A_1688 : vector<16xi1>, vector<16xi32>
      %add3A_1690 = arith.addi %add3A_1579, %select_n3A_1689 : vector<16xi32>
      %eq3A_1691 = arith.cmpi eq, %add3A_11, %gather3A_1598 : vector<16xi32>
      %jit3A_1692 = arith.constant 1 : i32
      %jit3A_1693 = arith.constant 0 : i32
      %broadcast_in_dim3A_1694 = vector.broadcast %jit3A_1692 : i32 to vector<16xi32>
      %broadcast_in_dim3A_1695 = vector.broadcast %jit3A_1693 : i32 to vector<16xi32>
      %select_n3A_1696 = arith.select %eq3A_1691, %broadcast_in_dim3A_1694, %broadcast_in_dim3A_1695 : vector<16xi1>, vector<16xi32>
      %add3A_1697 = arith.addi %add3A_1586, %select_n3A_1696 : vector<16xi32>
      %broadcast_in_dim3A_1698 = arith.constant 3 : i32
      %broadcast_in_dim3A_1699 = vector.broadcast %broadcast_in_dim3A_1698 : i32 to vector<16xi32>
      %lt3A_1700 = arith.constant 0 : i32
      %lt3A_1701 = vector.broadcast %lt3A_1700 : i32 to vector<16xi32>
      %lt3A_1702 = arith.cmpi slt, %broadcast_in_dim3A_1699, %lt3A_1701 : vector<16xi32>
      %add3A_1703 = arith.constant 16 : i32
      %add3A_1704 = vector.broadcast %add3A_1703 : i32 to vector<16xi32>
      %add3A_1705 = arith.addi %broadcast_in_dim3A_1699, %add3A_1704 : vector<16xi32>
      %select_n3A_1706 = arith.select %lt3A_1702, %add3A_1705, %broadcast_in_dim3A_1699 : vector<16xi1>, vector<16xi32>
      %broadcast_in_dim3A_1707 = vector.shape_cast %select_n3A_1706 : vector<16xi32> to vector<16x1xi32>
      %gather3A_1708 = vector.shape_cast %broadcast_in_dim3A_1707 : vector<16x1xi32> to vector<16xi32>
      %gather3A_1709 = tpu.dynamic_gather %get3A_1366[%gather3A_1708] in [0] : vector<16xi32>, vector<16xi32> -> vector<16xi32>
      %and3A_1710 = arith.constant 15 : i32
      %and3A_1711 = vector.broadcast %and3A_1710 : i32 to vector<16xi32>
      %and3A_1712 = arith.andi %gather3A_1709, %and3A_1711 : vector<16xi32>
      %shift_right_arithmetic3A_1713 = arith.constant 4 : i32
      %shift_right_arithmetic3A_1714 = vector.broadcast %shift_right_arithmetic3A_1713 : i32 to vector<16xi32>
      %shift_right_arithmetic3A_1715 = arith.shrsi %gather3A_1709, %shift_right_arithmetic3A_1714 : vector<16xi32>
      %eq3A_1716 = arith.constant 0 : i32
      %eq3A_1717 = vector.broadcast %eq3A_1716 : i32 to vector<16xi32>
      %eq3A_1718 = arith.cmpi eq, %shift_right_arithmetic3A_1715, %eq3A_1717 : vector<16xi32>
      %lt3A_1719 = arith.constant 0 : i32
      %lt3A_1720 = vector.broadcast %lt3A_1719 : i32 to vector<16xi32>
      %lt3A_1721 = arith.cmpi slt, %and3A_1712, %lt3A_1720 : vector<16xi32>
      %add3A_1722 = arith.constant 16 : i32
      %add3A_1723 = vector.broadcast %add3A_1722 : i32 to vector<16xi32>
      %add3A_1724 = arith.addi %and3A_1712, %add3A_1723 : vector<16xi32>
      %select_n3A_1725 = arith.select %lt3A_1721, %add3A_1724, %and3A_1712 : vector<16xi1>, vector<16xi32>
      %broadcast_in_dim3A_1726 = vector.shape_cast %select_n3A_1725 : vector<16xi32> to vector<16x1xi32>
      %gather3A_1727 = vector.shape_cast %broadcast_in_dim3A_1726 : vector<16x1xi32> to vector<16xi32>
      %gather3A_1728 = tpu.dynamic_gather %add3A_1676[%gather3A_1727] in [0] : vector<16xi32>, vector<16xi32> -> vector<16xi32>
      %select_n3A_1729 = arith.select %eq3A_1718, %gather3A_1728, %broadcast_in_dim3A_0 : vector<16xi1>, vector<16xi32>
      %add3A_1730 = arith.addi %broadcast_in_dim3A_0, %select_n3A_1729 : vector<16xi32>
      %eq3A_1731 = arith.constant 1 : i32
      %eq3A_1732 = vector.broadcast %eq3A_1731 : i32 to vector<16xi32>
      %eq3A_1733 = arith.cmpi eq, %shift_right_arithmetic3A_1715, %eq3A_1732 : vector<16xi32>
      %lt3A_1734 = arith.constant 0 : i32
      %lt3A_1735 = vector.broadcast %lt3A_1734 : i32 to vector<16xi32>
      %lt3A_1736 = arith.cmpi slt, %and3A_1712, %lt3A_1735 : vector<16xi32>
      %add3A_1737 = arith.constant 16 : i32
      %add3A_1738 = vector.broadcast %add3A_1737 : i32 to vector<16xi32>
      %add3A_1739 = arith.addi %and3A_1712, %add3A_1738 : vector<16xi32>
      %select_n3A_1740 = arith.select %lt3A_1736, %add3A_1739, %and3A_1712 : vector<16xi1>, vector<16xi32>
      %broadcast_in_dim3A_1741 = vector.shape_cast %select_n3A_1740 : vector<16xi32> to vector<16x1xi32>
      %gather3A_1742 = vector.shape_cast %broadcast_in_dim3A_1741 : vector<16x1xi32> to vector<16xi32>
      %gather3A_1743 = tpu.dynamic_gather %add3A_1683[%gather3A_1742] in [0] : vector<16xi32>, vector<16xi32> -> vector<16xi32>
      %select_n3A_1744 = arith.select %eq3A_1733, %gather3A_1743, %broadcast_in_dim3A_0 : vector<16xi1>, vector<16xi32>
      %add3A_1745 = arith.addi %add3A_1730, %select_n3A_1744 : vector<16xi32>
      %eq3A_1746 = arith.constant 2 : i32
      %eq3A_1747 = vector.broadcast %eq3A_1746 : i32 to vector<16xi32>
      %eq3A_1748 = arith.cmpi eq, %shift_right_arithmetic3A_1715, %eq3A_1747 : vector<16xi32>
      %lt3A_1749 = arith.constant 0 : i32
      %lt3A_1750 = vector.broadcast %lt3A_1749 : i32 to vector<16xi32>
      %lt3A_1751 = arith.cmpi slt, %and3A_1712, %lt3A_1750 : vector<16xi32>
      %add3A_1752 = arith.constant 16 : i32
      %add3A_1753 = vector.broadcast %add3A_1752 : i32 to vector<16xi32>
      %add3A_1754 = arith.addi %and3A_1712, %add3A_1753 : vector<16xi32>
      %select_n3A_1755 = arith.select %lt3A_1751, %add3A_1754, %and3A_1712 : vector<16xi1>, vector<16xi32>
      %broadcast_in_dim3A_1756 = vector.shape_cast %select_n3A_1755 : vector<16xi32> to vector<16x1xi32>
      %gather3A_1757 = vector.shape_cast %broadcast_in_dim3A_1756 : vector<16x1xi32> to vector<16xi32>
      %gather3A_1758 = tpu.dynamic_gather %add3A_1690[%gather3A_1757] in [0] : vector<16xi32>, vector<16xi32> -> vector<16xi32>
      %select_n3A_1759 = arith.select %eq3A_1748, %gather3A_1758, %broadcast_in_dim3A_0 : vector<16xi1>, vector<16xi32>
      %add3A_1760 = arith.addi %add3A_1745, %select_n3A_1759 : vector<16xi32>
      %eq3A_1761 = arith.constant 3 : i32
      %eq3A_1762 = vector.broadcast %eq3A_1761 : i32 to vector<16xi32>
      %eq3A_1763 = arith.cmpi eq, %shift_right_arithmetic3A_1715, %eq3A_1762 : vector<16xi32>
      %lt3A_1764 = arith.constant 0 : i32
      %lt3A_1765 = vector.broadcast %lt3A_1764 : i32 to vector<16xi32>
      %lt3A_1766 = arith.cmpi slt, %and3A_1712, %lt3A_1765 : vector<16xi32>
      %add3A_1767 = arith.constant 16 : i32
      %add3A_1768 = vector.broadcast %add3A_1767 : i32 to vector<16xi32>
      %add3A_1769 = arith.addi %and3A_1712, %add3A_1768 : vector<16xi32>
      %select_n3A_1770 = arith.select %lt3A_1766, %add3A_1769, %and3A_1712 : vector<16xi1>, vector<16xi32>
      %broadcast_in_dim3A_1771 = vector.shape_cast %select_n3A_1770 : vector<16xi32> to vector<16x1xi32>
      %gather3A_1772 = vector.shape_cast %broadcast_in_dim3A_1771 : vector<16x1xi32> to vector<16xi32>
      %gather3A_1773 = tpu.dynamic_gather %add3A_1697[%gather3A_1772] in [0] : vector<16xi32>, vector<16xi32> -> vector<16xi32>
      %select_n3A_1774 = arith.select %eq3A_1763, %gather3A_1773, %broadcast_in_dim3A_0 : vector<16xi1>, vector<16xi32>
      %add3A_1775 = arith.addi %add3A_1760, %select_n3A_1774 : vector<16xi32>
      %eq3A_1776 = arith.constant 3 : i32
      %eq3A_1777 = vector.broadcast %eq3A_1776 : i32 to vector<16xi32>
      %eq3A_1778 = arith.cmpi eq, %iota3A, %eq3A_1777 : vector<16xi32>
      %select_n3A_1779 = arith.select %eq3A_1778, %add3A_1775, %broadcast_in_dim3A_0 : vector<16xi1>, vector<16xi32>
      %add3A_1780 = arith.addi %add3A_1669, %select_n3A_1779 : vector<16xi32>
      %eq3A_1781 = arith.cmpi eq, %add3A_2, %gather3A_1709 : vector<16xi32>
      %jit3A_1782 = arith.constant 1 : i32
      %jit3A_1783 = arith.constant 0 : i32
      %broadcast_in_dim3A_1784 = vector.broadcast %jit3A_1782 : i32 to vector<16xi32>
      %broadcast_in_dim3A_1785 = vector.broadcast %jit3A_1783 : i32 to vector<16xi32>
      %select_n3A_1786 = arith.select %eq3A_1781, %broadcast_in_dim3A_1784, %broadcast_in_dim3A_1785 : vector<16xi1>, vector<16xi32>
      %add3A_1787 = arith.addi %add3A_1676, %select_n3A_1786 : vector<16xi32>
      %eq3A_1788 = arith.cmpi eq, %add3A_5, %gather3A_1709 : vector<16xi32>
      %jit3A_1789 = arith.constant 1 : i32
      %jit3A_1790 = arith.constant 0 : i32
      %broadcast_in_dim3A_1791 = vector.broadcast %jit3A_1789 : i32 to vector<16xi32>
      %broadcast_in_dim3A_1792 = vector.broadcast %jit3A_1790 : i32 to vector<16xi32>
      %select_n3A_1793 = arith.select %eq3A_1788, %broadcast_in_dim3A_1791, %broadcast_in_dim3A_1792 : vector<16xi1>, vector<16xi32>
      %add3A_1794 = arith.addi %add3A_1683, %select_n3A_1793 : vector<16xi32>
      %eq3A_1795 = arith.cmpi eq, %add3A_8, %gather3A_1709 : vector<16xi32>
      %jit3A_1796 = arith.constant 1 : i32
      %jit3A_1797 = arith.constant 0 : i32
      %broadcast_in_dim3A_1798 = vector.broadcast %jit3A_1796 : i32 to vector<16xi32>
      %broadcast_in_dim3A_1799 = vector.broadcast %jit3A_1797 : i32 to vector<16xi32>
      %select_n3A_1800 = arith.select %eq3A_1795, %broadcast_in_dim3A_1798, %broadcast_in_dim3A_1799 : vector<16xi1>, vector<16xi32>
      %add3A_1801 = arith.addi %add3A_1690, %select_n3A_1800 : vector<16xi32>
      %eq3A_1802 = arith.cmpi eq, %add3A_11, %gather3A_1709 : vector<16xi32>
      %jit3A_1803 = arith.constant 1 : i32
      %jit3A_1804 = arith.constant 0 : i32
      %broadcast_in_dim3A_1805 = vector.broadcast %jit3A_1803 : i32 to vector<16xi32>
      %broadcast_in_dim3A_1806 = vector.broadcast %jit3A_1804 : i32 to vector<16xi32>
      %select_n3A_1807 = arith.select %eq3A_1802, %broadcast_in_dim3A_1805, %broadcast_in_dim3A_1806 : vector<16xi1>, vector<16xi32>
      %add3A_1808 = arith.addi %add3A_1697, %select_n3A_1807 : vector<16xi32>
      %broadcast_in_dim3A_1809 = arith.constant 4 : i32
      %broadcast_in_dim3A_1810 = vector.broadcast %broadcast_in_dim3A_1809 : i32 to vector<16xi32>
      %lt3A_1811 = arith.constant 0 : i32
      %lt3A_1812 = vector.broadcast %lt3A_1811 : i32 to vector<16xi32>
      %lt3A_1813 = arith.cmpi slt, %broadcast_in_dim3A_1810, %lt3A_1812 : vector<16xi32>
      %add3A_1814 = arith.constant 16 : i32
      %add3A_1815 = vector.broadcast %add3A_1814 : i32 to vector<16xi32>
      %add3A_1816 = arith.addi %broadcast_in_dim3A_1810, %add3A_1815 : vector<16xi32>
      %select_n3A_1817 = arith.select %lt3A_1813, %add3A_1816, %broadcast_in_dim3A_1810 : vector<16xi1>, vector<16xi32>
      %broadcast_in_dim3A_1818 = vector.shape_cast %select_n3A_1817 : vector<16xi32> to vector<16x1xi32>
      %gather3A_1819 = vector.shape_cast %broadcast_in_dim3A_1818 : vector<16x1xi32> to vector<16xi32>
      %gather3A_1820 = tpu.dynamic_gather %get3A_1366[%gather3A_1819] in [0] : vector<16xi32>, vector<16xi32> -> vector<16xi32>
      %and3A_1821 = arith.constant 15 : i32
      %and3A_1822 = vector.broadcast %and3A_1821 : i32 to vector<16xi32>
      %and3A_1823 = arith.andi %gather3A_1820, %and3A_1822 : vector<16xi32>
      %shift_right_arithmetic3A_1824 = arith.constant 4 : i32
      %shift_right_arithmetic3A_1825 = vector.broadcast %shift_right_arithmetic3A_1824 : i32 to vector<16xi32>
      %shift_right_arithmetic3A_1826 = arith.shrsi %gather3A_1820, %shift_right_arithmetic3A_1825 : vector<16xi32>
      %eq3A_1827 = arith.constant 0 : i32
      %eq3A_1828 = vector.broadcast %eq3A_1827 : i32 to vector<16xi32>
      %eq3A_1829 = arith.cmpi eq, %shift_right_arithmetic3A_1826, %eq3A_1828 : vector<16xi32>
      %lt3A_1830 = arith.constant 0 : i32
      %lt3A_1831 = vector.broadcast %lt3A_1830 : i32 to vector<16xi32>
      %lt3A_1832 = arith.cmpi slt, %and3A_1823, %lt3A_1831 : vector<16xi32>
      %add3A_1833 = arith.constant 16 : i32
      %add3A_1834 = vector.broadcast %add3A_1833 : i32 to vector<16xi32>
      %add3A_1835 = arith.addi %and3A_1823, %add3A_1834 : vector<16xi32>
      %select_n3A_1836 = arith.select %lt3A_1832, %add3A_1835, %and3A_1823 : vector<16xi1>, vector<16xi32>
      %broadcast_in_dim3A_1837 = vector.shape_cast %select_n3A_1836 : vector<16xi32> to vector<16x1xi32>
      %gather3A_1838 = vector.shape_cast %broadcast_in_dim3A_1837 : vector<16x1xi32> to vector<16xi32>
      %gather3A_1839 = tpu.dynamic_gather %add3A_1787[%gather3A_1838] in [0] : vector<16xi32>, vector<16xi32> -> vector<16xi32>
      %select_n3A_1840 = arith.select %eq3A_1829, %gather3A_1839, %broadcast_in_dim3A_0 : vector<16xi1>, vector<16xi32>
      %add3A_1841 = arith.addi %broadcast_in_dim3A_0, %select_n3A_1840 : vector<16xi32>
      %eq3A_1842 = arith.constant 1 : i32
      %eq3A_1843 = vector.broadcast %eq3A_1842 : i32 to vector<16xi32>
      %eq3A_1844 = arith.cmpi eq, %shift_right_arithmetic3A_1826, %eq3A_1843 : vector<16xi32>
      %lt3A_1845 = arith.constant 0 : i32
      %lt3A_1846 = vector.broadcast %lt3A_1845 : i32 to vector<16xi32>
      %lt3A_1847 = arith.cmpi slt, %and3A_1823, %lt3A_1846 : vector<16xi32>
      %add3A_1848 = arith.constant 16 : i32
      %add3A_1849 = vector.broadcast %add3A_1848 : i32 to vector<16xi32>
      %add3A_1850 = arith.addi %and3A_1823, %add3A_1849 : vector<16xi32>
      %select_n3A_1851 = arith.select %lt3A_1847, %add3A_1850, %and3A_1823 : vector<16xi1>, vector<16xi32>
      %broadcast_in_dim3A_1852 = vector.shape_cast %select_n3A_1851 : vector<16xi32> to vector<16x1xi32>
      %gather3A_1853 = vector.shape_cast %broadcast_in_dim3A_1852 : vector<16x1xi32> to vector<16xi32>
      %gather3A_1854 = tpu.dynamic_gather %add3A_1794[%gather3A_1853] in [0] : vector<16xi32>, vector<16xi32> -> vector<16xi32>
      %select_n3A_1855 = arith.select %eq3A_1844, %gather3A_1854, %broadcast_in_dim3A_0 : vector<16xi1>, vector<16xi32>
      %add3A_1856 = arith.addi %add3A_1841, %select_n3A_1855 : vector<16xi32>
      %eq3A_1857 = arith.constant 2 : i32
      %eq3A_1858 = vector.broadcast %eq3A_1857 : i32 to vector<16xi32>
      %eq3A_1859 = arith.cmpi eq, %shift_right_arithmetic3A_1826, %eq3A_1858 : vector<16xi32>
      %lt3A_1860 = arith.constant 0 : i32
      %lt3A_1861 = vector.broadcast %lt3A_1860 : i32 to vector<16xi32>
      %lt3A_1862 = arith.cmpi slt, %and3A_1823, %lt3A_1861 : vector<16xi32>
      %add3A_1863 = arith.constant 16 : i32
      %add3A_1864 = vector.broadcast %add3A_1863 : i32 to vector<16xi32>
      %add3A_1865 = arith.addi %and3A_1823, %add3A_1864 : vector<16xi32>
      %select_n3A_1866 = arith.select %lt3A_1862, %add3A_1865, %and3A_1823 : vector<16xi1>, vector<16xi32>
      %broadcast_in_dim3A_1867 = vector.shape_cast %select_n3A_1866 : vector<16xi32> to vector<16x1xi32>
      %gather3A_1868 = vector.shape_cast %broadcast_in_dim3A_1867 : vector<16x1xi32> to vector<16xi32>
      %gather3A_1869 = tpu.dynamic_gather %add3A_1801[%gather3A_1868] in [0] : vector<16xi32>, vector<16xi32> -> vector<16xi32>
      %select_n3A_1870 = arith.select %eq3A_1859, %gather3A_1869, %broadcast_in_dim3A_0 : vector<16xi1>, vector<16xi32>
      %add3A_1871 = arith.addi %add3A_1856, %select_n3A_1870 : vector<16xi32>
      %eq3A_1872 = arith.constant 3 : i32
      %eq3A_1873 = vector.broadcast %eq3A_1872 : i32 to vector<16xi32>
      %eq3A_1874 = arith.cmpi eq, %shift_right_arithmetic3A_1826, %eq3A_1873 : vector<16xi32>
      %lt3A_1875 = arith.constant 0 : i32
      %lt3A_1876 = vector.broadcast %lt3A_1875 : i32 to vector<16xi32>
      %lt3A_1877 = arith.cmpi slt, %and3A_1823, %lt3A_1876 : vector<16xi32>
      %add3A_1878 = arith.constant 16 : i32
      %add3A_1879 = vector.broadcast %add3A_1878 : i32 to vector<16xi32>
      %add3A_1880 = arith.addi %and3A_1823, %add3A_1879 : vector<16xi32>
      %select_n3A_1881 = arith.select %lt3A_1877, %add3A_1880, %and3A_1823 : vector<16xi1>, vector<16xi32>
      %broadcast_in_dim3A_1882 = vector.shape_cast %select_n3A_1881 : vector<16xi32> to vector<16x1xi32>
      %gather3A_1883 = vector.shape_cast %broadcast_in_dim3A_1882 : vector<16x1xi32> to vector<16xi32>
      %gather3A_1884 = tpu.dynamic_gather %add3A_1808[%gather3A_1883] in [0] : vector<16xi32>, vector<16xi32> -> vector<16xi32>
      %select_n3A_1885 = arith.select %eq3A_1874, %gather3A_1884, %broadcast_in_dim3A_0 : vector<16xi1>, vector<16xi32>
      %add3A_1886 = arith.addi %add3A_1871, %select_n3A_1885 : vector<16xi32>
      %eq3A_1887 = arith.constant 4 : i32
      %eq3A_1888 = vector.broadcast %eq3A_1887 : i32 to vector<16xi32>
      %eq3A_1889 = arith.cmpi eq, %iota3A, %eq3A_1888 : vector<16xi32>
      %select_n3A_1890 = arith.select %eq3A_1889, %add3A_1886, %broadcast_in_dim3A_0 : vector<16xi1>, vector<16xi32>
      %add3A_1891 = arith.addi %add3A_1780, %select_n3A_1890 : vector<16xi32>
      %eq3A_1892 = arith.cmpi eq, %add3A_2, %gather3A_1820 : vector<16xi32>
      %jit3A_1893 = arith.constant 1 : i32
      %jit3A_1894 = arith.constant 0 : i32
      %broadcast_in_dim3A_1895 = vector.broadcast %jit3A_1893 : i32 to vector<16xi32>
      %broadcast_in_dim3A_1896 = vector.broadcast %jit3A_1894 : i32 to vector<16xi32>
      %select_n3A_1897 = arith.select %eq3A_1892, %broadcast_in_dim3A_1895, %broadcast_in_dim3A_1896 : vector<16xi1>, vector<16xi32>
      %add3A_1898 = arith.addi %add3A_1787, %select_n3A_1897 : vector<16xi32>
      %eq3A_1899 = arith.cmpi eq, %add3A_5, %gather3A_1820 : vector<16xi32>
      %jit3A_1900 = arith.constant 1 : i32
      %jit3A_1901 = arith.constant 0 : i32
      %broadcast_in_dim3A_1902 = vector.broadcast %jit3A_1900 : i32 to vector<16xi32>
      %broadcast_in_dim3A_1903 = vector.broadcast %jit3A_1901 : i32 to vector<16xi32>
      %select_n3A_1904 = arith.select %eq3A_1899, %broadcast_in_dim3A_1902, %broadcast_in_dim3A_1903 : vector<16xi1>, vector<16xi32>
      %add3A_1905 = arith.addi %add3A_1794, %select_n3A_1904 : vector<16xi32>
      %eq3A_1906 = arith.cmpi eq, %add3A_8, %gather3A_1820 : vector<16xi32>
      %jit3A_1907 = arith.constant 1 : i32
      %jit3A_1908 = arith.constant 0 : i32
      %broadcast_in_dim3A_1909 = vector.broadcast %jit3A_1907 : i32 to vector<16xi32>
      %broadcast_in_dim3A_1910 = vector.broadcast %jit3A_1908 : i32 to vector<16xi32>
      %select_n3A_1911 = arith.select %eq3A_1906, %broadcast_in_dim3A_1909, %broadcast_in_dim3A_1910 : vector<16xi1>, vector<16xi32>
      %add3A_1912 = arith.addi %add3A_1801, %select_n3A_1911 : vector<16xi32>
      %eq3A_1913 = arith.cmpi eq, %add3A_11, %gather3A_1820 : vector<16xi32>
      %jit3A_1914 = arith.constant 1 : i32
      %jit3A_1915 = arith.constant 0 : i32
      %broadcast_in_dim3A_1916 = vector.broadcast %jit3A_1914 : i32 to vector<16xi32>
      %broadcast_in_dim3A_1917 = vector.broadcast %jit3A_1915 : i32 to vector<16xi32>
      %select_n3A_1918 = arith.select %eq3A_1913, %broadcast_in_dim3A_1916, %broadcast_in_dim3A_1917 : vector<16xi1>, vector<16xi32>
      %add3A_1919 = arith.addi %add3A_1808, %select_n3A_1918 : vector<16xi32>
      %broadcast_in_dim3A_1920 = arith.constant 5 : i32
      %broadcast_in_dim3A_1921 = vector.broadcast %broadcast_in_dim3A_1920 : i32 to vector<16xi32>
      %lt3A_1922 = arith.constant 0 : i32
      %lt3A_1923 = vector.broadcast %lt3A_1922 : i32 to vector<16xi32>
      %lt3A_1924 = arith.cmpi slt, %broadcast_in_dim3A_1921, %lt3A_1923 : vector<16xi32>
      %add3A_1925 = arith.constant 16 : i32
      %add3A_1926 = vector.broadcast %add3A_1925 : i32 to vector<16xi32>
      %add3A_1927 = arith.addi %broadcast_in_dim3A_1921, %add3A_1926 : vector<16xi32>
      %select_n3A_1928 = arith.select %lt3A_1924, %add3A_1927, %broadcast_in_dim3A_1921 : vector<16xi1>, vector<16xi32>
      %broadcast_in_dim3A_1929 = vector.shape_cast %select_n3A_1928 : vector<16xi32> to vector<16x1xi32>
      %gather3A_1930 = vector.shape_cast %broadcast_in_dim3A_1929 : vector<16x1xi32> to vector<16xi32>
      %gather3A_1931 = tpu.dynamic_gather %get3A_1366[%gather3A_1930] in [0] : vector<16xi32>, vector<16xi32> -> vector<16xi32>
      %and3A_1932 = arith.constant 15 : i32
      %and3A_1933 = vector.broadcast %and3A_1932 : i32 to vector<16xi32>
      %and3A_1934 = arith.andi %gather3A_1931, %and3A_1933 : vector<16xi32>
      %shift_right_arithmetic3A_1935 = arith.constant 4 : i32
      %shift_right_arithmetic3A_1936 = vector.broadcast %shift_right_arithmetic3A_1935 : i32 to vector<16xi32>
      %shift_right_arithmetic3A_1937 = arith.shrsi %gather3A_1931, %shift_right_arithmetic3A_1936 : vector<16xi32>
      %eq3A_1938 = arith.constant 0 : i32
      %eq3A_1939 = vector.broadcast %eq3A_1938 : i32 to vector<16xi32>
      %eq3A_1940 = arith.cmpi eq, %shift_right_arithmetic3A_1937, %eq3A_1939 : vector<16xi32>
      %lt3A_1941 = arith.constant 0 : i32
      %lt3A_1942 = vector.broadcast %lt3A_1941 : i32 to vector<16xi32>
      %lt3A_1943 = arith.cmpi slt, %and3A_1934, %lt3A_1942 : vector<16xi32>
      %add3A_1944 = arith.constant 16 : i32
      %add3A_1945 = vector.broadcast %add3A_1944 : i32 to vector<16xi32>
      %add3A_1946 = arith.addi %and3A_1934, %add3A_1945 : vector<16xi32>
      %select_n3A_1947 = arith.select %lt3A_1943, %add3A_1946, %and3A_1934 : vector<16xi1>, vector<16xi32>
      %broadcast_in_dim3A_1948 = vector.shape_cast %select_n3A_1947 : vector<16xi32> to vector<16x1xi32>
      %gather3A_1949 = vector.shape_cast %broadcast_in_dim3A_1948 : vector<16x1xi32> to vector<16xi32>
      %gather3A_1950 = tpu.dynamic_gather %add3A_1898[%gather3A_1949] in [0] : vector<16xi32>, vector<16xi32> -> vector<16xi32>
      %select_n3A_1951 = arith.select %eq3A_1940, %gather3A_1950, %broadcast_in_dim3A_0 : vector<16xi1>, vector<16xi32>
      %add3A_1952 = arith.addi %broadcast_in_dim3A_0, %select_n3A_1951 : vector<16xi32>
      %eq3A_1953 = arith.constant 1 : i32
      %eq3A_1954 = vector.broadcast %eq3A_1953 : i32 to vector<16xi32>
      %eq3A_1955 = arith.cmpi eq, %shift_right_arithmetic3A_1937, %eq3A_1954 : vector<16xi32>
      %lt3A_1956 = arith.constant 0 : i32
      %lt3A_1957 = vector.broadcast %lt3A_1956 : i32 to vector<16xi32>
      %lt3A_1958 = arith.cmpi slt, %and3A_1934, %lt3A_1957 : vector<16xi32>
      %add3A_1959 = arith.constant 16 : i32
      %add3A_1960 = vector.broadcast %add3A_1959 : i32 to vector<16xi32>
      %add3A_1961 = arith.addi %and3A_1934, %add3A_1960 : vector<16xi32>
      %select_n3A_1962 = arith.select %lt3A_1958, %add3A_1961, %and3A_1934 : vector<16xi1>, vector<16xi32>
      %broadcast_in_dim3A_1963 = vector.shape_cast %select_n3A_1962 : vector<16xi32> to vector<16x1xi32>
      %gather3A_1964 = vector.shape_cast %broadcast_in_dim3A_1963 : vector<16x1xi32> to vector<16xi32>
      %gather3A_1965 = tpu.dynamic_gather %add3A_1905[%gather3A_1964] in [0] : vector<16xi32>, vector<16xi32> -> vector<16xi32>
      %select_n3A_1966 = arith.select %eq3A_1955, %gather3A_1965, %broadcast_in_dim3A_0 : vector<16xi1>, vector<16xi32>
      %add3A_1967 = arith.addi %add3A_1952, %select_n3A_1966 : vector<16xi32>
      %eq3A_1968 = arith.constant 2 : i32
      %eq3A_1969 = vector.broadcast %eq3A_1968 : i32 to vector<16xi32>
      %eq3A_1970 = arith.cmpi eq, %shift_right_arithmetic3A_1937, %eq3A_1969 : vector<16xi32>
      %lt3A_1971 = arith.constant 0 : i32
      %lt3A_1972 = vector.broadcast %lt3A_1971 : i32 to vector<16xi32>
      %lt3A_1973 = arith.cmpi slt, %and3A_1934, %lt3A_1972 : vector<16xi32>
      %add3A_1974 = arith.constant 16 : i32
      %add3A_1975 = vector.broadcast %add3A_1974 : i32 to vector<16xi32>
      %add3A_1976 = arith.addi %and3A_1934, %add3A_1975 : vector<16xi32>
      %select_n3A_1977 = arith.select %lt3A_1973, %add3A_1976, %and3A_1934 : vector<16xi1>, vector<16xi32>
      %broadcast_in_dim3A_1978 = vector.shape_cast %select_n3A_1977 : vector<16xi32> to vector<16x1xi32>
      %gather3A_1979 = vector.shape_cast %broadcast_in_dim3A_1978 : vector<16x1xi32> to vector<16xi32>
      %gather3A_1980 = tpu.dynamic_gather %add3A_1912[%gather3A_1979] in [0] : vector<16xi32>, vector<16xi32> -> vector<16xi32>
      %select_n3A_1981 = arith.select %eq3A_1970, %gather3A_1980, %broadcast_in_dim3A_0 : vector<16xi1>, vector<16xi32>
      %add3A_1982 = arith.addi %add3A_1967, %select_n3A_1981 : vector<16xi32>
      %eq3A_1983 = arith.constant 3 : i32
      %eq3A_1984 = vector.broadcast %eq3A_1983 : i32 to vector<16xi32>
      %eq3A_1985 = arith.cmpi eq, %shift_right_arithmetic3A_1937, %eq3A_1984 : vector<16xi32>
      %lt3A_1986 = arith.constant 0 : i32
      %lt3A_1987 = vector.broadcast %lt3A_1986 : i32 to vector<16xi32>
      %lt3A_1988 = arith.cmpi slt, %and3A_1934, %lt3A_1987 : vector<16xi32>
      %add3A_1989 = arith.constant 16 : i32
      %add3A_1990 = vector.broadcast %add3A_1989 : i32 to vector<16xi32>
      %add3A_1991 = arith.addi %and3A_1934, %add3A_1990 : vector<16xi32>
      %select_n3A_1992 = arith.select %lt3A_1988, %add3A_1991, %and3A_1934 : vector<16xi1>, vector<16xi32>
      %broadcast_in_dim3A_1993 = vector.shape_cast %select_n3A_1992 : vector<16xi32> to vector<16x1xi32>
      %gather3A_1994 = vector.shape_cast %broadcast_in_dim3A_1993 : vector<16x1xi32> to vector<16xi32>
      %gather3A_1995 = tpu.dynamic_gather %add3A_1919[%gather3A_1994] in [0] : vector<16xi32>, vector<16xi32> -> vector<16xi32>
      %select_n3A_1996 = arith.select %eq3A_1985, %gather3A_1995, %broadcast_in_dim3A_0 : vector<16xi1>, vector<16xi32>
      %add3A_1997 = arith.addi %add3A_1982, %select_n3A_1996 : vector<16xi32>
      %eq3A_1998 = arith.constant 5 : i32
      %eq3A_1999 = vector.broadcast %eq3A_1998 : i32 to vector<16xi32>
      %eq3A_2000 = arith.cmpi eq, %iota3A, %eq3A_1999 : vector<16xi32>
      %select_n3A_2001 = arith.select %eq3A_2000, %add3A_1997, %broadcast_in_dim3A_0 : vector<16xi1>, vector<16xi32>
      %add3A_2002 = arith.addi %add3A_1891, %select_n3A_2001 : vector<16xi32>
      %eq3A_2003 = arith.cmpi eq, %add3A_2, %gather3A_1931 : vector<16xi32>
      %jit3A_2004 = arith.constant 1 : i32
      %jit3A_2005 = arith.constant 0 : i32
      %broadcast_in_dim3A_2006 = vector.broadcast %jit3A_2004 : i32 to vector<16xi32>
      %broadcast_in_dim3A_2007 = vector.broadcast %jit3A_2005 : i32 to vector<16xi32>
      %select_n3A_2008 = arith.select %eq3A_2003, %broadcast_in_dim3A_2006, %broadcast_in_dim3A_2007 : vector<16xi1>, vector<16xi32>
      %add3A_2009 = arith.addi %add3A_1898, %select_n3A_2008 : vector<16xi32>
      %eq3A_2010 = arith.cmpi eq, %add3A_5, %gather3A_1931 : vector<16xi32>
      %jit3A_2011 = arith.constant 1 : i32
      %jit3A_2012 = arith.constant 0 : i32
      %broadcast_in_dim3A_2013 = vector.broadcast %jit3A_2011 : i32 to vector<16xi32>
      %broadcast_in_dim3A_2014 = vector.broadcast %jit3A_2012 : i32 to vector<16xi32>
      %select_n3A_2015 = arith.select %eq3A_2010, %broadcast_in_dim3A_2013, %broadcast_in_dim3A_2014 : vector<16xi1>, vector<16xi32>
      %add3A_2016 = arith.addi %add3A_1905, %select_n3A_2015 : vector<16xi32>
      %eq3A_2017 = arith.cmpi eq, %add3A_8, %gather3A_1931 : vector<16xi32>
      %jit3A_2018 = arith.constant 1 : i32
      %jit3A_2019 = arith.constant 0 : i32
      %broadcast_in_dim3A_2020 = vector.broadcast %jit3A_2018 : i32 to vector<16xi32>
      %broadcast_in_dim3A_2021 = vector.broadcast %jit3A_2019 : i32 to vector<16xi32>
      %select_n3A_2022 = arith.select %eq3A_2017, %broadcast_in_dim3A_2020, %broadcast_in_dim3A_2021 : vector<16xi1>, vector<16xi32>
      %add3A_2023 = arith.addi %add3A_1912, %select_n3A_2022 : vector<16xi32>
      %eq3A_2024 = arith.cmpi eq, %add3A_11, %gather3A_1931 : vector<16xi32>
      %jit3A_2025 = arith.constant 1 : i32
      %jit3A_2026 = arith.constant 0 : i32
      %broadcast_in_dim3A_2027 = vector.broadcast %jit3A_2025 : i32 to vector<16xi32>
      %broadcast_in_dim3A_2028 = vector.broadcast %jit3A_2026 : i32 to vector<16xi32>
      %select_n3A_2029 = arith.select %eq3A_2024, %broadcast_in_dim3A_2027, %broadcast_in_dim3A_2028 : vector<16xi1>, vector<16xi32>
      %add3A_2030 = arith.addi %add3A_1919, %select_n3A_2029 : vector<16xi32>
      %broadcast_in_dim3A_2031 = arith.constant 6 : i32
      %broadcast_in_dim3A_2032 = vector.broadcast %broadcast_in_dim3A_2031 : i32 to vector<16xi32>
      %lt3A_2033 = arith.constant 0 : i32
      %lt3A_2034 = vector.broadcast %lt3A_2033 : i32 to vector<16xi32>
      %lt3A_2035 = arith.cmpi slt, %broadcast_in_dim3A_2032, %lt3A_2034 : vector<16xi32>
      %add3A_2036 = arith.constant 16 : i32
      %add3A_2037 = vector.broadcast %add3A_2036 : i32 to vector<16xi32>
      %add3A_2038 = arith.addi %broadcast_in_dim3A_2032, %add3A_2037 : vector<16xi32>
      %select_n3A_2039 = arith.select %lt3A_2035, %add3A_2038, %broadcast_in_dim3A_2032 : vector<16xi1>, vector<16xi32>
      %broadcast_in_dim3A_2040 = vector.shape_cast %select_n3A_2039 : vector<16xi32> to vector<16x1xi32>
      %gather3A_2041 = vector.shape_cast %broadcast_in_dim3A_2040 : vector<16x1xi32> to vector<16xi32>
      %gather3A_2042 = tpu.dynamic_gather %get3A_1366[%gather3A_2041] in [0] : vector<16xi32>, vector<16xi32> -> vector<16xi32>
      %and3A_2043 = arith.constant 15 : i32
      %and3A_2044 = vector.broadcast %and3A_2043 : i32 to vector<16xi32>
      %and3A_2045 = arith.andi %gather3A_2042, %and3A_2044 : vector<16xi32>
      %shift_right_arithmetic3A_2046 = arith.constant 4 : i32
      %shift_right_arithmetic3A_2047 = vector.broadcast %shift_right_arithmetic3A_2046 : i32 to vector<16xi32>
      %shift_right_arithmetic3A_2048 = arith.shrsi %gather3A_2042, %shift_right_arithmetic3A_2047 : vector<16xi32>
      %eq3A_2049 = arith.constant 0 : i32
      %eq3A_2050 = vector.broadcast %eq3A_2049 : i32 to vector<16xi32>
      %eq3A_2051 = arith.cmpi eq, %shift_right_arithmetic3A_2048, %eq3A_2050 : vector<16xi32>
      %lt3A_2052 = arith.constant 0 : i32
      %lt3A_2053 = vector.broadcast %lt3A_2052 : i32 to vector<16xi32>
      %lt3A_2054 = arith.cmpi slt, %and3A_2045, %lt3A_2053 : vector<16xi32>
      %add3A_2055 = arith.constant 16 : i32
      %add3A_2056 = vector.broadcast %add3A_2055 : i32 to vector<16xi32>
      %add3A_2057 = arith.addi %and3A_2045, %add3A_2056 : vector<16xi32>
      %select_n3A_2058 = arith.select %lt3A_2054, %add3A_2057, %and3A_2045 : vector<16xi1>, vector<16xi32>
      %broadcast_in_dim3A_2059 = vector.shape_cast %select_n3A_2058 : vector<16xi32> to vector<16x1xi32>
      %gather3A_2060 = vector.shape_cast %broadcast_in_dim3A_2059 : vector<16x1xi32> to vector<16xi32>
      %gather3A_2061 = tpu.dynamic_gather %add3A_2009[%gather3A_2060] in [0] : vector<16xi32>, vector<16xi32> -> vector<16xi32>
      %select_n3A_2062 = arith.select %eq3A_2051, %gather3A_2061, %broadcast_in_dim3A_0 : vector<16xi1>, vector<16xi32>
      %add3A_2063 = arith.addi %broadcast_in_dim3A_0, %select_n3A_2062 : vector<16xi32>
      %eq3A_2064 = arith.constant 1 : i32
      %eq3A_2065 = vector.broadcast %eq3A_2064 : i32 to vector<16xi32>
      %eq3A_2066 = arith.cmpi eq, %shift_right_arithmetic3A_2048, %eq3A_2065 : vector<16xi32>
      %lt3A_2067 = arith.constant 0 : i32
      %lt3A_2068 = vector.broadcast %lt3A_2067 : i32 to vector<16xi32>
      %lt3A_2069 = arith.cmpi slt, %and3A_2045, %lt3A_2068 : vector<16xi32>
      %add3A_2070 = arith.constant 16 : i32
      %add3A_2071 = vector.broadcast %add3A_2070 : i32 to vector<16xi32>
      %add3A_2072 = arith.addi %and3A_2045, %add3A_2071 : vector<16xi32>
      %select_n3A_2073 = arith.select %lt3A_2069, %add3A_2072, %and3A_2045 : vector<16xi1>, vector<16xi32>
      %broadcast_in_dim3A_2074 = vector.shape_cast %select_n3A_2073 : vector<16xi32> to vector<16x1xi32>
      %gather3A_2075 = vector.shape_cast %broadcast_in_dim3A_2074 : vector<16x1xi32> to vector<16xi32>
      %gather3A_2076 = tpu.dynamic_gather %add3A_2016[%gather3A_2075] in [0] : vector<16xi32>, vector<16xi32> -> vector<16xi32>
      %select_n3A_2077 = arith.select %eq3A_2066, %gather3A_2076, %broadcast_in_dim3A_0 : vector<16xi1>, vector<16xi32>
      %add3A_2078 = arith.addi %add3A_2063, %select_n3A_2077 : vector<16xi32>
      %eq3A_2079 = arith.constant 2 : i32
      %eq3A_2080 = vector.broadcast %eq3A_2079 : i32 to vector<16xi32>
      %eq3A_2081 = arith.cmpi eq, %shift_right_arithmetic3A_2048, %eq3A_2080 : vector<16xi32>
      %lt3A_2082 = arith.constant 0 : i32
      %lt3A_2083 = vector.broadcast %lt3A_2082 : i32 to vector<16xi32>
      %lt3A_2084 = arith.cmpi slt, %and3A_2045, %lt3A_2083 : vector<16xi32>
      %add3A_2085 = arith.constant 16 : i32
      %add3A_2086 = vector.broadcast %add3A_2085 : i32 to vector<16xi32>
      %add3A_2087 = arith.addi %and3A_2045, %add3A_2086 : vector<16xi32>
      %select_n3A_2088 = arith.select %lt3A_2084, %add3A_2087, %and3A_2045 : vector<16xi1>, vector<16xi32>
      %broadcast_in_dim3A_2089 = vector.shape_cast %select_n3A_2088 : vector<16xi32> to vector<16x1xi32>
      %gather3A_2090 = vector.shape_cast %broadcast_in_dim3A_2089 : vector<16x1xi32> to vector<16xi32>
      %gather3A_2091 = tpu.dynamic_gather %add3A_2023[%gather3A_2090] in [0] : vector<16xi32>, vector<16xi32> -> vector<16xi32>
      %select_n3A_2092 = arith.select %eq3A_2081, %gather3A_2091, %broadcast_in_dim3A_0 : vector<16xi1>, vector<16xi32>
      %add3A_2093 = arith.addi %add3A_2078, %select_n3A_2092 : vector<16xi32>
      %eq3A_2094 = arith.constant 3 : i32
      %eq3A_2095 = vector.broadcast %eq3A_2094 : i32 to vector<16xi32>
      %eq3A_2096 = arith.cmpi eq, %shift_right_arithmetic3A_2048, %eq3A_2095 : vector<16xi32>
      %lt3A_2097 = arith.constant 0 : i32
      %lt3A_2098 = vector.broadcast %lt3A_2097 : i32 to vector<16xi32>
      %lt3A_2099 = arith.cmpi slt, %and3A_2045, %lt3A_2098 : vector<16xi32>
      %add3A_2100 = arith.constant 16 : i32
      %add3A_2101 = vector.broadcast %add3A_2100 : i32 to vector<16xi32>
      %add3A_2102 = arith.addi %and3A_2045, %add3A_2101 : vector<16xi32>
      %select_n3A_2103 = arith.select %lt3A_2099, %add3A_2102, %and3A_2045 : vector<16xi1>, vector<16xi32>
      %broadcast_in_dim3A_2104 = vector.shape_cast %select_n3A_2103 : vector<16xi32> to vector<16x1xi32>
      %gather3A_2105 = vector.shape_cast %broadcast_in_dim3A_2104 : vector<16x1xi32> to vector<16xi32>
      %gather3A_2106 = tpu.dynamic_gather %add3A_2030[%gather3A_2105] in [0] : vector<16xi32>, vector<16xi32> -> vector<16xi32>
      %select_n3A_2107 = arith.select %eq3A_2096, %gather3A_2106, %broadcast_in_dim3A_0 : vector<16xi1>, vector<16xi32>
      %add3A_2108 = arith.addi %add3A_2093, %select_n3A_2107 : vector<16xi32>
      %eq3A_2109 = arith.constant 6 : i32
      %eq3A_2110 = vector.broadcast %eq3A_2109 : i32 to vector<16xi32>
      %eq3A_2111 = arith.cmpi eq, %iota3A, %eq3A_2110 : vector<16xi32>
      %select_n3A_2112 = arith.select %eq3A_2111, %add3A_2108, %broadcast_in_dim3A_0 : vector<16xi1>, vector<16xi32>
      %add3A_2113 = arith.addi %add3A_2002, %select_n3A_2112 : vector<16xi32>
      %eq3A_2114 = arith.cmpi eq, %add3A_2, %gather3A_2042 : vector<16xi32>
      %jit3A_2115 = arith.constant 1 : i32
      %jit3A_2116 = arith.constant 0 : i32
      %broadcast_in_dim3A_2117 = vector.broadcast %jit3A_2115 : i32 to vector<16xi32>
      %broadcast_in_dim3A_2118 = vector.broadcast %jit3A_2116 : i32 to vector<16xi32>
      %select_n3A_2119 = arith.select %eq3A_2114, %broadcast_in_dim3A_2117, %broadcast_in_dim3A_2118 : vector<16xi1>, vector<16xi32>
      %add3A_2120 = arith.addi %add3A_2009, %select_n3A_2119 : vector<16xi32>
      %eq3A_2121 = arith.cmpi eq, %add3A_5, %gather3A_2042 : vector<16xi32>
      %jit3A_2122 = arith.constant 1 : i32
      %jit3A_2123 = arith.constant 0 : i32
      %broadcast_in_dim3A_2124 = vector.broadcast %jit3A_2122 : i32 to vector<16xi32>
      %broadcast_in_dim3A_2125 = vector.broadcast %jit3A_2123 : i32 to vector<16xi32>
      %select_n3A_2126 = arith.select %eq3A_2121, %broadcast_in_dim3A_2124, %broadcast_in_dim3A_2125 : vector<16xi1>, vector<16xi32>
      %add3A_2127 = arith.addi %add3A_2016, %select_n3A_2126 : vector<16xi32>
      %eq3A_2128 = arith.cmpi eq, %add3A_8, %gather3A_2042 : vector<16xi32>
      %jit3A_2129 = arith.constant 1 : i32
      %jit3A_2130 = arith.constant 0 : i32
      %broadcast_in_dim3A_2131 = vector.broadcast %jit3A_2129 : i32 to vector<16xi32>
      %broadcast_in_dim3A_2132 = vector.broadcast %jit3A_2130 : i32 to vector<16xi32>
      %select_n3A_2133 = arith.select %eq3A_2128, %broadcast_in_dim3A_2131, %broadcast_in_dim3A_2132 : vector<16xi1>, vector<16xi32>
      %add3A_2134 = arith.addi %add3A_2023, %select_n3A_2133 : vector<16xi32>
      %eq3A_2135 = arith.cmpi eq, %add3A_11, %gather3A_2042 : vector<16xi32>
      %jit3A_2136 = arith.constant 1 : i32
      %jit3A_2137 = arith.constant 0 : i32
      %broadcast_in_dim3A_2138 = vector.broadcast %jit3A_2136 : i32 to vector<16xi32>
      %broadcast_in_dim3A_2139 = vector.broadcast %jit3A_2137 : i32 to vector<16xi32>
      %select_n3A_2140 = arith.select %eq3A_2135, %broadcast_in_dim3A_2138, %broadcast_in_dim3A_2139 : vector<16xi1>, vector<16xi32>
      %add3A_2141 = arith.addi %add3A_2030, %select_n3A_2140 : vector<16xi32>
      %broadcast_in_dim3A_2142 = arith.constant 7 : i32
      %broadcast_in_dim3A_2143 = vector.broadcast %broadcast_in_dim3A_2142 : i32 to vector<16xi32>
      %lt3A_2144 = arith.constant 0 : i32
      %lt3A_2145 = vector.broadcast %lt3A_2144 : i32 to vector<16xi32>
      %lt3A_2146 = arith.cmpi slt, %broadcast_in_dim3A_2143, %lt3A_2145 : vector<16xi32>
      %add3A_2147 = arith.constant 16 : i32
      %add3A_2148 = vector.broadcast %add3A_2147 : i32 to vector<16xi32>
      %add3A_2149 = arith.addi %broadcast_in_dim3A_2143, %add3A_2148 : vector<16xi32>
      %select_n3A_2150 = arith.select %lt3A_2146, %add3A_2149, %broadcast_in_dim3A_2143 : vector<16xi1>, vector<16xi32>
      %broadcast_in_dim3A_2151 = vector.shape_cast %select_n3A_2150 : vector<16xi32> to vector<16x1xi32>
      %gather3A_2152 = vector.shape_cast %broadcast_in_dim3A_2151 : vector<16x1xi32> to vector<16xi32>
      %gather3A_2153 = tpu.dynamic_gather %get3A_1366[%gather3A_2152] in [0] : vector<16xi32>, vector<16xi32> -> vector<16xi32>
      %and3A_2154 = arith.constant 15 : i32
      %and3A_2155 = vector.broadcast %and3A_2154 : i32 to vector<16xi32>
      %and3A_2156 = arith.andi %gather3A_2153, %and3A_2155 : vector<16xi32>
      %shift_right_arithmetic3A_2157 = arith.constant 4 : i32
      %shift_right_arithmetic3A_2158 = vector.broadcast %shift_right_arithmetic3A_2157 : i32 to vector<16xi32>
      %shift_right_arithmetic3A_2159 = arith.shrsi %gather3A_2153, %shift_right_arithmetic3A_2158 : vector<16xi32>
      %eq3A_2160 = arith.constant 0 : i32
      %eq3A_2161 = vector.broadcast %eq3A_2160 : i32 to vector<16xi32>
      %eq3A_2162 = arith.cmpi eq, %shift_right_arithmetic3A_2159, %eq3A_2161 : vector<16xi32>
      %lt3A_2163 = arith.constant 0 : i32
      %lt3A_2164 = vector.broadcast %lt3A_2163 : i32 to vector<16xi32>
      %lt3A_2165 = arith.cmpi slt, %and3A_2156, %lt3A_2164 : vector<16xi32>
      %add3A_2166 = arith.constant 16 : i32
      %add3A_2167 = vector.broadcast %add3A_2166 : i32 to vector<16xi32>
      %add3A_2168 = arith.addi %and3A_2156, %add3A_2167 : vector<16xi32>
      %select_n3A_2169 = arith.select %lt3A_2165, %add3A_2168, %and3A_2156 : vector<16xi1>, vector<16xi32>
      %broadcast_in_dim3A_2170 = vector.shape_cast %select_n3A_2169 : vector<16xi32> to vector<16x1xi32>
      %gather3A_2171 = vector.shape_cast %broadcast_in_dim3A_2170 : vector<16x1xi32> to vector<16xi32>
      %gather3A_2172 = tpu.dynamic_gather %add3A_2120[%gather3A_2171] in [0] : vector<16xi32>, vector<16xi32> -> vector<16xi32>
      %select_n3A_2173 = arith.select %eq3A_2162, %gather3A_2172, %broadcast_in_dim3A_0 : vector<16xi1>, vector<16xi32>
      %add3A_2174 = arith.addi %broadcast_in_dim3A_0, %select_n3A_2173 : vector<16xi32>
      %eq3A_2175 = arith.constant 1 : i32
      %eq3A_2176 = vector.broadcast %eq3A_2175 : i32 to vector<16xi32>
      %eq3A_2177 = arith.cmpi eq, %shift_right_arithmetic3A_2159, %eq3A_2176 : vector<16xi32>
      %lt3A_2178 = arith.constant 0 : i32
      %lt3A_2179 = vector.broadcast %lt3A_2178 : i32 to vector<16xi32>
      %lt3A_2180 = arith.cmpi slt, %and3A_2156, %lt3A_2179 : vector<16xi32>
      %add3A_2181 = arith.constant 16 : i32
      %add3A_2182 = vector.broadcast %add3A_2181 : i32 to vector<16xi32>
      %add3A_2183 = arith.addi %and3A_2156, %add3A_2182 : vector<16xi32>
      %select_n3A_2184 = arith.select %lt3A_2180, %add3A_2183, %and3A_2156 : vector<16xi1>, vector<16xi32>
      %broadcast_in_dim3A_2185 = vector.shape_cast %select_n3A_2184 : vector<16xi32> to vector<16x1xi32>
      %gather3A_2186 = vector.shape_cast %broadcast_in_dim3A_2185 : vector<16x1xi32> to vector<16xi32>
      %gather3A_2187 = tpu.dynamic_gather %add3A_2127[%gather3A_2186] in [0] : vector<16xi32>, vector<16xi32> -> vector<16xi32>
      %select_n3A_2188 = arith.select %eq3A_2177, %gather3A_2187, %broadcast_in_dim3A_0 : vector<16xi1>, vector<16xi32>
      %add3A_2189 = arith.addi %add3A_2174, %select_n3A_2188 : vector<16xi32>
      %eq3A_2190 = arith.constant 2 : i32
      %eq3A_2191 = vector.broadcast %eq3A_2190 : i32 to vector<16xi32>
      %eq3A_2192 = arith.cmpi eq, %shift_right_arithmetic3A_2159, %eq3A_2191 : vector<16xi32>
      %lt3A_2193 = arith.constant 0 : i32
      %lt3A_2194 = vector.broadcast %lt3A_2193 : i32 to vector<16xi32>
      %lt3A_2195 = arith.cmpi slt, %and3A_2156, %lt3A_2194 : vector<16xi32>
      %add3A_2196 = arith.constant 16 : i32
      %add3A_2197 = vector.broadcast %add3A_2196 : i32 to vector<16xi32>
      %add3A_2198 = arith.addi %and3A_2156, %add3A_2197 : vector<16xi32>
      %select_n3A_2199 = arith.select %lt3A_2195, %add3A_2198, %and3A_2156 : vector<16xi1>, vector<16xi32>
      %broadcast_in_dim3A_2200 = vector.shape_cast %select_n3A_2199 : vector<16xi32> to vector<16x1xi32>
      %gather3A_2201 = vector.shape_cast %broadcast_in_dim3A_2200 : vector<16x1xi32> to vector<16xi32>
      %gather3A_2202 = tpu.dynamic_gather %add3A_2134[%gather3A_2201] in [0] : vector<16xi32>, vector<16xi32> -> vector<16xi32>
      %select_n3A_2203 = arith.select %eq3A_2192, %gather3A_2202, %broadcast_in_dim3A_0 : vector<16xi1>, vector<16xi32>
      %add3A_2204 = arith.addi %add3A_2189, %select_n3A_2203 : vector<16xi32>
      %eq3A_2205 = arith.constant 3 : i32
      %eq3A_2206 = vector.broadcast %eq3A_2205 : i32 to vector<16xi32>
      %eq3A_2207 = arith.cmpi eq, %shift_right_arithmetic3A_2159, %eq3A_2206 : vector<16xi32>
      %lt3A_2208 = arith.constant 0 : i32
      %lt3A_2209 = vector.broadcast %lt3A_2208 : i32 to vector<16xi32>
      %lt3A_2210 = arith.cmpi slt, %and3A_2156, %lt3A_2209 : vector<16xi32>
      %add3A_2211 = arith.constant 16 : i32
      %add3A_2212 = vector.broadcast %add3A_2211 : i32 to vector<16xi32>
      %add3A_2213 = arith.addi %and3A_2156, %add3A_2212 : vector<16xi32>
      %select_n3A_2214 = arith.select %lt3A_2210, %add3A_2213, %and3A_2156 : vector<16xi1>, vector<16xi32>
      %broadcast_in_dim3A_2215 = vector.shape_cast %select_n3A_2214 : vector<16xi32> to vector<16x1xi32>
      %gather3A_2216 = vector.shape_cast %broadcast_in_dim3A_2215 : vector<16x1xi32> to vector<16xi32>
      %gather3A_2217 = tpu.dynamic_gather %add3A_2141[%gather3A_2216] in [0] : vector<16xi32>, vector<16xi32> -> vector<16xi32>
      %select_n3A_2218 = arith.select %eq3A_2207, %gather3A_2217, %broadcast_in_dim3A_0 : vector<16xi1>, vector<16xi32>
      %add3A_2219 = arith.addi %add3A_2204, %select_n3A_2218 : vector<16xi32>
      %eq3A_2220 = arith.constant 7 : i32
      %eq3A_2221 = vector.broadcast %eq3A_2220 : i32 to vector<16xi32>
      %eq3A_2222 = arith.cmpi eq, %iota3A, %eq3A_2221 : vector<16xi32>
      %select_n3A_2223 = arith.select %eq3A_2222, %add3A_2219, %broadcast_in_dim3A_0 : vector<16xi1>, vector<16xi32>
      %add3A_2224 = arith.addi %add3A_2113, %select_n3A_2223 : vector<16xi32>
      %eq3A_2225 = arith.cmpi eq, %add3A_2, %gather3A_2153 : vector<16xi32>
      %jit3A_2226 = arith.constant 1 : i32
      %jit3A_2227 = arith.constant 0 : i32
      %broadcast_in_dim3A_2228 = vector.broadcast %jit3A_2226 : i32 to vector<16xi32>
      %broadcast_in_dim3A_2229 = vector.broadcast %jit3A_2227 : i32 to vector<16xi32>
      %select_n3A_2230 = arith.select %eq3A_2225, %broadcast_in_dim3A_2228, %broadcast_in_dim3A_2229 : vector<16xi1>, vector<16xi32>
      %add3A_2231 = arith.addi %add3A_2120, %select_n3A_2230 : vector<16xi32>
      %eq3A_2232 = arith.cmpi eq, %add3A_5, %gather3A_2153 : vector<16xi32>
      %jit3A_2233 = arith.constant 1 : i32
      %jit3A_2234 = arith.constant 0 : i32
      %broadcast_in_dim3A_2235 = vector.broadcast %jit3A_2233 : i32 to vector<16xi32>
      %broadcast_in_dim3A_2236 = vector.broadcast %jit3A_2234 : i32 to vector<16xi32>
      %select_n3A_2237 = arith.select %eq3A_2232, %broadcast_in_dim3A_2235, %broadcast_in_dim3A_2236 : vector<16xi1>, vector<16xi32>
      %add3A_2238 = arith.addi %add3A_2127, %select_n3A_2237 : vector<16xi32>
      %eq3A_2239 = arith.cmpi eq, %add3A_8, %gather3A_2153 : vector<16xi32>
      %jit3A_2240 = arith.constant 1 : i32
      %jit3A_2241 = arith.constant 0 : i32
      %broadcast_in_dim3A_2242 = vector.broadcast %jit3A_2240 : i32 to vector<16xi32>
      %broadcast_in_dim3A_2243 = vector.broadcast %jit3A_2241 : i32 to vector<16xi32>
      %select_n3A_2244 = arith.select %eq3A_2239, %broadcast_in_dim3A_2242, %broadcast_in_dim3A_2243 : vector<16xi1>, vector<16xi32>
      %add3A_2245 = arith.addi %add3A_2134, %select_n3A_2244 : vector<16xi32>
      %eq3A_2246 = arith.cmpi eq, %add3A_11, %gather3A_2153 : vector<16xi32>
      %jit3A_2247 = arith.constant 1 : i32
      %jit3A_2248 = arith.constant 0 : i32
      %broadcast_in_dim3A_2249 = vector.broadcast %jit3A_2247 : i32 to vector<16xi32>
      %broadcast_in_dim3A_2250 = vector.broadcast %jit3A_2248 : i32 to vector<16xi32>
      %select_n3A_2251 = arith.select %eq3A_2246, %broadcast_in_dim3A_2249, %broadcast_in_dim3A_2250 : vector<16xi1>, vector<16xi32>
      %add3A_2252 = arith.addi %add3A_2141, %select_n3A_2251 : vector<16xi32>
      %broadcast_in_dim3A_2253 = arith.constant 8 : i32
      %broadcast_in_dim3A_2254 = vector.broadcast %broadcast_in_dim3A_2253 : i32 to vector<16xi32>
      %lt3A_2255 = arith.constant 0 : i32
      %lt3A_2256 = vector.broadcast %lt3A_2255 : i32 to vector<16xi32>
      %lt3A_2257 = arith.cmpi slt, %broadcast_in_dim3A_2254, %lt3A_2256 : vector<16xi32>
      %add3A_2258 = arith.constant 16 : i32
      %add3A_2259 = vector.broadcast %add3A_2258 : i32 to vector<16xi32>
      %add3A_2260 = arith.addi %broadcast_in_dim3A_2254, %add3A_2259 : vector<16xi32>
      %select_n3A_2261 = arith.select %lt3A_2257, %add3A_2260, %broadcast_in_dim3A_2254 : vector<16xi1>, vector<16xi32>
      %broadcast_in_dim3A_2262 = vector.shape_cast %select_n3A_2261 : vector<16xi32> to vector<16x1xi32>
      %gather3A_2263 = vector.shape_cast %broadcast_in_dim3A_2262 : vector<16x1xi32> to vector<16xi32>
      %gather3A_2264 = tpu.dynamic_gather %get3A_1366[%gather3A_2263] in [0] : vector<16xi32>, vector<16xi32> -> vector<16xi32>
      %and3A_2265 = arith.constant 15 : i32
      %and3A_2266 = vector.broadcast %and3A_2265 : i32 to vector<16xi32>
      %and3A_2267 = arith.andi %gather3A_2264, %and3A_2266 : vector<16xi32>
      %shift_right_arithmetic3A_2268 = arith.constant 4 : i32
      %shift_right_arithmetic3A_2269 = vector.broadcast %shift_right_arithmetic3A_2268 : i32 to vector<16xi32>
      %shift_right_arithmetic3A_2270 = arith.shrsi %gather3A_2264, %shift_right_arithmetic3A_2269 : vector<16xi32>
      %eq3A_2271 = arith.constant 0 : i32
      %eq3A_2272 = vector.broadcast %eq3A_2271 : i32 to vector<16xi32>
      %eq3A_2273 = arith.cmpi eq, %shift_right_arithmetic3A_2270, %eq3A_2272 : vector<16xi32>
      %lt3A_2274 = arith.constant 0 : i32
      %lt3A_2275 = vector.broadcast %lt3A_2274 : i32 to vector<16xi32>
      %lt3A_2276 = arith.cmpi slt, %and3A_2267, %lt3A_2275 : vector<16xi32>
      %add3A_2277 = arith.constant 16 : i32
      %add3A_2278 = vector.broadcast %add3A_2277 : i32 to vector<16xi32>
      %add3A_2279 = arith.addi %and3A_2267, %add3A_2278 : vector<16xi32>
      %select_n3A_2280 = arith.select %lt3A_2276, %add3A_2279, %and3A_2267 : vector<16xi1>, vector<16xi32>
      %broadcast_in_dim3A_2281 = vector.shape_cast %select_n3A_2280 : vector<16xi32> to vector<16x1xi32>
      %gather3A_2282 = vector.shape_cast %broadcast_in_dim3A_2281 : vector<16x1xi32> to vector<16xi32>
      %gather3A_2283 = tpu.dynamic_gather %add3A_2231[%gather3A_2282] in [0] : vector<16xi32>, vector<16xi32> -> vector<16xi32>
      %select_n3A_2284 = arith.select %eq3A_2273, %gather3A_2283, %broadcast_in_dim3A_0 : vector<16xi1>, vector<16xi32>
      %add3A_2285 = arith.addi %broadcast_in_dim3A_0, %select_n3A_2284 : vector<16xi32>
      %eq3A_2286 = arith.constant 1 : i32
      %eq3A_2287 = vector.broadcast %eq3A_2286 : i32 to vector<16xi32>
      %eq3A_2288 = arith.cmpi eq, %shift_right_arithmetic3A_2270, %eq3A_2287 : vector<16xi32>
      %lt3A_2289 = arith.constant 0 : i32
      %lt3A_2290 = vector.broadcast %lt3A_2289 : i32 to vector<16xi32>
      %lt3A_2291 = arith.cmpi slt, %and3A_2267, %lt3A_2290 : vector<16xi32>
      %add3A_2292 = arith.constant 16 : i32
      %add3A_2293 = vector.broadcast %add3A_2292 : i32 to vector<16xi32>
      %add3A_2294 = arith.addi %and3A_2267, %add3A_2293 : vector<16xi32>
      %select_n3A_2295 = arith.select %lt3A_2291, %add3A_2294, %and3A_2267 : vector<16xi1>, vector<16xi32>
      %broadcast_in_dim3A_2296 = vector.shape_cast %select_n3A_2295 : vector<16xi32> to vector<16x1xi32>
      %gather3A_2297 = vector.shape_cast %broadcast_in_dim3A_2296 : vector<16x1xi32> to vector<16xi32>
      %gather3A_2298 = tpu.dynamic_gather %add3A_2238[%gather3A_2297] in [0] : vector<16xi32>, vector<16xi32> -> vector<16xi32>
      %select_n3A_2299 = arith.select %eq3A_2288, %gather3A_2298, %broadcast_in_dim3A_0 : vector<16xi1>, vector<16xi32>
      %add3A_2300 = arith.addi %add3A_2285, %select_n3A_2299 : vector<16xi32>
      %eq3A_2301 = arith.constant 2 : i32
      %eq3A_2302 = vector.broadcast %eq3A_2301 : i32 to vector<16xi32>
      %eq3A_2303 = arith.cmpi eq, %shift_right_arithmetic3A_2270, %eq3A_2302 : vector<16xi32>
      %lt3A_2304 = arith.constant 0 : i32
      %lt3A_2305 = vector.broadcast %lt3A_2304 : i32 to vector<16xi32>
      %lt3A_2306 = arith.cmpi slt, %and3A_2267, %lt3A_2305 : vector<16xi32>
      %add3A_2307 = arith.constant 16 : i32
      %add3A_2308 = vector.broadcast %add3A_2307 : i32 to vector<16xi32>
      %add3A_2309 = arith.addi %and3A_2267, %add3A_2308 : vector<16xi32>
      %select_n3A_2310 = arith.select %lt3A_2306, %add3A_2309, %and3A_2267 : vector<16xi1>, vector<16xi32>
      %broadcast_in_dim3A_2311 = vector.shape_cast %select_n3A_2310 : vector<16xi32> to vector<16x1xi32>
      %gather3A_2312 = vector.shape_cast %broadcast_in_dim3A_2311 : vector<16x1xi32> to vector<16xi32>
      %gather3A_2313 = tpu.dynamic_gather %add3A_2245[%gather3A_2312] in [0] : vector<16xi32>, vector<16xi32> -> vector<16xi32>
      %select_n3A_2314 = arith.select %eq3A_2303, %gather3A_2313, %broadcast_in_dim3A_0 : vector<16xi1>, vector<16xi32>
      %add3A_2315 = arith.addi %add3A_2300, %select_n3A_2314 : vector<16xi32>
      %eq3A_2316 = arith.constant 3 : i32
      %eq3A_2317 = vector.broadcast %eq3A_2316 : i32 to vector<16xi32>
      %eq3A_2318 = arith.cmpi eq, %shift_right_arithmetic3A_2270, %eq3A_2317 : vector<16xi32>
      %lt3A_2319 = arith.constant 0 : i32
      %lt3A_2320 = vector.broadcast %lt3A_2319 : i32 to vector<16xi32>
      %lt3A_2321 = arith.cmpi slt, %and3A_2267, %lt3A_2320 : vector<16xi32>
      %add3A_2322 = arith.constant 16 : i32
      %add3A_2323 = vector.broadcast %add3A_2322 : i32 to vector<16xi32>
      %add3A_2324 = arith.addi %and3A_2267, %add3A_2323 : vector<16xi32>
      %select_n3A_2325 = arith.select %lt3A_2321, %add3A_2324, %and3A_2267 : vector<16xi1>, vector<16xi32>
      %broadcast_in_dim3A_2326 = vector.shape_cast %select_n3A_2325 : vector<16xi32> to vector<16x1xi32>
      %gather3A_2327 = vector.shape_cast %broadcast_in_dim3A_2326 : vector<16x1xi32> to vector<16xi32>
      %gather3A_2328 = tpu.dynamic_gather %add3A_2252[%gather3A_2327] in [0] : vector<16xi32>, vector<16xi32> -> vector<16xi32>
      %select_n3A_2329 = arith.select %eq3A_2318, %gather3A_2328, %broadcast_in_dim3A_0 : vector<16xi1>, vector<16xi32>
      %add3A_2330 = arith.addi %add3A_2315, %select_n3A_2329 : vector<16xi32>
      %eq3A_2331 = arith.constant 8 : i32
      %eq3A_2332 = vector.broadcast %eq3A_2331 : i32 to vector<16xi32>
      %eq3A_2333 = arith.cmpi eq, %iota3A, %eq3A_2332 : vector<16xi32>
      %select_n3A_2334 = arith.select %eq3A_2333, %add3A_2330, %broadcast_in_dim3A_0 : vector<16xi1>, vector<16xi32>
      %add3A_2335 = arith.addi %add3A_2224, %select_n3A_2334 : vector<16xi32>
      %eq3A_2336 = arith.cmpi eq, %add3A_2, %gather3A_2264 : vector<16xi32>
      %jit3A_2337 = arith.constant 1 : i32
      %jit3A_2338 = arith.constant 0 : i32
      %broadcast_in_dim3A_2339 = vector.broadcast %jit3A_2337 : i32 to vector<16xi32>
      %broadcast_in_dim3A_2340 = vector.broadcast %jit3A_2338 : i32 to vector<16xi32>
      %select_n3A_2341 = arith.select %eq3A_2336, %broadcast_in_dim3A_2339, %broadcast_in_dim3A_2340 : vector<16xi1>, vector<16xi32>
      %add3A_2342 = arith.addi %add3A_2231, %select_n3A_2341 : vector<16xi32>
      %eq3A_2343 = arith.cmpi eq, %add3A_5, %gather3A_2264 : vector<16xi32>
      %jit3A_2344 = arith.constant 1 : i32
      %jit3A_2345 = arith.constant 0 : i32
      %broadcast_in_dim3A_2346 = vector.broadcast %jit3A_2344 : i32 to vector<16xi32>
      %broadcast_in_dim3A_2347 = vector.broadcast %jit3A_2345 : i32 to vector<16xi32>
      %select_n3A_2348 = arith.select %eq3A_2343, %broadcast_in_dim3A_2346, %broadcast_in_dim3A_2347 : vector<16xi1>, vector<16xi32>
      %add3A_2349 = arith.addi %add3A_2238, %select_n3A_2348 : vector<16xi32>
      %eq3A_2350 = arith.cmpi eq, %add3A_8, %gather3A_2264 : vector<16xi32>
      %jit3A_2351 = arith.constant 1 : i32
      %jit3A_2352 = arith.constant 0 : i32
      %broadcast_in_dim3A_2353 = vector.broadcast %jit3A_2351 : i32 to vector<16xi32>
      %broadcast_in_dim3A_2354 = vector.broadcast %jit3A_2352 : i32 to vector<16xi32>
      %select_n3A_2355 = arith.select %eq3A_2350, %broadcast_in_dim3A_2353, %broadcast_in_dim3A_2354 : vector<16xi1>, vector<16xi32>
      %add3A_2356 = arith.addi %add3A_2245, %select_n3A_2355 : vector<16xi32>
      %eq3A_2357 = arith.cmpi eq, %add3A_11, %gather3A_2264 : vector<16xi32>
      %jit3A_2358 = arith.constant 1 : i32
      %jit3A_2359 = arith.constant 0 : i32
      %broadcast_in_dim3A_2360 = vector.broadcast %jit3A_2358 : i32 to vector<16xi32>
      %broadcast_in_dim3A_2361 = vector.broadcast %jit3A_2359 : i32 to vector<16xi32>
      %select_n3A_2362 = arith.select %eq3A_2357, %broadcast_in_dim3A_2360, %broadcast_in_dim3A_2361 : vector<16xi1>, vector<16xi32>
      %add3A_2363 = arith.addi %add3A_2252, %select_n3A_2362 : vector<16xi32>
      %broadcast_in_dim3A_2364 = arith.constant 9 : i32
      %broadcast_in_dim3A_2365 = vector.broadcast %broadcast_in_dim3A_2364 : i32 to vector<16xi32>
      %lt3A_2366 = arith.constant 0 : i32
      %lt3A_2367 = vector.broadcast %lt3A_2366 : i32 to vector<16xi32>
      %lt3A_2368 = arith.cmpi slt, %broadcast_in_dim3A_2365, %lt3A_2367 : vector<16xi32>
      %add3A_2369 = arith.constant 16 : i32
      %add3A_2370 = vector.broadcast %add3A_2369 : i32 to vector<16xi32>
      %add3A_2371 = arith.addi %broadcast_in_dim3A_2365, %add3A_2370 : vector<16xi32>
      %select_n3A_2372 = arith.select %lt3A_2368, %add3A_2371, %broadcast_in_dim3A_2365 : vector<16xi1>, vector<16xi32>
      %broadcast_in_dim3A_2373 = vector.shape_cast %select_n3A_2372 : vector<16xi32> to vector<16x1xi32>
      %gather3A_2374 = vector.shape_cast %broadcast_in_dim3A_2373 : vector<16x1xi32> to vector<16xi32>
      %gather3A_2375 = tpu.dynamic_gather %get3A_1366[%gather3A_2374] in [0] : vector<16xi32>, vector<16xi32> -> vector<16xi32>
      %and3A_2376 = arith.constant 15 : i32
      %and3A_2377 = vector.broadcast %and3A_2376 : i32 to vector<16xi32>
      %and3A_2378 = arith.andi %gather3A_2375, %and3A_2377 : vector<16xi32>
      %shift_right_arithmetic3A_2379 = arith.constant 4 : i32
      %shift_right_arithmetic3A_2380 = vector.broadcast %shift_right_arithmetic3A_2379 : i32 to vector<16xi32>
      %shift_right_arithmetic3A_2381 = arith.shrsi %gather3A_2375, %shift_right_arithmetic3A_2380 : vector<16xi32>
      %eq3A_2382 = arith.constant 0 : i32
      %eq3A_2383 = vector.broadcast %eq3A_2382 : i32 to vector<16xi32>
      %eq3A_2384 = arith.cmpi eq, %shift_right_arithmetic3A_2381, %eq3A_2383 : vector<16xi32>
      %lt3A_2385 = arith.constant 0 : i32
      %lt3A_2386 = vector.broadcast %lt3A_2385 : i32 to vector<16xi32>
      %lt3A_2387 = arith.cmpi slt, %and3A_2378, %lt3A_2386 : vector<16xi32>
      %add3A_2388 = arith.constant 16 : i32
      %add3A_2389 = vector.broadcast %add3A_2388 : i32 to vector<16xi32>
      %add3A_2390 = arith.addi %and3A_2378, %add3A_2389 : vector<16xi32>
      %select_n3A_2391 = arith.select %lt3A_2387, %add3A_2390, %and3A_2378 : vector<16xi1>, vector<16xi32>
      %broadcast_in_dim3A_2392 = vector.shape_cast %select_n3A_2391 : vector<16xi32> to vector<16x1xi32>
      %gather3A_2393 = vector.shape_cast %broadcast_in_dim3A_2392 : vector<16x1xi32> to vector<16xi32>
      %gather3A_2394 = tpu.dynamic_gather %add3A_2342[%gather3A_2393] in [0] : vector<16xi32>, vector<16xi32> -> vector<16xi32>
      %select_n3A_2395 = arith.select %eq3A_2384, %gather3A_2394, %broadcast_in_dim3A_0 : vector<16xi1>, vector<16xi32>
      %add3A_2396 = arith.addi %broadcast_in_dim3A_0, %select_n3A_2395 : vector<16xi32>
      %eq3A_2397 = arith.constant 1 : i32
      %eq3A_2398 = vector.broadcast %eq3A_2397 : i32 to vector<16xi32>
      %eq3A_2399 = arith.cmpi eq, %shift_right_arithmetic3A_2381, %eq3A_2398 : vector<16xi32>
      %lt3A_2400 = arith.constant 0 : i32
      %lt3A_2401 = vector.broadcast %lt3A_2400 : i32 to vector<16xi32>
      %lt3A_2402 = arith.cmpi slt, %and3A_2378, %lt3A_2401 : vector<16xi32>
      %add3A_2403 = arith.constant 16 : i32
      %add3A_2404 = vector.broadcast %add3A_2403 : i32 to vector<16xi32>
      %add3A_2405 = arith.addi %and3A_2378, %add3A_2404 : vector<16xi32>
      %select_n3A_2406 = arith.select %lt3A_2402, %add3A_2405, %and3A_2378 : vector<16xi1>, vector<16xi32>
      %broadcast_in_dim3A_2407 = vector.shape_cast %select_n3A_2406 : vector<16xi32> to vector<16x1xi32>
      %gather3A_2408 = vector.shape_cast %broadcast_in_dim3A_2407 : vector<16x1xi32> to vector<16xi32>
      %gather3A_2409 = tpu.dynamic_gather %add3A_2349[%gather3A_2408] in [0] : vector<16xi32>, vector<16xi32> -> vector<16xi32>
      %select_n3A_2410 = arith.select %eq3A_2399, %gather3A_2409, %broadcast_in_dim3A_0 : vector<16xi1>, vector<16xi32>
      %add3A_2411 = arith.addi %add3A_2396, %select_n3A_2410 : vector<16xi32>
      %eq3A_2412 = arith.constant 2 : i32
      %eq3A_2413 = vector.broadcast %eq3A_2412 : i32 to vector<16xi32>
      %eq3A_2414 = arith.cmpi eq, %shift_right_arithmetic3A_2381, %eq3A_2413 : vector<16xi32>
      %lt3A_2415 = arith.constant 0 : i32
      %lt3A_2416 = vector.broadcast %lt3A_2415 : i32 to vector<16xi32>
      %lt3A_2417 = arith.cmpi slt, %and3A_2378, %lt3A_2416 : vector<16xi32>
      %add3A_2418 = arith.constant 16 : i32
      %add3A_2419 = vector.broadcast %add3A_2418 : i32 to vector<16xi32>
      %add3A_2420 = arith.addi %and3A_2378, %add3A_2419 : vector<16xi32>
      %select_n3A_2421 = arith.select %lt3A_2417, %add3A_2420, %and3A_2378 : vector<16xi1>, vector<16xi32>
      %broadcast_in_dim3A_2422 = vector.shape_cast %select_n3A_2421 : vector<16xi32> to vector<16x1xi32>
      %gather3A_2423 = vector.shape_cast %broadcast_in_dim3A_2422 : vector<16x1xi32> to vector<16xi32>
      %gather3A_2424 = tpu.dynamic_gather %add3A_2356[%gather3A_2423] in [0] : vector<16xi32>, vector<16xi32> -> vector<16xi32>
      %select_n3A_2425 = arith.select %eq3A_2414, %gather3A_2424, %broadcast_in_dim3A_0 : vector<16xi1>, vector<16xi32>
      %add3A_2426 = arith.addi %add3A_2411, %select_n3A_2425 : vector<16xi32>
      %eq3A_2427 = arith.constant 3 : i32
      %eq3A_2428 = vector.broadcast %eq3A_2427 : i32 to vector<16xi32>
      %eq3A_2429 = arith.cmpi eq, %shift_right_arithmetic3A_2381, %eq3A_2428 : vector<16xi32>
      %lt3A_2430 = arith.constant 0 : i32
      %lt3A_2431 = vector.broadcast %lt3A_2430 : i32 to vector<16xi32>
      %lt3A_2432 = arith.cmpi slt, %and3A_2378, %lt3A_2431 : vector<16xi32>
      %add3A_2433 = arith.constant 16 : i32
      %add3A_2434 = vector.broadcast %add3A_2433 : i32 to vector<16xi32>
      %add3A_2435 = arith.addi %and3A_2378, %add3A_2434 : vector<16xi32>
      %select_n3A_2436 = arith.select %lt3A_2432, %add3A_2435, %and3A_2378 : vector<16xi1>, vector<16xi32>
      %broadcast_in_dim3A_2437 = vector.shape_cast %select_n3A_2436 : vector<16xi32> to vector<16x1xi32>
      %gather3A_2438 = vector.shape_cast %broadcast_in_dim3A_2437 : vector<16x1xi32> to vector<16xi32>
      %gather3A_2439 = tpu.dynamic_gather %add3A_2363[%gather3A_2438] in [0] : vector<16xi32>, vector<16xi32> -> vector<16xi32>
      %select_n3A_2440 = arith.select %eq3A_2429, %gather3A_2439, %broadcast_in_dim3A_0 : vector<16xi1>, vector<16xi32>
      %add3A_2441 = arith.addi %add3A_2426, %select_n3A_2440 : vector<16xi32>
      %eq3A_2442 = arith.constant 9 : i32
      %eq3A_2443 = vector.broadcast %eq3A_2442 : i32 to vector<16xi32>
      %eq3A_2444 = arith.cmpi eq, %iota3A, %eq3A_2443 : vector<16xi32>
      %select_n3A_2445 = arith.select %eq3A_2444, %add3A_2441, %broadcast_in_dim3A_0 : vector<16xi1>, vector<16xi32>
      %add3A_2446 = arith.addi %add3A_2335, %select_n3A_2445 : vector<16xi32>
      %eq3A_2447 = arith.cmpi eq, %add3A_2, %gather3A_2375 : vector<16xi32>
      %jit3A_2448 = arith.constant 1 : i32
      %jit3A_2449 = arith.constant 0 : i32
      %broadcast_in_dim3A_2450 = vector.broadcast %jit3A_2448 : i32 to vector<16xi32>
      %broadcast_in_dim3A_2451 = vector.broadcast %jit3A_2449 : i32 to vector<16xi32>
      %select_n3A_2452 = arith.select %eq3A_2447, %broadcast_in_dim3A_2450, %broadcast_in_dim3A_2451 : vector<16xi1>, vector<16xi32>
      %add3A_2453 = arith.addi %add3A_2342, %select_n3A_2452 : vector<16xi32>
      %eq3A_2454 = arith.cmpi eq, %add3A_5, %gather3A_2375 : vector<16xi32>
      %jit3A_2455 = arith.constant 1 : i32
      %jit3A_2456 = arith.constant 0 : i32
      %broadcast_in_dim3A_2457 = vector.broadcast %jit3A_2455 : i32 to vector<16xi32>
      %broadcast_in_dim3A_2458 = vector.broadcast %jit3A_2456 : i32 to vector<16xi32>
      %select_n3A_2459 = arith.select %eq3A_2454, %broadcast_in_dim3A_2457, %broadcast_in_dim3A_2458 : vector<16xi1>, vector<16xi32>
      %add3A_2460 = arith.addi %add3A_2349, %select_n3A_2459 : vector<16xi32>
      %eq3A_2461 = arith.cmpi eq, %add3A_8, %gather3A_2375 : vector<16xi32>
      %jit3A_2462 = arith.constant 1 : i32
      %jit3A_2463 = arith.constant 0 : i32
      %broadcast_in_dim3A_2464 = vector.broadcast %jit3A_2462 : i32 to vector<16xi32>
      %broadcast_in_dim3A_2465 = vector.broadcast %jit3A_2463 : i32 to vector<16xi32>
      %select_n3A_2466 = arith.select %eq3A_2461, %broadcast_in_dim3A_2464, %broadcast_in_dim3A_2465 : vector<16xi1>, vector<16xi32>
      %add3A_2467 = arith.addi %add3A_2356, %select_n3A_2466 : vector<16xi32>
      %eq3A_2468 = arith.cmpi eq, %add3A_11, %gather3A_2375 : vector<16xi32>
      %jit3A_2469 = arith.constant 1 : i32
      %jit3A_2470 = arith.constant 0 : i32
      %broadcast_in_dim3A_2471 = vector.broadcast %jit3A_2469 : i32 to vector<16xi32>
      %broadcast_in_dim3A_2472 = vector.broadcast %jit3A_2470 : i32 to vector<16xi32>
      %select_n3A_2473 = arith.select %eq3A_2468, %broadcast_in_dim3A_2471, %broadcast_in_dim3A_2472 : vector<16xi1>, vector<16xi32>
      %add3A_2474 = arith.addi %add3A_2363, %select_n3A_2473 : vector<16xi32>
      %broadcast_in_dim3A_2475 = arith.constant 10 : i32
      %broadcast_in_dim3A_2476 = vector.broadcast %broadcast_in_dim3A_2475 : i32 to vector<16xi32>
      %lt3A_2477 = arith.constant 0 : i32
      %lt3A_2478 = vector.broadcast %lt3A_2477 : i32 to vector<16xi32>
      %lt3A_2479 = arith.cmpi slt, %broadcast_in_dim3A_2476, %lt3A_2478 : vector<16xi32>
      %add3A_2480 = arith.constant 16 : i32
      %add3A_2481 = vector.broadcast %add3A_2480 : i32 to vector<16xi32>
      %add3A_2482 = arith.addi %broadcast_in_dim3A_2476, %add3A_2481 : vector<16xi32>
      %select_n3A_2483 = arith.select %lt3A_2479, %add3A_2482, %broadcast_in_dim3A_2476 : vector<16xi1>, vector<16xi32>
      %broadcast_in_dim3A_2484 = vector.shape_cast %select_n3A_2483 : vector<16xi32> to vector<16x1xi32>
      %gather3A_2485 = vector.shape_cast %broadcast_in_dim3A_2484 : vector<16x1xi32> to vector<16xi32>
      %gather3A_2486 = tpu.dynamic_gather %get3A_1366[%gather3A_2485] in [0] : vector<16xi32>, vector<16xi32> -> vector<16xi32>
      %and3A_2487 = arith.constant 15 : i32
      %and3A_2488 = vector.broadcast %and3A_2487 : i32 to vector<16xi32>
      %and3A_2489 = arith.andi %gather3A_2486, %and3A_2488 : vector<16xi32>
      %shift_right_arithmetic3A_2490 = arith.constant 4 : i32
      %shift_right_arithmetic3A_2491 = vector.broadcast %shift_right_arithmetic3A_2490 : i32 to vector<16xi32>
      %shift_right_arithmetic3A_2492 = arith.shrsi %gather3A_2486, %shift_right_arithmetic3A_2491 : vector<16xi32>
      %eq3A_2493 = arith.constant 0 : i32
      %eq3A_2494 = vector.broadcast %eq3A_2493 : i32 to vector<16xi32>
      %eq3A_2495 = arith.cmpi eq, %shift_right_arithmetic3A_2492, %eq3A_2494 : vector<16xi32>
      %lt3A_2496 = arith.constant 0 : i32
      %lt3A_2497 = vector.broadcast %lt3A_2496 : i32 to vector<16xi32>
      %lt3A_2498 = arith.cmpi slt, %and3A_2489, %lt3A_2497 : vector<16xi32>
      %add3A_2499 = arith.constant 16 : i32
      %add3A_2500 = vector.broadcast %add3A_2499 : i32 to vector<16xi32>
      %add3A_2501 = arith.addi %and3A_2489, %add3A_2500 : vector<16xi32>
      %select_n3A_2502 = arith.select %lt3A_2498, %add3A_2501, %and3A_2489 : vector<16xi1>, vector<16xi32>
      %broadcast_in_dim3A_2503 = vector.shape_cast %select_n3A_2502 : vector<16xi32> to vector<16x1xi32>
      %gather3A_2504 = vector.shape_cast %broadcast_in_dim3A_2503 : vector<16x1xi32> to vector<16xi32>
      %gather3A_2505 = tpu.dynamic_gather %add3A_2453[%gather3A_2504] in [0] : vector<16xi32>, vector<16xi32> -> vector<16xi32>
      %select_n3A_2506 = arith.select %eq3A_2495, %gather3A_2505, %broadcast_in_dim3A_0 : vector<16xi1>, vector<16xi32>
      %add3A_2507 = arith.addi %broadcast_in_dim3A_0, %select_n3A_2506 : vector<16xi32>
      %eq3A_2508 = arith.constant 1 : i32
      %eq3A_2509 = vector.broadcast %eq3A_2508 : i32 to vector<16xi32>
      %eq3A_2510 = arith.cmpi eq, %shift_right_arithmetic3A_2492, %eq3A_2509 : vector<16xi32>
      %lt3A_2511 = arith.constant 0 : i32
      %lt3A_2512 = vector.broadcast %lt3A_2511 : i32 to vector<16xi32>
      %lt3A_2513 = arith.cmpi slt, %and3A_2489, %lt3A_2512 : vector<16xi32>
      %add3A_2514 = arith.constant 16 : i32
      %add3A_2515 = vector.broadcast %add3A_2514 : i32 to vector<16xi32>
      %add3A_2516 = arith.addi %and3A_2489, %add3A_2515 : vector<16xi32>
      %select_n3A_2517 = arith.select %lt3A_2513, %add3A_2516, %and3A_2489 : vector<16xi1>, vector<16xi32>
      %broadcast_in_dim3A_2518 = vector.shape_cast %select_n3A_2517 : vector<16xi32> to vector<16x1xi32>
      %gather3A_2519 = vector.shape_cast %broadcast_in_dim3A_2518 : vector<16x1xi32> to vector<16xi32>
      %gather3A_2520 = tpu.dynamic_gather %add3A_2460[%gather3A_2519] in [0] : vector<16xi32>, vector<16xi32> -> vector<16xi32>
      %select_n3A_2521 = arith.select %eq3A_2510, %gather3A_2520, %broadcast_in_dim3A_0 : vector<16xi1>, vector<16xi32>
      %add3A_2522 = arith.addi %add3A_2507, %select_n3A_2521 : vector<16xi32>
      %eq3A_2523 = arith.constant 2 : i32
      %eq3A_2524 = vector.broadcast %eq3A_2523 : i32 to vector<16xi32>
      %eq3A_2525 = arith.cmpi eq, %shift_right_arithmetic3A_2492, %eq3A_2524 : vector<16xi32>
      %lt3A_2526 = arith.constant 0 : i32
      %lt3A_2527 = vector.broadcast %lt3A_2526 : i32 to vector<16xi32>
      %lt3A_2528 = arith.cmpi slt, %and3A_2489, %lt3A_2527 : vector<16xi32>
      %add3A_2529 = arith.constant 16 : i32
      %add3A_2530 = vector.broadcast %add3A_2529 : i32 to vector<16xi32>
      %add3A_2531 = arith.addi %and3A_2489, %add3A_2530 : vector<16xi32>
      %select_n3A_2532 = arith.select %lt3A_2528, %add3A_2531, %and3A_2489 : vector<16xi1>, vector<16xi32>
      %broadcast_in_dim3A_2533 = vector.shape_cast %select_n3A_2532 : vector<16xi32> to vector<16x1xi32>
      %gather3A_2534 = vector.shape_cast %broadcast_in_dim3A_2533 : vector<16x1xi32> to vector<16xi32>
      %gather3A_2535 = tpu.dynamic_gather %add3A_2467[%gather3A_2534] in [0] : vector<16xi32>, vector<16xi32> -> vector<16xi32>
      %select_n3A_2536 = arith.select %eq3A_2525, %gather3A_2535, %broadcast_in_dim3A_0 : vector<16xi1>, vector<16xi32>
      %add3A_2537 = arith.addi %add3A_2522, %select_n3A_2536 : vector<16xi32>
      %eq3A_2538 = arith.constant 3 : i32
      %eq3A_2539 = vector.broadcast %eq3A_2538 : i32 to vector<16xi32>
      %eq3A_2540 = arith.cmpi eq, %shift_right_arithmetic3A_2492, %eq3A_2539 : vector<16xi32>
      %lt3A_2541 = arith.constant 0 : i32
      %lt3A_2542 = vector.broadcast %lt3A_2541 : i32 to vector<16xi32>
      %lt3A_2543 = arith.cmpi slt, %and3A_2489, %lt3A_2542 : vector<16xi32>
      %add3A_2544 = arith.constant 16 : i32
      %add3A_2545 = vector.broadcast %add3A_2544 : i32 to vector<16xi32>
      %add3A_2546 = arith.addi %and3A_2489, %add3A_2545 : vector<16xi32>
      %select_n3A_2547 = arith.select %lt3A_2543, %add3A_2546, %and3A_2489 : vector<16xi1>, vector<16xi32>
      %broadcast_in_dim3A_2548 = vector.shape_cast %select_n3A_2547 : vector<16xi32> to vector<16x1xi32>
      %gather3A_2549 = vector.shape_cast %broadcast_in_dim3A_2548 : vector<16x1xi32> to vector<16xi32>
      %gather3A_2550 = tpu.dynamic_gather %add3A_2474[%gather3A_2549] in [0] : vector<16xi32>, vector<16xi32> -> vector<16xi32>
      %select_n3A_2551 = arith.select %eq3A_2540, %gather3A_2550, %broadcast_in_dim3A_0 : vector<16xi1>, vector<16xi32>
      %add3A_2552 = arith.addi %add3A_2537, %select_n3A_2551 : vector<16xi32>
      %eq3A_2553 = arith.constant 10 : i32
      %eq3A_2554 = vector.broadcast %eq3A_2553 : i32 to vector<16xi32>
      %eq3A_2555 = arith.cmpi eq, %iota3A, %eq3A_2554 : vector<16xi32>
      %select_n3A_2556 = arith.select %eq3A_2555, %add3A_2552, %broadcast_in_dim3A_0 : vector<16xi1>, vector<16xi32>
      %add3A_2557 = arith.addi %add3A_2446, %select_n3A_2556 : vector<16xi32>
      %eq3A_2558 = arith.cmpi eq, %add3A_2, %gather3A_2486 : vector<16xi32>
      %jit3A_2559 = arith.constant 1 : i32
      %jit3A_2560 = arith.constant 0 : i32
      %broadcast_in_dim3A_2561 = vector.broadcast %jit3A_2559 : i32 to vector<16xi32>
      %broadcast_in_dim3A_2562 = vector.broadcast %jit3A_2560 : i32 to vector<16xi32>
      %select_n3A_2563 = arith.select %eq3A_2558, %broadcast_in_dim3A_2561, %broadcast_in_dim3A_2562 : vector<16xi1>, vector<16xi32>
      %add3A_2564 = arith.addi %add3A_2453, %select_n3A_2563 : vector<16xi32>
      %eq3A_2565 = arith.cmpi eq, %add3A_5, %gather3A_2486 : vector<16xi32>
      %jit3A_2566 = arith.constant 1 : i32
      %jit3A_2567 = arith.constant 0 : i32
      %broadcast_in_dim3A_2568 = vector.broadcast %jit3A_2566 : i32 to vector<16xi32>
      %broadcast_in_dim3A_2569 = vector.broadcast %jit3A_2567 : i32 to vector<16xi32>
      %select_n3A_2570 = arith.select %eq3A_2565, %broadcast_in_dim3A_2568, %broadcast_in_dim3A_2569 : vector<16xi1>, vector<16xi32>
      %add3A_2571 = arith.addi %add3A_2460, %select_n3A_2570 : vector<16xi32>
      %eq3A_2572 = arith.cmpi eq, %add3A_8, %gather3A_2486 : vector<16xi32>
      %jit3A_2573 = arith.constant 1 : i32
      %jit3A_2574 = arith.constant 0 : i32
      %broadcast_in_dim3A_2575 = vector.broadcast %jit3A_2573 : i32 to vector<16xi32>
      %broadcast_in_dim3A_2576 = vector.broadcast %jit3A_2574 : i32 to vector<16xi32>
      %select_n3A_2577 = arith.select %eq3A_2572, %broadcast_in_dim3A_2575, %broadcast_in_dim3A_2576 : vector<16xi1>, vector<16xi32>
      %add3A_2578 = arith.addi %add3A_2467, %select_n3A_2577 : vector<16xi32>
      %eq3A_2579 = arith.cmpi eq, %add3A_11, %gather3A_2486 : vector<16xi32>
      %jit3A_2580 = arith.constant 1 : i32
      %jit3A_2581 = arith.constant 0 : i32
      %broadcast_in_dim3A_2582 = vector.broadcast %jit3A_2580 : i32 to vector<16xi32>
      %broadcast_in_dim3A_2583 = vector.broadcast %jit3A_2581 : i32 to vector<16xi32>
      %select_n3A_2584 = arith.select %eq3A_2579, %broadcast_in_dim3A_2582, %broadcast_in_dim3A_2583 : vector<16xi1>, vector<16xi32>
      %add3A_2585 = arith.addi %add3A_2474, %select_n3A_2584 : vector<16xi32>
      %broadcast_in_dim3A_2586 = arith.constant 11 : i32
      %broadcast_in_dim3A_2587 = vector.broadcast %broadcast_in_dim3A_2586 : i32 to vector<16xi32>
      %lt3A_2588 = arith.constant 0 : i32
      %lt3A_2589 = vector.broadcast %lt3A_2588 : i32 to vector<16xi32>
      %lt3A_2590 = arith.cmpi slt, %broadcast_in_dim3A_2587, %lt3A_2589 : vector<16xi32>
      %add3A_2591 = arith.constant 16 : i32
      %add3A_2592 = vector.broadcast %add3A_2591 : i32 to vector<16xi32>
      %add3A_2593 = arith.addi %broadcast_in_dim3A_2587, %add3A_2592 : vector<16xi32>
      %select_n3A_2594 = arith.select %lt3A_2590, %add3A_2593, %broadcast_in_dim3A_2587 : vector<16xi1>, vector<16xi32>
      %broadcast_in_dim3A_2595 = vector.shape_cast %select_n3A_2594 : vector<16xi32> to vector<16x1xi32>
      %gather3A_2596 = vector.shape_cast %broadcast_in_dim3A_2595 : vector<16x1xi32> to vector<16xi32>
      %gather3A_2597 = tpu.dynamic_gather %get3A_1366[%gather3A_2596] in [0] : vector<16xi32>, vector<16xi32> -> vector<16xi32>
      %and3A_2598 = arith.constant 15 : i32
      %and3A_2599 = vector.broadcast %and3A_2598 : i32 to vector<16xi32>
      %and3A_2600 = arith.andi %gather3A_2597, %and3A_2599 : vector<16xi32>
      %shift_right_arithmetic3A_2601 = arith.constant 4 : i32
      %shift_right_arithmetic3A_2602 = vector.broadcast %shift_right_arithmetic3A_2601 : i32 to vector<16xi32>
      %shift_right_arithmetic3A_2603 = arith.shrsi %gather3A_2597, %shift_right_arithmetic3A_2602 : vector<16xi32>
      %eq3A_2604 = arith.constant 0 : i32
      %eq3A_2605 = vector.broadcast %eq3A_2604 : i32 to vector<16xi32>
      %eq3A_2606 = arith.cmpi eq, %shift_right_arithmetic3A_2603, %eq3A_2605 : vector<16xi32>
      %lt3A_2607 = arith.constant 0 : i32
      %lt3A_2608 = vector.broadcast %lt3A_2607 : i32 to vector<16xi32>
      %lt3A_2609 = arith.cmpi slt, %and3A_2600, %lt3A_2608 : vector<16xi32>
      %add3A_2610 = arith.constant 16 : i32
      %add3A_2611 = vector.broadcast %add3A_2610 : i32 to vector<16xi32>
      %add3A_2612 = arith.addi %and3A_2600, %add3A_2611 : vector<16xi32>
      %select_n3A_2613 = arith.select %lt3A_2609, %add3A_2612, %and3A_2600 : vector<16xi1>, vector<16xi32>
      %broadcast_in_dim3A_2614 = vector.shape_cast %select_n3A_2613 : vector<16xi32> to vector<16x1xi32>
      %gather3A_2615 = vector.shape_cast %broadcast_in_dim3A_2614 : vector<16x1xi32> to vector<16xi32>
      %gather3A_2616 = tpu.dynamic_gather %add3A_2564[%gather3A_2615] in [0] : vector<16xi32>, vector<16xi32> -> vector<16xi32>
      %select_n3A_2617 = arith.select %eq3A_2606, %gather3A_2616, %broadcast_in_dim3A_0 : vector<16xi1>, vector<16xi32>
      %add3A_2618 = arith.addi %broadcast_in_dim3A_0, %select_n3A_2617 : vector<16xi32>
      %eq3A_2619 = arith.constant 1 : i32
      %eq3A_2620 = vector.broadcast %eq3A_2619 : i32 to vector<16xi32>
      %eq3A_2621 = arith.cmpi eq, %shift_right_arithmetic3A_2603, %eq3A_2620 : vector<16xi32>
      %lt3A_2622 = arith.constant 0 : i32
      %lt3A_2623 = vector.broadcast %lt3A_2622 : i32 to vector<16xi32>
      %lt3A_2624 = arith.cmpi slt, %and3A_2600, %lt3A_2623 : vector<16xi32>
      %add3A_2625 = arith.constant 16 : i32
      %add3A_2626 = vector.broadcast %add3A_2625 : i32 to vector<16xi32>
      %add3A_2627 = arith.addi %and3A_2600, %add3A_2626 : vector<16xi32>
      %select_n3A_2628 = arith.select %lt3A_2624, %add3A_2627, %and3A_2600 : vector<16xi1>, vector<16xi32>
      %broadcast_in_dim3A_2629 = vector.shape_cast %select_n3A_2628 : vector<16xi32> to vector<16x1xi32>
      %gather3A_2630 = vector.shape_cast %broadcast_in_dim3A_2629 : vector<16x1xi32> to vector<16xi32>
      %gather3A_2631 = tpu.dynamic_gather %add3A_2571[%gather3A_2630] in [0] : vector<16xi32>, vector<16xi32> -> vector<16xi32>
      %select_n3A_2632 = arith.select %eq3A_2621, %gather3A_2631, %broadcast_in_dim3A_0 : vector<16xi1>, vector<16xi32>
      %add3A_2633 = arith.addi %add3A_2618, %select_n3A_2632 : vector<16xi32>
      %eq3A_2634 = arith.constant 2 : i32
      %eq3A_2635 = vector.broadcast %eq3A_2634 : i32 to vector<16xi32>
      %eq3A_2636 = arith.cmpi eq, %shift_right_arithmetic3A_2603, %eq3A_2635 : vector<16xi32>
      %lt3A_2637 = arith.constant 0 : i32
      %lt3A_2638 = vector.broadcast %lt3A_2637 : i32 to vector<16xi32>
      %lt3A_2639 = arith.cmpi slt, %and3A_2600, %lt3A_2638 : vector<16xi32>
      %add3A_2640 = arith.constant 16 : i32
      %add3A_2641 = vector.broadcast %add3A_2640 : i32 to vector<16xi32>
      %add3A_2642 = arith.addi %and3A_2600, %add3A_2641 : vector<16xi32>
      %select_n3A_2643 = arith.select %lt3A_2639, %add3A_2642, %and3A_2600 : vector<16xi1>, vector<16xi32>
      %broadcast_in_dim3A_2644 = vector.shape_cast %select_n3A_2643 : vector<16xi32> to vector<16x1xi32>
      %gather3A_2645 = vector.shape_cast %broadcast_in_dim3A_2644 : vector<16x1xi32> to vector<16xi32>
      %gather3A_2646 = tpu.dynamic_gather %add3A_2578[%gather3A_2645] in [0] : vector<16xi32>, vector<16xi32> -> vector<16xi32>
      %select_n3A_2647 = arith.select %eq3A_2636, %gather3A_2646, %broadcast_in_dim3A_0 : vector<16xi1>, vector<16xi32>
      %add3A_2648 = arith.addi %add3A_2633, %select_n3A_2647 : vector<16xi32>
      %eq3A_2649 = arith.constant 3 : i32
      %eq3A_2650 = vector.broadcast %eq3A_2649 : i32 to vector<16xi32>
      %eq3A_2651 = arith.cmpi eq, %shift_right_arithmetic3A_2603, %eq3A_2650 : vector<16xi32>
      %lt3A_2652 = arith.constant 0 : i32
      %lt3A_2653 = vector.broadcast %lt3A_2652 : i32 to vector<16xi32>
      %lt3A_2654 = arith.cmpi slt, %and3A_2600, %lt3A_2653 : vector<16xi32>
      %add3A_2655 = arith.constant 16 : i32
      %add3A_2656 = vector.broadcast %add3A_2655 : i32 to vector<16xi32>
      %add3A_2657 = arith.addi %and3A_2600, %add3A_2656 : vector<16xi32>
      %select_n3A_2658 = arith.select %lt3A_2654, %add3A_2657, %and3A_2600 : vector<16xi1>, vector<16xi32>
      %broadcast_in_dim3A_2659 = vector.shape_cast %select_n3A_2658 : vector<16xi32> to vector<16x1xi32>
      %gather3A_2660 = vector.shape_cast %broadcast_in_dim3A_2659 : vector<16x1xi32> to vector<16xi32>
      %gather3A_2661 = tpu.dynamic_gather %add3A_2585[%gather3A_2660] in [0] : vector<16xi32>, vector<16xi32> -> vector<16xi32>
      %select_n3A_2662 = arith.select %eq3A_2651, %gather3A_2661, %broadcast_in_dim3A_0 : vector<16xi1>, vector<16xi32>
      %add3A_2663 = arith.addi %add3A_2648, %select_n3A_2662 : vector<16xi32>
      %eq3A_2664 = arith.constant 11 : i32
      %eq3A_2665 = vector.broadcast %eq3A_2664 : i32 to vector<16xi32>
      %eq3A_2666 = arith.cmpi eq, %iota3A, %eq3A_2665 : vector<16xi32>
      %select_n3A_2667 = arith.select %eq3A_2666, %add3A_2663, %broadcast_in_dim3A_0 : vector<16xi1>, vector<16xi32>
      %add3A_2668 = arith.addi %add3A_2557, %select_n3A_2667 : vector<16xi32>
      %eq3A_2669 = arith.cmpi eq, %add3A_2, %gather3A_2597 : vector<16xi32>
      %jit3A_2670 = arith.constant 1 : i32
      %jit3A_2671 = arith.constant 0 : i32
      %broadcast_in_dim3A_2672 = vector.broadcast %jit3A_2670 : i32 to vector<16xi32>
      %broadcast_in_dim3A_2673 = vector.broadcast %jit3A_2671 : i32 to vector<16xi32>
      %select_n3A_2674 = arith.select %eq3A_2669, %broadcast_in_dim3A_2672, %broadcast_in_dim3A_2673 : vector<16xi1>, vector<16xi32>
      %add3A_2675 = arith.addi %add3A_2564, %select_n3A_2674 : vector<16xi32>
      %eq3A_2676 = arith.cmpi eq, %add3A_5, %gather3A_2597 : vector<16xi32>
      %jit3A_2677 = arith.constant 1 : i32
      %jit3A_2678 = arith.constant 0 : i32
      %broadcast_in_dim3A_2679 = vector.broadcast %jit3A_2677 : i32 to vector<16xi32>
      %broadcast_in_dim3A_2680 = vector.broadcast %jit3A_2678 : i32 to vector<16xi32>
      %select_n3A_2681 = arith.select %eq3A_2676, %broadcast_in_dim3A_2679, %broadcast_in_dim3A_2680 : vector<16xi1>, vector<16xi32>
      %add3A_2682 = arith.addi %add3A_2571, %select_n3A_2681 : vector<16xi32>
      %eq3A_2683 = arith.cmpi eq, %add3A_8, %gather3A_2597 : vector<16xi32>
      %jit3A_2684 = arith.constant 1 : i32
      %jit3A_2685 = arith.constant 0 : i32
      %broadcast_in_dim3A_2686 = vector.broadcast %jit3A_2684 : i32 to vector<16xi32>
      %broadcast_in_dim3A_2687 = vector.broadcast %jit3A_2685 : i32 to vector<16xi32>
      %select_n3A_2688 = arith.select %eq3A_2683, %broadcast_in_dim3A_2686, %broadcast_in_dim3A_2687 : vector<16xi1>, vector<16xi32>
      %add3A_2689 = arith.addi %add3A_2578, %select_n3A_2688 : vector<16xi32>
      %eq3A_2690 = arith.cmpi eq, %add3A_11, %gather3A_2597 : vector<16xi32>
      %jit3A_2691 = arith.constant 1 : i32
      %jit3A_2692 = arith.constant 0 : i32
      %broadcast_in_dim3A_2693 = vector.broadcast %jit3A_2691 : i32 to vector<16xi32>
      %broadcast_in_dim3A_2694 = vector.broadcast %jit3A_2692 : i32 to vector<16xi32>
      %select_n3A_2695 = arith.select %eq3A_2690, %broadcast_in_dim3A_2693, %broadcast_in_dim3A_2694 : vector<16xi1>, vector<16xi32>
      %add3A_2696 = arith.addi %add3A_2585, %select_n3A_2695 : vector<16xi32>
      %broadcast_in_dim3A_2697 = arith.constant 12 : i32
      %broadcast_in_dim3A_2698 = vector.broadcast %broadcast_in_dim3A_2697 : i32 to vector<16xi32>
      %lt3A_2699 = arith.constant 0 : i32
      %lt3A_2700 = vector.broadcast %lt3A_2699 : i32 to vector<16xi32>
      %lt3A_2701 = arith.cmpi slt, %broadcast_in_dim3A_2698, %lt3A_2700 : vector<16xi32>
      %add3A_2702 = arith.constant 16 : i32
      %add3A_2703 = vector.broadcast %add3A_2702 : i32 to vector<16xi32>
      %add3A_2704 = arith.addi %broadcast_in_dim3A_2698, %add3A_2703 : vector<16xi32>
      %select_n3A_2705 = arith.select %lt3A_2701, %add3A_2704, %broadcast_in_dim3A_2698 : vector<16xi1>, vector<16xi32>
      %broadcast_in_dim3A_2706 = vector.shape_cast %select_n3A_2705 : vector<16xi32> to vector<16x1xi32>
      %gather3A_2707 = vector.shape_cast %broadcast_in_dim3A_2706 : vector<16x1xi32> to vector<16xi32>
      %gather3A_2708 = tpu.dynamic_gather %get3A_1366[%gather3A_2707] in [0] : vector<16xi32>, vector<16xi32> -> vector<16xi32>
      %and3A_2709 = arith.constant 15 : i32
      %and3A_2710 = vector.broadcast %and3A_2709 : i32 to vector<16xi32>
      %and3A_2711 = arith.andi %gather3A_2708, %and3A_2710 : vector<16xi32>
      %shift_right_arithmetic3A_2712 = arith.constant 4 : i32
      %shift_right_arithmetic3A_2713 = vector.broadcast %shift_right_arithmetic3A_2712 : i32 to vector<16xi32>
      %shift_right_arithmetic3A_2714 = arith.shrsi %gather3A_2708, %shift_right_arithmetic3A_2713 : vector<16xi32>
      %eq3A_2715 = arith.constant 0 : i32
      %eq3A_2716 = vector.broadcast %eq3A_2715 : i32 to vector<16xi32>
      %eq3A_2717 = arith.cmpi eq, %shift_right_arithmetic3A_2714, %eq3A_2716 : vector<16xi32>
      %lt3A_2718 = arith.constant 0 : i32
      %lt3A_2719 = vector.broadcast %lt3A_2718 : i32 to vector<16xi32>
      %lt3A_2720 = arith.cmpi slt, %and3A_2711, %lt3A_2719 : vector<16xi32>
      %add3A_2721 = arith.constant 16 : i32
      %add3A_2722 = vector.broadcast %add3A_2721 : i32 to vector<16xi32>
      %add3A_2723 = arith.addi %and3A_2711, %add3A_2722 : vector<16xi32>
      %select_n3A_2724 = arith.select %lt3A_2720, %add3A_2723, %and3A_2711 : vector<16xi1>, vector<16xi32>
      %broadcast_in_dim3A_2725 = vector.shape_cast %select_n3A_2724 : vector<16xi32> to vector<16x1xi32>
      %gather3A_2726 = vector.shape_cast %broadcast_in_dim3A_2725 : vector<16x1xi32> to vector<16xi32>
      %gather3A_2727 = tpu.dynamic_gather %add3A_2675[%gather3A_2726] in [0] : vector<16xi32>, vector<16xi32> -> vector<16xi32>
      %select_n3A_2728 = arith.select %eq3A_2717, %gather3A_2727, %broadcast_in_dim3A_0 : vector<16xi1>, vector<16xi32>
      %add3A_2729 = arith.addi %broadcast_in_dim3A_0, %select_n3A_2728 : vector<16xi32>
      %eq3A_2730 = arith.constant 1 : i32
      %eq3A_2731 = vector.broadcast %eq3A_2730 : i32 to vector<16xi32>
      %eq3A_2732 = arith.cmpi eq, %shift_right_arithmetic3A_2714, %eq3A_2731 : vector<16xi32>
      %lt3A_2733 = arith.constant 0 : i32
      %lt3A_2734 = vector.broadcast %lt3A_2733 : i32 to vector<16xi32>
      %lt3A_2735 = arith.cmpi slt, %and3A_2711, %lt3A_2734 : vector<16xi32>
      %add3A_2736 = arith.constant 16 : i32
      %add3A_2737 = vector.broadcast %add3A_2736 : i32 to vector<16xi32>
      %add3A_2738 = arith.addi %and3A_2711, %add3A_2737 : vector<16xi32>
      %select_n3A_2739 = arith.select %lt3A_2735, %add3A_2738, %and3A_2711 : vector<16xi1>, vector<16xi32>
      %broadcast_in_dim3A_2740 = vector.shape_cast %select_n3A_2739 : vector<16xi32> to vector<16x1xi32>
      %gather3A_2741 = vector.shape_cast %broadcast_in_dim3A_2740 : vector<16x1xi32> to vector<16xi32>
      %gather3A_2742 = tpu.dynamic_gather %add3A_2682[%gather3A_2741] in [0] : vector<16xi32>, vector<16xi32> -> vector<16xi32>
      %select_n3A_2743 = arith.select %eq3A_2732, %gather3A_2742, %broadcast_in_dim3A_0 : vector<16xi1>, vector<16xi32>
      %add3A_2744 = arith.addi %add3A_2729, %select_n3A_2743 : vector<16xi32>
      %eq3A_2745 = arith.constant 2 : i32
      %eq3A_2746 = vector.broadcast %eq3A_2745 : i32 to vector<16xi32>
      %eq3A_2747 = arith.cmpi eq, %shift_right_arithmetic3A_2714, %eq3A_2746 : vector<16xi32>
      %lt3A_2748 = arith.constant 0 : i32
      %lt3A_2749 = vector.broadcast %lt3A_2748 : i32 to vector<16xi32>
      %lt3A_2750 = arith.cmpi slt, %and3A_2711, %lt3A_2749 : vector<16xi32>
      %add3A_2751 = arith.constant 16 : i32
      %add3A_2752 = vector.broadcast %add3A_2751 : i32 to vector<16xi32>
      %add3A_2753 = arith.addi %and3A_2711, %add3A_2752 : vector<16xi32>
      %select_n3A_2754 = arith.select %lt3A_2750, %add3A_2753, %and3A_2711 : vector<16xi1>, vector<16xi32>
      %broadcast_in_dim3A_2755 = vector.shape_cast %select_n3A_2754 : vector<16xi32> to vector<16x1xi32>
      %gather3A_2756 = vector.shape_cast %broadcast_in_dim3A_2755 : vector<16x1xi32> to vector<16xi32>
      %gather3A_2757 = tpu.dynamic_gather %add3A_2689[%gather3A_2756] in [0] : vector<16xi32>, vector<16xi32> -> vector<16xi32>
      %select_n3A_2758 = arith.select %eq3A_2747, %gather3A_2757, %broadcast_in_dim3A_0 : vector<16xi1>, vector<16xi32>
      %add3A_2759 = arith.addi %add3A_2744, %select_n3A_2758 : vector<16xi32>
      %eq3A_2760 = arith.constant 3 : i32
      %eq3A_2761 = vector.broadcast %eq3A_2760 : i32 to vector<16xi32>
      %eq3A_2762 = arith.cmpi eq, %shift_right_arithmetic3A_2714, %eq3A_2761 : vector<16xi32>
      %lt3A_2763 = arith.constant 0 : i32
      %lt3A_2764 = vector.broadcast %lt3A_2763 : i32 to vector<16xi32>
      %lt3A_2765 = arith.cmpi slt, %and3A_2711, %lt3A_2764 : vector<16xi32>
      %add3A_2766 = arith.constant 16 : i32
      %add3A_2767 = vector.broadcast %add3A_2766 : i32 to vector<16xi32>
      %add3A_2768 = arith.addi %and3A_2711, %add3A_2767 : vector<16xi32>
      %select_n3A_2769 = arith.select %lt3A_2765, %add3A_2768, %and3A_2711 : vector<16xi1>, vector<16xi32>
      %broadcast_in_dim3A_2770 = vector.shape_cast %select_n3A_2769 : vector<16xi32> to vector<16x1xi32>
      %gather3A_2771 = vector.shape_cast %broadcast_in_dim3A_2770 : vector<16x1xi32> to vector<16xi32>
      %gather3A_2772 = tpu.dynamic_gather %add3A_2696[%gather3A_2771] in [0] : vector<16xi32>, vector<16xi32> -> vector<16xi32>
      %select_n3A_2773 = arith.select %eq3A_2762, %gather3A_2772, %broadcast_in_dim3A_0 : vector<16xi1>, vector<16xi32>
      %add3A_2774 = arith.addi %add3A_2759, %select_n3A_2773 : vector<16xi32>
      %eq3A_2775 = arith.constant 12 : i32
      %eq3A_2776 = vector.broadcast %eq3A_2775 : i32 to vector<16xi32>
      %eq3A_2777 = arith.cmpi eq, %iota3A, %eq3A_2776 : vector<16xi32>
      %select_n3A_2778 = arith.select %eq3A_2777, %add3A_2774, %broadcast_in_dim3A_0 : vector<16xi1>, vector<16xi32>
      %add3A_2779 = arith.addi %add3A_2668, %select_n3A_2778 : vector<16xi32>
      %eq3A_2780 = arith.cmpi eq, %add3A_2, %gather3A_2708 : vector<16xi32>
      %jit3A_2781 = arith.constant 1 : i32
      %jit3A_2782 = arith.constant 0 : i32
      %broadcast_in_dim3A_2783 = vector.broadcast %jit3A_2781 : i32 to vector<16xi32>
      %broadcast_in_dim3A_2784 = vector.broadcast %jit3A_2782 : i32 to vector<16xi32>
      %select_n3A_2785 = arith.select %eq3A_2780, %broadcast_in_dim3A_2783, %broadcast_in_dim3A_2784 : vector<16xi1>, vector<16xi32>
      %add3A_2786 = arith.addi %add3A_2675, %select_n3A_2785 : vector<16xi32>
      %eq3A_2787 = arith.cmpi eq, %add3A_5, %gather3A_2708 : vector<16xi32>
      %jit3A_2788 = arith.constant 1 : i32
      %jit3A_2789 = arith.constant 0 : i32
      %broadcast_in_dim3A_2790 = vector.broadcast %jit3A_2788 : i32 to vector<16xi32>
      %broadcast_in_dim3A_2791 = vector.broadcast %jit3A_2789 : i32 to vector<16xi32>
      %select_n3A_2792 = arith.select %eq3A_2787, %broadcast_in_dim3A_2790, %broadcast_in_dim3A_2791 : vector<16xi1>, vector<16xi32>
      %add3A_2793 = arith.addi %add3A_2682, %select_n3A_2792 : vector<16xi32>
      %eq3A_2794 = arith.cmpi eq, %add3A_8, %gather3A_2708 : vector<16xi32>
      %jit3A_2795 = arith.constant 1 : i32
      %jit3A_2796 = arith.constant 0 : i32
      %broadcast_in_dim3A_2797 = vector.broadcast %jit3A_2795 : i32 to vector<16xi32>
      %broadcast_in_dim3A_2798 = vector.broadcast %jit3A_2796 : i32 to vector<16xi32>
      %select_n3A_2799 = arith.select %eq3A_2794, %broadcast_in_dim3A_2797, %broadcast_in_dim3A_2798 : vector<16xi1>, vector<16xi32>
      %add3A_2800 = arith.addi %add3A_2689, %select_n3A_2799 : vector<16xi32>
      %eq3A_2801 = arith.cmpi eq, %add3A_11, %gather3A_2708 : vector<16xi32>
      %jit3A_2802 = arith.constant 1 : i32
      %jit3A_2803 = arith.constant 0 : i32
      %broadcast_in_dim3A_2804 = vector.broadcast %jit3A_2802 : i32 to vector<16xi32>
      %broadcast_in_dim3A_2805 = vector.broadcast %jit3A_2803 : i32 to vector<16xi32>
      %select_n3A_2806 = arith.select %eq3A_2801, %broadcast_in_dim3A_2804, %broadcast_in_dim3A_2805 : vector<16xi1>, vector<16xi32>
      %add3A_2807 = arith.addi %add3A_2696, %select_n3A_2806 : vector<16xi32>
      %broadcast_in_dim3A_2808 = arith.constant 13 : i32
      %broadcast_in_dim3A_2809 = vector.broadcast %broadcast_in_dim3A_2808 : i32 to vector<16xi32>
      %lt3A_2810 = arith.constant 0 : i32
      %lt3A_2811 = vector.broadcast %lt3A_2810 : i32 to vector<16xi32>
      %lt3A_2812 = arith.cmpi slt, %broadcast_in_dim3A_2809, %lt3A_2811 : vector<16xi32>
      %add3A_2813 = arith.constant 16 : i32
      %add3A_2814 = vector.broadcast %add3A_2813 : i32 to vector<16xi32>
      %add3A_2815 = arith.addi %broadcast_in_dim3A_2809, %add3A_2814 : vector<16xi32>
      %select_n3A_2816 = arith.select %lt3A_2812, %add3A_2815, %broadcast_in_dim3A_2809 : vector<16xi1>, vector<16xi32>
      %broadcast_in_dim3A_2817 = vector.shape_cast %select_n3A_2816 : vector<16xi32> to vector<16x1xi32>
      %gather3A_2818 = vector.shape_cast %broadcast_in_dim3A_2817 : vector<16x1xi32> to vector<16xi32>
      %gather3A_2819 = tpu.dynamic_gather %get3A_1366[%gather3A_2818] in [0] : vector<16xi32>, vector<16xi32> -> vector<16xi32>
      %and3A_2820 = arith.constant 15 : i32
      %and3A_2821 = vector.broadcast %and3A_2820 : i32 to vector<16xi32>
      %and3A_2822 = arith.andi %gather3A_2819, %and3A_2821 : vector<16xi32>
      %shift_right_arithmetic3A_2823 = arith.constant 4 : i32
      %shift_right_arithmetic3A_2824 = vector.broadcast %shift_right_arithmetic3A_2823 : i32 to vector<16xi32>
      %shift_right_arithmetic3A_2825 = arith.shrsi %gather3A_2819, %shift_right_arithmetic3A_2824 : vector<16xi32>
      %eq3A_2826 = arith.constant 0 : i32
      %eq3A_2827 = vector.broadcast %eq3A_2826 : i32 to vector<16xi32>
      %eq3A_2828 = arith.cmpi eq, %shift_right_arithmetic3A_2825, %eq3A_2827 : vector<16xi32>
      %lt3A_2829 = arith.constant 0 : i32
      %lt3A_2830 = vector.broadcast %lt3A_2829 : i32 to vector<16xi32>
      %lt3A_2831 = arith.cmpi slt, %and3A_2822, %lt3A_2830 : vector<16xi32>
      %add3A_2832 = arith.constant 16 : i32
      %add3A_2833 = vector.broadcast %add3A_2832 : i32 to vector<16xi32>
      %add3A_2834 = arith.addi %and3A_2822, %add3A_2833 : vector<16xi32>
      %select_n3A_2835 = arith.select %lt3A_2831, %add3A_2834, %and3A_2822 : vector<16xi1>, vector<16xi32>
      %broadcast_in_dim3A_2836 = vector.shape_cast %select_n3A_2835 : vector<16xi32> to vector<16x1xi32>
      %gather3A_2837 = vector.shape_cast %broadcast_in_dim3A_2836 : vector<16x1xi32> to vector<16xi32>
      %gather3A_2838 = tpu.dynamic_gather %add3A_2786[%gather3A_2837] in [0] : vector<16xi32>, vector<16xi32> -> vector<16xi32>
      %select_n3A_2839 = arith.select %eq3A_2828, %gather3A_2838, %broadcast_in_dim3A_0 : vector<16xi1>, vector<16xi32>
      %add3A_2840 = arith.addi %broadcast_in_dim3A_0, %select_n3A_2839 : vector<16xi32>
      %eq3A_2841 = arith.constant 1 : i32
      %eq3A_2842 = vector.broadcast %eq3A_2841 : i32 to vector<16xi32>
      %eq3A_2843 = arith.cmpi eq, %shift_right_arithmetic3A_2825, %eq3A_2842 : vector<16xi32>
      %lt3A_2844 = arith.constant 0 : i32
      %lt3A_2845 = vector.broadcast %lt3A_2844 : i32 to vector<16xi32>
      %lt3A_2846 = arith.cmpi slt, %and3A_2822, %lt3A_2845 : vector<16xi32>
      %add3A_2847 = arith.constant 16 : i32
      %add3A_2848 = vector.broadcast %add3A_2847 : i32 to vector<16xi32>
      %add3A_2849 = arith.addi %and3A_2822, %add3A_2848 : vector<16xi32>
      %select_n3A_2850 = arith.select %lt3A_2846, %add3A_2849, %and3A_2822 : vector<16xi1>, vector<16xi32>
      %broadcast_in_dim3A_2851 = vector.shape_cast %select_n3A_2850 : vector<16xi32> to vector<16x1xi32>
      %gather3A_2852 = vector.shape_cast %broadcast_in_dim3A_2851 : vector<16x1xi32> to vector<16xi32>
      %gather3A_2853 = tpu.dynamic_gather %add3A_2793[%gather3A_2852] in [0] : vector<16xi32>, vector<16xi32> -> vector<16xi32>
      %select_n3A_2854 = arith.select %eq3A_2843, %gather3A_2853, %broadcast_in_dim3A_0 : vector<16xi1>, vector<16xi32>
      %add3A_2855 = arith.addi %add3A_2840, %select_n3A_2854 : vector<16xi32>
      %eq3A_2856 = arith.constant 2 : i32
      %eq3A_2857 = vector.broadcast %eq3A_2856 : i32 to vector<16xi32>
      %eq3A_2858 = arith.cmpi eq, %shift_right_arithmetic3A_2825, %eq3A_2857 : vector<16xi32>
      %lt3A_2859 = arith.constant 0 : i32
      %lt3A_2860 = vector.broadcast %lt3A_2859 : i32 to vector<16xi32>
      %lt3A_2861 = arith.cmpi slt, %and3A_2822, %lt3A_2860 : vector<16xi32>
      %add3A_2862 = arith.constant 16 : i32
      %add3A_2863 = vector.broadcast %add3A_2862 : i32 to vector<16xi32>
      %add3A_2864 = arith.addi %and3A_2822, %add3A_2863 : vector<16xi32>
      %select_n3A_2865 = arith.select %lt3A_2861, %add3A_2864, %and3A_2822 : vector<16xi1>, vector<16xi32>
      %broadcast_in_dim3A_2866 = vector.shape_cast %select_n3A_2865 : vector<16xi32> to vector<16x1xi32>
      %gather3A_2867 = vector.shape_cast %broadcast_in_dim3A_2866 : vector<16x1xi32> to vector<16xi32>
      %gather3A_2868 = tpu.dynamic_gather %add3A_2800[%gather3A_2867] in [0] : vector<16xi32>, vector<16xi32> -> vector<16xi32>
      %select_n3A_2869 = arith.select %eq3A_2858, %gather3A_2868, %broadcast_in_dim3A_0 : vector<16xi1>, vector<16xi32>
      %add3A_2870 = arith.addi %add3A_2855, %select_n3A_2869 : vector<16xi32>
      %eq3A_2871 = arith.constant 3 : i32
      %eq3A_2872 = vector.broadcast %eq3A_2871 : i32 to vector<16xi32>
      %eq3A_2873 = arith.cmpi eq, %shift_right_arithmetic3A_2825, %eq3A_2872 : vector<16xi32>
      %lt3A_2874 = arith.constant 0 : i32
      %lt3A_2875 = vector.broadcast %lt3A_2874 : i32 to vector<16xi32>
      %lt3A_2876 = arith.cmpi slt, %and3A_2822, %lt3A_2875 : vector<16xi32>
      %add3A_2877 = arith.constant 16 : i32
      %add3A_2878 = vector.broadcast %add3A_2877 : i32 to vector<16xi32>
      %add3A_2879 = arith.addi %and3A_2822, %add3A_2878 : vector<16xi32>
      %select_n3A_2880 = arith.select %lt3A_2876, %add3A_2879, %and3A_2822 : vector<16xi1>, vector<16xi32>
      %broadcast_in_dim3A_2881 = vector.shape_cast %select_n3A_2880 : vector<16xi32> to vector<16x1xi32>
      %gather3A_2882 = vector.shape_cast %broadcast_in_dim3A_2881 : vector<16x1xi32> to vector<16xi32>
      %gather3A_2883 = tpu.dynamic_gather %add3A_2807[%gather3A_2882] in [0] : vector<16xi32>, vector<16xi32> -> vector<16xi32>
      %select_n3A_2884 = arith.select %eq3A_2873, %gather3A_2883, %broadcast_in_dim3A_0 : vector<16xi1>, vector<16xi32>
      %add3A_2885 = arith.addi %add3A_2870, %select_n3A_2884 : vector<16xi32>
      %eq3A_2886 = arith.constant 13 : i32
      %eq3A_2887 = vector.broadcast %eq3A_2886 : i32 to vector<16xi32>
      %eq3A_2888 = arith.cmpi eq, %iota3A, %eq3A_2887 : vector<16xi32>
      %select_n3A_2889 = arith.select %eq3A_2888, %add3A_2885, %broadcast_in_dim3A_0 : vector<16xi1>, vector<16xi32>
      %add3A_2890 = arith.addi %add3A_2779, %select_n3A_2889 : vector<16xi32>
      %eq3A_2891 = arith.cmpi eq, %add3A_2, %gather3A_2819 : vector<16xi32>
      %jit3A_2892 = arith.constant 1 : i32
      %jit3A_2893 = arith.constant 0 : i32
      %broadcast_in_dim3A_2894 = vector.broadcast %jit3A_2892 : i32 to vector<16xi32>
      %broadcast_in_dim3A_2895 = vector.broadcast %jit3A_2893 : i32 to vector<16xi32>
      %select_n3A_2896 = arith.select %eq3A_2891, %broadcast_in_dim3A_2894, %broadcast_in_dim3A_2895 : vector<16xi1>, vector<16xi32>
      %add3A_2897 = arith.addi %add3A_2786, %select_n3A_2896 : vector<16xi32>
      %eq3A_2898 = arith.cmpi eq, %add3A_5, %gather3A_2819 : vector<16xi32>
      %jit3A_2899 = arith.constant 1 : i32
      %jit3A_2900 = arith.constant 0 : i32
      %broadcast_in_dim3A_2901 = vector.broadcast %jit3A_2899 : i32 to vector<16xi32>
      %broadcast_in_dim3A_2902 = vector.broadcast %jit3A_2900 : i32 to vector<16xi32>
      %select_n3A_2903 = arith.select %eq3A_2898, %broadcast_in_dim3A_2901, %broadcast_in_dim3A_2902 : vector<16xi1>, vector<16xi32>
      %add3A_2904 = arith.addi %add3A_2793, %select_n3A_2903 : vector<16xi32>
      %eq3A_2905 = arith.cmpi eq, %add3A_8, %gather3A_2819 : vector<16xi32>
      %jit3A_2906 = arith.constant 1 : i32
      %jit3A_2907 = arith.constant 0 : i32
      %broadcast_in_dim3A_2908 = vector.broadcast %jit3A_2906 : i32 to vector<16xi32>
      %broadcast_in_dim3A_2909 = vector.broadcast %jit3A_2907 : i32 to vector<16xi32>
      %select_n3A_2910 = arith.select %eq3A_2905, %broadcast_in_dim3A_2908, %broadcast_in_dim3A_2909 : vector<16xi1>, vector<16xi32>
      %add3A_2911 = arith.addi %add3A_2800, %select_n3A_2910 : vector<16xi32>
      %eq3A_2912 = arith.cmpi eq, %add3A_11, %gather3A_2819 : vector<16xi32>
      %jit3A_2913 = arith.constant 1 : i32
      %jit3A_2914 = arith.constant 0 : i32
      %broadcast_in_dim3A_2915 = vector.broadcast %jit3A_2913 : i32 to vector<16xi32>
      %broadcast_in_dim3A_2916 = vector.broadcast %jit3A_2914 : i32 to vector<16xi32>
      %select_n3A_2917 = arith.select %eq3A_2912, %broadcast_in_dim3A_2915, %broadcast_in_dim3A_2916 : vector<16xi1>, vector<16xi32>
      %add3A_2918 = arith.addi %add3A_2807, %select_n3A_2917 : vector<16xi32>
      %broadcast_in_dim3A_2919 = arith.constant 14 : i32
      %broadcast_in_dim3A_2920 = vector.broadcast %broadcast_in_dim3A_2919 : i32 to vector<16xi32>
      %lt3A_2921 = arith.constant 0 : i32
      %lt3A_2922 = vector.broadcast %lt3A_2921 : i32 to vector<16xi32>
      %lt3A_2923 = arith.cmpi slt, %broadcast_in_dim3A_2920, %lt3A_2922 : vector<16xi32>
      %add3A_2924 = arith.constant 16 : i32
      %add3A_2925 = vector.broadcast %add3A_2924 : i32 to vector<16xi32>
      %add3A_2926 = arith.addi %broadcast_in_dim3A_2920, %add3A_2925 : vector<16xi32>
      %select_n3A_2927 = arith.select %lt3A_2923, %add3A_2926, %broadcast_in_dim3A_2920 : vector<16xi1>, vector<16xi32>
      %broadcast_in_dim3A_2928 = vector.shape_cast %select_n3A_2927 : vector<16xi32> to vector<16x1xi32>
      %gather3A_2929 = vector.shape_cast %broadcast_in_dim3A_2928 : vector<16x1xi32> to vector<16xi32>
      %gather3A_2930 = tpu.dynamic_gather %get3A_1366[%gather3A_2929] in [0] : vector<16xi32>, vector<16xi32> -> vector<16xi32>
      %and3A_2931 = arith.constant 15 : i32
      %and3A_2932 = vector.broadcast %and3A_2931 : i32 to vector<16xi32>
      %and3A_2933 = arith.andi %gather3A_2930, %and3A_2932 : vector<16xi32>
      %shift_right_arithmetic3A_2934 = arith.constant 4 : i32
      %shift_right_arithmetic3A_2935 = vector.broadcast %shift_right_arithmetic3A_2934 : i32 to vector<16xi32>
      %shift_right_arithmetic3A_2936 = arith.shrsi %gather3A_2930, %shift_right_arithmetic3A_2935 : vector<16xi32>
      %eq3A_2937 = arith.constant 0 : i32
      %eq3A_2938 = vector.broadcast %eq3A_2937 : i32 to vector<16xi32>
      %eq3A_2939 = arith.cmpi eq, %shift_right_arithmetic3A_2936, %eq3A_2938 : vector<16xi32>
      %lt3A_2940 = arith.constant 0 : i32
      %lt3A_2941 = vector.broadcast %lt3A_2940 : i32 to vector<16xi32>
      %lt3A_2942 = arith.cmpi slt, %and3A_2933, %lt3A_2941 : vector<16xi32>
      %add3A_2943 = arith.constant 16 : i32
      %add3A_2944 = vector.broadcast %add3A_2943 : i32 to vector<16xi32>
      %add3A_2945 = arith.addi %and3A_2933, %add3A_2944 : vector<16xi32>
      %select_n3A_2946 = arith.select %lt3A_2942, %add3A_2945, %and3A_2933 : vector<16xi1>, vector<16xi32>
      %broadcast_in_dim3A_2947 = vector.shape_cast %select_n3A_2946 : vector<16xi32> to vector<16x1xi32>
      %gather3A_2948 = vector.shape_cast %broadcast_in_dim3A_2947 : vector<16x1xi32> to vector<16xi32>
      %gather3A_2949 = tpu.dynamic_gather %add3A_2897[%gather3A_2948] in [0] : vector<16xi32>, vector<16xi32> -> vector<16xi32>
      %select_n3A_2950 = arith.select %eq3A_2939, %gather3A_2949, %broadcast_in_dim3A_0 : vector<16xi1>, vector<16xi32>
      %add3A_2951 = arith.addi %broadcast_in_dim3A_0, %select_n3A_2950 : vector<16xi32>
      %eq3A_2952 = arith.constant 1 : i32
      %eq3A_2953 = vector.broadcast %eq3A_2952 : i32 to vector<16xi32>
      %eq3A_2954 = arith.cmpi eq, %shift_right_arithmetic3A_2936, %eq3A_2953 : vector<16xi32>
      %lt3A_2955 = arith.constant 0 : i32
      %lt3A_2956 = vector.broadcast %lt3A_2955 : i32 to vector<16xi32>
      %lt3A_2957 = arith.cmpi slt, %and3A_2933, %lt3A_2956 : vector<16xi32>
      %add3A_2958 = arith.constant 16 : i32
      %add3A_2959 = vector.broadcast %add3A_2958 : i32 to vector<16xi32>
      %add3A_2960 = arith.addi %and3A_2933, %add3A_2959 : vector<16xi32>
      %select_n3A_2961 = arith.select %lt3A_2957, %add3A_2960, %and3A_2933 : vector<16xi1>, vector<16xi32>
      %broadcast_in_dim3A_2962 = vector.shape_cast %select_n3A_2961 : vector<16xi32> to vector<16x1xi32>
      %gather3A_2963 = vector.shape_cast %broadcast_in_dim3A_2962 : vector<16x1xi32> to vector<16xi32>
      %gather3A_2964 = tpu.dynamic_gather %add3A_2904[%gather3A_2963] in [0] : vector<16xi32>, vector<16xi32> -> vector<16xi32>
      %select_n3A_2965 = arith.select %eq3A_2954, %gather3A_2964, %broadcast_in_dim3A_0 : vector<16xi1>, vector<16xi32>
      %add3A_2966 = arith.addi %add3A_2951, %select_n3A_2965 : vector<16xi32>
      %eq3A_2967 = arith.constant 2 : i32
      %eq3A_2968 = vector.broadcast %eq3A_2967 : i32 to vector<16xi32>
      %eq3A_2969 = arith.cmpi eq, %shift_right_arithmetic3A_2936, %eq3A_2968 : vector<16xi32>
      %lt3A_2970 = arith.constant 0 : i32
      %lt3A_2971 = vector.broadcast %lt3A_2970 : i32 to vector<16xi32>
      %lt3A_2972 = arith.cmpi slt, %and3A_2933, %lt3A_2971 : vector<16xi32>
      %add3A_2973 = arith.constant 16 : i32
      %add3A_2974 = vector.broadcast %add3A_2973 : i32 to vector<16xi32>
      %add3A_2975 = arith.addi %and3A_2933, %add3A_2974 : vector<16xi32>
      %select_n3A_2976 = arith.select %lt3A_2972, %add3A_2975, %and3A_2933 : vector<16xi1>, vector<16xi32>
      %broadcast_in_dim3A_2977 = vector.shape_cast %select_n3A_2976 : vector<16xi32> to vector<16x1xi32>
      %gather3A_2978 = vector.shape_cast %broadcast_in_dim3A_2977 : vector<16x1xi32> to vector<16xi32>
      %gather3A_2979 = tpu.dynamic_gather %add3A_2911[%gather3A_2978] in [0] : vector<16xi32>, vector<16xi32> -> vector<16xi32>
      %select_n3A_2980 = arith.select %eq3A_2969, %gather3A_2979, %broadcast_in_dim3A_0 : vector<16xi1>, vector<16xi32>
      %add3A_2981 = arith.addi %add3A_2966, %select_n3A_2980 : vector<16xi32>
      %eq3A_2982 = arith.constant 3 : i32
      %eq3A_2983 = vector.broadcast %eq3A_2982 : i32 to vector<16xi32>
      %eq3A_2984 = arith.cmpi eq, %shift_right_arithmetic3A_2936, %eq3A_2983 : vector<16xi32>
      %lt3A_2985 = arith.constant 0 : i32
      %lt3A_2986 = vector.broadcast %lt3A_2985 : i32 to vector<16xi32>
      %lt3A_2987 = arith.cmpi slt, %and3A_2933, %lt3A_2986 : vector<16xi32>
      %add3A_2988 = arith.constant 16 : i32
      %add3A_2989 = vector.broadcast %add3A_2988 : i32 to vector<16xi32>
      %add3A_2990 = arith.addi %and3A_2933, %add3A_2989 : vector<16xi32>
      %select_n3A_2991 = arith.select %lt3A_2987, %add3A_2990, %and3A_2933 : vector<16xi1>, vector<16xi32>
      %broadcast_in_dim3A_2992 = vector.shape_cast %select_n3A_2991 : vector<16xi32> to vector<16x1xi32>
      %gather3A_2993 = vector.shape_cast %broadcast_in_dim3A_2992 : vector<16x1xi32> to vector<16xi32>
      %gather3A_2994 = tpu.dynamic_gather %add3A_2918[%gather3A_2993] in [0] : vector<16xi32>, vector<16xi32> -> vector<16xi32>
      %select_n3A_2995 = arith.select %eq3A_2984, %gather3A_2994, %broadcast_in_dim3A_0 : vector<16xi1>, vector<16xi32>
      %add3A_2996 = arith.addi %add3A_2981, %select_n3A_2995 : vector<16xi32>
      %eq3A_2997 = arith.constant 14 : i32
      %eq3A_2998 = vector.broadcast %eq3A_2997 : i32 to vector<16xi32>
      %eq3A_2999 = arith.cmpi eq, %iota3A, %eq3A_2998 : vector<16xi32>
      %select_n3A_3000 = arith.select %eq3A_2999, %add3A_2996, %broadcast_in_dim3A_0 : vector<16xi1>, vector<16xi32>
      %add3A_3001 = arith.addi %add3A_2890, %select_n3A_3000 : vector<16xi32>
      %eq3A_3002 = arith.cmpi eq, %add3A_2, %gather3A_2930 : vector<16xi32>
      %jit3A_3003 = arith.constant 1 : i32
      %jit3A_3004 = arith.constant 0 : i32
      %broadcast_in_dim3A_3005 = vector.broadcast %jit3A_3003 : i32 to vector<16xi32>
      %broadcast_in_dim3A_3006 = vector.broadcast %jit3A_3004 : i32 to vector<16xi32>
      %select_n3A_3007 = arith.select %eq3A_3002, %broadcast_in_dim3A_3005, %broadcast_in_dim3A_3006 : vector<16xi1>, vector<16xi32>
      %add3A_3008 = arith.addi %add3A_2897, %select_n3A_3007 : vector<16xi32>
      %eq3A_3009 = arith.cmpi eq, %add3A_5, %gather3A_2930 : vector<16xi32>
      %jit3A_3010 = arith.constant 1 : i32
      %jit3A_3011 = arith.constant 0 : i32
      %broadcast_in_dim3A_3012 = vector.broadcast %jit3A_3010 : i32 to vector<16xi32>
      %broadcast_in_dim3A_3013 = vector.broadcast %jit3A_3011 : i32 to vector<16xi32>
      %select_n3A_3014 = arith.select %eq3A_3009, %broadcast_in_dim3A_3012, %broadcast_in_dim3A_3013 : vector<16xi1>, vector<16xi32>
      %add3A_3015 = arith.addi %add3A_2904, %select_n3A_3014 : vector<16xi32>
      %eq3A_3016 = arith.cmpi eq, %add3A_8, %gather3A_2930 : vector<16xi32>
      %jit3A_3017 = arith.constant 1 : i32
      %jit3A_3018 = arith.constant 0 : i32
      %broadcast_in_dim3A_3019 = vector.broadcast %jit3A_3017 : i32 to vector<16xi32>
      %broadcast_in_dim3A_3020 = vector.broadcast %jit3A_3018 : i32 to vector<16xi32>
      %select_n3A_3021 = arith.select %eq3A_3016, %broadcast_in_dim3A_3019, %broadcast_in_dim3A_3020 : vector<16xi1>, vector<16xi32>
      %add3A_3022 = arith.addi %add3A_2911, %select_n3A_3021 : vector<16xi32>
      %eq3A_3023 = arith.cmpi eq, %add3A_11, %gather3A_2930 : vector<16xi32>
      %jit3A_3024 = arith.constant 1 : i32
      %jit3A_3025 = arith.constant 0 : i32
      %broadcast_in_dim3A_3026 = vector.broadcast %jit3A_3024 : i32 to vector<16xi32>
      %broadcast_in_dim3A_3027 = vector.broadcast %jit3A_3025 : i32 to vector<16xi32>
      %select_n3A_3028 = arith.select %eq3A_3023, %broadcast_in_dim3A_3026, %broadcast_in_dim3A_3027 : vector<16xi1>, vector<16xi32>
      %add3A_3029 = arith.addi %add3A_2918, %select_n3A_3028 : vector<16xi32>
      %broadcast_in_dim3A_3030 = arith.constant 15 : i32
      %broadcast_in_dim3A_3031 = vector.broadcast %broadcast_in_dim3A_3030 : i32 to vector<16xi32>
      %lt3A_3032 = arith.constant 0 : i32
      %lt3A_3033 = vector.broadcast %lt3A_3032 : i32 to vector<16xi32>
      %lt3A_3034 = arith.cmpi slt, %broadcast_in_dim3A_3031, %lt3A_3033 : vector<16xi32>
      %add3A_3035 = arith.constant 16 : i32
      %add3A_3036 = vector.broadcast %add3A_3035 : i32 to vector<16xi32>
      %add3A_3037 = arith.addi %broadcast_in_dim3A_3031, %add3A_3036 : vector<16xi32>
      %select_n3A_3038 = arith.select %lt3A_3034, %add3A_3037, %broadcast_in_dim3A_3031 : vector<16xi1>, vector<16xi32>
      %broadcast_in_dim3A_3039 = vector.shape_cast %select_n3A_3038 : vector<16xi32> to vector<16x1xi32>
      %gather3A_3040 = vector.shape_cast %broadcast_in_dim3A_3039 : vector<16x1xi32> to vector<16xi32>
      %gather3A_3041 = tpu.dynamic_gather %get3A_1366[%gather3A_3040] in [0] : vector<16xi32>, vector<16xi32> -> vector<16xi32>
      %and3A_3042 = arith.constant 15 : i32
      %and3A_3043 = vector.broadcast %and3A_3042 : i32 to vector<16xi32>
      %and3A_3044 = arith.andi %gather3A_3041, %and3A_3043 : vector<16xi32>
      %shift_right_arithmetic3A_3045 = arith.constant 4 : i32
      %shift_right_arithmetic3A_3046 = vector.broadcast %shift_right_arithmetic3A_3045 : i32 to vector<16xi32>
      %shift_right_arithmetic3A_3047 = arith.shrsi %gather3A_3041, %shift_right_arithmetic3A_3046 : vector<16xi32>
      %eq3A_3048 = arith.constant 0 : i32
      %eq3A_3049 = vector.broadcast %eq3A_3048 : i32 to vector<16xi32>
      %eq3A_3050 = arith.cmpi eq, %shift_right_arithmetic3A_3047, %eq3A_3049 : vector<16xi32>
      %lt3A_3051 = arith.constant 0 : i32
      %lt3A_3052 = vector.broadcast %lt3A_3051 : i32 to vector<16xi32>
      %lt3A_3053 = arith.cmpi slt, %and3A_3044, %lt3A_3052 : vector<16xi32>
      %add3A_3054 = arith.constant 16 : i32
      %add3A_3055 = vector.broadcast %add3A_3054 : i32 to vector<16xi32>
      %add3A_3056 = arith.addi %and3A_3044, %add3A_3055 : vector<16xi32>
      %select_n3A_3057 = arith.select %lt3A_3053, %add3A_3056, %and3A_3044 : vector<16xi1>, vector<16xi32>
      %broadcast_in_dim3A_3058 = vector.shape_cast %select_n3A_3057 : vector<16xi32> to vector<16x1xi32>
      %gather3A_3059 = vector.shape_cast %broadcast_in_dim3A_3058 : vector<16x1xi32> to vector<16xi32>
      %gather3A_3060 = tpu.dynamic_gather %add3A_3008[%gather3A_3059] in [0] : vector<16xi32>, vector<16xi32> -> vector<16xi32>
      %select_n3A_3061 = arith.select %eq3A_3050, %gather3A_3060, %broadcast_in_dim3A_0 : vector<16xi1>, vector<16xi32>
      %add3A_3062 = arith.addi %broadcast_in_dim3A_0, %select_n3A_3061 : vector<16xi32>
      %eq3A_3063 = arith.constant 1 : i32
      %eq3A_3064 = vector.broadcast %eq3A_3063 : i32 to vector<16xi32>
      %eq3A_3065 = arith.cmpi eq, %shift_right_arithmetic3A_3047, %eq3A_3064 : vector<16xi32>
      %lt3A_3066 = arith.constant 0 : i32
      %lt3A_3067 = vector.broadcast %lt3A_3066 : i32 to vector<16xi32>
      %lt3A_3068 = arith.cmpi slt, %and3A_3044, %lt3A_3067 : vector<16xi32>
      %add3A_3069 = arith.constant 16 : i32
      %add3A_3070 = vector.broadcast %add3A_3069 : i32 to vector<16xi32>
      %add3A_3071 = arith.addi %and3A_3044, %add3A_3070 : vector<16xi32>
      %select_n3A_3072 = arith.select %lt3A_3068, %add3A_3071, %and3A_3044 : vector<16xi1>, vector<16xi32>
      %broadcast_in_dim3A_3073 = vector.shape_cast %select_n3A_3072 : vector<16xi32> to vector<16x1xi32>
      %gather3A_3074 = vector.shape_cast %broadcast_in_dim3A_3073 : vector<16x1xi32> to vector<16xi32>
      %gather3A_3075 = tpu.dynamic_gather %add3A_3015[%gather3A_3074] in [0] : vector<16xi32>, vector<16xi32> -> vector<16xi32>
      %select_n3A_3076 = arith.select %eq3A_3065, %gather3A_3075, %broadcast_in_dim3A_0 : vector<16xi1>, vector<16xi32>
      %add3A_3077 = arith.addi %add3A_3062, %select_n3A_3076 : vector<16xi32>
      %eq3A_3078 = arith.constant 2 : i32
      %eq3A_3079 = vector.broadcast %eq3A_3078 : i32 to vector<16xi32>
      %eq3A_3080 = arith.cmpi eq, %shift_right_arithmetic3A_3047, %eq3A_3079 : vector<16xi32>
      %lt3A_3081 = arith.constant 0 : i32
      %lt3A_3082 = vector.broadcast %lt3A_3081 : i32 to vector<16xi32>
      %lt3A_3083 = arith.cmpi slt, %and3A_3044, %lt3A_3082 : vector<16xi32>
      %add3A_3084 = arith.constant 16 : i32
      %add3A_3085 = vector.broadcast %add3A_3084 : i32 to vector<16xi32>
      %add3A_3086 = arith.addi %and3A_3044, %add3A_3085 : vector<16xi32>
      %select_n3A_3087 = arith.select %lt3A_3083, %add3A_3086, %and3A_3044 : vector<16xi1>, vector<16xi32>
      %broadcast_in_dim3A_3088 = vector.shape_cast %select_n3A_3087 : vector<16xi32> to vector<16x1xi32>
      %gather3A_3089 = vector.shape_cast %broadcast_in_dim3A_3088 : vector<16x1xi32> to vector<16xi32>
      %gather3A_3090 = tpu.dynamic_gather %add3A_3022[%gather3A_3089] in [0] : vector<16xi32>, vector<16xi32> -> vector<16xi32>
      %select_n3A_3091 = arith.select %eq3A_3080, %gather3A_3090, %broadcast_in_dim3A_0 : vector<16xi1>, vector<16xi32>
      %add3A_3092 = arith.addi %add3A_3077, %select_n3A_3091 : vector<16xi32>
      %eq3A_3093 = arith.constant 3 : i32
      %eq3A_3094 = vector.broadcast %eq3A_3093 : i32 to vector<16xi32>
      %eq3A_3095 = arith.cmpi eq, %shift_right_arithmetic3A_3047, %eq3A_3094 : vector<16xi32>
      %lt3A_3096 = arith.constant 0 : i32
      %lt3A_3097 = vector.broadcast %lt3A_3096 : i32 to vector<16xi32>
      %lt3A_3098 = arith.cmpi slt, %and3A_3044, %lt3A_3097 : vector<16xi32>
      %add3A_3099 = arith.constant 16 : i32
      %add3A_3100 = vector.broadcast %add3A_3099 : i32 to vector<16xi32>
      %add3A_3101 = arith.addi %and3A_3044, %add3A_3100 : vector<16xi32>
      %select_n3A_3102 = arith.select %lt3A_3098, %add3A_3101, %and3A_3044 : vector<16xi1>, vector<16xi32>
      %broadcast_in_dim3A_3103 = vector.shape_cast %select_n3A_3102 : vector<16xi32> to vector<16x1xi32>
      %gather3A_3104 = vector.shape_cast %broadcast_in_dim3A_3103 : vector<16x1xi32> to vector<16xi32>
      %gather3A_3105 = tpu.dynamic_gather %add3A_3029[%gather3A_3104] in [0] : vector<16xi32>, vector<16xi32> -> vector<16xi32>
      %select_n3A_3106 = arith.select %eq3A_3095, %gather3A_3105, %broadcast_in_dim3A_0 : vector<16xi1>, vector<16xi32>
      %add3A_3107 = arith.addi %add3A_3092, %select_n3A_3106 : vector<16xi32>
      %eq3A_3108 = arith.constant 15 : i32
      %eq3A_3109 = vector.broadcast %eq3A_3108 : i32 to vector<16xi32>
      %eq3A_3110 = arith.cmpi eq, %iota3A, %eq3A_3109 : vector<16xi32>
      %select_n3A_3111 = arith.select %eq3A_3110, %add3A_3107, %broadcast_in_dim3A_0 : vector<16xi1>, vector<16xi32>
      %add3A_3112 = arith.addi %add3A_3001, %select_n3A_3111 : vector<16xi32>
      %eq3A_3113 = arith.cmpi eq, %add3A_2, %gather3A_3041 : vector<16xi32>
      %jit3A_3114 = arith.constant 1 : i32
      %jit3A_3115 = arith.constant 0 : i32
      %broadcast_in_dim3A_3116 = vector.broadcast %jit3A_3114 : i32 to vector<16xi32>
      %broadcast_in_dim3A_3117 = vector.broadcast %jit3A_3115 : i32 to vector<16xi32>
      %select_n3A_3118 = arith.select %eq3A_3113, %broadcast_in_dim3A_3116, %broadcast_in_dim3A_3117 : vector<16xi1>, vector<16xi32>
      %add3A_3119 = arith.addi %add3A_3008, %select_n3A_3118 : vector<16xi32>
      %eq3A_3120 = arith.cmpi eq, %add3A_5, %gather3A_3041 : vector<16xi32>
      %jit3A_3121 = arith.constant 1 : i32
      %jit3A_3122 = arith.constant 0 : i32
      %broadcast_in_dim3A_3123 = vector.broadcast %jit3A_3121 : i32 to vector<16xi32>
      %broadcast_in_dim3A_3124 = vector.broadcast %jit3A_3122 : i32 to vector<16xi32>
      %select_n3A_3125 = arith.select %eq3A_3120, %broadcast_in_dim3A_3123, %broadcast_in_dim3A_3124 : vector<16xi1>, vector<16xi32>
      %add3A_3126 = arith.addi %add3A_3015, %select_n3A_3125 : vector<16xi32>
      %eq3A_3127 = arith.cmpi eq, %add3A_8, %gather3A_3041 : vector<16xi32>
      %jit3A_3128 = arith.constant 1 : i32
      %jit3A_3129 = arith.constant 0 : i32
      %broadcast_in_dim3A_3130 = vector.broadcast %jit3A_3128 : i32 to vector<16xi32>
      %broadcast_in_dim3A_3131 = vector.broadcast %jit3A_3129 : i32 to vector<16xi32>
      %select_n3A_3132 = arith.select %eq3A_3127, %broadcast_in_dim3A_3130, %broadcast_in_dim3A_3131 : vector<16xi1>, vector<16xi32>
      %add3A_3133 = arith.addi %add3A_3022, %select_n3A_3132 : vector<16xi32>
      %eq3A_3134 = arith.cmpi eq, %add3A_11, %gather3A_3041 : vector<16xi32>
      %jit3A_3135 = arith.constant 1 : i32
      %jit3A_3136 = arith.constant 0 : i32
      %broadcast_in_dim3A_3137 = vector.broadcast %jit3A_3135 : i32 to vector<16xi32>
      %broadcast_in_dim3A_3138 = vector.broadcast %jit3A_3136 : i32 to vector<16xi32>
      %select_n3A_3139 = arith.select %eq3A_3134, %broadcast_in_dim3A_3137, %broadcast_in_dim3A_3138 : vector<16xi1>, vector<16xi32>
      %add3A_3140 = arith.addi %add3A_3029, %select_n3A_3139 : vector<16xi32>
      %mul3A_3141 = arith.constant 16 : i32
      %mul3A_3142 = arith.muli %scan3A_1357, %mul3A_3141 : i32
      %swap3A_3143 = arith.index_cast %mul3A_3142 : i32 to index
      %swap3A_3144 = tpu.vector_load %arg10[%swap3A_3143] {strides = array<i32>} : memref<128xi32, #tpu.memory_space<vmem>>, vector<16xi32>,
      %swap3A_3145 = vector.shape_cast %swap3A_3144 : vector<16xi32> to vector<16xi32>
      %swap3A_3146 = vector.shape_cast %add3A_3112 : vector<16xi32> to vector<16xi32>
      tpu.vector_store %arg10[%swap3A_3143], %swap3A_3146 {strides = array<i32>} : memref<128xi32, #tpu.memory_space<vmem>>, vector<16xi32>,
      scf.yield %add3A_3119, %add3A_3126, %add3A_3133, %add3A_3140 : vector<16xi32>, vector<16xi32>, vector<16xi32>, vector<16xi32>
    }
    %scan3A_17 = arith.constant 8 : i32
    %swap3A = arith.constant 0 : index
    %swap3A_18 = tpu.vector_load %arg11[%swap3A] {strides = array<i32>} : memref<64xi32, #tpu.memory_space<vmem>>, vector<16xi32>,
    %swap3A_19 = vector.shape_cast %swap3A_18 : vector<16xi32> to vector<16xi32>
    %swap3A_20 = vector.shape_cast %scan3A_16#0 : vector<16xi32> to vector<16xi32>
    tpu.vector_store %arg11[%swap3A], %swap3A_20 {strides = array<i32>} : memref<64xi32, #tpu.memory_space<vmem>>, vector<16xi32>,
    %swap3A_21 = arith.constant 16 : index
    %swap3A_22 = tpu.vector_load %arg11[%swap3A_21] {strides = array<i32>} : memref<64xi32, #tpu.memory_space<vmem>>, vector<16xi32>,
    %swap3A_23 = vector.shape_cast %swap3A_22 : vector<16xi32> to vector<16xi32>
    %swap3A_24 = vector.shape_cast %scan3A_16#1 : vector<16xi32> to vector<16xi32>
    tpu.vector_store %arg11[%swap3A_21], %swap3A_24 {strides = array<i32>} : memref<64xi32, #tpu.memory_space<vmem>>, vector<16xi32>,
    %swap3A_25 = arith.constant 32 : index
    %swap3A_26 = tpu.vector_load %arg11[%swap3A_25] {strides = array<i32>} : memref<64xi32, #tpu.memory_space<vmem>>, vector<16xi32>,
    %swap3A_27 = vector.shape_cast %swap3A_26 : vector<16xi32> to vector<16xi32>
    %swap3A_28 = vector.shape_cast %scan3A_16#2 : vector<16xi32> to vector<16xi32>
    tpu.vector_store %arg11[%swap3A_25], %swap3A_28 {strides = array<i32>} : memref<64xi32, #tpu.memory_space<vmem>>, vector<16xi32>,
    %swap3A_29 = arith.constant 48 : index
    %swap3A_30 = tpu.vector_load %arg11[%swap3A_29] {strides = array<i32>} : memref<64xi32, #tpu.memory_space<vmem>>, vector<16xi32>,
    %swap3A_31 = vector.shape_cast %swap3A_30 : vector<16xi32> to vector<16xi32>
    %swap3A_32 = vector.shape_cast %scan3A_16#3 : vector<16xi32> to vector<16xi32>
    tpu.vector_store %arg11[%swap3A_29], %swap3A_32 {strides = array<i32>} : memref<64xi32, #tpu.memory_space<vmem>>, vector<16xi32>,
    %mul3A_33 = arith.constant 64 : i32
    %mul3A_34 = arith.muli %arg1, %mul3A_33 : i32
    "tpu.region"() ({
      %run_scoped3A = tpu.sem_alloc : memref<!tpu.dma_semaphore, #tpu.memory_space<semaphore_mem>>
      %dma_start3A_1357 = tpu.memref_slice %arg17[%mul3A_34] : memref<1024xi32, #tpu.memory_space<vmem_shared>> -> memref<64xi32, #tpu.memory_space<vmem_shared>>
      %dma_start3A_1358 = tpu.memref_slice %arg17[%mul3A_34] : memref<1024xi32, #tpu.memory_space<vmem_shared>> -> memref<64xi32, #tpu.memory_space<vmem_shared>>
      tpu.enqueue_dma source(%arg11 : memref<64xi32, #tpu.memory_space<vmem>>) target(%dma_start3A_1358 : memref<64xi32, #tpu.memory_space<vmem_shared>>) target_semaphore(%run_scoped3A : memref<!tpu.dma_semaphore, #tpu.memory_space<semaphore_mem>>)
      %dma_wait3A_1359 = tpu.memref_slice %arg17[%mul3A_34] : memref<1024xi32, #tpu.memory_space<vmem_shared>> -> memref<64xi32, #tpu.memory_space<vmem_shared>>
      %dma_wait3A_1360 = tpu.memref_slice %arg17[%mul3A_34] : memref<1024xi32, #tpu.memory_space<vmem_shared>> -> memref<64xi32, #tpu.memory_space<vmem_shared>>
      tpu.wait_dma2 semaphore(%run_scoped3A : memref<!tpu.dma_semaphore, #tpu.memory_space<semaphore_mem>>) src(%arg11 : memref<64xi32, #tpu.memory_space<vmem>>) dst(%dma_wait3A_1360 : memref<64xi32, #tpu.memory_space<vmem_shared>>)
      tpu.yield
    }) : () -> ()
    %barrier3A = arith.constant 0 : index
    tpu.barrier barrier_id(%barrier3A)
    "tpu.region"() ({
      %run_scoped3A = tpu.sem_alloc : memref<!tpu.dma_semaphore, #tpu.memory_space<semaphore_mem>>
      tpu.enqueue_dma source(%arg17 : memref<1024xi32, #tpu.memory_space<vmem_shared>>) target(%arg12 : memref<1024xi32, #tpu.memory_space<vmem>>) target_semaphore(%run_scoped3A : memref<!tpu.dma_semaphore, #tpu.memory_space<semaphore_mem>>)
      tpu.wait_dma2 semaphore(%run_scoped3A : memref<!tpu.dma_semaphore, #tpu.memory_space<semaphore_mem>>) src(%arg17 : memref<1024xi32, #tpu.memory_space<vmem_shared>>) dst(%arg12 : memref<1024xi32, #tpu.memory_space<vmem>>)
      tpu.yield
    }) : () -> ()
    %broadcast_in_dim3A_35 = vector.broadcast %arg1 : i32 to vector<16xi32>
    %broadcast_in_dim3A_36 = arith.constant 0 : i32
    %broadcast_in_dim3A_37 = vector.broadcast %broadcast_in_dim3A_36 : i32 to vector<16xi32>
    %get3A = arith.constant 0 : index
    %get3A_38 = tpu.vector_load %arg12[%get3A] {strides = array<i32>} : memref<1024xi32, #tpu.memory_space<vmem>>, vector<16xi32>,
    %get3A_39 = vector.shape_cast %get3A_38 : vector<16xi32> to vector<16xi32>
    %add3A_40 = arith.addi %broadcast_in_dim3A_0, %get3A_39 : vector<16xi32>
    %sub3A = arith.subi %broadcast_in_dim3A_35, %broadcast_in_dim3A_37 : vector<16xi32>
    %max3A = arith.constant 0 : i32
    %max3A_41 = vector.broadcast %max3A : i32 to vector<16xi32>
    %max3A_42 = arith.maxsi %sub3A, %max3A_41 : vector<16xi32>
    %min3A = arith.constant 1 : i32
    %min3A_43 = vector.broadcast %min3A : i32 to vector<16xi32>
    %min3A_44 = arith.minsi %max3A_42, %min3A_43 : vector<16xi32>
    %mul3A_45 = arith.muli %get3A_39, %min3A_44 : vector<16xi32>
    %add3A_46 = arith.addi %broadcast_in_dim3A_0, %mul3A_45 : vector<16xi32>
    %get3A_47 = arith.constant 16 : index
    %get3A_48 = tpu.vector_load %arg12[%get3A_47] {strides = array<i32>} : memref<1024xi32, #tpu.memory_space<vmem>>, vector<16xi32>,
    %get3A_49 = vector.shape_cast %get3A_48 : vector<16xi32> to vector<16xi32>
    %add3A_50 = arith.addi %broadcast_in_dim3A_0, %get3A_49 : vector<16xi32>
    %sub3A_51 = arith.subi %broadcast_in_dim3A_35, %broadcast_in_dim3A_37 : vector<16xi32>
    %max3A_52 = arith.constant 0 : i32
    %max3A_53 = vector.broadcast %max3A_52 : i32 to vector<16xi32>
    %max3A_54 = arith.maxsi %sub3A_51, %max3A_53 : vector<16xi32>
    %min3A_55 = arith.constant 1 : i32
    %min3A_56 = vector.broadcast %min3A_55 : i32 to vector<16xi32>
    %min3A_57 = arith.minsi %max3A_54, %min3A_56 : vector<16xi32>
    %mul3A_58 = arith.muli %get3A_49, %min3A_57 : vector<16xi32>
    %add3A_59 = arith.addi %broadcast_in_dim3A_0, %mul3A_58 : vector<16xi32>
    %get3A_60 = arith.constant 32 : index
    %get3A_61 = tpu.vector_load %arg12[%get3A_60] {strides = array<i32>} : memref<1024xi32, #tpu.memory_space<vmem>>, vector<16xi32>,
    %get3A_62 = vector.shape_cast %get3A_61 : vector<16xi32> to vector<16xi32>
    %add3A_63 = arith.addi %broadcast_in_dim3A_0, %get3A_62 : vector<16xi32>
    %sub3A_64 = arith.subi %broadcast_in_dim3A_35, %broadcast_in_dim3A_37 : vector<16xi32>
    %max3A_65 = arith.constant 0 : i32
    %max3A_66 = vector.broadcast %max3A_65 : i32 to vector<16xi32>
    %max3A_67 = arith.maxsi %sub3A_64, %max3A_66 : vector<16xi32>
    %min3A_68 = arith.constant 1 : i32
    %min3A_69 = vector.broadcast %min3A_68 : i32 to vector<16xi32>
    %min3A_70 = arith.minsi %max3A_67, %min3A_69 : vector<16xi32>
    %mul3A_71 = arith.muli %get3A_62, %min3A_70 : vector<16xi32>
    %add3A_72 = arith.addi %broadcast_in_dim3A_0, %mul3A_71 : vector<16xi32>
    %get3A_73 = arith.constant 48 : index
    %get3A_74 = tpu.vector_load %arg12[%get3A_73] {strides = array<i32>} : memref<1024xi32, #tpu.memory_space<vmem>>, vector<16xi32>,
    %get3A_75 = vector.shape_cast %get3A_74 : vector<16xi32> to vector<16xi32>
    %add3A_76 = arith.addi %broadcast_in_dim3A_0, %get3A_75 : vector<16xi32>
    %sub3A_77 = arith.subi %broadcast_in_dim3A_35, %broadcast_in_dim3A_37 : vector<16xi32>
    %max3A_78 = arith.constant 0 : i32
    %max3A_79 = vector.broadcast %max3A_78 : i32 to vector<16xi32>
    %max3A_80 = arith.maxsi %sub3A_77, %max3A_79 : vector<16xi32>
    %min3A_81 = arith.constant 1 : i32
    %min3A_82 = vector.broadcast %min3A_81 : i32 to vector<16xi32>
    %min3A_83 = arith.minsi %max3A_80, %min3A_82 : vector<16xi32>
    %mul3A_84 = arith.muli %get3A_75, %min3A_83 : vector<16xi32>
    %add3A_85 = arith.addi %broadcast_in_dim3A_0, %mul3A_84 : vector<16xi32>
    %broadcast_in_dim3A_86 = arith.constant 1 : i32
    %broadcast_in_dim3A_87 = vector.broadcast %broadcast_in_dim3A_86 : i32 to vector<16xi32>
    %get3A_88 = arith.constant 64 : index
    %get3A_89 = tpu.vector_load %arg12[%get3A_88] {strides = array<i32>} : memref<1024xi32, #tpu.memory_space<vmem>>, vector<16xi32>,
    %get3A_90 = vector.shape_cast %get3A_89 : vector<16xi32> to vector<16xi32>
    %add3A_91 = arith.addi %add3A_40, %get3A_90 : vector<16xi32>
    %sub3A_92 = arith.subi %broadcast_in_dim3A_35, %broadcast_in_dim3A_87 : vector<16xi32>
    %max3A_93 = arith.constant 0 : i32
    %max3A_94 = vector.broadcast %max3A_93 : i32 to vector<16xi32>
    %max3A_95 = arith.maxsi %sub3A_92, %max3A_94 : vector<16xi32>
    %min3A_96 = arith.constant 1 : i32
    %min3A_97 = vector.broadcast %min3A_96 : i32 to vector<16xi32>
    %min3A_98 = arith.minsi %max3A_95, %min3A_97 : vector<16xi32>
    %mul3A_99 = arith.muli %get3A_90, %min3A_98 : vector<16xi32>
    %add3A_100 = arith.addi %add3A_46, %mul3A_99 : vector<16xi32>
    %get3A_101 = arith.constant 80 : index
    %get3A_102 = tpu.vector_load %arg12[%get3A_101] {strides = array<i32>} : memref<1024xi32, #tpu.memory_space<vmem>>, vector<16xi32>,
    %get3A_103 = vector.shape_cast %get3A_102 : vector<16xi32> to vector<16xi32>
    %add3A_104 = arith.addi %add3A_50, %get3A_103 : vector<16xi32>
    %sub3A_105 = arith.subi %broadcast_in_dim3A_35, %broadcast_in_dim3A_87 : vector<16xi32>
    %max3A_106 = arith.constant 0 : i32
    %max3A_107 = vector.broadcast %max3A_106 : i32 to vector<16xi32>
    %max3A_108 = arith.maxsi %sub3A_105, %max3A_107 : vector<16xi32>
    %min3A_109 = arith.constant 1 : i32
    %min3A_110 = vector.broadcast %min3A_109 : i32 to vector<16xi32>
    %min3A_111 = arith.minsi %max3A_108, %min3A_110 : vector<16xi32>
    %mul3A_112 = arith.muli %get3A_103, %min3A_111 : vector<16xi32>
    %add3A_113 = arith.addi %add3A_59, %mul3A_112 : vector<16xi32>
    %get3A_114 = arith.constant 96 : index
    %get3A_115 = tpu.vector_load %arg12[%get3A_114] {strides = array<i32>} : memref<1024xi32, #tpu.memory_space<vmem>>, vector<16xi32>,
    %get3A_116 = vector.shape_cast %get3A_115 : vector<16xi32> to vector<16xi32>
    %add3A_117 = arith.addi %add3A_63, %get3A_116 : vector<16xi32>
    %sub3A_118 = arith.subi %broadcast_in_dim3A_35, %broadcast_in_dim3A_87 : vector<16xi32>
    %max3A_119 = arith.constant 0 : i32
    %max3A_120 = vector.broadcast %max3A_119 : i32 to vector<16xi32>
    %max3A_121 = arith.maxsi %sub3A_118, %max3A_120 : vector<16xi32>
    %min3A_122 = arith.constant 1 : i32
    %min3A_123 = vector.broadcast %min3A_122 : i32 to vector<16xi32>
    %min3A_124 = arith.minsi %max3A_121, %min3A_123 : vector<16xi32>
    %mul3A_125 = arith.muli %get3A_116, %min3A_124 : vector<16xi32>
    %add3A_126 = arith.addi %add3A_72, %mul3A_125 : vector<16xi32>
    %get3A_127 = arith.constant 112 : index
    %get3A_128 = tpu.vector_load %arg12[%get3A_127] {strides = array<i32>} : memref<1024xi32, #tpu.memory_space<vmem>>, vector<16xi32>,
    %get3A_129 = vector.shape_cast %get3A_128 : vector<16xi32> to vector<16xi32>
    %add3A_130 = arith.addi %add3A_76, %get3A_129 : vector<16xi32>
    %sub3A_131 = arith.subi %broadcast_in_dim3A_35, %broadcast_in_dim3A_87 : vector<16xi32>
    %max3A_132 = arith.constant 0 : i32
    %max3A_133 = vector.broadcast %max3A_132 : i32 to vector<16xi32>
    %max3A_134 = arith.maxsi %sub3A_131, %max3A_133 : vector<16xi32>
    %min3A_135 = arith.constant 1 : i32
    %min3A_136 = vector.broadcast %min3A_135 : i32 to vector<16xi32>
    %min3A_137 = arith.minsi %max3A_134, %min3A_136 : vector<16xi32>
    %mul3A_138 = arith.muli %get3A_129, %min3A_137 : vector<16xi32>
    %add3A_139 = arith.addi %add3A_85, %mul3A_138 : vector<16xi32>
    %broadcast_in_dim3A_140 = arith.constant 2 : i32
    %broadcast_in_dim3A_141 = vector.broadcast %broadcast_in_dim3A_140 : i32 to vector<16xi32>
    %get3A_142 = arith.constant 128 : index
    %get3A_143 = tpu.vector_load %arg12[%get3A_142] {strides = array<i32>} : memref<1024xi32, #tpu.memory_space<vmem>>, vector<16xi32>,
    %get3A_144 = vector.shape_cast %get3A_143 : vector<16xi32> to vector<16xi32>
    %add3A_145 = arith.addi %add3A_91, %get3A_144 : vector<16xi32>
    %sub3A_146 = arith.subi %broadcast_in_dim3A_35, %broadcast_in_dim3A_141 : vector<16xi32>
    %max3A_147 = arith.constant 0 : i32
    %max3A_148 = vector.broadcast %max3A_147 : i32 to vector<16xi32>
    %max3A_149 = arith.maxsi %sub3A_146, %max3A_148 : vector<16xi32>
    %min3A_150 = arith.constant 1 : i32
    %min3A_151 = vector.broadcast %min3A_150 : i32 to vector<16xi32>
    %min3A_152 = arith.minsi %max3A_149, %min3A_151 : vector<16xi32>
    %mul3A_153 = arith.muli %get3A_144, %min3A_152 : vector<16xi32>
    %add3A_154 = arith.addi %add3A_100, %mul3A_153 : vector<16xi32>
    %get3A_155 = arith.constant 144 : index
    %get3A_156 = tpu.vector_load %arg12[%get3A_155] {strides = array<i32>} : memref<1024xi32, #tpu.memory_space<vmem>>, vector<16xi32>,
    %get3A_157 = vector.shape_cast %get3A_156 : vector<16xi32> to vector<16xi32>
    %add3A_158 = arith.addi %add3A_104, %get3A_157 : vector<16xi32>
    %sub3A_159 = arith.subi %broadcast_in_dim3A_35, %broadcast_in_dim3A_141 : vector<16xi32>
    %max3A_160 = arith.constant 0 : i32
    %max3A_161 = vector.broadcast %max3A_160 : i32 to vector<16xi32>
    %max3A_162 = arith.maxsi %sub3A_159, %max3A_161 : vector<16xi32>
    %min3A_163 = arith.constant 1 : i32
    %min3A_164 = vector.broadcast %min3A_163 : i32 to vector<16xi32>
    %min3A_165 = arith.minsi %max3A_162, %min3A_164 : vector<16xi32>
    %mul3A_166 = arith.muli %get3A_157, %min3A_165 : vector<16xi32>
    %add3A_167 = arith.addi %add3A_113, %mul3A_166 : vector<16xi32>
    %get3A_168 = arith.constant 160 : index
    %get3A_169 = tpu.vector_load %arg12[%get3A_168] {strides = array<i32>} : memref<1024xi32, #tpu.memory_space<vmem>>, vector<16xi32>,
    %get3A_170 = vector.shape_cast %get3A_169 : vector<16xi32> to vector<16xi32>
    %add3A_171 = arith.addi %add3A_117, %get3A_170 : vector<16xi32>
    %sub3A_172 = arith.subi %broadcast_in_dim3A_35, %broadcast_in_dim3A_141 : vector<16xi32>
    %max3A_173 = arith.constant 0 : i32
    %max3A_174 = vector.broadcast %max3A_173 : i32 to vector<16xi32>
    %max3A_175 = arith.maxsi %sub3A_172, %max3A_174 : vector<16xi32>
    %min3A_176 = arith.constant 1 : i32
    %min3A_177 = vector.broadcast %min3A_176 : i32 to vector<16xi32>
    %min3A_178 = arith.minsi %max3A_175, %min3A_177 : vector<16xi32>
    %mul3A_179 = arith.muli %get3A_170, %min3A_178 : vector<16xi32>
    %add3A_180 = arith.addi %add3A_126, %mul3A_179 : vector<16xi32>
    %get3A_181 = arith.constant 176 : index
    %get3A_182 = tpu.vector_load %arg12[%get3A_181] {strides = array<i32>} : memref<1024xi32, #tpu.memory_space<vmem>>, vector<16xi32>,
    %get3A_183 = vector.shape_cast %get3A_182 : vector<16xi32> to vector<16xi32>
    %add3A_184 = arith.addi %add3A_130, %get3A_183 : vector<16xi32>
    %sub3A_185 = arith.subi %broadcast_in_dim3A_35, %broadcast_in_dim3A_141 : vector<16xi32>
    %max3A_186 = arith.constant 0 : i32
    %max3A_187 = vector.broadcast %max3A_186 : i32 to vector<16xi32>
    %max3A_188 = arith.maxsi %sub3A_185, %max3A_187 : vector<16xi32>
    %min3A_189 = arith.constant 1 : i32
    %min3A_190 = vector.broadcast %min3A_189 : i32 to vector<16xi32>
    %min3A_191 = arith.minsi %max3A_188, %min3A_190 : vector<16xi32>
    %mul3A_192 = arith.muli %get3A_183, %min3A_191 : vector<16xi32>
    %add3A_193 = arith.addi %add3A_139, %mul3A_192 : vector<16xi32>
    %broadcast_in_dim3A_194 = arith.constant 3 : i32
    %broadcast_in_dim3A_195 = vector.broadcast %broadcast_in_dim3A_194 : i32 to vector<16xi32>
    %get3A_196 = arith.constant 192 : index
    %get3A_197 = tpu.vector_load %arg12[%get3A_196] {strides = array<i32>} : memref<1024xi32, #tpu.memory_space<vmem>>, vector<16xi32>,
    %get3A_198 = vector.shape_cast %get3A_197 : vector<16xi32> to vector<16xi32>
    %add3A_199 = arith.addi %add3A_145, %get3A_198 : vector<16xi32>
    %sub3A_200 = arith.subi %broadcast_in_dim3A_35, %broadcast_in_dim3A_195 : vector<16xi32>
    %max3A_201 = arith.constant 0 : i32
    %max3A_202 = vector.broadcast %max3A_201 : i32 to vector<16xi32>
    %max3A_203 = arith.maxsi %sub3A_200, %max3A_202 : vector<16xi32>
    %min3A_204 = arith.constant 1 : i32
    %min3A_205 = vector.broadcast %min3A_204 : i32 to vector<16xi32>
    %min3A_206 = arith.minsi %max3A_203, %min3A_205 : vector<16xi32>
    %mul3A_207 = arith.muli %get3A_198, %min3A_206 : vector<16xi32>
    %add3A_208 = arith.addi %add3A_154, %mul3A_207 : vector<16xi32>
    %get3A_209 = arith.constant 208 : index
    %get3A_210 = tpu.vector_load %arg12[%get3A_209] {strides = array<i32>} : memref<1024xi32, #tpu.memory_space<vmem>>, vector<16xi32>,
    %get3A_211 = vector.shape_cast %get3A_210 : vector<16xi32> to vector<16xi32>
    %add3A_212 = arith.addi %add3A_158, %get3A_211 : vector<16xi32>
    %sub3A_213 = arith.subi %broadcast_in_dim3A_35, %broadcast_in_dim3A_195 : vector<16xi32>
    %max3A_214 = arith.constant 0 : i32
    %max3A_215 = vector.broadcast %max3A_214 : i32 to vector<16xi32>
    %max3A_216 = arith.maxsi %sub3A_213, %max3A_215 : vector<16xi32>
    %min3A_217 = arith.constant 1 : i32
    %min3A_218 = vector.broadcast %min3A_217 : i32 to vector<16xi32>
    %min3A_219 = arith.minsi %max3A_216, %min3A_218 : vector<16xi32>
    %mul3A_220 = arith.muli %get3A_211, %min3A_219 : vector<16xi32>
    %add3A_221 = arith.addi %add3A_167, %mul3A_220 : vector<16xi32>
    %get3A_222 = arith.constant 224 : index
    %get3A_223 = tpu.vector_load %arg12[%get3A_222] {strides = array<i32>} : memref<1024xi32, #tpu.memory_space<vmem>>, vector<16xi32>,
    %get3A_224 = vector.shape_cast %get3A_223 : vector<16xi32> to vector<16xi32>
    %add3A_225 = arith.addi %add3A_171, %get3A_224 : vector<16xi32>
    %sub3A_226 = arith.subi %broadcast_in_dim3A_35, %broadcast_in_dim3A_195 : vector<16xi32>
    %max3A_227 = arith.constant 0 : i32
    %max3A_228 = vector.broadcast %max3A_227 : i32 to vector<16xi32>
    %max3A_229 = arith.maxsi %sub3A_226, %max3A_228 : vector<16xi32>
    %min3A_230 = arith.constant 1 : i32
    %min3A_231 = vector.broadcast %min3A_230 : i32 to vector<16xi32>
    %min3A_232 = arith.minsi %max3A_229, %min3A_231 : vector<16xi32>
    %mul3A_233 = arith.muli %get3A_224, %min3A_232 : vector<16xi32>
    %add3A_234 = arith.addi %add3A_180, %mul3A_233 : vector<16xi32>
    %get3A_235 = arith.constant 240 : index
    %get3A_236 = tpu.vector_load %arg12[%get3A_235] {strides = array<i32>} : memref<1024xi32, #tpu.memory_space<vmem>>, vector<16xi32>,
    %get3A_237 = vector.shape_cast %get3A_236 : vector<16xi32> to vector<16xi32>
    %add3A_238 = arith.addi %add3A_184, %get3A_237 : vector<16xi32>
    %sub3A_239 = arith.subi %broadcast_in_dim3A_35, %broadcast_in_dim3A_195 : vector<16xi32>
    %max3A_240 = arith.constant 0 : i32
    %max3A_241 = vector.broadcast %max3A_240 : i32 to vector<16xi32>
    %max3A_242 = arith.maxsi %sub3A_239, %max3A_241 : vector<16xi32>
    %min3A_243 = arith.constant 1 : i32
    %min3A_244 = vector.broadcast %min3A_243 : i32 to vector<16xi32>
    %min3A_245 = arith.minsi %max3A_242, %min3A_244 : vector<16xi32>
    %mul3A_246 = arith.muli %get3A_237, %min3A_245 : vector<16xi32>
    %add3A_247 = arith.addi %add3A_193, %mul3A_246 : vector<16xi32>
    %broadcast_in_dim3A_248 = arith.constant 4 : i32
    %broadcast_in_dim3A_249 = vector.broadcast %broadcast_in_dim3A_248 : i32 to vector<16xi32>
    %get3A_250 = arith.constant 256 : index
    %get3A_251 = tpu.vector_load %arg12[%get3A_250] {strides = array<i32>} : memref<1024xi32, #tpu.memory_space<vmem>>, vector<16xi32>,
    %get3A_252 = vector.shape_cast %get3A_251 : vector<16xi32> to vector<16xi32>
    %add3A_253 = arith.addi %add3A_199, %get3A_252 : vector<16xi32>
    %sub3A_254 = arith.subi %broadcast_in_dim3A_35, %broadcast_in_dim3A_249 : vector<16xi32>
    %max3A_255 = arith.constant 0 : i32
    %max3A_256 = vector.broadcast %max3A_255 : i32 to vector<16xi32>
    %max3A_257 = arith.maxsi %sub3A_254, %max3A_256 : vector<16xi32>
    %min3A_258 = arith.constant 1 : i32
    %min3A_259 = vector.broadcast %min3A_258 : i32 to vector<16xi32>
    %min3A_260 = arith.minsi %max3A_257, %min3A_259 : vector<16xi32>
    %mul3A_261 = arith.muli %get3A_252, %min3A_260 : vector<16xi32>
    %add3A_262 = arith.addi %add3A_208, %mul3A_261 : vector<16xi32>
    %get3A_263 = arith.constant 272 : index
    %get3A_264 = tpu.vector_load %arg12[%get3A_263] {strides = array<i32>} : memref<1024xi32, #tpu.memory_space<vmem>>, vector<16xi32>,
    %get3A_265 = vector.shape_cast %get3A_264 : vector<16xi32> to vector<16xi32>
    %add3A_266 = arith.addi %add3A_212, %get3A_265 : vector<16xi32>
    %sub3A_267 = arith.subi %broadcast_in_dim3A_35, %broadcast_in_dim3A_249 : vector<16xi32>
    %max3A_268 = arith.constant 0 : i32
    %max3A_269 = vector.broadcast %max3A_268 : i32 to vector<16xi32>
    %max3A_270 = arith.maxsi %sub3A_267, %max3A_269 : vector<16xi32>
    %min3A_271 = arith.constant 1 : i32
    %min3A_272 = vector.broadcast %min3A_271 : i32 to vector<16xi32>
    %min3A_273 = arith.minsi %max3A_270, %min3A_272 : vector<16xi32>
    %mul3A_274 = arith.muli %get3A_265, %min3A_273 : vector<16xi32>
    %add3A_275 = arith.addi %add3A_221, %mul3A_274 : vector<16xi32>
    %get3A_276 = arith.constant 288 : index
    %get3A_277 = tpu.vector_load %arg12[%get3A_276] {strides = array<i32>} : memref<1024xi32, #tpu.memory_space<vmem>>, vector<16xi32>,
    %get3A_278 = vector.shape_cast %get3A_277 : vector<16xi32> to vector<16xi32>
    %add3A_279 = arith.addi %add3A_225, %get3A_278 : vector<16xi32>
    %sub3A_280 = arith.subi %broadcast_in_dim3A_35, %broadcast_in_dim3A_249 : vector<16xi32>
    %max3A_281 = arith.constant 0 : i32
    %max3A_282 = vector.broadcast %max3A_281 : i32 to vector<16xi32>
    %max3A_283 = arith.maxsi %sub3A_280, %max3A_282 : vector<16xi32>
    %min3A_284 = arith.constant 1 : i32
    %min3A_285 = vector.broadcast %min3A_284 : i32 to vector<16xi32>
    %min3A_286 = arith.minsi %max3A_283, %min3A_285 : vector<16xi32>
    %mul3A_287 = arith.muli %get3A_278, %min3A_286 : vector<16xi32>
    %add3A_288 = arith.addi %add3A_234, %mul3A_287 : vector<16xi32>
    %get3A_289 = arith.constant 304 : index
    %get3A_290 = tpu.vector_load %arg12[%get3A_289] {strides = array<i32>} : memref<1024xi32, #tpu.memory_space<vmem>>, vector<16xi32>,
    %get3A_291 = vector.shape_cast %get3A_290 : vector<16xi32> to vector<16xi32>
    %add3A_292 = arith.addi %add3A_238, %get3A_291 : vector<16xi32>
    %sub3A_293 = arith.subi %broadcast_in_dim3A_35, %broadcast_in_dim3A_249 : vector<16xi32>
    %max3A_294 = arith.constant 0 : i32
    %max3A_295 = vector.broadcast %max3A_294 : i32 to vector<16xi32>
    %max3A_296 = arith.maxsi %sub3A_293, %max3A_295 : vector<16xi32>
    %min3A_297 = arith.constant 1 : i32
    %min3A_298 = vector.broadcast %min3A_297 : i32 to vector<16xi32>
    %min3A_299 = arith.minsi %max3A_296, %min3A_298 : vector<16xi32>
    %mul3A_300 = arith.muli %get3A_291, %min3A_299 : vector<16xi32>
    %add3A_301 = arith.addi %add3A_247, %mul3A_300 : vector<16xi32>
    %broadcast_in_dim3A_302 = arith.constant 5 : i32
    %broadcast_in_dim3A_303 = vector.broadcast %broadcast_in_dim3A_302 : i32 to vector<16xi32>
    %get3A_304 = arith.constant 320 : index
    %get3A_305 = tpu.vector_load %arg12[%get3A_304] {strides = array<i32>} : memref<1024xi32, #tpu.memory_space<vmem>>, vector<16xi32>,
    %get3A_306 = vector.shape_cast %get3A_305 : vector<16xi32> to vector<16xi32>
    %add3A_307 = arith.addi %add3A_253, %get3A_306 : vector<16xi32>
    %sub3A_308 = arith.subi %broadcast_in_dim3A_35, %broadcast_in_dim3A_303 : vector<16xi32>
    %max3A_309 = arith.constant 0 : i32
    %max3A_310 = vector.broadcast %max3A_309 : i32 to vector<16xi32>
    %max3A_311 = arith.maxsi %sub3A_308, %max3A_310 : vector<16xi32>
    %min3A_312 = arith.constant 1 : i32
    %min3A_313 = vector.broadcast %min3A_312 : i32 to vector<16xi32>
    %min3A_314 = arith.minsi %max3A_311, %min3A_313 : vector<16xi32>
    %mul3A_315 = arith.muli %get3A_306, %min3A_314 : vector<16xi32>
    %add3A_316 = arith.addi %add3A_262, %mul3A_315 : vector<16xi32>
    %get3A_317 = arith.constant 336 : index
    %get3A_318 = tpu.vector_load %arg12[%get3A_317] {strides = array<i32>} : memref<1024xi32, #tpu.memory_space<vmem>>, vector<16xi32>,
    %get3A_319 = vector.shape_cast %get3A_318 : vector<16xi32> to vector<16xi32>
    %add3A_320 = arith.addi %add3A_266, %get3A_319 : vector<16xi32>
    %sub3A_321 = arith.subi %broadcast_in_dim3A_35, %broadcast_in_dim3A_303 : vector<16xi32>
    %max3A_322 = arith.constant 0 : i32
    %max3A_323 = vector.broadcast %max3A_322 : i32 to vector<16xi32>
    %max3A_324 = arith.maxsi %sub3A_321, %max3A_323 : vector<16xi32>
    %min3A_325 = arith.constant 1 : i32
    %min3A_326 = vector.broadcast %min3A_325 : i32 to vector<16xi32>
    %min3A_327 = arith.minsi %max3A_324, %min3A_326 : vector<16xi32>
    %mul3A_328 = arith.muli %get3A_319, %min3A_327 : vector<16xi32>
    %add3A_329 = arith.addi %add3A_275, %mul3A_328 : vector<16xi32>
    %get3A_330 = arith.constant 352 : index
    %get3A_331 = tpu.vector_load %arg12[%get3A_330] {strides = array<i32>} : memref<1024xi32, #tpu.memory_space<vmem>>, vector<16xi32>,
    %get3A_332 = vector.shape_cast %get3A_331 : vector<16xi32> to vector<16xi32>
    %add3A_333 = arith.addi %add3A_279, %get3A_332 : vector<16xi32>
    %sub3A_334 = arith.subi %broadcast_in_dim3A_35, %broadcast_in_dim3A_303 : vector<16xi32>
    %max3A_335 = arith.constant 0 : i32
    %max3A_336 = vector.broadcast %max3A_335 : i32 to vector<16xi32>
    %max3A_337 = arith.maxsi %sub3A_334, %max3A_336 : vector<16xi32>
    %min3A_338 = arith.constant 1 : i32
    %min3A_339 = vector.broadcast %min3A_338 : i32 to vector<16xi32>
    %min3A_340 = arith.minsi %max3A_337, %min3A_339 : vector<16xi32>
    %mul3A_341 = arith.muli %get3A_332, %min3A_340 : vector<16xi32>
    %add3A_342 = arith.addi %add3A_288, %mul3A_341 : vector<16xi32>
    %get3A_343 = arith.constant 368 : index
    %get3A_344 = tpu.vector_load %arg12[%get3A_343] {strides = array<i32>} : memref<1024xi32, #tpu.memory_space<vmem>>, vector<16xi32>,
    %get3A_345 = vector.shape_cast %get3A_344 : vector<16xi32> to vector<16xi32>
    %add3A_346 = arith.addi %add3A_292, %get3A_345 : vector<16xi32>
    %sub3A_347 = arith.subi %broadcast_in_dim3A_35, %broadcast_in_dim3A_303 : vector<16xi32>
    %max3A_348 = arith.constant 0 : i32
    %max3A_349 = vector.broadcast %max3A_348 : i32 to vector<16xi32>
    %max3A_350 = arith.maxsi %sub3A_347, %max3A_349 : vector<16xi32>
    %min3A_351 = arith.constant 1 : i32
    %min3A_352 = vector.broadcast %min3A_351 : i32 to vector<16xi32>
    %min3A_353 = arith.minsi %max3A_350, %min3A_352 : vector<16xi32>
    %mul3A_354 = arith.muli %get3A_345, %min3A_353 : vector<16xi32>
    %add3A_355 = arith.addi %add3A_301, %mul3A_354 : vector<16xi32>
    %broadcast_in_dim3A_356 = arith.constant 6 : i32
    %broadcast_in_dim3A_357 = vector.broadcast %broadcast_in_dim3A_356 : i32 to vector<16xi32>
    %get3A_358 = arith.constant 384 : index
    %get3A_359 = tpu.vector_load %arg12[%get3A_358] {strides = array<i32>} : memref<1024xi32, #tpu.memory_space<vmem>>, vector<16xi32>,
    %get3A_360 = vector.shape_cast %get3A_359 : vector<16xi32> to vector<16xi32>
    %add3A_361 = arith.addi %add3A_307, %get3A_360 : vector<16xi32>
    %sub3A_362 = arith.subi %broadcast_in_dim3A_35, %broadcast_in_dim3A_357 : vector<16xi32>
    %max3A_363 = arith.constant 0 : i32
    %max3A_364 = vector.broadcast %max3A_363 : i32 to vector<16xi32>
    %max3A_365 = arith.maxsi %sub3A_362, %max3A_364 : vector<16xi32>
    %min3A_366 = arith.constant 1 : i32
    %min3A_367 = vector.broadcast %min3A_366 : i32 to vector<16xi32>
    %min3A_368 = arith.minsi %max3A_365, %min3A_367 : vector<16xi32>
    %mul3A_369 = arith.muli %get3A_360, %min3A_368 : vector<16xi32>
    %add3A_370 = arith.addi %add3A_316, %mul3A_369 : vector<16xi32>
    %get3A_371 = arith.constant 400 : index
    %get3A_372 = tpu.vector_load %arg12[%get3A_371] {strides = array<i32>} : memref<1024xi32, #tpu.memory_space<vmem>>, vector<16xi32>,
    %get3A_373 = vector.shape_cast %get3A_372 : vector<16xi32> to vector<16xi32>
    %add3A_374 = arith.addi %add3A_320, %get3A_373 : vector<16xi32>
    %sub3A_375 = arith.subi %broadcast_in_dim3A_35, %broadcast_in_dim3A_357 : vector<16xi32>
    %max3A_376 = arith.constant 0 : i32
    %max3A_377 = vector.broadcast %max3A_376 : i32 to vector<16xi32>
    %max3A_378 = arith.maxsi %sub3A_375, %max3A_377 : vector<16xi32>
    %min3A_379 = arith.constant 1 : i32
    %min3A_380 = vector.broadcast %min3A_379 : i32 to vector<16xi32>
    %min3A_381 = arith.minsi %max3A_378, %min3A_380 : vector<16xi32>
    %mul3A_382 = arith.muli %get3A_373, %min3A_381 : vector<16xi32>
    %add3A_383 = arith.addi %add3A_329, %mul3A_382 : vector<16xi32>
    %get3A_384 = arith.constant 416 : index
    %get3A_385 = tpu.vector_load %arg12[%get3A_384] {strides = array<i32>} : memref<1024xi32, #tpu.memory_space<vmem>>, vector<16xi32>,
    %get3A_386 = vector.shape_cast %get3A_385 : vector<16xi32> to vector<16xi32>
    %add3A_387 = arith.addi %add3A_333, %get3A_386 : vector<16xi32>
    %sub3A_388 = arith.subi %broadcast_in_dim3A_35, %broadcast_in_dim3A_357 : vector<16xi32>
    %max3A_389 = arith.constant 0 : i32
    %max3A_390 = vector.broadcast %max3A_389 : i32 to vector<16xi32>
    %max3A_391 = arith.maxsi %sub3A_388, %max3A_390 : vector<16xi32>
    %min3A_392 = arith.constant 1 : i32
    %min3A_393 = vector.broadcast %min3A_392 : i32 to vector<16xi32>
    %min3A_394 = arith.minsi %max3A_391, %min3A_393 : vector<16xi32>
    %mul3A_395 = arith.muli %get3A_386, %min3A_394 : vector<16xi32>
    %add3A_396 = arith.addi %add3A_342, %mul3A_395 : vector<16xi32>
    %get3A_397 = arith.constant 432 : index
    %get3A_398 = tpu.vector_load %arg12[%get3A_397] {strides = array<i32>} : memref<1024xi32, #tpu.memory_space<vmem>>, vector<16xi32>,
    %get3A_399 = vector.shape_cast %get3A_398 : vector<16xi32> to vector<16xi32>
    %add3A_400 = arith.addi %add3A_346, %get3A_399 : vector<16xi32>
    %sub3A_401 = arith.subi %broadcast_in_dim3A_35, %broadcast_in_dim3A_357 : vector<16xi32>
    %max3A_402 = arith.constant 0 : i32
    %max3A_403 = vector.broadcast %max3A_402 : i32 to vector<16xi32>
    %max3A_404 = arith.maxsi %sub3A_401, %max3A_403 : vector<16xi32>
    %min3A_405 = arith.constant 1 : i32
    %min3A_406 = vector.broadcast %min3A_405 : i32 to vector<16xi32>
    %min3A_407 = arith.minsi %max3A_404, %min3A_406 : vector<16xi32>
    %mul3A_408 = arith.muli %get3A_399, %min3A_407 : vector<16xi32>
    %add3A_409 = arith.addi %add3A_355, %mul3A_408 : vector<16xi32>
    %broadcast_in_dim3A_410 = arith.constant 7 : i32
    %broadcast_in_dim3A_411 = vector.broadcast %broadcast_in_dim3A_410 : i32 to vector<16xi32>
    %get3A_412 = arith.constant 448 : index
    %get3A_413 = tpu.vector_load %arg12[%get3A_412] {strides = array<i32>} : memref<1024xi32, #tpu.memory_space<vmem>>, vector<16xi32>,
    %get3A_414 = vector.shape_cast %get3A_413 : vector<16xi32> to vector<16xi32>
    %add3A_415 = arith.addi %add3A_361, %get3A_414 : vector<16xi32>
    %sub3A_416 = arith.subi %broadcast_in_dim3A_35, %broadcast_in_dim3A_411 : vector<16xi32>
    %max3A_417 = arith.constant 0 : i32
    %max3A_418 = vector.broadcast %max3A_417 : i32 to vector<16xi32>
    %max3A_419 = arith.maxsi %sub3A_416, %max3A_418 : vector<16xi32>
    %min3A_420 = arith.constant 1 : i32
    %min3A_421 = vector.broadcast %min3A_420 : i32 to vector<16xi32>
    %min3A_422 = arith.minsi %max3A_419, %min3A_421 : vector<16xi32>
    %mul3A_423 = arith.muli %get3A_414, %min3A_422 : vector<16xi32>
    %add3A_424 = arith.addi %add3A_370, %mul3A_423 : vector<16xi32>
    %get3A_425 = arith.constant 464 : index
    %get3A_426 = tpu.vector_load %arg12[%get3A_425] {strides = array<i32>} : memref<1024xi32, #tpu.memory_space<vmem>>, vector<16xi32>,
    %get3A_427 = vector.shape_cast %get3A_426 : vector<16xi32> to vector<16xi32>
    %add3A_428 = arith.addi %add3A_374, %get3A_427 : vector<16xi32>
    %sub3A_429 = arith.subi %broadcast_in_dim3A_35, %broadcast_in_dim3A_411 : vector<16xi32>
    %max3A_430 = arith.constant 0 : i32
    %max3A_431 = vector.broadcast %max3A_430 : i32 to vector<16xi32>
    %max3A_432 = arith.maxsi %sub3A_429, %max3A_431 : vector<16xi32>
    %min3A_433 = arith.constant 1 : i32
    %min3A_434 = vector.broadcast %min3A_433 : i32 to vector<16xi32>
    %min3A_435 = arith.minsi %max3A_432, %min3A_434 : vector<16xi32>
    %mul3A_436 = arith.muli %get3A_427, %min3A_435 : vector<16xi32>
    %add3A_437 = arith.addi %add3A_383, %mul3A_436 : vector<16xi32>
    %get3A_438 = arith.constant 480 : index
    %get3A_439 = tpu.vector_load %arg12[%get3A_438] {strides = array<i32>} : memref<1024xi32, #tpu.memory_space<vmem>>, vector<16xi32>,
    %get3A_440 = vector.shape_cast %get3A_439 : vector<16xi32> to vector<16xi32>
    %add3A_441 = arith.addi %add3A_387, %get3A_440 : vector<16xi32>
    %sub3A_442 = arith.subi %broadcast_in_dim3A_35, %broadcast_in_dim3A_411 : vector<16xi32>
    %max3A_443 = arith.constant 0 : i32
    %max3A_444 = vector.broadcast %max3A_443 : i32 to vector<16xi32>
    %max3A_445 = arith.maxsi %sub3A_442, %max3A_444 : vector<16xi32>
    %min3A_446 = arith.constant 1 : i32
    %min3A_447 = vector.broadcast %min3A_446 : i32 to vector<16xi32>
    %min3A_448 = arith.minsi %max3A_445, %min3A_447 : vector<16xi32>
    %mul3A_449 = arith.muli %get3A_440, %min3A_448 : vector<16xi32>
    %add3A_450 = arith.addi %add3A_396, %mul3A_449 : vector<16xi32>
    %get3A_451 = arith.constant 496 : index
    %get3A_452 = tpu.vector_load %arg12[%get3A_451] {strides = array<i32>} : memref<1024xi32, #tpu.memory_space<vmem>>, vector<16xi32>,
    %get3A_453 = vector.shape_cast %get3A_452 : vector<16xi32> to vector<16xi32>
    %add3A_454 = arith.addi %add3A_400, %get3A_453 : vector<16xi32>
    %sub3A_455 = arith.subi %broadcast_in_dim3A_35, %broadcast_in_dim3A_411 : vector<16xi32>
    %max3A_456 = arith.constant 0 : i32
    %max3A_457 = vector.broadcast %max3A_456 : i32 to vector<16xi32>
    %max3A_458 = arith.maxsi %sub3A_455, %max3A_457 : vector<16xi32>
    %min3A_459 = arith.constant 1 : i32
    %min3A_460 = vector.broadcast %min3A_459 : i32 to vector<16xi32>
    %min3A_461 = arith.minsi %max3A_458, %min3A_460 : vector<16xi32>
    %mul3A_462 = arith.muli %get3A_453, %min3A_461 : vector<16xi32>
    %add3A_463 = arith.addi %add3A_409, %mul3A_462 : vector<16xi32>
    %broadcast_in_dim3A_464 = arith.constant 8 : i32
    %broadcast_in_dim3A_465 = vector.broadcast %broadcast_in_dim3A_464 : i32 to vector<16xi32>
    %get3A_466 = arith.constant 512 : index
    %get3A_467 = tpu.vector_load %arg12[%get3A_466] {strides = array<i32>} : memref<1024xi32, #tpu.memory_space<vmem>>, vector<16xi32>,
    %get3A_468 = vector.shape_cast %get3A_467 : vector<16xi32> to vector<16xi32>
    %add3A_469 = arith.addi %add3A_415, %get3A_468 : vector<16xi32>
    %sub3A_470 = arith.subi %broadcast_in_dim3A_35, %broadcast_in_dim3A_465 : vector<16xi32>
    %max3A_471 = arith.constant 0 : i32
    %max3A_472 = vector.broadcast %max3A_471 : i32 to vector<16xi32>
    %max3A_473 = arith.maxsi %sub3A_470, %max3A_472 : vector<16xi32>
    %min3A_474 = arith.constant 1 : i32
    %min3A_475 = vector.broadcast %min3A_474 : i32 to vector<16xi32>
    %min3A_476 = arith.minsi %max3A_473, %min3A_475 : vector<16xi32>
    %mul3A_477 = arith.muli %get3A_468, %min3A_476 : vector<16xi32>
    %add3A_478 = arith.addi %add3A_424, %mul3A_477 : vector<16xi32>
    %get3A_479 = arith.constant 528 : index
    %get3A_480 = tpu.vector_load %arg12[%get3A_479] {strides = array<i32>} : memref<1024xi32, #tpu.memory_space<vmem>>, vector<16xi32>,
    %get3A_481 = vector.shape_cast %get3A_480 : vector<16xi32> to vector<16xi32>
    %add3A_482 = arith.addi %add3A_428, %get3A_481 : vector<16xi32>
    %sub3A_483 = arith.subi %broadcast_in_dim3A_35, %broadcast_in_dim3A_465 : vector<16xi32>
    %max3A_484 = arith.constant 0 : i32
    %max3A_485 = vector.broadcast %max3A_484 : i32 to vector<16xi32>
    %max3A_486 = arith.maxsi %sub3A_483, %max3A_485 : vector<16xi32>
    %min3A_487 = arith.constant 1 : i32
    %min3A_488 = vector.broadcast %min3A_487 : i32 to vector<16xi32>
    %min3A_489 = arith.minsi %max3A_486, %min3A_488 : vector<16xi32>
    %mul3A_490 = arith.muli %get3A_481, %min3A_489 : vector<16xi32>
    %add3A_491 = arith.addi %add3A_437, %mul3A_490 : vector<16xi32>
    %get3A_492 = arith.constant 544 : index
    %get3A_493 = tpu.vector_load %arg12[%get3A_492] {strides = array<i32>} : memref<1024xi32, #tpu.memory_space<vmem>>, vector<16xi32>,
    %get3A_494 = vector.shape_cast %get3A_493 : vector<16xi32> to vector<16xi32>
    %add3A_495 = arith.addi %add3A_441, %get3A_494 : vector<16xi32>
    %sub3A_496 = arith.subi %broadcast_in_dim3A_35, %broadcast_in_dim3A_465 : vector<16xi32>
    %max3A_497 = arith.constant 0 : i32
    %max3A_498 = vector.broadcast %max3A_497 : i32 to vector<16xi32>
    %max3A_499 = arith.maxsi %sub3A_496, %max3A_498 : vector<16xi32>
    %min3A_500 = arith.constant 1 : i32
    %min3A_501 = vector.broadcast %min3A_500 : i32 to vector<16xi32>
    %min3A_502 = arith.minsi %max3A_499, %min3A_501 : vector<16xi32>
    %mul3A_503 = arith.muli %get3A_494, %min3A_502 : vector<16xi32>
    %add3A_504 = arith.addi %add3A_450, %mul3A_503 : vector<16xi32>
    %get3A_505 = arith.constant 560 : index
    %get3A_506 = tpu.vector_load %arg12[%get3A_505] {strides = array<i32>} : memref<1024xi32, #tpu.memory_space<vmem>>, vector<16xi32>,
    %get3A_507 = vector.shape_cast %get3A_506 : vector<16xi32> to vector<16xi32>
    %add3A_508 = arith.addi %add3A_454, %get3A_507 : vector<16xi32>
    %sub3A_509 = arith.subi %broadcast_in_dim3A_35, %broadcast_in_dim3A_465 : vector<16xi32>
    %max3A_510 = arith.constant 0 : i32
    %max3A_511 = vector.broadcast %max3A_510 : i32 to vector<16xi32>
    %max3A_512 = arith.maxsi %sub3A_509, %max3A_511 : vector<16xi32>
    %min3A_513 = arith.constant 1 : i32
    %min3A_514 = vector.broadcast %min3A_513 : i32 to vector<16xi32>
    %min3A_515 = arith.minsi %max3A_512, %min3A_514 : vector<16xi32>
    %mul3A_516 = arith.muli %get3A_507, %min3A_515 : vector<16xi32>
    %add3A_517 = arith.addi %add3A_463, %mul3A_516 : vector<16xi32>
    %broadcast_in_dim3A_518 = arith.constant 9 : i32
    %broadcast_in_dim3A_519 = vector.broadcast %broadcast_in_dim3A_518 : i32 to vector<16xi32>
    %get3A_520 = arith.constant 576 : index
    %get3A_521 = tpu.vector_load %arg12[%get3A_520] {strides = array<i32>} : memref<1024xi32, #tpu.memory_space<vmem>>, vector<16xi32>,
    %get3A_522 = vector.shape_cast %get3A_521 : vector<16xi32> to vector<16xi32>
    %add3A_523 = arith.addi %add3A_469, %get3A_522 : vector<16xi32>
    %sub3A_524 = arith.subi %broadcast_in_dim3A_35, %broadcast_in_dim3A_519 : vector<16xi32>
    %max3A_525 = arith.constant 0 : i32
    %max3A_526 = vector.broadcast %max3A_525 : i32 to vector<16xi32>
    %max3A_527 = arith.maxsi %sub3A_524, %max3A_526 : vector<16xi32>
    %min3A_528 = arith.constant 1 : i32
    %min3A_529 = vector.broadcast %min3A_528 : i32 to vector<16xi32>
    %min3A_530 = arith.minsi %max3A_527, %min3A_529 : vector<16xi32>
    %mul3A_531 = arith.muli %get3A_522, %min3A_530 : vector<16xi32>
    %add3A_532 = arith.addi %add3A_478, %mul3A_531 : vector<16xi32>
    %get3A_533 = arith.constant 592 : index
    %get3A_534 = tpu.vector_load %arg12[%get3A_533] {strides = array<i32>} : memref<1024xi32, #tpu.memory_space<vmem>>, vector<16xi32>,
    %get3A_535 = vector.shape_cast %get3A_534 : vector<16xi32> to vector<16xi32>
    %add3A_536 = arith.addi %add3A_482, %get3A_535 : vector<16xi32>
    %sub3A_537 = arith.subi %broadcast_in_dim3A_35, %broadcast_in_dim3A_519 : vector<16xi32>
    %max3A_538 = arith.constant 0 : i32
    %max3A_539 = vector.broadcast %max3A_538 : i32 to vector<16xi32>
    %max3A_540 = arith.maxsi %sub3A_537, %max3A_539 : vector<16xi32>
    %min3A_541 = arith.constant 1 : i32
    %min3A_542 = vector.broadcast %min3A_541 : i32 to vector<16xi32>
    %min3A_543 = arith.minsi %max3A_540, %min3A_542 : vector<16xi32>
    %mul3A_544 = arith.muli %get3A_535, %min3A_543 : vector<16xi32>
    %add3A_545 = arith.addi %add3A_491, %mul3A_544 : vector<16xi32>
    %get3A_546 = arith.constant 608 : index
    %get3A_547 = tpu.vector_load %arg12[%get3A_546] {strides = array<i32>} : memref<1024xi32, #tpu.memory_space<vmem>>, vector<16xi32>,
    %get3A_548 = vector.shape_cast %get3A_547 : vector<16xi32> to vector<16xi32>
    %add3A_549 = arith.addi %add3A_495, %get3A_548 : vector<16xi32>
    %sub3A_550 = arith.subi %broadcast_in_dim3A_35, %broadcast_in_dim3A_519 : vector<16xi32>
    %max3A_551 = arith.constant 0 : i32
    %max3A_552 = vector.broadcast %max3A_551 : i32 to vector<16xi32>
    %max3A_553 = arith.maxsi %sub3A_550, %max3A_552 : vector<16xi32>
    %min3A_554 = arith.constant 1 : i32
    %min3A_555 = vector.broadcast %min3A_554 : i32 to vector<16xi32>
    %min3A_556 = arith.minsi %max3A_553, %min3A_555 : vector<16xi32>
    %mul3A_557 = arith.muli %get3A_548, %min3A_556 : vector<16xi32>
    %add3A_558 = arith.addi %add3A_504, %mul3A_557 : vector<16xi32>
    %get3A_559 = arith.constant 624 : index
    %get3A_560 = tpu.vector_load %arg12[%get3A_559] {strides = array<i32>} : memref<1024xi32, #tpu.memory_space<vmem>>, vector<16xi32>,
    %get3A_561 = vector.shape_cast %get3A_560 : vector<16xi32> to vector<16xi32>
    %add3A_562 = arith.addi %add3A_508, %get3A_561 : vector<16xi32>
    %sub3A_563 = arith.subi %broadcast_in_dim3A_35, %broadcast_in_dim3A_519 : vector<16xi32>
    %max3A_564 = arith.constant 0 : i32
    %max3A_565 = vector.broadcast %max3A_564 : i32 to vector<16xi32>
    %max3A_566 = arith.maxsi %sub3A_563, %max3A_565 : vector<16xi32>
    %min3A_567 = arith.constant 1 : i32
    %min3A_568 = vector.broadcast %min3A_567 : i32 to vector<16xi32>
    %min3A_569 = arith.minsi %max3A_566, %min3A_568 : vector<16xi32>
    %mul3A_570 = arith.muli %get3A_561, %min3A_569 : vector<16xi32>
    %add3A_571 = arith.addi %add3A_517, %mul3A_570 : vector<16xi32>
    %broadcast_in_dim3A_572 = arith.constant 10 : i32
    %broadcast_in_dim3A_573 = vector.broadcast %broadcast_in_dim3A_572 : i32 to vector<16xi32>
    %get3A_574 = arith.constant 640 : index
    %get3A_575 = tpu.vector_load %arg12[%get3A_574] {strides = array<i32>} : memref<1024xi32, #tpu.memory_space<vmem>>, vector<16xi32>,
    %get3A_576 = vector.shape_cast %get3A_575 : vector<16xi32> to vector<16xi32>
    %add3A_577 = arith.addi %add3A_523, %get3A_576 : vector<16xi32>
    %sub3A_578 = arith.subi %broadcast_in_dim3A_35, %broadcast_in_dim3A_573 : vector<16xi32>
    %max3A_579 = arith.constant 0 : i32
    %max3A_580 = vector.broadcast %max3A_579 : i32 to vector<16xi32>
    %max3A_581 = arith.maxsi %sub3A_578, %max3A_580 : vector<16xi32>
    %min3A_582 = arith.constant 1 : i32
    %min3A_583 = vector.broadcast %min3A_582 : i32 to vector<16xi32>
    %min3A_584 = arith.minsi %max3A_581, %min3A_583 : vector<16xi32>
    %mul3A_585 = arith.muli %get3A_576, %min3A_584 : vector<16xi32>
    %add3A_586 = arith.addi %add3A_532, %mul3A_585 : vector<16xi32>
    %get3A_587 = arith.constant 656 : index
    %get3A_588 = tpu.vector_load %arg12[%get3A_587] {strides = array<i32>} : memref<1024xi32, #tpu.memory_space<vmem>>, vector<16xi32>,
    %get3A_589 = vector.shape_cast %get3A_588 : vector<16xi32> to vector<16xi32>
    %add3A_590 = arith.addi %add3A_536, %get3A_589 : vector<16xi32>
    %sub3A_591 = arith.subi %broadcast_in_dim3A_35, %broadcast_in_dim3A_573 : vector<16xi32>
    %max3A_592 = arith.constant 0 : i32
    %max3A_593 = vector.broadcast %max3A_592 : i32 to vector<16xi32>
    %max3A_594 = arith.maxsi %sub3A_591, %max3A_593 : vector<16xi32>
    %min3A_595 = arith.constant 1 : i32
    %min3A_596 = vector.broadcast %min3A_595 : i32 to vector<16xi32>
    %min3A_597 = arith.minsi %max3A_594, %min3A_596 : vector<16xi32>
    %mul3A_598 = arith.muli %get3A_589, %min3A_597 : vector<16xi32>
    %add3A_599 = arith.addi %add3A_545, %mul3A_598 : vector<16xi32>
    %get3A_600 = arith.constant 672 : index
    %get3A_601 = tpu.vector_load %arg12[%get3A_600] {strides = array<i32>} : memref<1024xi32, #tpu.memory_space<vmem>>, vector<16xi32>,
    %get3A_602 = vector.shape_cast %get3A_601 : vector<16xi32> to vector<16xi32>
    %add3A_603 = arith.addi %add3A_549, %get3A_602 : vector<16xi32>
    %sub3A_604 = arith.subi %broadcast_in_dim3A_35, %broadcast_in_dim3A_573 : vector<16xi32>
    %max3A_605 = arith.constant 0 : i32
    %max3A_606 = vector.broadcast %max3A_605 : i32 to vector<16xi32>
    %max3A_607 = arith.maxsi %sub3A_604, %max3A_606 : vector<16xi32>
    %min3A_608 = arith.constant 1 : i32
    %min3A_609 = vector.broadcast %min3A_608 : i32 to vector<16xi32>
    %min3A_610 = arith.minsi %max3A_607, %min3A_609 : vector<16xi32>
    %mul3A_611 = arith.muli %get3A_602, %min3A_610 : vector<16xi32>
    %add3A_612 = arith.addi %add3A_558, %mul3A_611 : vector<16xi32>
    %get3A_613 = arith.constant 688 : index
    %get3A_614 = tpu.vector_load %arg12[%get3A_613] {strides = array<i32>} : memref<1024xi32, #tpu.memory_space<vmem>>, vector<16xi32>,
    %get3A_615 = vector.shape_cast %get3A_614 : vector<16xi32> to vector<16xi32>
    %add3A_616 = arith.addi %add3A_562, %get3A_615 : vector<16xi32>
    %sub3A_617 = arith.subi %broadcast_in_dim3A_35, %broadcast_in_dim3A_573 : vector<16xi32>
    %max3A_618 = arith.constant 0 : i32
    %max3A_619 = vector.broadcast %max3A_618 : i32 to vector<16xi32>
    %max3A_620 = arith.maxsi %sub3A_617, %max3A_619 : vector<16xi32>
    %min3A_621 = arith.constant 1 : i32
    %min3A_622 = vector.broadcast %min3A_621 : i32 to vector<16xi32>
    %min3A_623 = arith.minsi %max3A_620, %min3A_622 : vector<16xi32>
    %mul3A_624 = arith.muli %get3A_615, %min3A_623 : vector<16xi32>
    %add3A_625 = arith.addi %add3A_571, %mul3A_624 : vector<16xi32>
    %broadcast_in_dim3A_626 = arith.constant 11 : i32
    %broadcast_in_dim3A_627 = vector.broadcast %broadcast_in_dim3A_626 : i32 to vector<16xi32>
    %get3A_628 = arith.constant 704 : index
    %get3A_629 = tpu.vector_load %arg12[%get3A_628] {strides = array<i32>} : memref<1024xi32, #tpu.memory_space<vmem>>, vector<16xi32>,
    %get3A_630 = vector.shape_cast %get3A_629 : vector<16xi32> to vector<16xi32>
    %add3A_631 = arith.addi %add3A_577, %get3A_630 : vector<16xi32>
    %sub3A_632 = arith.subi %broadcast_in_dim3A_35, %broadcast_in_dim3A_627 : vector<16xi32>
    %max3A_633 = arith.constant 0 : i32
    %max3A_634 = vector.broadcast %max3A_633 : i32 to vector<16xi32>
    %max3A_635 = arith.maxsi %sub3A_632, %max3A_634 : vector<16xi32>
    %min3A_636 = arith.constant 1 : i32
    %min3A_637 = vector.broadcast %min3A_636 : i32 to vector<16xi32>
    %min3A_638 = arith.minsi %max3A_635, %min3A_637 : vector<16xi32>
    %mul3A_639 = arith.muli %get3A_630, %min3A_638 : vector<16xi32>
    %add3A_640 = arith.addi %add3A_586, %mul3A_639 : vector<16xi32>
    %get3A_641 = arith.constant 720 : index
    %get3A_642 = tpu.vector_load %arg12[%get3A_641] {strides = array<i32>} : memref<1024xi32, #tpu.memory_space<vmem>>, vector<16xi32>,
    %get3A_643 = vector.shape_cast %get3A_642 : vector<16xi32> to vector<16xi32>
    %add3A_644 = arith.addi %add3A_590, %get3A_643 : vector<16xi32>
    %sub3A_645 = arith.subi %broadcast_in_dim3A_35, %broadcast_in_dim3A_627 : vector<16xi32>
    %max3A_646 = arith.constant 0 : i32
    %max3A_647 = vector.broadcast %max3A_646 : i32 to vector<16xi32>
    %max3A_648 = arith.maxsi %sub3A_645, %max3A_647 : vector<16xi32>
    %min3A_649 = arith.constant 1 : i32
    %min3A_650 = vector.broadcast %min3A_649 : i32 to vector<16xi32>
    %min3A_651 = arith.minsi %max3A_648, %min3A_650 : vector<16xi32>
    %mul3A_652 = arith.muli %get3A_643, %min3A_651 : vector<16xi32>
    %add3A_653 = arith.addi %add3A_599, %mul3A_652 : vector<16xi32>
    %get3A_654 = arith.constant 736 : index
    %get3A_655 = tpu.vector_load %arg12[%get3A_654] {strides = array<i32>} : memref<1024xi32, #tpu.memory_space<vmem>>, vector<16xi32>,
    %get3A_656 = vector.shape_cast %get3A_655 : vector<16xi32> to vector<16xi32>
    %add3A_657 = arith.addi %add3A_603, %get3A_656 : vector<16xi32>
    %sub3A_658 = arith.subi %broadcast_in_dim3A_35, %broadcast_in_dim3A_627 : vector<16xi32>
    %max3A_659 = arith.constant 0 : i32
    %max3A_660 = vector.broadcast %max3A_659 : i32 to vector<16xi32>
    %max3A_661 = arith.maxsi %sub3A_658, %max3A_660 : vector<16xi32>
    %min3A_662 = arith.constant 1 : i32
    %min3A_663 = vector.broadcast %min3A_662 : i32 to vector<16xi32>
    %min3A_664 = arith.minsi %max3A_661, %min3A_663 : vector<16xi32>
    %mul3A_665 = arith.muli %get3A_656, %min3A_664 : vector<16xi32>
    %add3A_666 = arith.addi %add3A_612, %mul3A_665 : vector<16xi32>
    %get3A_667 = arith.constant 752 : index
    %get3A_668 = tpu.vector_load %arg12[%get3A_667] {strides = array<i32>} : memref<1024xi32, #tpu.memory_space<vmem>>, vector<16xi32>,
    %get3A_669 = vector.shape_cast %get3A_668 : vector<16xi32> to vector<16xi32>
    %add3A_670 = arith.addi %add3A_616, %get3A_669 : vector<16xi32>
    %sub3A_671 = arith.subi %broadcast_in_dim3A_35, %broadcast_in_dim3A_627 : vector<16xi32>
    %max3A_672 = arith.constant 0 : i32
    %max3A_673 = vector.broadcast %max3A_672 : i32 to vector<16xi32>
    %max3A_674 = arith.maxsi %sub3A_671, %max3A_673 : vector<16xi32>
    %min3A_675 = arith.constant 1 : i32
    %min3A_676 = vector.broadcast %min3A_675 : i32 to vector<16xi32>
    %min3A_677 = arith.minsi %max3A_674, %min3A_676 : vector<16xi32>
    %mul3A_678 = arith.muli %get3A_669, %min3A_677 : vector<16xi32>
    %add3A_679 = arith.addi %add3A_625, %mul3A_678 : vector<16xi32>
    %broadcast_in_dim3A_680 = arith.constant 12 : i32
    %broadcast_in_dim3A_681 = vector.broadcast %broadcast_in_dim3A_680 : i32 to vector<16xi32>
    %get3A_682 = arith.constant 768 : index
    %get3A_683 = tpu.vector_load %arg12[%get3A_682] {strides = array<i32>} : memref<1024xi32, #tpu.memory_space<vmem>>, vector<16xi32>,
    %get3A_684 = vector.shape_cast %get3A_683 : vector<16xi32> to vector<16xi32>
    %add3A_685 = arith.addi %add3A_631, %get3A_684 : vector<16xi32>
    %sub3A_686 = arith.subi %broadcast_in_dim3A_35, %broadcast_in_dim3A_681 : vector<16xi32>
    %max3A_687 = arith.constant 0 : i32
    %max3A_688 = vector.broadcast %max3A_687 : i32 to vector<16xi32>
    %max3A_689 = arith.maxsi %sub3A_686, %max3A_688 : vector<16xi32>
    %min3A_690 = arith.constant 1 : i32
    %min3A_691 = vector.broadcast %min3A_690 : i32 to vector<16xi32>
    %min3A_692 = arith.minsi %max3A_689, %min3A_691 : vector<16xi32>
    %mul3A_693 = arith.muli %get3A_684, %min3A_692 : vector<16xi32>
    %add3A_694 = arith.addi %add3A_640, %mul3A_693 : vector<16xi32>
    %get3A_695 = arith.constant 784 : index
    %get3A_696 = tpu.vector_load %arg12[%get3A_695] {strides = array<i32>} : memref<1024xi32, #tpu.memory_space<vmem>>, vector<16xi32>,
    %get3A_697 = vector.shape_cast %get3A_696 : vector<16xi32> to vector<16xi32>
    %add3A_698 = arith.addi %add3A_644, %get3A_697 : vector<16xi32>
    %sub3A_699 = arith.subi %broadcast_in_dim3A_35, %broadcast_in_dim3A_681 : vector<16xi32>
    %max3A_700 = arith.constant 0 : i32
    %max3A_701 = vector.broadcast %max3A_700 : i32 to vector<16xi32>
    %max3A_702 = arith.maxsi %sub3A_699, %max3A_701 : vector<16xi32>
    %min3A_703 = arith.constant 1 : i32
    %min3A_704 = vector.broadcast %min3A_703 : i32 to vector<16xi32>
    %min3A_705 = arith.minsi %max3A_702, %min3A_704 : vector<16xi32>
    %mul3A_706 = arith.muli %get3A_697, %min3A_705 : vector<16xi32>
    %add3A_707 = arith.addi %add3A_653, %mul3A_706 : vector<16xi32>
    %get3A_708 = arith.constant 800 : index
    %get3A_709 = tpu.vector_load %arg12[%get3A_708] {strides = array<i32>} : memref<1024xi32, #tpu.memory_space<vmem>>, vector<16xi32>,
    %get3A_710 = vector.shape_cast %get3A_709 : vector<16xi32> to vector<16xi32>
    %add3A_711 = arith.addi %add3A_657, %get3A_710 : vector<16xi32>
    %sub3A_712 = arith.subi %broadcast_in_dim3A_35, %broadcast_in_dim3A_681 : vector<16xi32>
    %max3A_713 = arith.constant 0 : i32
    %max3A_714 = vector.broadcast %max3A_713 : i32 to vector<16xi32>
    %max3A_715 = arith.maxsi %sub3A_712, %max3A_714 : vector<16xi32>
    %min3A_716 = arith.constant 1 : i32
    %min3A_717 = vector.broadcast %min3A_716 : i32 to vector<16xi32>
    %min3A_718 = arith.minsi %max3A_715, %min3A_717 : vector<16xi32>
    %mul3A_719 = arith.muli %get3A_710, %min3A_718 : vector<16xi32>
    %add3A_720 = arith.addi %add3A_666, %mul3A_719 : vector<16xi32>
    %get3A_721 = arith.constant 816 : index
    %get3A_722 = tpu.vector_load %arg12[%get3A_721] {strides = array<i32>} : memref<1024xi32, #tpu.memory_space<vmem>>, vector<16xi32>,
    %get3A_723 = vector.shape_cast %get3A_722 : vector<16xi32> to vector<16xi32>
    %add3A_724 = arith.addi %add3A_670, %get3A_723 : vector<16xi32>
    %sub3A_725 = arith.subi %broadcast_in_dim3A_35, %broadcast_in_dim3A_681 : vector<16xi32>
    %max3A_726 = arith.constant 0 : i32
    %max3A_727 = vector.broadcast %max3A_726 : i32 to vector<16xi32>
    %max3A_728 = arith.maxsi %sub3A_725, %max3A_727 : vector<16xi32>
    %min3A_729 = arith.constant 1 : i32
    %min3A_730 = vector.broadcast %min3A_729 : i32 to vector<16xi32>
    %min3A_731 = arith.minsi %max3A_728, %min3A_730 : vector<16xi32>
    %mul3A_732 = arith.muli %get3A_723, %min3A_731 : vector<16xi32>
    %add3A_733 = arith.addi %add3A_679, %mul3A_732 : vector<16xi32>
    %broadcast_in_dim3A_734 = arith.constant 13 : i32
    %broadcast_in_dim3A_735 = vector.broadcast %broadcast_in_dim3A_734 : i32 to vector<16xi32>
    %get3A_736 = arith.constant 832 : index
    %get3A_737 = tpu.vector_load %arg12[%get3A_736] {strides = array<i32>} : memref<1024xi32, #tpu.memory_space<vmem>>, vector<16xi32>,
    %get3A_738 = vector.shape_cast %get3A_737 : vector<16xi32> to vector<16xi32>
    %add3A_739 = arith.addi %add3A_685, %get3A_738 : vector<16xi32>
    %sub3A_740 = arith.subi %broadcast_in_dim3A_35, %broadcast_in_dim3A_735 : vector<16xi32>
    %max3A_741 = arith.constant 0 : i32
    %max3A_742 = vector.broadcast %max3A_741 : i32 to vector<16xi32>
    %max3A_743 = arith.maxsi %sub3A_740, %max3A_742 : vector<16xi32>
    %min3A_744 = arith.constant 1 : i32
    %min3A_745 = vector.broadcast %min3A_744 : i32 to vector<16xi32>
    %min3A_746 = arith.minsi %max3A_743, %min3A_745 : vector<16xi32>
    %mul3A_747 = arith.muli %get3A_738, %min3A_746 : vector<16xi32>
    %add3A_748 = arith.addi %add3A_694, %mul3A_747 : vector<16xi32>
    %get3A_749 = arith.constant 848 : index
    %get3A_750 = tpu.vector_load %arg12[%get3A_749] {strides = array<i32>} : memref<1024xi32, #tpu.memory_space<vmem>>, vector<16xi32>,
    %get3A_751 = vector.shape_cast %get3A_750 : vector<16xi32> to vector<16xi32>
    %add3A_752 = arith.addi %add3A_698, %get3A_751 : vector<16xi32>
    %sub3A_753 = arith.subi %broadcast_in_dim3A_35, %broadcast_in_dim3A_735 : vector<16xi32>
    %max3A_754 = arith.constant 0 : i32
    %max3A_755 = vector.broadcast %max3A_754 : i32 to vector<16xi32>
    %max3A_756 = arith.maxsi %sub3A_753, %max3A_755 : vector<16xi32>
    %min3A_757 = arith.constant 1 : i32
    %min3A_758 = vector.broadcast %min3A_757 : i32 to vector<16xi32>
    %min3A_759 = arith.minsi %max3A_756, %min3A_758 : vector<16xi32>
    %mul3A_760 = arith.muli %get3A_751, %min3A_759 : vector<16xi32>
    %add3A_761 = arith.addi %add3A_707, %mul3A_760 : vector<16xi32>
    %get3A_762 = arith.constant 864 : index
    %get3A_763 = tpu.vector_load %arg12[%get3A_762] {strides = array<i32>} : memref<1024xi32, #tpu.memory_space<vmem>>, vector<16xi32>,
    %get3A_764 = vector.shape_cast %get3A_763 : vector<16xi32> to vector<16xi32>
    %add3A_765 = arith.addi %add3A_711, %get3A_764 : vector<16xi32>
    %sub3A_766 = arith.subi %broadcast_in_dim3A_35, %broadcast_in_dim3A_735 : vector<16xi32>
    %max3A_767 = arith.constant 0 : i32
    %max3A_768 = vector.broadcast %max3A_767 : i32 to vector<16xi32>
    %max3A_769 = arith.maxsi %sub3A_766, %max3A_768 : vector<16xi32>
    %min3A_770 = arith.constant 1 : i32
    %min3A_771 = vector.broadcast %min3A_770 : i32 to vector<16xi32>
    %min3A_772 = arith.minsi %max3A_769, %min3A_771 : vector<16xi32>
    %mul3A_773 = arith.muli %get3A_764, %min3A_772 : vector<16xi32>
    %add3A_774 = arith.addi %add3A_720, %mul3A_773 : vector<16xi32>
    %get3A_775 = arith.constant 880 : index
    %get3A_776 = tpu.vector_load %arg12[%get3A_775] {strides = array<i32>} : memref<1024xi32, #tpu.memory_space<vmem>>, vector<16xi32>,
    %get3A_777 = vector.shape_cast %get3A_776 : vector<16xi32> to vector<16xi32>
    %add3A_778 = arith.addi %add3A_724, %get3A_777 : vector<16xi32>
    %sub3A_779 = arith.subi %broadcast_in_dim3A_35, %broadcast_in_dim3A_735 : vector<16xi32>
    %max3A_780 = arith.constant 0 : i32
    %max3A_781 = vector.broadcast %max3A_780 : i32 to vector<16xi32>
    %max3A_782 = arith.maxsi %sub3A_779, %max3A_781 : vector<16xi32>
    %min3A_783 = arith.constant 1 : i32
    %min3A_784 = vector.broadcast %min3A_783 : i32 to vector<16xi32>
    %min3A_785 = arith.minsi %max3A_782, %min3A_784 : vector<16xi32>
    %mul3A_786 = arith.muli %get3A_777, %min3A_785 : vector<16xi32>
    %add3A_787 = arith.addi %add3A_733, %mul3A_786 : vector<16xi32>
    %broadcast_in_dim3A_788 = arith.constant 14 : i32
    %broadcast_in_dim3A_789 = vector.broadcast %broadcast_in_dim3A_788 : i32 to vector<16xi32>
    %get3A_790 = arith.constant 896 : index
    %get3A_791 = tpu.vector_load %arg12[%get3A_790] {strides = array<i32>} : memref<1024xi32, #tpu.memory_space<vmem>>, vector<16xi32>,
    %get3A_792 = vector.shape_cast %get3A_791 : vector<16xi32> to vector<16xi32>
    %add3A_793 = arith.addi %add3A_739, %get3A_792 : vector<16xi32>
    %sub3A_794 = arith.subi %broadcast_in_dim3A_35, %broadcast_in_dim3A_789 : vector<16xi32>
    %max3A_795 = arith.constant 0 : i32
    %max3A_796 = vector.broadcast %max3A_795 : i32 to vector<16xi32>
    %max3A_797 = arith.maxsi %sub3A_794, %max3A_796 : vector<16xi32>
    %min3A_798 = arith.constant 1 : i32
    %min3A_799 = vector.broadcast %min3A_798 : i32 to vector<16xi32>
    %min3A_800 = arith.minsi %max3A_797, %min3A_799 : vector<16xi32>
    %mul3A_801 = arith.muli %get3A_792, %min3A_800 : vector<16xi32>
    %add3A_802 = arith.addi %add3A_748, %mul3A_801 : vector<16xi32>
    %get3A_803 = arith.constant 912 : index
    %get3A_804 = tpu.vector_load %arg12[%get3A_803] {strides = array<i32>} : memref<1024xi32, #tpu.memory_space<vmem>>, vector<16xi32>,
    %get3A_805 = vector.shape_cast %get3A_804 : vector<16xi32> to vector<16xi32>
    %add3A_806 = arith.addi %add3A_752, %get3A_805 : vector<16xi32>
    %sub3A_807 = arith.subi %broadcast_in_dim3A_35, %broadcast_in_dim3A_789 : vector<16xi32>
    %max3A_808 = arith.constant 0 : i32
    %max3A_809 = vector.broadcast %max3A_808 : i32 to vector<16xi32>
    %max3A_810 = arith.maxsi %sub3A_807, %max3A_809 : vector<16xi32>
    %min3A_811 = arith.constant 1 : i32
    %min3A_812 = vector.broadcast %min3A_811 : i32 to vector<16xi32>
    %min3A_813 = arith.minsi %max3A_810, %min3A_812 : vector<16xi32>
    %mul3A_814 = arith.muli %get3A_805, %min3A_813 : vector<16xi32>
    %add3A_815 = arith.addi %add3A_761, %mul3A_814 : vector<16xi32>
    %get3A_816 = arith.constant 928 : index
    %get3A_817 = tpu.vector_load %arg12[%get3A_816] {strides = array<i32>} : memref<1024xi32, #tpu.memory_space<vmem>>, vector<16xi32>,
    %get3A_818 = vector.shape_cast %get3A_817 : vector<16xi32> to vector<16xi32>
    %add3A_819 = arith.addi %add3A_765, %get3A_818 : vector<16xi32>
    %sub3A_820 = arith.subi %broadcast_in_dim3A_35, %broadcast_in_dim3A_789 : vector<16xi32>
    %max3A_821 = arith.constant 0 : i32
    %max3A_822 = vector.broadcast %max3A_821 : i32 to vector<16xi32>
    %max3A_823 = arith.maxsi %sub3A_820, %max3A_822 : vector<16xi32>
    %min3A_824 = arith.constant 1 : i32
    %min3A_825 = vector.broadcast %min3A_824 : i32 to vector<16xi32>
    %min3A_826 = arith.minsi %max3A_823, %min3A_825 : vector<16xi32>
    %mul3A_827 = arith.muli %get3A_818, %min3A_826 : vector<16xi32>
    %add3A_828 = arith.addi %add3A_774, %mul3A_827 : vector<16xi32>
    %get3A_829 = arith.constant 944 : index
    %get3A_830 = tpu.vector_load %arg12[%get3A_829] {strides = array<i32>} : memref<1024xi32, #tpu.memory_space<vmem>>, vector<16xi32>,
    %get3A_831 = vector.shape_cast %get3A_830 : vector<16xi32> to vector<16xi32>
    %add3A_832 = arith.addi %add3A_778, %get3A_831 : vector<16xi32>
    %sub3A_833 = arith.subi %broadcast_in_dim3A_35, %broadcast_in_dim3A_789 : vector<16xi32>
    %max3A_834 = arith.constant 0 : i32
    %max3A_835 = vector.broadcast %max3A_834 : i32 to vector<16xi32>
    %max3A_836 = arith.maxsi %sub3A_833, %max3A_835 : vector<16xi32>
    %min3A_837 = arith.constant 1 : i32
    %min3A_838 = vector.broadcast %min3A_837 : i32 to vector<16xi32>
    %min3A_839 = arith.minsi %max3A_836, %min3A_838 : vector<16xi32>
    %mul3A_840 = arith.muli %get3A_831, %min3A_839 : vector<16xi32>
    %add3A_841 = arith.addi %add3A_787, %mul3A_840 : vector<16xi32>
    %broadcast_in_dim3A_842 = arith.constant 15 : i32
    %broadcast_in_dim3A_843 = vector.broadcast %broadcast_in_dim3A_842 : i32 to vector<16xi32>
    %get3A_844 = arith.constant 960 : index
    %get3A_845 = tpu.vector_load %arg12[%get3A_844] {strides = array<i32>} : memref<1024xi32, #tpu.memory_space<vmem>>, vector<16xi32>,
    %get3A_846 = vector.shape_cast %get3A_845 : vector<16xi32> to vector<16xi32>
    %add3A_847 = arith.addi %add3A_793, %get3A_846 : vector<16xi32>
    %sub3A_848 = arith.subi %broadcast_in_dim3A_35, %broadcast_in_dim3A_843 : vector<16xi32>
    %max3A_849 = arith.constant 0 : i32
    %max3A_850 = vector.broadcast %max3A_849 : i32 to vector<16xi32>
    %max3A_851 = arith.maxsi %sub3A_848, %max3A_850 : vector<16xi32>
    %min3A_852 = arith.constant 1 : i32
    %min3A_853 = vector.broadcast %min3A_852 : i32 to vector<16xi32>
    %min3A_854 = arith.minsi %max3A_851, %min3A_853 : vector<16xi32>
    %mul3A_855 = arith.muli %get3A_846, %min3A_854 : vector<16xi32>
    %add3A_856 = arith.addi %add3A_802, %mul3A_855 : vector<16xi32>
    %get3A_857 = arith.constant 976 : index
    %get3A_858 = tpu.vector_load %arg12[%get3A_857] {strides = array<i32>} : memref<1024xi32, #tpu.memory_space<vmem>>, vector<16xi32>,
    %get3A_859 = vector.shape_cast %get3A_858 : vector<16xi32> to vector<16xi32>
    %add3A_860 = arith.addi %add3A_806, %get3A_859 : vector<16xi32>
    %sub3A_861 = arith.subi %broadcast_in_dim3A_35, %broadcast_in_dim3A_843 : vector<16xi32>
    %max3A_862 = arith.constant 0 : i32
    %max3A_863 = vector.broadcast %max3A_862 : i32 to vector<16xi32>
    %max3A_864 = arith.maxsi %sub3A_861, %max3A_863 : vector<16xi32>
    %min3A_865 = arith.constant 1 : i32
    %min3A_866 = vector.broadcast %min3A_865 : i32 to vector<16xi32>
    %min3A_867 = arith.minsi %max3A_864, %min3A_866 : vector<16xi32>
    %mul3A_868 = arith.muli %get3A_859, %min3A_867 : vector<16xi32>
    %add3A_869 = arith.addi %add3A_815, %mul3A_868 : vector<16xi32>
    %get3A_870 = arith.constant 992 : index
    %get3A_871 = tpu.vector_load %arg12[%get3A_870] {strides = array<i32>} : memref<1024xi32, #tpu.memory_space<vmem>>, vector<16xi32>,
    %get3A_872 = vector.shape_cast %get3A_871 : vector<16xi32> to vector<16xi32>
    %add3A_873 = arith.addi %add3A_819, %get3A_872 : vector<16xi32>
    %sub3A_874 = arith.subi %broadcast_in_dim3A_35, %broadcast_in_dim3A_843 : vector<16xi32>
    %max3A_875 = arith.constant 0 : i32
    %max3A_876 = vector.broadcast %max3A_875 : i32 to vector<16xi32>
    %max3A_877 = arith.maxsi %sub3A_874, %max3A_876 : vector<16xi32>
    %min3A_878 = arith.constant 1 : i32
    %min3A_879 = vector.broadcast %min3A_878 : i32 to vector<16xi32>
    %min3A_880 = arith.minsi %max3A_877, %min3A_879 : vector<16xi32>
    %mul3A_881 = arith.muli %get3A_872, %min3A_880 : vector<16xi32>
    %add3A_882 = arith.addi %add3A_828, %mul3A_881 : vector<16xi32>
    %get3A_883 = arith.constant 1008 : index
    %get3A_884 = tpu.vector_load %arg12[%get3A_883] {strides = array<i32>} : memref<1024xi32, #tpu.memory_space<vmem>>, vector<16xi32>,
    %get3A_885 = vector.shape_cast %get3A_884 : vector<16xi32> to vector<16xi32>
    %add3A_886 = arith.addi %add3A_832, %get3A_885 : vector<16xi32>
    %sub3A_887 = arith.subi %broadcast_in_dim3A_35, %broadcast_in_dim3A_843 : vector<16xi32>
    %max3A_888 = arith.constant 0 : i32
    %max3A_889 = vector.broadcast %max3A_888 : i32 to vector<16xi32>
    %max3A_890 = arith.maxsi %sub3A_887, %max3A_889 : vector<16xi32>
    %min3A_891 = arith.constant 1 : i32
    %min3A_892 = vector.broadcast %min3A_891 : i32 to vector<16xi32>
    %min3A_893 = arith.minsi %max3A_890, %min3A_892 : vector<16xi32>
    %mul3A_894 = arith.muli %get3A_885, %min3A_893 : vector<16xi32>
    %add3A_895 = arith.addi %add3A_841, %mul3A_894 : vector<16xi32>
    %broadcast_in_dim3A_896 = arith.constant 0 : i32
    %broadcast_in_dim3A_897 = vector.broadcast %broadcast_in_dim3A_896 : i32 to vector<16xi32>
    %sub3A_898 = arith.constant 1 : i32
    %sub3A_899 = vector.broadcast %sub3A_898 : i32 to vector<16xi32>
    %sub3A_900 = arith.subi %iota3A, %sub3A_899 : vector<16xi32>
    %max3A_901 = arith.constant 0 : i32
    %max3A_902 = vector.broadcast %max3A_901 : i32 to vector<16xi32>
    %max3A_903 = arith.maxsi %sub3A_900, %max3A_902 : vector<16xi32>
    %lt3A = arith.constant 0 : i32
    %lt3A_904 = vector.broadcast %lt3A : i32 to vector<16xi32>
    %lt3A_905 = arith.cmpi slt, %max3A_903, %lt3A_904 : vector<16xi32>
    %add3A_906 = arith.constant 16 : i32
    %add3A_907 = vector.broadcast %add3A_906 : i32 to vector<16xi32>
    %add3A_908 = arith.addi %max3A_903, %add3A_907 : vector<16xi32>
    %select_n3A = arith.select %lt3A_905, %add3A_908, %max3A_903 : vector<16xi1>, vector<16xi32>
    %broadcast_in_dim3A_909 = vector.shape_cast %select_n3A : vector<16xi32> to vector<16x1xi32>
    %gather3A = vector.shape_cast %broadcast_in_dim3A_909 : vector<16x1xi32> to vector<16xi32>
    %gather3A_910 = tpu.dynamic_gather %add3A_847[%gather3A] in [0] : vector<16xi32>, vector<16xi32> -> vector<16xi32>
    %ge3A = arith.constant 1 : i32
    %ge3A_911 = vector.broadcast %ge3A : i32 to vector<16xi32>
    %ge3A_912 = arith.cmpi sge, %iota3A, %ge3A_911 : vector<16xi32>
    %select_n3A_913 = arith.select %ge3A_912, %gather3A_910, %broadcast_in_dim3A_897 : vector<16xi1>, vector<16xi32>
    %add3A_914 = arith.addi %add3A_847, %select_n3A_913 : vector<16xi32>
    %sub3A_915 = arith.constant 2 : i32
    %sub3A_916 = vector.broadcast %sub3A_915 : i32 to vector<16xi32>
    %sub3A_917 = arith.subi %iota3A, %sub3A_916 : vector<16xi32>
    %max3A_918 = arith.constant 0 : i32
    %max3A_919 = vector.broadcast %max3A_918 : i32 to vector<16xi32>
    %max3A_920 = arith.maxsi %sub3A_917, %max3A_919 : vector<16xi32>
    %lt3A_921 = arith.constant 0 : i32
    %lt3A_922 = vector.broadcast %lt3A_921 : i32 to vector<16xi32>
    %lt3A_923 = arith.cmpi slt, %max3A_920, %lt3A_922 : vector<16xi32>
    %add3A_924 = arith.constant 16 : i32
    %add3A_925 = vector.broadcast %add3A_924 : i32 to vector<16xi32>
    %add3A_926 = arith.addi %max3A_920, %add3A_925 : vector<16xi32>
    %select_n3A_927 = arith.select %lt3A_923, %add3A_926, %max3A_920 : vector<16xi1>, vector<16xi32>
    %broadcast_in_dim3A_928 = vector.shape_cast %select_n3A_927 : vector<16xi32> to vector<16x1xi32>
    %gather3A_929 = vector.shape_cast %broadcast_in_dim3A_928 : vector<16x1xi32> to vector<16xi32>
    %gather3A_930 = tpu.dynamic_gather %add3A_914[%gather3A_929] in [0] : vector<16xi32>, vector<16xi32> -> vector<16xi32>
    %ge3A_931 = arith.constant 2 : i32
    %ge3A_932 = vector.broadcast %ge3A_931 : i32 to vector<16xi32>
    %ge3A_933 = arith.cmpi sge, %iota3A, %ge3A_932 : vector<16xi32>
    %select_n3A_934 = arith.select %ge3A_933, %gather3A_930, %broadcast_in_dim3A_897 : vector<16xi1>, vector<16xi32>
    %add3A_935 = arith.addi %add3A_914, %select_n3A_934 : vector<16xi32>
    %sub3A_936 = arith.constant 4 : i32
    %sub3A_937 = vector.broadcast %sub3A_936 : i32 to vector<16xi32>
    %sub3A_938 = arith.subi %iota3A, %sub3A_937 : vector<16xi32>
    %max3A_939 = arith.constant 0 : i32
    %max3A_940 = vector.broadcast %max3A_939 : i32 to vector<16xi32>
    %max3A_941 = arith.maxsi %sub3A_938, %max3A_940 : vector<16xi32>
    %lt3A_942 = arith.constant 0 : i32
    %lt3A_943 = vector.broadcast %lt3A_942 : i32 to vector<16xi32>
    %lt3A_944 = arith.cmpi slt, %max3A_941, %lt3A_943 : vector<16xi32>
    %add3A_945 = arith.constant 16 : i32
    %add3A_946 = vector.broadcast %add3A_945 : i32 to vector<16xi32>
    %add3A_947 = arith.addi %max3A_941, %add3A_946 : vector<16xi32>
    %select_n3A_948 = arith.select %lt3A_944, %add3A_947, %max3A_941 : vector<16xi1>, vector<16xi32>
    %broadcast_in_dim3A_949 = vector.shape_cast %select_n3A_948 : vector<16xi32> to vector<16x1xi32>
    %gather3A_950 = vector.shape_cast %broadcast_in_dim3A_949 : vector<16x1xi32> to vector<16xi32>
    %gather3A_951 = tpu.dynamic_gather %add3A_935[%gather3A_950] in [0] : vector<16xi32>, vector<16xi32> -> vector<16xi32>
    %ge3A_952 = arith.constant 4 : i32
    %ge3A_953 = vector.broadcast %ge3A_952 : i32 to vector<16xi32>
    %ge3A_954 = arith.cmpi sge, %iota3A, %ge3A_953 : vector<16xi32>
    %select_n3A_955 = arith.select %ge3A_954, %gather3A_951, %broadcast_in_dim3A_897 : vector<16xi1>, vector<16xi32>
    %add3A_956 = arith.addi %add3A_935, %select_n3A_955 : vector<16xi32>
    %sub3A_957 = arith.constant 8 : i32
    %sub3A_958 = vector.broadcast %sub3A_957 : i32 to vector<16xi32>
    %sub3A_959 = arith.subi %iota3A, %sub3A_958 : vector<16xi32>
    %max3A_960 = arith.constant 0 : i32
    %max3A_961 = vector.broadcast %max3A_960 : i32 to vector<16xi32>
    %max3A_962 = arith.maxsi %sub3A_959, %max3A_961 : vector<16xi32>
    %lt3A_963 = arith.constant 0 : i32
    %lt3A_964 = vector.broadcast %lt3A_963 : i32 to vector<16xi32>
    %lt3A_965 = arith.cmpi slt, %max3A_962, %lt3A_964 : vector<16xi32>
    %add3A_966 = arith.constant 16 : i32
    %add3A_967 = vector.broadcast %add3A_966 : i32 to vector<16xi32>
    %add3A_968 = arith.addi %max3A_962, %add3A_967 : vector<16xi32>
    %select_n3A_969 = arith.select %lt3A_965, %add3A_968, %max3A_962 : vector<16xi1>, vector<16xi32>
    %broadcast_in_dim3A_970 = vector.shape_cast %select_n3A_969 : vector<16xi32> to vector<16x1xi32>
    %gather3A_971 = vector.shape_cast %broadcast_in_dim3A_970 : vector<16x1xi32> to vector<16xi32>
    %gather3A_972 = tpu.dynamic_gather %add3A_956[%gather3A_971] in [0] : vector<16xi32>, vector<16xi32> -> vector<16xi32>
    %ge3A_973 = arith.constant 8 : i32
    %ge3A_974 = vector.broadcast %ge3A_973 : i32 to vector<16xi32>
    %ge3A_975 = arith.cmpi sge, %iota3A, %ge3A_974 : vector<16xi32>
    %select_n3A_976 = arith.select %ge3A_975, %gather3A_972, %broadcast_in_dim3A_897 : vector<16xi1>, vector<16xi32>
    %add3A_977 = arith.addi %add3A_956, %select_n3A_976 : vector<16xi32>
    %broadcast_in_dim3A_978 = arith.constant 0 : i32
    %broadcast_in_dim3A_979 = vector.broadcast %broadcast_in_dim3A_978 : i32 to vector<16xi32>
    %sub3A_980 = arith.constant 1 : i32
    %sub3A_981 = vector.broadcast %sub3A_980 : i32 to vector<16xi32>
    %sub3A_982 = arith.subi %iota3A, %sub3A_981 : vector<16xi32>
    %max3A_983 = arith.constant 0 : i32
    %max3A_984 = vector.broadcast %max3A_983 : i32 to vector<16xi32>
    %max3A_985 = arith.maxsi %sub3A_982, %max3A_984 : vector<16xi32>
    %lt3A_986 = arith.constant 0 : i32
    %lt3A_987 = vector.broadcast %lt3A_986 : i32 to vector<16xi32>
    %lt3A_988 = arith.cmpi slt, %max3A_985, %lt3A_987 : vector<16xi32>
    %add3A_989 = arith.constant 16 : i32
    %add3A_990 = vector.broadcast %add3A_989 : i32 to vector<16xi32>
    %add3A_991 = arith.addi %max3A_985, %add3A_990 : vector<16xi32>
    %select_n3A_992 = arith.select %lt3A_988, %add3A_991, %max3A_985 : vector<16xi1>, vector<16xi32>
    %broadcast_in_dim3A_993 = vector.shape_cast %select_n3A_992 : vector<16xi32> to vector<16x1xi32>
    %gather3A_994 = vector.shape_cast %broadcast_in_dim3A_993 : vector<16x1xi32> to vector<16xi32>
    %gather3A_995 = tpu.dynamic_gather %add3A_860[%gather3A_994] in [0] : vector<16xi32>, vector<16xi32> -> vector<16xi32>
    %ge3A_996 = arith.constant 1 : i32
    %ge3A_997 = vector.broadcast %ge3A_996 : i32 to vector<16xi32>
    %ge3A_998 = arith.cmpi sge, %iota3A, %ge3A_997 : vector<16xi32>
    %select_n3A_999 = arith.select %ge3A_998, %gather3A_995, %broadcast_in_dim3A_979 : vector<16xi1>, vector<16xi32>
    %add3A_1000 = arith.addi %add3A_860, %select_n3A_999 : vector<16xi32>
    %sub3A_1001 = arith.constant 2 : i32
    %sub3A_1002 = vector.broadcast %sub3A_1001 : i32 to vector<16xi32>
    %sub3A_1003 = arith.subi %iota3A, %sub3A_1002 : vector<16xi32>
    %max3A_1004 = arith.constant 0 : i32
    %max3A_1005 = vector.broadcast %max3A_1004 : i32 to vector<16xi32>
    %max3A_1006 = arith.maxsi %sub3A_1003, %max3A_1005 : vector<16xi32>
    %lt3A_1007 = arith.constant 0 : i32
    %lt3A_1008 = vector.broadcast %lt3A_1007 : i32 to vector<16xi32>
    %lt3A_1009 = arith.cmpi slt, %max3A_1006, %lt3A_1008 : vector<16xi32>
    %add3A_1010 = arith.constant 16 : i32
    %add3A_1011 = vector.broadcast %add3A_1010 : i32 to vector<16xi32>
    %add3A_1012 = arith.addi %max3A_1006, %add3A_1011 : vector<16xi32>
    %select_n3A_1013 = arith.select %lt3A_1009, %add3A_1012, %max3A_1006 : vector<16xi1>, vector<16xi32>
    %broadcast_in_dim3A_1014 = vector.shape_cast %select_n3A_1013 : vector<16xi32> to vector<16x1xi32>
    %gather3A_1015 = vector.shape_cast %broadcast_in_dim3A_1014 : vector<16x1xi32> to vector<16xi32>
    %gather3A_1016 = tpu.dynamic_gather %add3A_1000[%gather3A_1015] in [0] : vector<16xi32>, vector<16xi32> -> vector<16xi32>
    %ge3A_1017 = arith.constant 2 : i32
    %ge3A_1018 = vector.broadcast %ge3A_1017 : i32 to vector<16xi32>
    %ge3A_1019 = arith.cmpi sge, %iota3A, %ge3A_1018 : vector<16xi32>
    %select_n3A_1020 = arith.select %ge3A_1019, %gather3A_1016, %broadcast_in_dim3A_979 : vector<16xi1>, vector<16xi32>
    %add3A_1021 = arith.addi %add3A_1000, %select_n3A_1020 : vector<16xi32>
    %sub3A_1022 = arith.constant 4 : i32
    %sub3A_1023 = vector.broadcast %sub3A_1022 : i32 to vector<16xi32>
    %sub3A_1024 = arith.subi %iota3A, %sub3A_1023 : vector<16xi32>
    %max3A_1025 = arith.constant 0 : i32
    %max3A_1026 = vector.broadcast %max3A_1025 : i32 to vector<16xi32>
    %max3A_1027 = arith.maxsi %sub3A_1024, %max3A_1026 : vector<16xi32>
    %lt3A_1028 = arith.constant 0 : i32
    %lt3A_1029 = vector.broadcast %lt3A_1028 : i32 to vector<16xi32>
    %lt3A_1030 = arith.cmpi slt, %max3A_1027, %lt3A_1029 : vector<16xi32>
    %add3A_1031 = arith.constant 16 : i32
    %add3A_1032 = vector.broadcast %add3A_1031 : i32 to vector<16xi32>
    %add3A_1033 = arith.addi %max3A_1027, %add3A_1032 : vector<16xi32>
    %select_n3A_1034 = arith.select %lt3A_1030, %add3A_1033, %max3A_1027 : vector<16xi1>, vector<16xi32>
    %broadcast_in_dim3A_1035 = vector.shape_cast %select_n3A_1034 : vector<16xi32> to vector<16x1xi32>
    %gather3A_1036 = vector.shape_cast %broadcast_in_dim3A_1035 : vector<16x1xi32> to vector<16xi32>
    %gather3A_1037 = tpu.dynamic_gather %add3A_1021[%gather3A_1036] in [0] : vector<16xi32>, vector<16xi32> -> vector<16xi32>
    %ge3A_1038 = arith.constant 4 : i32
    %ge3A_1039 = vector.broadcast %ge3A_1038 : i32 to vector<16xi32>
    %ge3A_1040 = arith.cmpi sge, %iota3A, %ge3A_1039 : vector<16xi32>
    %select_n3A_1041 = arith.select %ge3A_1040, %gather3A_1037, %broadcast_in_dim3A_979 : vector<16xi1>, vector<16xi32>
    %add3A_1042 = arith.addi %add3A_1021, %select_n3A_1041 : vector<16xi32>
    %sub3A_1043 = arith.constant 8 : i32
    %sub3A_1044 = vector.broadcast %sub3A_1043 : i32 to vector<16xi32>
    %sub3A_1045 = arith.subi %iota3A, %sub3A_1044 : vector<16xi32>
    %max3A_1046 = arith.constant 0 : i32
    %max3A_1047 = vector.broadcast %max3A_1046 : i32 to vector<16xi32>
    %max3A_1048 = arith.maxsi %sub3A_1045, %max3A_1047 : vector<16xi32>
    %lt3A_1049 = arith.constant 0 : i32
    %lt3A_1050 = vector.broadcast %lt3A_1049 : i32 to vector<16xi32>
    %lt3A_1051 = arith.cmpi slt, %max3A_1048, %lt3A_1050 : vector<16xi32>
    %add3A_1052 = arith.constant 16 : i32
    %add3A_1053 = vector.broadcast %add3A_1052 : i32 to vector<16xi32>
    %add3A_1054 = arith.addi %max3A_1048, %add3A_1053 : vector<16xi32>
    %select_n3A_1055 = arith.select %lt3A_1051, %add3A_1054, %max3A_1048 : vector<16xi1>, vector<16xi32>
    %broadcast_in_dim3A_1056 = vector.shape_cast %select_n3A_1055 : vector<16xi32> to vector<16x1xi32>
    %gather3A_1057 = vector.shape_cast %broadcast_in_dim3A_1056 : vector<16x1xi32> to vector<16xi32>
    %gather3A_1058 = tpu.dynamic_gather %add3A_1042[%gather3A_1057] in [0] : vector<16xi32>, vector<16xi32> -> vector<16xi32>
    %ge3A_1059 = arith.constant 8 : i32
    %ge3A_1060 = vector.broadcast %ge3A_1059 : i32 to vector<16xi32>
    %ge3A_1061 = arith.cmpi sge, %iota3A, %ge3A_1060 : vector<16xi32>
    %select_n3A_1062 = arith.select %ge3A_1061, %gather3A_1058, %broadcast_in_dim3A_979 : vector<16xi1>, vector<16xi32>
    %add3A_1063 = arith.addi %add3A_1042, %select_n3A_1062 : vector<16xi32>
    %broadcast_in_dim3A_1064 = arith.constant 0 : i32
    %broadcast_in_dim3A_1065 = vector.broadcast %broadcast_in_dim3A_1064 : i32 to vector<16xi32>
    %sub3A_1066 = arith.constant 1 : i32
    %sub3A_1067 = vector.broadcast %sub3A_1066 : i32 to vector<16xi32>
    %sub3A_1068 = arith.subi %iota3A, %sub3A_1067 : vector<16xi32>
    %max3A_1069 = arith.constant 0 : i32
    %max3A_1070 = vector.broadcast %max3A_1069 : i32 to vector<16xi32>
    %max3A_1071 = arith.maxsi %sub3A_1068, %max3A_1070 : vector<16xi32>
    %lt3A_1072 = arith.constant 0 : i32
    %lt3A_1073 = vector.broadcast %lt3A_1072 : i32 to vector<16xi32>
    %lt3A_1074 = arith.cmpi slt, %max3A_1071, %lt3A_1073 : vector<16xi32>
    %add3A_1075 = arith.constant 16 : i32
    %add3A_1076 = vector.broadcast %add3A_1075 : i32 to vector<16xi32>
    %add3A_1077 = arith.addi %max3A_1071, %add3A_1076 : vector<16xi32>
    %select_n3A_1078 = arith.select %lt3A_1074, %add3A_1077, %max3A_1071 : vector<16xi1>, vector<16xi32>
    %broadcast_in_dim3A_1079 = vector.shape_cast %select_n3A_1078 : vector<16xi32> to vector<16x1xi32>
    %gather3A_1080 = vector.shape_cast %broadcast_in_dim3A_1079 : vector<16x1xi32> to vector<16xi32>
    %gather3A_1081 = tpu.dynamic_gather %add3A_873[%gather3A_1080] in [0] : vector<16xi32>, vector<16xi32> -> vector<16xi32>
    %ge3A_1082 = arith.constant 1 : i32
    %ge3A_1083 = vector.broadcast %ge3A_1082 : i32 to vector<16xi32>
    %ge3A_1084 = arith.cmpi sge, %iota3A, %ge3A_1083 : vector<16xi32>
    %select_n3A_1085 = arith.select %ge3A_1084, %gather3A_1081, %broadcast_in_dim3A_1065 : vector<16xi1>, vector<16xi32>
    %add3A_1086 = arith.addi %add3A_873, %select_n3A_1085 : vector<16xi32>
    %sub3A_1087 = arith.constant 2 : i32
    %sub3A_1088 = vector.broadcast %sub3A_1087 : i32 to vector<16xi32>
    %sub3A_1089 = arith.subi %iota3A, %sub3A_1088 : vector<16xi32>
    %max3A_1090 = arith.constant 0 : i32
    %max3A_1091 = vector.broadcast %max3A_1090 : i32 to vector<16xi32>
    %max3A_1092 = arith.maxsi %sub3A_1089, %max3A_1091 : vector<16xi32>
    %lt3A_1093 = arith.constant 0 : i32
    %lt3A_1094 = vector.broadcast %lt3A_1093 : i32 to vector<16xi32>
    %lt3A_1095 = arith.cmpi slt, %max3A_1092, %lt3A_1094 : vector<16xi32>
    %add3A_1096 = arith.constant 16 : i32
    %add3A_1097 = vector.broadcast %add3A_1096 : i32 to vector<16xi32>
    %add3A_1098 = arith.addi %max3A_1092, %add3A_1097 : vector<16xi32>
    %select_n3A_1099 = arith.select %lt3A_1095, %add3A_1098, %max3A_1092 : vector<16xi1>, vector<16xi32>
    %broadcast_in_dim3A_1100 = vector.shape_cast %select_n3A_1099 : vector<16xi32> to vector<16x1xi32>
    %gather3A_1101 = vector.shape_cast %broadcast_in_dim3A_1100 : vector<16x1xi32> to vector<16xi32>
    %gather3A_1102 = tpu.dynamic_gather %add3A_1086[%gather3A_1101] in [0] : vector<16xi32>, vector<16xi32> -> vector<16xi32>
    %ge3A_1103 = arith.constant 2 : i32
    %ge3A_1104 = vector.broadcast %ge3A_1103 : i32 to vector<16xi32>
    %ge3A_1105 = arith.cmpi sge, %iota3A, %ge3A_1104 : vector<16xi32>
    %select_n3A_1106 = arith.select %ge3A_1105, %gather3A_1102, %broadcast_in_dim3A_1065 : vector<16xi1>, vector<16xi32>
    %add3A_1107 = arith.addi %add3A_1086, %select_n3A_1106 : vector<16xi32>
    %sub3A_1108 = arith.constant 4 : i32
    %sub3A_1109 = vector.broadcast %sub3A_1108 : i32 to vector<16xi32>
    %sub3A_1110 = arith.subi %iota3A, %sub3A_1109 : vector<16xi32>
    %max3A_1111 = arith.constant 0 : i32
    %max3A_1112 = vector.broadcast %max3A_1111 : i32 to vector<16xi32>
    %max3A_1113 = arith.maxsi %sub3A_1110, %max3A_1112 : vector<16xi32>
    %lt3A_1114 = arith.constant 0 : i32
    %lt3A_1115 = vector.broadcast %lt3A_1114 : i32 to vector<16xi32>
    %lt3A_1116 = arith.cmpi slt, %max3A_1113, %lt3A_1115 : vector<16xi32>
    %add3A_1117 = arith.constant 16 : i32
    %add3A_1118 = vector.broadcast %add3A_1117 : i32 to vector<16xi32>
    %add3A_1119 = arith.addi %max3A_1113, %add3A_1118 : vector<16xi32>
    %select_n3A_1120 = arith.select %lt3A_1116, %add3A_1119, %max3A_1113 : vector<16xi1>, vector<16xi32>
    %broadcast_in_dim3A_1121 = vector.shape_cast %select_n3A_1120 : vector<16xi32> to vector<16x1xi32>
    %gather3A_1122 = vector.shape_cast %broadcast_in_dim3A_1121 : vector<16x1xi32> to vector<16xi32>
    %gather3A_1123 = tpu.dynamic_gather %add3A_1107[%gather3A_1122] in [0] : vector<16xi32>, vector<16xi32> -> vector<16xi32>
    %ge3A_1124 = arith.constant 4 : i32
    %ge3A_1125 = vector.broadcast %ge3A_1124 : i32 to vector<16xi32>
    %ge3A_1126 = arith.cmpi sge, %iota3A, %ge3A_1125 : vector<16xi32>
    %select_n3A_1127 = arith.select %ge3A_1126, %gather3A_1123, %broadcast_in_dim3A_1065 : vector<16xi1>, vector<16xi32>
    %add3A_1128 = arith.addi %add3A_1107, %select_n3A_1127 : vector<16xi32>
    %sub3A_1129 = arith.constant 8 : i32
    %sub3A_1130 = vector.broadcast %sub3A_1129 : i32 to vector<16xi32>
    %sub3A_1131 = arith.subi %iota3A, %sub3A_1130 : vector<16xi32>
    %max3A_1132 = arith.constant 0 : i32
    %max3A_1133 = vector.broadcast %max3A_1132 : i32 to vector<16xi32>
    %max3A_1134 = arith.maxsi %sub3A_1131, %max3A_1133 : vector<16xi32>
    %lt3A_1135 = arith.constant 0 : i32
    %lt3A_1136 = vector.broadcast %lt3A_1135 : i32 to vector<16xi32>
    %lt3A_1137 = arith.cmpi slt, %max3A_1134, %lt3A_1136 : vector<16xi32>
    %add3A_1138 = arith.constant 16 : i32
    %add3A_1139 = vector.broadcast %add3A_1138 : i32 to vector<16xi32>
    %add3A_1140 = arith.addi %max3A_1134, %add3A_1139 : vector<16xi32>
    %select_n3A_1141 = arith.select %lt3A_1137, %add3A_1140, %max3A_1134 : vector<16xi1>, vector<16xi32>
    %broadcast_in_dim3A_1142 = vector.shape_cast %select_n3A_1141 : vector<16xi32> to vector<16x1xi32>
    %gather3A_1143 = vector.shape_cast %broadcast_in_dim3A_1142 : vector<16x1xi32> to vector<16xi32>
    %gather3A_1144 = tpu.dynamic_gather %add3A_1128[%gather3A_1143] in [0] : vector<16xi32>, vector<16xi32> -> vector<16xi32>
    %ge3A_1145 = arith.constant 8 : i32
    %ge3A_1146 = vector.broadcast %ge3A_1145 : i32 to vector<16xi32>
    %ge3A_1147 = arith.cmpi sge, %iota3A, %ge3A_1146 : vector<16xi32>
    %select_n3A_1148 = arith.select %ge3A_1147, %gather3A_1144, %broadcast_in_dim3A_1065 : vector<16xi1>, vector<16xi32>
    %add3A_1149 = arith.addi %add3A_1128, %select_n3A_1148 : vector<16xi32>
    %broadcast_in_dim3A_1150 = arith.constant 0 : i32
    %broadcast_in_dim3A_1151 = vector.broadcast %broadcast_in_dim3A_1150 : i32 to vector<16xi32>
    %sub3A_1152 = arith.constant 1 : i32
    %sub3A_1153 = vector.broadcast %sub3A_1152 : i32 to vector<16xi32>
    %sub3A_1154 = arith.subi %iota3A, %sub3A_1153 : vector<16xi32>
    %max3A_1155 = arith.constant 0 : i32
    %max3A_1156 = vector.broadcast %max3A_1155 : i32 to vector<16xi32>
    %max3A_1157 = arith.maxsi %sub3A_1154, %max3A_1156 : vector<16xi32>
    %lt3A_1158 = arith.constant 0 : i32
    %lt3A_1159 = vector.broadcast %lt3A_1158 : i32 to vector<16xi32>
    %lt3A_1160 = arith.cmpi slt, %max3A_1157, %lt3A_1159 : vector<16xi32>
    %add3A_1161 = arith.constant 16 : i32
    %add3A_1162 = vector.broadcast %add3A_1161 : i32 to vector<16xi32>
    %add3A_1163 = arith.addi %max3A_1157, %add3A_1162 : vector<16xi32>
    %select_n3A_1164 = arith.select %lt3A_1160, %add3A_1163, %max3A_1157 : vector<16xi1>, vector<16xi32>
    %broadcast_in_dim3A_1165 = vector.shape_cast %select_n3A_1164 : vector<16xi32> to vector<16x1xi32>
    %gather3A_1166 = vector.shape_cast %broadcast_in_dim3A_1165 : vector<16x1xi32> to vector<16xi32>
    %gather3A_1167 = tpu.dynamic_gather %add3A_886[%gather3A_1166] in [0] : vector<16xi32>, vector<16xi32> -> vector<16xi32>
    %ge3A_1168 = arith.constant 1 : i32
    %ge3A_1169 = vector.broadcast %ge3A_1168 : i32 to vector<16xi32>
    %ge3A_1170 = arith.cmpi sge, %iota3A, %ge3A_1169 : vector<16xi32>
    %select_n3A_1171 = arith.select %ge3A_1170, %gather3A_1167, %broadcast_in_dim3A_1151 : vector<16xi1>, vector<16xi32>
    %add3A_1172 = arith.addi %add3A_886, %select_n3A_1171 : vector<16xi32>
    %sub3A_1173 = arith.constant 2 : i32
    %sub3A_1174 = vector.broadcast %sub3A_1173 : i32 to vector<16xi32>
    %sub3A_1175 = arith.subi %iota3A, %sub3A_1174 : vector<16xi32>
    %max3A_1176 = arith.constant 0 : i32
    %max3A_1177 = vector.broadcast %max3A_1176 : i32 to vector<16xi32>
    %max3A_1178 = arith.maxsi %sub3A_1175, %max3A_1177 : vector<16xi32>
    %lt3A_1179 = arith.constant 0 : i32
    %lt3A_1180 = vector.broadcast %lt3A_1179 : i32 to vector<16xi32>
    %lt3A_1181 = arith.cmpi slt, %max3A_1178, %lt3A_1180 : vector<16xi32>
    %add3A_1182 = arith.constant 16 : i32
    %add3A_1183 = vector.broadcast %add3A_1182 : i32 to vector<16xi32>
    %add3A_1184 = arith.addi %max3A_1178, %add3A_1183 : vector<16xi32>
    %select_n3A_1185 = arith.select %lt3A_1181, %add3A_1184, %max3A_1178 : vector<16xi1>, vector<16xi32>
    %broadcast_in_dim3A_1186 = vector.shape_cast %select_n3A_1185 : vector<16xi32> to vector<16x1xi32>
    %gather3A_1187 = vector.shape_cast %broadcast_in_dim3A_1186 : vector<16x1xi32> to vector<16xi32>
    %gather3A_1188 = tpu.dynamic_gather %add3A_1172[%gather3A_1187] in [0] : vector<16xi32>, vector<16xi32> -> vector<16xi32>
    %ge3A_1189 = arith.constant 2 : i32
    %ge3A_1190 = vector.broadcast %ge3A_1189 : i32 to vector<16xi32>
    %ge3A_1191 = arith.cmpi sge, %iota3A, %ge3A_1190 : vector<16xi32>
    %select_n3A_1192 = arith.select %ge3A_1191, %gather3A_1188, %broadcast_in_dim3A_1151 : vector<16xi1>, vector<16xi32>
    %add3A_1193 = arith.addi %add3A_1172, %select_n3A_1192 : vector<16xi32>
    %sub3A_1194 = arith.constant 4 : i32
    %sub3A_1195 = vector.broadcast %sub3A_1194 : i32 to vector<16xi32>
    %sub3A_1196 = arith.subi %iota3A, %sub3A_1195 : vector<16xi32>
    %max3A_1197 = arith.constant 0 : i32
    %max3A_1198 = vector.broadcast %max3A_1197 : i32 to vector<16xi32>
    %max3A_1199 = arith.maxsi %sub3A_1196, %max3A_1198 : vector<16xi32>
    %lt3A_1200 = arith.constant 0 : i32
    %lt3A_1201 = vector.broadcast %lt3A_1200 : i32 to vector<16xi32>
    %lt3A_1202 = arith.cmpi slt, %max3A_1199, %lt3A_1201 : vector<16xi32>
    %add3A_1203 = arith.constant 16 : i32
    %add3A_1204 = vector.broadcast %add3A_1203 : i32 to vector<16xi32>
    %add3A_1205 = arith.addi %max3A_1199, %add3A_1204 : vector<16xi32>
    %select_n3A_1206 = arith.select %lt3A_1202, %add3A_1205, %max3A_1199 : vector<16xi1>, vector<16xi32>
    %broadcast_in_dim3A_1207 = vector.shape_cast %select_n3A_1206 : vector<16xi32> to vector<16x1xi32>
    %gather3A_1208 = vector.shape_cast %broadcast_in_dim3A_1207 : vector<16x1xi32> to vector<16xi32>
    %gather3A_1209 = tpu.dynamic_gather %add3A_1193[%gather3A_1208] in [0] : vector<16xi32>, vector<16xi32> -> vector<16xi32>
    %ge3A_1210 = arith.constant 4 : i32
    %ge3A_1211 = vector.broadcast %ge3A_1210 : i32 to vector<16xi32>
    %ge3A_1212 = arith.cmpi sge, %iota3A, %ge3A_1211 : vector<16xi32>
    %select_n3A_1213 = arith.select %ge3A_1212, %gather3A_1209, %broadcast_in_dim3A_1151 : vector<16xi1>, vector<16xi32>
    %add3A_1214 = arith.addi %add3A_1193, %select_n3A_1213 : vector<16xi32>
    %sub3A_1215 = arith.constant 8 : i32
    %sub3A_1216 = vector.broadcast %sub3A_1215 : i32 to vector<16xi32>
    %sub3A_1217 = arith.subi %iota3A, %sub3A_1216 : vector<16xi32>
    %max3A_1218 = arith.constant 0 : i32
    %max3A_1219 = vector.broadcast %max3A_1218 : i32 to vector<16xi32>
    %max3A_1220 = arith.maxsi %sub3A_1217, %max3A_1219 : vector<16xi32>
    %lt3A_1221 = arith.constant 0 : i32
    %lt3A_1222 = vector.broadcast %lt3A_1221 : i32 to vector<16xi32>
    %lt3A_1223 = arith.cmpi slt, %max3A_1220, %lt3A_1222 : vector<16xi32>
    %add3A_1224 = arith.constant 16 : i32
    %add3A_1225 = vector.broadcast %add3A_1224 : i32 to vector<16xi32>
    %add3A_1226 = arith.addi %max3A_1220, %add3A_1225 : vector<16xi32>
    %select_n3A_1227 = arith.select %lt3A_1223, %add3A_1226, %max3A_1220 : vector<16xi1>, vector<16xi32>
    %broadcast_in_dim3A_1228 = vector.shape_cast %select_n3A_1227 : vector<16xi32> to vector<16x1xi32>
    %gather3A_1229 = vector.shape_cast %broadcast_in_dim3A_1228 : vector<16x1xi32> to vector<16xi32>
    %gather3A_1230 = tpu.dynamic_gather %add3A_1214[%gather3A_1229] in [0] : vector<16xi32>, vector<16xi32> -> vector<16xi32>
    %ge3A_1231 = arith.constant 8 : i32
    %ge3A_1232 = vector.broadcast %ge3A_1231 : i32 to vector<16xi32>
    %ge3A_1233 = arith.cmpi sge, %iota3A, %ge3A_1232 : vector<16xi32>
    %select_n3A_1234 = arith.select %ge3A_1233, %gather3A_1230, %broadcast_in_dim3A_1151 : vector<16xi1>, vector<16xi32>
    %add3A_1235 = arith.addi %add3A_1214, %select_n3A_1234 : vector<16xi32>
    %sub3A_1236 = arith.subi %add3A_977, %add3A_847 : vector<16xi32>
    %sub3A_1237 = arith.subi %add3A_1063, %add3A_860 : vector<16xi32>
    %sub3A_1238 = arith.subi %add3A_1149, %add3A_873 : vector<16xi32>
    %sub3A_1239 = arith.subi %add3A_1235, %add3A_886 : vector<16xi32>
    %broadcast_in_dim3A_1240 = arith.constant 15 : i32
    %broadcast_in_dim3A_1241 = vector.broadcast %broadcast_in_dim3A_1240 : i32 to vector<16xi32>
    %lt3A_1242 = arith.constant 0 : i32
    %lt3A_1243 = vector.broadcast %lt3A_1242 : i32 to vector<16xi32>
    %lt3A_1244 = arith.cmpi slt, %broadcast_in_dim3A_1241, %lt3A_1243 : vector<16xi32>
    %add3A_1245 = arith.constant 16 : i32
    %add3A_1246 = vector.broadcast %add3A_1245 : i32 to vector<16xi32>
    %add3A_1247 = arith.addi %broadcast_in_dim3A_1241, %add3A_1246 : vector<16xi32>
    %select_n3A_1248 = arith.select %lt3A_1244, %add3A_1247, %broadcast_in_dim3A_1241 : vector<16xi1>, vector<16xi32>
    %broadcast_in_dim3A_1249 = vector.shape_cast %select_n3A_1248 : vector<16xi32> to vector<16x1xi32>
    %gather3A_1250 = vector.shape_cast %broadcast_in_dim3A_1249 : vector<16x1xi32> to vector<16xi32>
    %gather3A_1251 = tpu.dynamic_gather %add3A_977[%gather3A_1250] in [0] : vector<16xi32>, vector<16xi32> -> vector<16xi32>
    %broadcast_in_dim3A_1252 = arith.constant 15 : i32
    %broadcast_in_dim3A_1253 = vector.broadcast %broadcast_in_dim3A_1252 : i32 to vector<16xi32>
    %lt3A_1254 = arith.constant 0 : i32
    %lt3A_1255 = vector.broadcast %lt3A_1254 : i32 to vector<16xi32>
    %lt3A_1256 = arith.cmpi slt, %broadcast_in_dim3A_1253, %lt3A_1255 : vector<16xi32>
    %add3A_1257 = arith.constant 16 : i32
    %add3A_1258 = vector.broadcast %add3A_1257 : i32 to vector<16xi32>
    %add3A_1259 = arith.addi %broadcast_in_dim3A_1253, %add3A_1258 : vector<16xi32>
    %select_n3A_1260 = arith.select %lt3A_1256, %add3A_1259, %broadcast_in_dim3A_1253 : vector<16xi1>, vector<16xi32>
    %broadcast_in_dim3A_1261 = vector.shape_cast %select_n3A_1260 : vector<16xi32> to vector<16x1xi32>
    %gather3A_1262 = vector.shape_cast %broadcast_in_dim3A_1261 : vector<16x1xi32> to vector<16xi32>
    %gather3A_1263 = tpu.dynamic_gather %add3A_1063[%gather3A_1262] in [0] : vector<16xi32>, vector<16xi32> -> vector<16xi32>
    %broadcast_in_dim3A_1264 = arith.constant 15 : i32
    %broadcast_in_dim3A_1265 = vector.broadcast %broadcast_in_dim3A_1264 : i32 to vector<16xi32>
    %lt3A_1266 = arith.constant 0 : i32
    %lt3A_1267 = vector.broadcast %lt3A_1266 : i32 to vector<16xi32>
    %lt3A_1268 = arith.cmpi slt, %broadcast_in_dim3A_1265, %lt3A_1267 : vector<16xi32>
    %add3A_1269 = arith.constant 16 : i32
    %add3A_1270 = vector.broadcast %add3A_1269 : i32 to vector<16xi32>
    %add3A_1271 = arith.addi %broadcast_in_dim3A_1265, %add3A_1270 : vector<16xi32>
    %select_n3A_1272 = arith.select %lt3A_1268, %add3A_1271, %broadcast_in_dim3A_1265 : vector<16xi1>, vector<16xi32>
    %broadcast_in_dim3A_1273 = vector.shape_cast %select_n3A_1272 : vector<16xi32> to vector<16x1xi32>
    %gather3A_1274 = vector.shape_cast %broadcast_in_dim3A_1273 : vector<16x1xi32> to vector<16xi32>
    %gather3A_1275 = tpu.dynamic_gather %add3A_1149[%gather3A_1274] in [0] : vector<16xi32>, vector<16xi32> -> vector<16xi32>
    %broadcast_in_dim3A_1276 = arith.constant 15 : i32
    %broadcast_in_dim3A_1277 = vector.broadcast %broadcast_in_dim3A_1276 : i32 to vector<16xi32>
    %lt3A_1278 = arith.constant 0 : i32
    %lt3A_1279 = vector.broadcast %lt3A_1278 : i32 to vector<16xi32>
    %lt3A_1280 = arith.cmpi slt, %broadcast_in_dim3A_1277, %lt3A_1279 : vector<16xi32>
    %add3A_1281 = arith.constant 16 : i32
    %add3A_1282 = vector.broadcast %add3A_1281 : i32 to vector<16xi32>
    %add3A_1283 = arith.addi %broadcast_in_dim3A_1277, %add3A_1282 : vector<16xi32>
    %select_n3A_1284 = arith.select %lt3A_1280, %add3A_1283, %broadcast_in_dim3A_1277 : vector<16xi1>, vector<16xi32>
    %broadcast_in_dim3A_1285 = vector.shape_cast %select_n3A_1284 : vector<16xi32> to vector<16x1xi32>
    %gather3A_1286 = vector.shape_cast %broadcast_in_dim3A_1285 : vector<16x1xi32> to vector<16xi32>
    %gather3A_1287 = tpu.dynamic_gather %add3A_1235[%gather3A_1286] in [0] : vector<16xi32>, vector<16xi32> -> vector<16xi32>
    %add3A_1288 = arith.addi %sub3A_1237, %gather3A_1251 : vector<16xi32>
    %add3A_1289 = arith.addi %gather3A_1251, %gather3A_1263 : vector<16xi32>
    %add3A_1290 = arith.addi %sub3A_1238, %add3A_1289 : vector<16xi32>
    %add3A_1291 = arith.addi %add3A_1289, %gather3A_1275 : vector<16xi32>
    %add3A_1292 = arith.addi %sub3A_1239, %add3A_1291 : vector<16xi32>
    %add3A_1293 = arith.addi %add3A_1291, %gather3A_1287 : vector<16xi32>
    %add3A_1294 = arith.addi %sub3A_1236, %add3A_856 : vector<16xi32>
    %add3A_1295 = arith.addi %add3A_1288, %add3A_869 : vector<16xi32>
    %add3A_1296 = arith.addi %add3A_1290, %add3A_882 : vector<16xi32>
    %add3A_1297 = arith.addi %add3A_1292, %add3A_895 : vector<16xi32>
    %eq3A = arith.constant 0 : i32
    %eq3A_1298 = arith.cmpi eq, %arg1, %eq3A : i32
    %eq3A_1299 = arith.constant 0 : i32
    %eq3A_1300 = arith.cmpi eq, %arg0, %eq3A_1299 : i32
    %and3A = arith.andi %eq3A_1298, %eq3A_1300 : i1
    %convert_element_type3A = arith.extui %and3A : i1 to i32
    %cond3A = arith.constant 0 : i32
    %cond3A_1301 = arith.cmpi ne, %convert_element_type3A, %cond3A : i32
    scf.if %cond3A_1301 {
      %swap3A_1357 = arith.constant 0 : index
      %swap3A_1358 = tpu.vector_load %arg13[%swap3A_1357] {strides = array<i32>} : memref<80xi32, #tpu.memory_space<vmem>>, vector<16xi32>,
      %swap3A_1359 = vector.shape_cast %swap3A_1358 : vector<16xi32> to vector<16xi32>
      %swap3A_1360 = vector.shape_cast %sub3A_1236 : vector<16xi32> to vector<16xi32>
      tpu.vector_store %arg13[%swap3A_1357], %swap3A_1360 {strides = array<i32>} : memref<80xi32, #tpu.memory_space<vmem>>, vector<16xi32>,
      %swap3A_1361 = arith.constant 16 : index
      %swap3A_1362 = tpu.vector_load %arg13[%swap3A_1361] {strides = array<i32>} : memref<80xi32, #tpu.memory_space<vmem>>, vector<16xi32>,
      %swap3A_1363 = vector.shape_cast %swap3A_1362 : vector<16xi32> to vector<16xi32>
      %swap3A_1364 = vector.shape_cast %add3A_1288 : vector<16xi32> to vector<16xi32>
      tpu.vector_store %arg13[%swap3A_1361], %swap3A_1364 {strides = array<i32>} : memref<80xi32, #tpu.memory_space<vmem>>, vector<16xi32>,
      %swap3A_1365 = arith.constant 32 : index
      %swap3A_1366 = tpu.vector_load %arg13[%swap3A_1365] {strides = array<i32>} : memref<80xi32, #tpu.memory_space<vmem>>, vector<16xi32>,
      %swap3A_1367 = vector.shape_cast %swap3A_1366 : vector<16xi32> to vector<16xi32>
      %swap3A_1368 = vector.shape_cast %add3A_1290 : vector<16xi32> to vector<16xi32>
      tpu.vector_store %arg13[%swap3A_1365], %swap3A_1368 {strides = array<i32>} : memref<80xi32, #tpu.memory_space<vmem>>, vector<16xi32>,
      %swap3A_1369 = arith.constant 48 : index
      %swap3A_1370 = tpu.vector_load %arg13[%swap3A_1369] {strides = array<i32>} : memref<80xi32, #tpu.memory_space<vmem>>, vector<16xi32>,
      %swap3A_1371 = vector.shape_cast %swap3A_1370 : vector<16xi32> to vector<16xi32>
      %swap3A_1372 = vector.shape_cast %add3A_1292 : vector<16xi32> to vector<16xi32>
      tpu.vector_store %arg13[%swap3A_1369], %swap3A_1372 {strides = array<i32>} : memref<80xi32, #tpu.memory_space<vmem>>, vector<16xi32>,
      %broadcast_in_dim3A_1373 = arith.constant 2048 : i32
      %broadcast_in_dim3A_1374 = vector.broadcast %broadcast_in_dim3A_1373 : i32 to vector<16xi32>
      %swap3A_1375 = arith.constant 64 : index
      %swap3A_1376 = tpu.vector_load %arg13[%swap3A_1375] {strides = array<i32>} : memref<80xi32, #tpu.memory_space<vmem>>, vector<16xi32>,
      %swap3A_1377 = vector.shape_cast %swap3A_1376 : vector<16xi32> to vector<16xi32>
      %swap3A_1378 = vector.shape_cast %broadcast_in_dim3A_1374 : vector<16xi32> to vector<16xi32>
      tpu.vector_store %arg13[%swap3A_1375], %swap3A_1378 {strides = array<i32>} : memref<80xi32, #tpu.memory_space<vmem>>, vector<16xi32>,
      "tpu.region"() ({
        %run_scoped3A = tpu.sem_alloc : memref<!tpu.dma_semaphore, #tpu.memory_space<semaphore_mem>>
        tpu.enqueue_dma source(%arg13 : memref<80xi32, #tpu.memory_space<vmem>>) target(%arg6 : memref<80xi32, #tpu.memory_space<hbm>>) target_semaphore(%run_scoped3A : memref<!tpu.dma_semaphore, #tpu.memory_space<semaphore_mem>>)
        tpu.wait_dma2 semaphore(%run_scoped3A : memref<!tpu.dma_semaphore, #tpu.memory_space<semaphore_mem>>) src(%arg13 : memref<80xi32, #tpu.memory_space<vmem>>) dst(%arg6 : memref<80xi32, #tpu.memory_space<hbm>>)
        tpu.yield
      }) : () -> ()
    } else {
    }
    %scan3A_1302 = arith.constant 0 : i32
    %scan3A_1303 = arith.constant 0 : i32
    %scan3A_1304 = arith.constant 8 : i32
    %scan3A_1305 = arith.addi %scan3A_1303, %scan3A_1304 : i32
    %scan3A_1306 = arith.constant 1 : i32
    scf.for %scan3A_1357 = %scan3A_1303 to %scan3A_1305 step %scan3A_1306  : i32 {
      %mul3A_1358 = arith.constant 16 : i32
      %mul3A_1359 = arith.muli %scan3A_1357, %mul3A_1358 : i32
      %get3A_1360 = arith.index_cast %mul3A_1359 : i32 to index
      %get3A_1361 = tpu.vector_load %arg9[%get3A_1360] {strides = array<i32>} : memref<128xi32, #tpu.memory_space<vmem>>, vector<16xi32>,
      %get3A_1362 = vector.shape_cast %get3A_1361 : vector<16xi32> to vector<16xi32>
      %mul3A_1363 = arith.constant 16 : i32
      %mul3A_1364 = arith.muli %scan3A_1357, %mul3A_1363 : i32
      %get3A_1365 = arith.index_cast %mul3A_1364 : i32 to index
      %get3A_1366 = tpu.vector_load %arg10[%get3A_1365] {strides = array<i32>} : memref<128xi32, #tpu.memory_space<vmem>>, vector<16xi32>,
      %get3A_1367 = vector.shape_cast %get3A_1366 : vector<16xi32> to vector<16xi32>
      %and3A_1368 = arith.constant 15 : i32
      %and3A_1369 = vector.broadcast %and3A_1368 : i32 to vector<16xi32>
      %and3A_1370 = arith.andi %get3A_1362, %and3A_1369 : vector<16xi32>
      %shift_right_arithmetic3A = arith.constant 4 : i32
      %shift_right_arithmetic3A_1371 = vector.broadcast %shift_right_arithmetic3A : i32 to vector<16xi32>
      %shift_right_arithmetic3A_1372 = arith.shrsi %get3A_1362, %shift_right_arithmetic3A_1371 : vector<16xi32>
      %eq3A_1373 = arith.constant 0 : i32
      %eq3A_1374 = vector.broadcast %eq3A_1373 : i32 to vector<16xi32>
      %eq3A_1375 = arith.cmpi eq, %shift_right_arithmetic3A_1372, %eq3A_1374 : vector<16xi32>
      %lt3A_1376 = arith.constant 0 : i32
      %lt3A_1377 = vector.broadcast %lt3A_1376 : i32 to vector<16xi32>
      %lt3A_1378 = arith.cmpi slt, %and3A_1370, %lt3A_1377 : vector<16xi32>
      %add3A_1379 = arith.constant 16 : i32
      %add3A_1380 = vector.broadcast %add3A_1379 : i32 to vector<16xi32>
      %add3A_1381 = arith.addi %and3A_1370, %add3A_1380 : vector<16xi32>
      %select_n3A_1382 = arith.select %lt3A_1378, %add3A_1381, %and3A_1370 : vector<16xi1>, vector<16xi32>
      %broadcast_in_dim3A_1383 = vector.shape_cast %select_n3A_1382 : vector<16xi32> to vector<16x1xi32>
      %gather3A_1384 = vector.shape_cast %broadcast_in_dim3A_1383 : vector<16x1xi32> to vector<16xi32>
      %gather3A_1385 = tpu.dynamic_gather %add3A_1294[%gather3A_1384] in [0] : vector<16xi32>, vector<16xi32> -> vector<16xi32>
      %select_n3A_1386 = arith.select %eq3A_1375, %gather3A_1385, %broadcast_in_dim3A_0 : vector<16xi1>, vector<16xi32>
      %add3A_1387 = arith.addi %broadcast_in_dim3A_0, %select_n3A_1386 : vector<16xi32>
      %eq3A_1388 = arith.constant 1 : i32
      %eq3A_1389 = vector.broadcast %eq3A_1388 : i32 to vector<16xi32>
      %eq3A_1390 = arith.cmpi eq, %shift_right_arithmetic3A_1372, %eq3A_1389 : vector<16xi32>
      %lt3A_1391 = arith.constant 0 : i32
      %lt3A_1392 = vector.broadcast %lt3A_1391 : i32 to vector<16xi32>
      %lt3A_1393 = arith.cmpi slt, %and3A_1370, %lt3A_1392 : vector<16xi32>
      %add3A_1394 = arith.constant 16 : i32
      %add3A_1395 = vector.broadcast %add3A_1394 : i32 to vector<16xi32>
      %add3A_1396 = arith.addi %and3A_1370, %add3A_1395 : vector<16xi32>
      %select_n3A_1397 = arith.select %lt3A_1393, %add3A_1396, %and3A_1370 : vector<16xi1>, vector<16xi32>
      %broadcast_in_dim3A_1398 = vector.shape_cast %select_n3A_1397 : vector<16xi32> to vector<16x1xi32>
      %gather3A_1399 = vector.shape_cast %broadcast_in_dim3A_1398 : vector<16x1xi32> to vector<16xi32>
      %gather3A_1400 = tpu.dynamic_gather %add3A_1295[%gather3A_1399] in [0] : vector<16xi32>, vector<16xi32> -> vector<16xi32>
      %select_n3A_1401 = arith.select %eq3A_1390, %gather3A_1400, %broadcast_in_dim3A_0 : vector<16xi1>, vector<16xi32>
      %add3A_1402 = arith.addi %add3A_1387, %select_n3A_1401 : vector<16xi32>
      %eq3A_1403 = arith.constant 2 : i32
      %eq3A_1404 = vector.broadcast %eq3A_1403 : i32 to vector<16xi32>
      %eq3A_1405 = arith.cmpi eq, %shift_right_arithmetic3A_1372, %eq3A_1404 : vector<16xi32>
      %lt3A_1406 = arith.constant 0 : i32
      %lt3A_1407 = vector.broadcast %lt3A_1406 : i32 to vector<16xi32>
      %lt3A_1408 = arith.cmpi slt, %and3A_1370, %lt3A_1407 : vector<16xi32>
      %add3A_1409 = arith.constant 16 : i32
      %add3A_1410 = vector.broadcast %add3A_1409 : i32 to vector<16xi32>
      %add3A_1411 = arith.addi %and3A_1370, %add3A_1410 : vector<16xi32>
      %select_n3A_1412 = arith.select %lt3A_1408, %add3A_1411, %and3A_1370 : vector<16xi1>, vector<16xi32>
      %broadcast_in_dim3A_1413 = vector.shape_cast %select_n3A_1412 : vector<16xi32> to vector<16x1xi32>
      %gather3A_1414 = vector.shape_cast %broadcast_in_dim3A_1413 : vector<16x1xi32> to vector<16xi32>
      %gather3A_1415 = tpu.dynamic_gather %add3A_1296[%gather3A_1414] in [0] : vector<16xi32>, vector<16xi32> -> vector<16xi32>
      %select_n3A_1416 = arith.select %eq3A_1405, %gather3A_1415, %broadcast_in_dim3A_0 : vector<16xi1>, vector<16xi32>
      %add3A_1417 = arith.addi %add3A_1402, %select_n3A_1416 : vector<16xi32>
      %eq3A_1418 = arith.constant 3 : i32
      %eq3A_1419 = vector.broadcast %eq3A_1418 : i32 to vector<16xi32>
      %eq3A_1420 = arith.cmpi eq, %shift_right_arithmetic3A_1372, %eq3A_1419 : vector<16xi32>
      %lt3A_1421 = arith.constant 0 : i32
      %lt3A_1422 = vector.broadcast %lt3A_1421 : i32 to vector<16xi32>
      %lt3A_1423 = arith.cmpi slt, %and3A_1370, %lt3A_1422 : vector<16xi32>
      %add3A_1424 = arith.constant 16 : i32
      %add3A_1425 = vector.broadcast %add3A_1424 : i32 to vector<16xi32>
      %add3A_1426 = arith.addi %and3A_1370, %add3A_1425 : vector<16xi32>
      %select_n3A_1427 = arith.select %lt3A_1423, %add3A_1426, %and3A_1370 : vector<16xi1>, vector<16xi32>
      %broadcast_in_dim3A_1428 = vector.shape_cast %select_n3A_1427 : vector<16xi32> to vector<16x1xi32>
      %gather3A_1429 = vector.shape_cast %broadcast_in_dim3A_1428 : vector<16x1xi32> to vector<16xi32>
      %gather3A_1430 = tpu.dynamic_gather %add3A_1297[%gather3A_1429] in [0] : vector<16xi32>, vector<16xi32> -> vector<16xi32>
      %select_n3A_1431 = arith.select %eq3A_1420, %gather3A_1430, %broadcast_in_dim3A_0 : vector<16xi1>, vector<16xi32>
      %add3A_1432 = arith.addi %add3A_1417, %select_n3A_1431 : vector<16xi32>
      %add3A_1433 = arith.addi %get3A_1367, %add3A_1432 : vector<16xi32>
      %mul3A_1434 = arith.constant 16 : i32
      %mul3A_1435 = arith.muli %scan3A_1357, %mul3A_1434 : i32
      %swap3A_1436 = arith.index_cast %mul3A_1435 : i32 to index
      %swap3A_1437 = tpu.vector_load %arg10[%swap3A_1436] {strides = array<i32>} : memref<128xi32, #tpu.memory_space<vmem>>, vector<16xi32>,
      %swap3A_1438 = vector.shape_cast %swap3A_1437 : vector<16xi32> to vector<16xi32>
      %swap3A_1439 = vector.shape_cast %add3A_1433 : vector<16xi32> to vector<16xi32>
      tpu.vector_store %arg10[%swap3A_1436], %swap3A_1439 {strides = array<i32>} : memref<128xi32, #tpu.memory_space<vmem>>, vector<16xi32>,
    }
    %scan3A_1307 = arith.constant 8 : i32
    %mul3A_1308 = arith.constant 64 : i32
    %mul3A_1309 = arith.muli %arg0, %mul3A_1308 : i32
    %add3A_1310 = arith.constant 0 : i32
    %add3A_1311 = arith.addi %mul3A_1309, %add3A_1310 : i32
    %get3A_1312 = arith.index_cast %add3A_1311 : i32 to index
    %get3A_1313 = tpu.vector_load %arg10[%get3A_1312] {strides = array<i32>} : memref<128xi32, #tpu.memory_space<vmem>>, vector<16xi32>,
    %get3A_1314 = vector.shape_cast %get3A_1313 : vector<16xi32> to vector<16xi32>
    %swap3A_1315 = arith.constant 0 : index
    %swap3A_1316 = tpu.vector_load %arg14[%swap3A_1315] {strides = array<i32>} : memref<64xi32, #tpu.memory_space<vmem>>, vector<16xi32>,
    %swap3A_1317 = vector.shape_cast %swap3A_1316 : vector<16xi32> to vector<16xi32>
    %swap3A_1318 = vector.shape_cast %get3A_1314 : vector<16xi32> to vector<16xi32>
    tpu.vector_store %arg14[%swap3A_1315], %swap3A_1318 {strides = array<i32>} : memref<64xi32, #tpu.memory_space<vmem>>, vector<16xi32>,
    %add3A_1319 = arith.constant 16 : i32
    %add3A_1320 = arith.addi %mul3A_1309, %add3A_1319 : i32
    %get3A_1321 = arith.index_cast %add3A_1320 : i32 to index
    %get3A_1322 = tpu.vector_load %arg10[%get3A_1321] {strides = array<i32>} : memref<128xi32, #tpu.memory_space<vmem>>, vector<16xi32>,
    %get3A_1323 = vector.shape_cast %get3A_1322 : vector<16xi32> to vector<16xi32>
    %swap3A_1324 = arith.constant 16 : index
    %swap3A_1325 = tpu.vector_load %arg14[%swap3A_1324] {strides = array<i32>} : memref<64xi32, #tpu.memory_space<vmem>>, vector<16xi32>,
    %swap3A_1326 = vector.shape_cast %swap3A_1325 : vector<16xi32> to vector<16xi32>
    %swap3A_1327 = vector.shape_cast %get3A_1323 : vector<16xi32> to vector<16xi32>
    tpu.vector_store %arg14[%swap3A_1324], %swap3A_1327 {strides = array<i32>} : memref<64xi32, #tpu.memory_space<vmem>>, vector<16xi32>,
    %add3A_1328 = arith.constant 32 : i32
    %add3A_1329 = arith.addi %mul3A_1309, %add3A_1328 : i32
    %get3A_1330 = arith.index_cast %add3A_1329 : i32 to index
    %get3A_1331 = tpu.vector_load %arg10[%get3A_1330] {strides = array<i32>} : memref<128xi32, #tpu.memory_space<vmem>>, vector<16xi32>,
    %get3A_1332 = vector.shape_cast %get3A_1331 : vector<16xi32> to vector<16xi32>
    %swap3A_1333 = arith.constant 32 : index
    %swap3A_1334 = tpu.vector_load %arg14[%swap3A_1333] {strides = array<i32>} : memref<64xi32, #tpu.memory_space<vmem>>, vector<16xi32>,
    %swap3A_1335 = vector.shape_cast %swap3A_1334 : vector<16xi32> to vector<16xi32>
    %swap3A_1336 = vector.shape_cast %get3A_1332 : vector<16xi32> to vector<16xi32>
    tpu.vector_store %arg14[%swap3A_1333], %swap3A_1336 {strides = array<i32>} : memref<64xi32, #tpu.memory_space<vmem>>, vector<16xi32>,
    %add3A_1337 = arith.constant 48 : i32
    %add3A_1338 = arith.addi %mul3A_1309, %add3A_1337 : i32
    %get3A_1339 = arith.index_cast %add3A_1338 : i32 to index
    %get3A_1340 = tpu.vector_load %arg10[%get3A_1339] {strides = array<i32>} : memref<128xi32, #tpu.memory_space<vmem>>, vector<16xi32>,
    %get3A_1341 = vector.shape_cast %get3A_1340 : vector<16xi32> to vector<16xi32>
    %swap3A_1342 = arith.constant 48 : index
    %swap3A_1343 = tpu.vector_load %arg14[%swap3A_1342] {strides = array<i32>} : memref<64xi32, #tpu.memory_space<vmem>>, vector<16xi32>,
    %swap3A_1344 = vector.shape_cast %swap3A_1343 : vector<16xi32> to vector<16xi32>
    %swap3A_1345 = vector.shape_cast %get3A_1341 : vector<16xi32> to vector<16xi32>
    tpu.vector_store %arg14[%swap3A_1342], %swap3A_1345 {strides = array<i32>} : memref<64xi32, #tpu.memory_space<vmem>>, vector<16xi32>,
    %add3A_1346 = arith.addi %mul3A_12, %mul3A_1309 : i32
    "tpu.region"() ({
      %run_scoped3A = tpu.sem_alloc : memref<!tpu.dma_semaphore, #tpu.memory_space<semaphore_mem>>
      %dma_start3A_1357 = tpu.memref_slice %arg5[%add3A_1346] : memref<2048xi32, #tpu.memory_space<hbm>> -> memref<64xi32, #tpu.memory_space<hbm>>
      %dma_start3A_1358 = tpu.memref_slice %arg5[%add3A_1346] : memref<2048xi32, #tpu.memory_space<hbm>> -> memref<64xi32, #tpu.memory_space<hbm>>
      tpu.enqueue_dma source(%arg14 : memref<64xi32, #tpu.memory_space<vmem>>) target(%dma_start3A_1358 : memref<64xi32, #tpu.memory_space<hbm>>) target_semaphore(%run_scoped3A : memref<!tpu.dma_semaphore, #tpu.memory_space<semaphore_mem>>)
      %dma_wait3A_1359 = tpu.memref_slice %arg5[%add3A_1346] : memref<2048xi32, #tpu.memory_space<hbm>> -> memref<64xi32, #tpu.memory_space<hbm>>
      %dma_wait3A_1360 = tpu.memref_slice %arg5[%add3A_1346] : memref<2048xi32, #tpu.memory_space<hbm>> -> memref<64xi32, #tpu.memory_space<hbm>>
      tpu.wait_dma2 semaphore(%run_scoped3A : memref<!tpu.dma_semaphore, #tpu.memory_space<semaphore_mem>>) src(%arg14 : memref<64xi32, #tpu.memory_space<vmem>>) dst(%dma_wait3A_1360 : memref<64xi32, #tpu.memory_space<hbm>>)
      tpu.yield
    }) : () -> ()
    "tpu.region"() ({
      %run_scoped3A = tpu.sem_alloc : memref<!tpu.dma_semaphore, #tpu.memory_space<semaphore_mem>>
      %dma_start3A_1357 = arith.constant 0 : i32
      %dma_start3A_1358 = tpu.memref_slice %arg3[%add3A_1346, %dma_start3A_1357] : memref<2048x768xf32, #tpu.memory_space<hbm>> -> memref<64x768xf32, #tpu.memory_space<hbm>>
      %dma_start3A_1359 = arith.constant 0 : i32
      %dma_start3A_1360 = tpu.memref_slice %arg3[%add3A_1346, %dma_start3A_1359] : memref<2048x768xf32, #tpu.memory_space<hbm>> -> memref<64x768xf32, #tpu.memory_space<hbm>>
      tpu.enqueue_dma source(%dma_start3A_1360 : memref<64x768xf32, #tpu.memory_space<hbm>>) target(%arg15 : memref<64x768xf32, #tpu.memory_space<vmem>>) target_semaphore(%run_scoped3A : memref<!tpu.dma_semaphore, #tpu.memory_space<semaphore_mem>>)
      %dma_wait3A_1361 = arith.constant 0 : i32
      %dma_wait3A_1362 = tpu.memref_slice %arg3[%add3A_1346, %dma_wait3A_1361] : memref<2048x768xf32, #tpu.memory_space<hbm>> -> memref<64x768xf32, #tpu.memory_space<hbm>>
      %dma_wait3A_1363 = arith.constant 0 : i32
      %dma_wait3A_1364 = tpu.memref_slice %arg3[%add3A_1346, %dma_wait3A_1363] : memref<2048x768xf32, #tpu.memory_space<hbm>> -> memref<64x768xf32, #tpu.memory_space<hbm>>
      tpu.wait_dma2 semaphore(%run_scoped3A : memref<!tpu.dma_semaphore, #tpu.memory_space<semaphore_mem>>) src(%dma_wait3A_1364 : memref<64x768xf32, #tpu.memory_space<hbm>>) dst(%arg15 : memref<64x768xf32, #tpu.memory_space<vmem>>)
      tpu.yield
    }) : () -> ()
    "tpu.region"() ({
      %run_scoped3A = tpu.sem_alloc : memref<!tpu.dma_semaphore, #tpu.memory_space<semaphore_mem>>
      %dma_start3A_1357 = arith.constant 0 : i32
      %dma_start3A_1358 = tpu.memref_slice %arg4[%add3A_1346, %dma_start3A_1357] : memref<2048x128xf32, #tpu.memory_space<hbm>> -> memref<64x128xf32, #tpu.memory_space<hbm>>
      %dma_start3A_1359 = arith.constant 0 : i32
      %dma_start3A_1360 = tpu.memref_slice %arg4[%add3A_1346, %dma_start3A_1359] : memref<2048x128xf32, #tpu.memory_space<hbm>> -> memref<64x128xf32, #tpu.memory_space<hbm>>
      tpu.enqueue_dma source(%dma_start3A_1360 : memref<64x128xf32, #tpu.memory_space<hbm>>) target(%arg16 : memref<64x128xf32, #tpu.memory_space<vmem>>) target_semaphore(%run_scoped3A : memref<!tpu.dma_semaphore, #tpu.memory_space<semaphore_mem>>)
      %dma_wait3A_1361 = arith.constant 0 : i32
      %dma_wait3A_1362 = tpu.memref_slice %arg4[%add3A_1346, %dma_wait3A_1361] : memref<2048x128xf32, #tpu.memory_space<hbm>> -> memref<64x128xf32, #tpu.memory_space<hbm>>
      %dma_wait3A_1363 = arith.constant 0 : i32
      %dma_wait3A_1364 = tpu.memref_slice %arg4[%add3A_1346, %dma_wait3A_1363] : memref<2048x128xf32, #tpu.memory_space<hbm>> -> memref<64x128xf32, #tpu.memory_space<hbm>>
      tpu.wait_dma2 semaphore(%run_scoped3A : memref<!tpu.dma_semaphore, #tpu.memory_space<semaphore_mem>>) src(%dma_wait3A_1364 : memref<64x128xf32, #tpu.memory_space<hbm>>) dst(%arg16 : memref<64x128xf32, #tpu.memory_space<vmem>>)
      tpu.yield
    }) : () -> ()
    %dma_start3A = arith.constant 0 : i32
    %dma_start3A_1347 = arith.constant 0 : i32
    %dma_start3A_1348 = tpu.memref_slice %arg7[%dma_start3A, %dma_start3A_1347] : memref<2048x768xf32, #tpu.memory_space<hbm>> -> memref<2048x768xf32, #tpu.memory_space<hbm>>
    tpu.enqueue_indirect_dma source(%arg15 : memref<64x768xf32, #tpu.memory_space<vmem>>) target(%dma_start3A_1348 : memref<2048x768xf32, #tpu.memory_space<hbm>>) offsets(%arg14 : memref<64xi32, #tpu.memory_space<vmem>>) semaphore(%arg18 : memref<!tpu.dma_semaphore, #tpu.memory_space<semaphore_mem>>)
    %dma_start3A_1349 = arith.constant 0 : i32
    %dma_start3A_1350 = arith.constant 0 : i32
    %dma_start3A_1351 = tpu.memref_slice %arg8[%dma_start3A_1349, %dma_start3A_1350] : memref<2048x128xf32, #tpu.memory_space<hbm>> -> memref<2048x128xf32, #tpu.memory_space<hbm>>
    tpu.enqueue_indirect_dma source(%arg16 : memref<64x128xf32, #tpu.memory_space<vmem>>) target(%dma_start3A_1351 : memref<2048x128xf32, #tpu.memory_space<hbm>>) offsets(%arg14 : memref<64xi32, #tpu.memory_space<vmem>>) semaphore(%arg19 : memref<!tpu.dma_semaphore, #tpu.memory_space<semaphore_mem>>)
    %dma_wait3A = arith.constant 0 : i32
    %dma_wait3A_1352 = arith.constant 0 : i32
    %dma_wait3A_1353 = tpu.memref_slice %arg7[%dma_wait3A, %dma_wait3A_1352] : memref<2048x768xf32, #tpu.memory_space<hbm>> -> memref<2048x768xf32, #tpu.memory_space<hbm>>
    tpu.wait_indirect_dma semaphore(%arg18 : memref<!tpu.dma_semaphore, #tpu.memory_space<semaphore_mem>>) src(%arg15 : memref<64x768xf32, #tpu.memory_space<vmem>>) dst(%dma_wait3A_1353 : memref<2048x768xf32, #tpu.memory_space<hbm>>)
    %dma_wait3A_1354 = arith.constant 0 : i32
    %dma_wait3A_1355 = arith.constant 0 : i32
    %dma_wait3A_1356 = tpu.memref_slice %arg8[%dma_wait3A_1354, %dma_wait3A_1355] : memref<2048x128xf32, #tpu.memory_space<hbm>> -> memref<2048x128xf32, #tpu.memory_space<hbm>>
    tpu.wait_indirect_dma semaphore(%arg19 : memref<!tpu.dma_semaphore, #tpu.memory_space<semaphore_mem>>) src(%arg16 : memref<64x128xf32, #tpu.memory_space<vmem>>) dst(%dma_wait3A_1356 : memref<2048x128xf32, #tpu.memory_space<hbm>>)
    return
  }
}

#map = affine_map<(d0, d1) -> (0, 0)>
#map1 = affine_map<(d0, d1) -> (0)>
module attributes {stable_mosaic.version = 14 : i64} {
  func.func @combine_k(%arg0: i32, %arg1: i32, %arg2: memref<2048x768xf32, #tpu.memory_space<hbm>>, %arg3: memref<2048xi32, #tpu.memory_space<hbm>>, %arg4: memref<2048x768xf32, #tpu.memory_space<hbm>>, %arg5: memref<64xi32, #tpu.memory_space<vmem>>, %arg6: memref<64x768xf32, #tpu.memory_space<vmem>>, %arg7: memref<!tpu.dma_semaphore, #tpu.memory_space<semaphore_mem>>) attributes {dimension_semantics = [#tpu.dimension_semantics<core_parallel>, #tpu.dimension_semantics<subcore_parallel>], iteration_bounds = array<i64: 2, 16>, scalar_prefetch = 0 : i64, scratch_operands = 3 : i64, tpu.core_type = #tpu.core_type<sc_vector_subcore>, window_params = [{transform_indices = #map}, {transform_indices = #map1}, {transform_indices = #map}]} {
    %mul3A = arith.constant 2 : i32
    %mul3A_0 = arith.muli %arg1, %mul3A : i32
    %add3A = arith.addi %mul3A_0, %arg0 : i32
    %mul3A_1 = arith.constant 64 : i32
    %mul3A_2 = arith.muli %add3A, %mul3A_1 : i32
    "tpu.region"() ({
      %run_scoped3A = tpu.sem_alloc : memref<!tpu.dma_semaphore, #tpu.memory_space<semaphore_mem>>
      %dma_start3A_7 = tpu.memref_slice %arg3[%mul3A_2] : memref<2048xi32, #tpu.memory_space<hbm>> -> memref<64xi32, #tpu.memory_space<hbm>>
      %dma_start3A_8 = tpu.memref_slice %arg3[%mul3A_2] : memref<2048xi32, #tpu.memory_space<hbm>> -> memref<64xi32, #tpu.memory_space<hbm>>
      tpu.enqueue_dma source(%dma_start3A_8 : memref<64xi32, #tpu.memory_space<hbm>>) target(%arg5 : memref<64xi32, #tpu.memory_space<vmem>>) target_semaphore(%run_scoped3A : memref<!tpu.dma_semaphore, #tpu.memory_space<semaphore_mem>>)
      %dma_wait3A_9 = tpu.memref_slice %arg3[%mul3A_2] : memref<2048xi32, #tpu.memory_space<hbm>> -> memref<64xi32, #tpu.memory_space<hbm>>
      %dma_wait3A_10 = tpu.memref_slice %arg3[%mul3A_2] : memref<2048xi32, #tpu.memory_space<hbm>> -> memref<64xi32, #tpu.memory_space<hbm>>
      tpu.wait_dma2 semaphore(%run_scoped3A : memref<!tpu.dma_semaphore, #tpu.memory_space<semaphore_mem>>) src(%dma_wait3A_10 : memref<64xi32, #tpu.memory_space<hbm>>) dst(%arg5 : memref<64xi32, #tpu.memory_space<vmem>>)
      tpu.yield
    }) : () -> ()
    %dma_start3A = arith.constant 0 : i32
    %dma_start3A_3 = arith.constant 0 : i32
    %dma_start3A_4 = tpu.memref_slice %arg2[%dma_start3A, %dma_start3A_3] : memref<2048x768xf32, #tpu.memory_space<hbm>> -> memref<2048x768xf32, #tpu.memory_space<hbm>>
    tpu.enqueue_indirect_dma source(%dma_start3A_4 : memref<2048x768xf32, #tpu.memory_space<hbm>>) target(%arg6 : memref<64x768xf32, #tpu.memory_space<vmem>>) offsets(%arg5 : memref<64xi32, #tpu.memory_space<vmem>>) semaphore(%arg7 : memref<!tpu.dma_semaphore, #tpu.memory_space<semaphore_mem>>)
    %dma_wait3A = arith.constant 0 : i32
    %dma_wait3A_5 = arith.constant 0 : i32
    %dma_wait3A_6 = tpu.memref_slice %arg2[%dma_wait3A, %dma_wait3A_5] : memref<2048x768xf32, #tpu.memory_space<hbm>> -> memref<2048x768xf32, #tpu.memory_space<hbm>>
    tpu.wait_indirect_dma semaphore(%arg7 : memref<!tpu.dma_semaphore, #tpu.memory_space<semaphore_mem>>) src(%dma_wait3A_6 : memref<2048x768xf32, #tpu.memory_space<hbm>>) dst(%arg6 : memref<64x768xf32, #tpu.memory_space<vmem>>)
    "tpu.region"() ({
      %run_scoped3A = tpu.sem_alloc : memref<!tpu.dma_semaphore, #tpu.memory_space<semaphore_mem>>
      %dma_start3A_7 = arith.constant 0 : i32
      %dma_start3A_8 = tpu.memref_slice %arg4[%mul3A_2, %dma_start3A_7] : memref<2048x768xf32, #tpu.memory_space<hbm>> -> memref<64x768xf32, #tpu.memory_space<hbm>>
      %dma_start3A_9 = arith.constant 0 : i32
      %dma_start3A_10 = tpu.memref_slice %arg4[%mul3A_2, %dma_start3A_9] : memref<2048x768xf32, #tpu.memory_space<hbm>> -> memref<64x768xf32, #tpu.memory_space<hbm>>
      tpu.enqueue_dma source(%arg6 : memref<64x768xf32, #tpu.memory_space<vmem>>) target(%dma_start3A_10 : memref<64x768xf32, #tpu.memory_space<hbm>>) target_semaphore(%run_scoped3A : memref<!tpu.dma_semaphore, #tpu.memory_space<semaphore_mem>>)
      %dma_wait3A_11 = arith.constant 0 : i32
      %dma_wait3A_12 = tpu.memref_slice %arg4[%mul3A_2, %dma_wait3A_11] : memref<2048x768xf32, #tpu.memory_space<hbm>> -> memref<64x768xf32, #tpu.memory_space<hbm>>
      %dma_wait3A_13 = arith.constant 0 : i32
      %dma_wait3A_14 = tpu.memref_slice %arg4[%mul3A_2, %dma_wait3A_13] : memref<2048x768xf32, #tpu.memory_space<hbm>> -> memref<64x768xf32, #tpu.memory_space<hbm>>
      tpu.wait_dma2 semaphore(%run_scoped3A : memref<!tpu.dma_semaphore, #tpu.memory_space<semaphore_mem>>) src(%arg6 : memref<64x768xf32, #tpu.memory_space<vmem>>) dst(%dma_wait3A_14 : memref<64x768xf32, #tpu.memory_space<hbm>>)
      tpu.yield
    }) : () -> ()
    return
  }
}

module attributes {stable_mosaic.version = 14 : i64} {
  func.func @_tc_gmm_kernel(%arg0: i32, %arg1: memref<80xi32, #tpu.memory_space<smem>>, %arg2: memref<2048x768xf32, #tpu.memory_space<vmem>>, %arg3: memref<2048x128xf32, #tpu.memory_space<vmem>>, %arg4: memref<1x512x768xf32, #tpu.memory_space<vmem>>, %arg5: memref<1x768x256xf32, #tpu.memory_space<vmem>>, %arg6: memref<2048x768xf32, #tpu.memory_space<vmem>>) attributes {dimension_semantics = [#tpu.dimension_semantics<arbitrary>], iteration_bounds = array<i64: 64>, scalar_prefetch = 0 : i64, scratch_operands = 0 : i64, tpu.core_type = #tpu.core_type<tc>, window_params = [{transform_indices = @transform_0, window_bounds = array<i64: 80>}, {pipeline_mode = #tpu.pipeline_mode<synchronous>, transform_indices = @transform_1, window_bounds = array<i64: 2048, 768>}, {pipeline_mode = #tpu.pipeline_mode<synchronous>, transform_indices = @transform_2, window_bounds = array<i64: 2048, 128>}, {transform_indices = @transform_3, window_bounds = array<i64: 1, 512, 768>}, {transform_indices = @transform_4, window_bounds = array<i64: 1, 768, 256>}, {pipeline_mode = #tpu.pipeline_mode<synchronous>, transform_indices = @transform_5, window_bounds = array<i64: 2048, 768>}]} {
    %eq3A = arith.constant 0 : i32
    %eq3A_0 = arith.cmpi eq, %arg0, %eq3A : i32
    %convert_element_type3A = arith.extui %eq3A_0 : i1 to i32
    %cond3A = arith.constant 0 : i32
    %cond3A_1 = arith.cmpi ne, %convert_element_type3A, %cond3A : i32
    scf.if %cond3A_1 {
      %broadcast_in_dim3A = arith.constant 0.000000e+00 : f32
      %broadcast_in_dim3A_68 = vector.broadcast %broadcast_in_dim3A : f32 to vector<2048x768xf32>
      %swap3A = arith.constant 0 : index
      %swap3A_69 = arith.constant 0 : index
      %swap3A_70 = vector.load %arg6[%swap3A, %swap3A_69] : memref<2048x768xf32, #tpu.memory_space<vmem>>, vector<2048x768xf32>
      tpu.vector_store %arg6[%swap3A, %swap3A_69], %broadcast_in_dim3A_68 {strides = array<i32>} : memref<2048x768xf32, #tpu.memory_space<vmem>>, vector<2048x768xf32>,
    } else {
    }
    %get3A = arith.index_cast %arg0 : i32 to index
    %get3A_2 = memref.load %arg1[%get3A] : memref<80xi32, #tpu.memory_space<smem>>
    %add3A = arith.constant 1 : i32
    %add3A_3 = arith.addi %arg0, %add3A : i32
    %get3A_4 = arith.index_cast %add3A_3 : i32 to index
    %get3A_5 = memref.load %arg1[%get3A_4] : memref<80xi32, #tpu.memory_space<smem>>
    %jit3A = arith.constant 256 : i32
    %div3A = arith.divsi %get3A_2, %jit3A : i32
    %sign3A = arith.constant 0 : i32
    %sign3A_6 = arith.cmpi sgt, %get3A_2, %sign3A : i32
    %sign3A_7 = arith.extui %sign3A_6 : i1 to i32
    %sign3A_8 = arith.constant 0 : i32
    %sign3A_9 = arith.cmpi slt, %get3A_2, %sign3A_8 : i32
    %sign3A_10 = arith.extui %sign3A_9 : i1 to i32
    %sign3A_11 = arith.subi %sign3A_7, %sign3A_10 : i32
    %sign3A_12 = arith.constant 0 : i32
    %sign3A_13 = arith.cmpi sgt, %jit3A, %sign3A_12 : i32
    %sign3A_14 = arith.extui %sign3A_13 : i1 to i32
    %sign3A_15 = arith.constant 0 : i32
    %sign3A_16 = arith.cmpi slt, %jit3A, %sign3A_15 : i32
    %sign3A_17 = arith.extui %sign3A_16 : i1 to i32
    %sign3A_18 = arith.subi %sign3A_14, %sign3A_17 : i32
    %ne3A = arith.cmpi ne, %sign3A_11, %sign3A_18 : i32
    %rem3A = arith.remsi %get3A_2, %jit3A : i32
    %ne3A_19 = arith.constant 0 : i32
    %ne3A_20 = arith.cmpi ne, %rem3A, %ne3A_19 : i32
    %and3A = arith.andi %ne3A, %ne3A_20 : i1
    %sub3A = arith.constant 1 : i32
    %sub3A_21 = arith.subi %div3A, %sub3A : i32
    %select_n3A = arith.select %and3A, %sub3A_21, %div3A : i32
    %add3A_22 = arith.constant 256 : i32
    %add3A_23 = arith.addi %get3A_5, %add3A_22 : i32
    %sub3A_24 = arith.constant 1 : i32
    %sub3A_25 = arith.subi %add3A_23, %sub3A_24 : i32
    %jit3A_26 = arith.constant 256 : i32
    %div3A_27 = arith.divsi %sub3A_25, %jit3A_26 : i32
    %sign3A_28 = arith.constant 0 : i32
    %sign3A_29 = arith.cmpi sgt, %sub3A_25, %sign3A_28 : i32
    %sign3A_30 = arith.extui %sign3A_29 : i1 to i32
    %sign3A_31 = arith.constant 0 : i32
    %sign3A_32 = arith.cmpi slt, %sub3A_25, %sign3A_31 : i32
    %sign3A_33 = arith.extui %sign3A_32 : i1 to i32
    %sign3A_34 = arith.subi %sign3A_30, %sign3A_33 : i32
    %sign3A_35 = arith.constant 0 : i32
    %sign3A_36 = arith.cmpi sgt, %jit3A_26, %sign3A_35 : i32
    %sign3A_37 = arith.extui %sign3A_36 : i1 to i32
    %sign3A_38 = arith.constant 0 : i32
    %sign3A_39 = arith.cmpi slt, %jit3A_26, %sign3A_38 : i32
    %sign3A_40 = arith.extui %sign3A_39 : i1 to i32
    %sign3A_41 = arith.subi %sign3A_37, %sign3A_40 : i32
    %ne3A_42 = arith.cmpi ne, %sign3A_34, %sign3A_41 : i32
    %rem3A_43 = arith.remsi %sub3A_25, %jit3A_26 : i32
    %ne3A_44 = arith.constant 0 : i32
    %ne3A_45 = arith.cmpi ne, %rem3A_43, %ne3A_44 : i32
    %and3A_46 = arith.andi %ne3A_42, %ne3A_45 : i1
    %sub3A_47 = arith.constant 1 : i32
    %sub3A_48 = arith.subi %div3A_27, %sub3A_47 : i32
    %select_n3A_49 = arith.select %and3A_46, %sub3A_48, %div3A_27 : i32
    %get3A_50 = arith.constant 0 : index
    %get3A_51 = arith.constant 0 : index
    %get3A_52 = arith.constant 0 : index
    %get3A_53 = vector.load %arg4[%get3A_50, %get3A_51, %get3A_52] : memref<1x512x768xf32, #tpu.memory_space<vmem>>, vector<1x512x768xf32>
    %get3A_54 = vector.shape_cast %get3A_53 : vector<1x512x768xf32> to vector<512x768xf32>
    %get3A_55 = arith.constant 0 : index
    %get3A_56 = arith.constant 0 : index
    %get3A_57 = arith.constant 0 : index
    %get3A_58 = vector.load %arg5[%get3A_55, %get3A_56, %get3A_57] : memref<1x768x256xf32, #tpu.memory_space<vmem>>, vector<1x768x256xf32>
    %get3A_59 = vector.shape_cast %get3A_58 : vector<1x768x256xf32> to vector<768x256xf32>
    %while3A = arith.constant 0 : i32
    %while3A_60 = arith.subi %select_n3A_49, %select_n3A : i32
    %while3A_61 = arith.addi %select_n3A, %while3A_60 : i32
    %while3A_62 = arith.constant 1 : i32
    %while3A_63 = arith.divsi %while3A_60, %while3A_62 : i32
    %while3A_64 = arith.muli %while3A_63, %while3A_62 : i32
    %while3A_65 = arith.addi %select_n3A, %while3A_64 : i32
    %while3A_66 = arith.constant 1 : i32
    scf.for %while3A_68 = %select_n3A to %while3A_65 step %while3A_66  : i32 {
      %mul3A = arith.constant 256 : i32
      %mul3A_69 = arith.muli %while3A_68, %mul3A : i32
      %get3A_70 = arith.index_cast %mul3A_69 : i32 to index
      %get3A_71 = arith.constant 0 : index
      %get3A_72 = vector.load %arg2[%get3A_70, %get3A_71] : memref<2048x768xf32, #tpu.memory_space<vmem>>, vector<256x768xf32>
      %dot_general3A = arith.constant dense<0.000000e+00> : vector<256x512xf32>
      %dot_general3A_73 = tpu.matmul %get3A_72, %get3A_54, %dot_general3A {dimension_numbers = #tpu.dot_dimension_numbers<[1], [1], [0], [0], [0, 0, 1, 0], [], []>, transpose_lhs_hint = false} : vector<256x768xf32>, vector<512x768xf32>, vector<256x512xf32> -> vector<256x512xf32>
      %slice3A = vector.extract_strided_slice %dot_general3A_73 {offsets = [0, 0], sizes = [256, 256], strides = [1, 1]} : vector<256x512xf32> to vector<256x256xf32>
      %slice3A_74 = vector.extract_strided_slice %dot_general3A_73 {offsets = [0, 256], sizes = [256, 256], strides = [1, 1]} : vector<256x512xf32> to vector<256x256xf32>
      %iota3A = tpu.iota {dimensions = array<i32: 0>} : vector<256x1xi32>
      %add3A_75 = vector.broadcast %mul3A_69 : i32 to vector<256x1xi32>
      %add3A_76 = arith.addi %add3A_75, %iota3A : vector<256x1xi32>
      %ge3A = vector.broadcast %get3A_2 : i32 to vector<256x1xi32>
      %ge3A_77 = arith.cmpi sge, %add3A_76, %ge3A : vector<256x1xi32>
      %lt3A = vector.broadcast %get3A_5 : i32 to vector<256x1xi32>
      %lt3A_78 = arith.cmpi slt, %add3A_76, %lt3A : vector<256x1xi32>
      %and3A_79 = arith.andi %ge3A_77, %lt3A_78 : vector<256x1xi1>
      %get3A_80 = arith.index_cast %mul3A_69 : i32 to index
      %get3A_81 = arith.constant 0 : index
      %get3A_82 = vector.load %arg3[%get3A_80, %get3A_81] : memref<2048x128xf32, #tpu.memory_space<vmem>>, vector<256x1xf32>
      %jit3A_83 = arith.constant 0.000000e+00 : f32
      %broadcast_in_dim3A = vector.broadcast %jit3A_83 : f32 to vector<256x1xf32>
      %select_n3A_84 = arith.select %and3A_79, %get3A_82, %broadcast_in_dim3A : vector<256x1xi1>, vector<256x1xf32>
      %mul3A_85 = arith.mulf %slice3A, %slice3A_74 : vector<256x256xf32>
      %logistic3A = arith.negf %slice3A_74 : vector<256x256xf32>
      %logistic3A_86 = math.exp %logistic3A : vector<256x256xf32>
      %logistic3A_87 = arith.constant 1.000000e+00 : f32
      %logistic3A_88 = vector.broadcast %logistic3A_87 : f32 to vector<256x256xf32>
      %logistic3A_89 = arith.addf %logistic3A_88, %logistic3A_86 : vector<256x256xf32>
      %logistic3A_90 = arith.divf %logistic3A_88, %logistic3A_89 : vector<256x256xf32>
      %mul3A_91 = arith.mulf %mul3A_85, %logistic3A_90 : vector<256x256xf32>
      %mul3A_92 = vector.broadcast %select_n3A_84 : vector<256x1xf32> to vector<256x256xf32>
      %mul3A_93 = arith.mulf %mul3A_91, %mul3A_92 : vector<256x256xf32>
      %dot_general3A_94 = arith.constant dense<0.000000e+00> : vector<256x768xf32>
      %dot_general3A_95 = tpu.matmul %mul3A_93, %get3A_59, %dot_general3A_94 {dimension_numbers = #tpu.dot_dimension_numbers<[1], [1], [0], [0], [0, 0, 1, 0], [], []>, transpose_lhs_hint = false} : vector<256x256xf32>, vector<768x256xf32>, vector<256x768xf32> -> vector<256x768xf32>
      %get3A_96 = arith.index_cast %mul3A_69 : i32 to index
      %get3A_97 = arith.constant 0 : index
      %get3A_98 = vector.load %arg6[%get3A_96, %get3A_97] : memref<2048x768xf32, #tpu.memory_space<vmem>>, vector<256x768xf32>
      %add3A_99 = arith.addf %get3A_98, %dot_general3A_95 : vector<256x768xf32>
      %swap3A = arith.index_cast %mul3A_69 : i32 to index
      %swap3A_100 = arith.constant 0 : index
      %swap3A_101 = vector.load %arg6[%swap3A, %swap3A_100] : memref<2048x768xf32, #tpu.memory_space<vmem>>, vector<256x768xf32>
      tpu.vector_store %arg6[%swap3A, %swap3A_100], %add3A_99 {strides = array<i32>} : memref<2048x768xf32, #tpu.memory_space<vmem>>, vector<256x768xf32>,
    }
    %while3A_67 = arith.constant 1 : i32
    scf.for %while3A_68 = %while3A_65 to %while3A_61 step %while3A_67  : i32 {
      %mul3A = arith.constant 256 : i32
      %mul3A_69 = arith.muli %while3A_68, %mul3A : i32
      %get3A_70 = arith.index_cast %mul3A_69 : i32 to index
      %get3A_71 = arith.constant 0 : index
      %get3A_72 = vector.load %arg2[%get3A_70, %get3A_71] : memref<2048x768xf32, #tpu.memory_space<vmem>>, vector<256x768xf32>
      %dot_general3A = arith.constant dense<0.000000e+00> : vector<256x512xf32>
      %dot_general3A_73 = tpu.matmul %get3A_72, %get3A_54, %dot_general3A {dimension_numbers = #tpu.dot_dimension_numbers<[1], [1], [0], [0], [0, 0, 1, 0], [], []>, transpose_lhs_hint = false} : vector<256x768xf32>, vector<512x768xf32>, vector<256x512xf32> -> vector<256x512xf32>
      %slice3A = vector.extract_strided_slice %dot_general3A_73 {offsets = [0, 0], sizes = [256, 256], strides = [1, 1]} : vector<256x512xf32> to vector<256x256xf32>
      %slice3A_74 = vector.extract_strided_slice %dot_general3A_73 {offsets = [0, 256], sizes = [256, 256], strides = [1, 1]} : vector<256x512xf32> to vector<256x256xf32>
      %iota3A = tpu.iota {dimensions = array<i32: 0>} : vector<256x1xi32>
      %add3A_75 = vector.broadcast %mul3A_69 : i32 to vector<256x1xi32>
      %add3A_76 = arith.addi %add3A_75, %iota3A : vector<256x1xi32>
      %ge3A = vector.broadcast %get3A_2 : i32 to vector<256x1xi32>
      %ge3A_77 = arith.cmpi sge, %add3A_76, %ge3A : vector<256x1xi32>
      %lt3A = vector.broadcast %get3A_5 : i32 to vector<256x1xi32>
      %lt3A_78 = arith.cmpi slt, %add3A_76, %lt3A : vector<256x1xi32>
      %and3A_79 = arith.andi %ge3A_77, %lt3A_78 : vector<256x1xi1>
      %get3A_80 = arith.index_cast %mul3A_69 : i32 to index
      %get3A_81 = arith.constant 0 : index
      %get3A_82 = vector.load %arg3[%get3A_80, %get3A_81] : memref<2048x128xf32, #tpu.memory_space<vmem>>, vector<256x1xf32>
      %jit3A_83 = arith.constant 0.000000e+00 : f32
      %broadcast_in_dim3A = vector.broadcast %jit3A_83 : f32 to vector<256x1xf32>
      %select_n3A_84 = arith.select %and3A_79, %get3A_82, %broadcast_in_dim3A : vector<256x1xi1>, vector<256x1xf32>
      %mul3A_85 = arith.mulf %slice3A, %slice3A_74 : vector<256x256xf32>
      %logistic3A = arith.negf %slice3A_74 : vector<256x256xf32>
      %logistic3A_86 = math.exp %logistic3A : vector<256x256xf32>
      %logistic3A_87 = arith.constant 1.000000e+00 : f32
      %logistic3A_88 = vector.broadcast %logistic3A_87 : f32 to vector<256x256xf32>
      %logistic3A_89 = arith.addf %logistic3A_88, %logistic3A_86 : vector<256x256xf32>
      %logistic3A_90 = arith.divf %logistic3A_88, %logistic3A_89 : vector<256x256xf32>
      %mul3A_91 = arith.mulf %mul3A_85, %logistic3A_90 : vector<256x256xf32>
      %mul3A_92 = vector.broadcast %select_n3A_84 : vector<256x1xf32> to vector<256x256xf32>
      %mul3A_93 = arith.mulf %mul3A_91, %mul3A_92 : vector<256x256xf32>
      %dot_general3A_94 = arith.constant dense<0.000000e+00> : vector<256x768xf32>
      %dot_general3A_95 = tpu.matmul %mul3A_93, %get3A_59, %dot_general3A_94 {dimension_numbers = #tpu.dot_dimension_numbers<[1], [1], [0], [0], [0, 0, 1, 0], [], []>, transpose_lhs_hint = false} : vector<256x256xf32>, vector<768x256xf32>, vector<256x768xf32> -> vector<256x768xf32>
      %get3A_96 = arith.index_cast %mul3A_69 : i32 to index
      %get3A_97 = arith.constant 0 : index
      %get3A_98 = vector.load %arg6[%get3A_96, %get3A_97] : memref<2048x768xf32, #tpu.memory_space<vmem>>, vector<256x768xf32>
      %add3A_99 = arith.addf %get3A_98, %dot_general3A_95 : vector<256x768xf32>
      %swap3A = arith.index_cast %mul3A_69 : i32 to index
      %swap3A_100 = arith.constant 0 : index
      %swap3A_101 = vector.load %arg6[%swap3A, %swap3A_100] : memref<2048x768xf32, #tpu.memory_space<vmem>>, vector<256x768xf32>
      tpu.vector_store %arg6[%swap3A, %swap3A_100], %add3A_99 {strides = array<i32>} : memref<2048x768xf32, #tpu.memory_space<vmem>>, vector<256x768xf32>,
    }
    return
  }
  func.func @transform_0(%arg0: i32) -> i32 {
    %c0_i32 = arith.constant 0 : i32
    %c0_i32_0 = arith.constant 0 : i32
    return %c0_i32 : i32
  }
  func.func @transform_1(%arg0: i32) -> (i32, i32) {
    %c0_i32 = arith.constant 0 : i32
    %c0_i32_0 = arith.constant 0 : i32
    %c0_i32_1 = arith.constant 0 : i32
    return %c0_i32, %c0_i32_0 : i32, i32
  }
  func.func @transform_2(%arg0: i32) -> (i32, i32) {
    %c0_i32 = arith.constant 0 : i32
    %c0_i32_0 = arith.constant 0 : i32
    %c0_i32_1 = arith.constant 0 : i32
    return %c0_i32, %c0_i32_0 : i32, i32
  }
  func.func @transform_3(%arg0: i32) -> (i32, i32, i32) {
    %c0_i32 = arith.constant 0 : i32
    %c0_i32_0 = arith.constant 0 : i32
    %c0_i32_1 = arith.constant 0 : i32
    return %arg0, %c0_i32, %c0_i32_0 : i32, i32, i32
  }
  func.func @transform_4(%arg0: i32) -> (i32, i32, i32) {
    %c0_i32 = arith.constant 0 : i32
    %c0_i32_0 = arith.constant 0 : i32
    %c0_i32_1 = arith.constant 0 : i32
    return %arg0, %c0_i32, %c0_i32_0 : i32, i32, i32
  }
  func.func @transform_5(%arg0: i32) -> (i32, i32) {
    %c0_i32 = arith.constant 0 : i32
    %c0_i32_0 = arith.constant 0 : i32
    %c0_i32_1 = arith.constant 0 : i32
    return %c0_i32, %c0_i32_0 : i32, i32
  }
}

</mosaic_0001>

<sc_bundles>
// kernel: kernel.5.cloned.1.call-start
scs
__scs_entry_jumppad:
0x0: {  	(pc) =	sbr.rel $0x88, $3  }
0x1: {  	(tag) =	ssettag $0x0;
	lr =	simm.s32 $0x1  }
0x2: {  	[smem:$0x3F9C] =	sst lr;
	_ =	strace $0xD0000000  }
0x3: {  	_ = 	snop  }
0x4: {  	_ = 	snop  }
0x5: {  	_ = 	snop  }
0x6: {  	_ = 	snop  }
0x7: {  	_ = 	snop  }
__scs_overlays_trampoline_lowered:
0x8: {  	[smem:$0x3FAB] =	sst s0  }
0x9: {  	[smem:$0x3FAC] =	sst s1  }
0xa: {  	[smem:$0x3FAD] =	sst s2  }
0xb: {  	[smem:$0x3FAE] =	sst s3  }
0xc: {  	[smem:$0x3FAF] =	sst s4  }
0xd: {  	[smem:$0x3FB0] =	sst s5  }
0xe: {  	[smem:$0x3FB1] =	sst s6  }
0xf: {  	[smem:$0x3FB2] =	sst s7  }
0x10: {  	[smem:$0x3FB3] =	sst s8  }
0x11: {  	[smem:$0x3FB4] =	sst s9;
	s0 =	simm.s32 @!p0 $0x0  }
0x12: {  	s1 =	sld [smem:$0x3F9A];
	s0 =	simm.s32 @p0 $0x1  }
0x13: {  	[smem:$0x3FB5] =	sst s0;
	s0 =	simm.s32 @!p1 $0x0  }
0x14: {  	s2 =	sld [smem:$0x3F99];
	s0 =	simm.s32 @p1 $0x1  }
0x15: {  	[smem:$0x3FB6] =	sst s0;
	s0 =	simm.s32 @!p2 $0x0  }
0x16: {  	s3 =	sld [smem:$0x3FDB];
	s0 =	simm.s32 @p2 $0x1  }
0x17: {  	s4 =	simm.s32 $0x1BF5;
	[smem:$0x3FB8] =	sst s0  }
0x18: {  	s0 =	sld [smem:$0x3F9B];
	_ =	swait.ge [sflag:s4], $0x0  }
0x19: {  	s7 =	sld [smem:$0x3F9C]  }
0x1a: {  	s8 =	sadd.s32 $0xFFFFE003, lr  }
0x1b: {  	s9 =	sadd.s32 $0xFFFFFEF7, lr;
	s5 =	simm.s32 $0xFFFFFFFF;
	p2 =	slt.u32 s8, $0xFFFFF086  }
0x1c: {  	p1 =	slt.u32 s9, $0xF7A;
	s5 =	simm.s32 @!p2 $0x0  }
0x1d: {  	s5 =	simm.s32 @p1 $0x1;
	p0 =	seq.s32 s7, s2  }
0x1e: {  	s7 =	smul.u32 @!p0 $0xF7A, s2;
	p2 =	seq.s32 @!p0 s5, $0x0  }
0x1f: {  	s9 =	smul.u32 $0xF7A, s1;
	s8 =	simm.s32 @!p0 $0x1BF5;
	p2 =	por !p2, p0  }
0x20: {  	[sflag:s8] =	ssyncset.s32 @!p0 $0xFFFFF086;
	s6 =	sadd.s32 @!p0 s3, s7;
	s7 =	simm.s32 @!p0 $0x108  }
0x21: {  	s3 =	sadd.s32 s3, s9;
	s6 =	sadd.s32 @!p0 $0x88, s6;
	s7 =	simm.s32 @p2 $0x1082  }
0x22: {  	[simem:s7], [sflag:s8] =	dma.local @!p0 [hbm:s6], $0xF7A  }
0x23: {  	s9 =	sor.u32 $0xD0000000, s2;
	s6 =	simm.s32 $0x108;
	_ =	swait.ge @!p0 [sflag:s8], $0x0  }
0x24: {  	s3 =	sadd.s32 $0x88, s3;
	s6 =	simm.s32 @!p1 $0x1082;
	[sflag:s4] =	ssyncset.s32 $0xFFFFF086  }
0x25: {  	[simem:s6], [sflag:s4] =	dma.local [hbm:s3], $0xF7A  }
0x26: {  	[smem:$0x3F9C] =	sst s1;
	(tag) =	ssettag s2;
	_ =	strace s9  }
0x27: {  	s1 =	sld [smem:$0x3FAC]  }
0x28: {  	s2 =	sld [smem:$0x3FAD]  }
0x29: {  	s4 =	sld [smem:$0x3FAF]  }
0x2a: {  	p0 =	seq.s32 s5, $0x0;
	s5 =	sld [smem:$0x3FB0]  }
0x2b: {  	s6 =	sld [smem:$0x3FB1]  }
0x2c: {  	s7 =	sld [smem:$0x3FB2]  }
0x2d: {  	s3 =	simm.s32 $0x108;
	s8 =	sld [smem:$0x3FB3]  }
0x2e: {  	s3 =	simm.s32 @!p0 $0x1082;
	s9 =	sld [smem:$0x3FB4]  }
0x2f: {  	lr =	sadd.s32 s0, s3;
	s0 =	sld [smem:$0x3FAB]  }
0x30: {  	s3 =	sld [smem:$0x3FAE]  }
0x31: {  	[smem:$0x3FB7] =	sst s10  }
0x32: {  	s10 =	sld [smem:$0x3FB5];
	_ =	sdelay $0x3  }
0x33: {  	p0 =	seq.s32 s10, $0x1;
	s10 =	sld [smem:$0x3FB7];
	_ =	sdelay $0x3  }
0x34: {  	[smem:$0x3FB7] =	sst s10  }
0x35: {  	s10 =	sld [smem:$0x3FB6];
	_ =	sdelay $0x3  }
0x36: {  	p1 =	seq.s32 s10, $0x1;
	s10 =	sld [smem:$0x3FB7];
	_ =	sdelay $0x3  }
0x37: {  	[smem:$0x3FB7] =	sst s10  }
0x38: {  	s10 =	sld [smem:$0x3FB8]  }
0x39: {  	_ = 	snop;
	(pc) =	sbr.ind lr, $3  }
0x3a: {  	_ = 	snop  }
0x3b: {  	_ = 	snop  }
0x3c: {  	p2 =	seq.s32 s10, $0x1;
	s10 =	sld [smem:$0x3FB7]  }
0x3d: {  	_ =	shalt  }
0x3e: {  	_ =	shalt  }
0x3f: {  	_ =	shalt  }
0x40: {  	_ =	shalt  }
0x41: {  	_ =	shalt  }
0x42: {  	_ =	shalt  }
0x43: {  	_ =	shalt  }
0x44: {  	_ =	shalt  }
0x45: {  	_ =	shalt  }
0x46: {  	_ =	shalt  }
0x47: {  	_ =	shalt  }
0x48: {  	_ =	shalt  }
0x49: {  	_ =	shalt  }
0x4a: {  	_ =	shalt  }
0x4b: {  	_ =	shalt  }
0x4c: {  	_ =	shalt  }
0x4d: {  	_ =	shalt  }
0x4e: {  	_ =	shalt  }
0x4f: {  	_ =	shalt  }
0x50: {  	_ =	shalt  }
0x51: {  	_ =	shalt  }
0x52: {  	_ =	shalt  }
0x53: {  	_ =	shalt  }
0x54: {  	_ =	shalt  }
0x55: {  	_ =	shalt  }
0x56: {  	_ =	shalt  }
0x57: {  	_ =	shalt  }
0x58: {  	_ =	shalt  }
0x59: {  	_ =	shalt  }
0x5a: {  	_ =	shalt  }
0x5b: {  	_ =	shalt  }
0x5c: {  	_ =	shalt  }
0x5d: {  	_ =	shalt  }
0x5e: {  	_ =	shalt  }
0x5f: {  	_ =	shalt  }
0x60: {  	_ =	shalt  }
0x61: {  	_ =	shalt  }
0x62: {  	_ =	shalt  }
0x63: {  	_ =	shalt  }
0x64: {  	_ =	shalt  }
0x65: {  	_ =	shalt  }
0x66: {  	_ =	shalt  }
0x67: {  	_ =	shalt  }
0x68: {  	_ =	shalt  }
0x69: {  	_ =	shalt  }
0x6a: {  	_ =	shalt  }
0x6b: {  	_ =	shalt  }
0x6c: {  	_ =	shalt  }
0x6d: {  	_ =	shalt  }
0x6e: {  	_ =	shalt  }
0x6f: {  	_ =	shalt  }
0x70: {  	_ =	shalt  }
0x71: {  	_ =	shalt  }
0x72: {  	_ =	shalt  }
0x73: {  	_ =	shalt  }
0x74: {  	_ =	shalt  }
0x75: {  	_ =	shalt  }
0x76: {  	_ =	shalt  }
0x77: {  	_ =	shalt  }
0x78: {  	_ =	shalt  }
0x79: {  	_ =	shalt  }
0x7a: {  	_ =	shalt  }
0x7b: {  	_ =	shalt  }
0x7c: {  	_ =	shalt  }
0x7d: {  	_ =	shalt  }
0x7e: {  	_ =	shalt  }
0x7f: {  	_ =	shalt  }
0x80: {  	_ =	shalt  }
0x81: {  	_ =	shalt  }
0x82: {  	_ =	shalt  }
0x83: {  	_ =	shalt  }
0x84: {  	_ =	shalt  }
0x85: {  	_ =	shalt  }
0x86: {  	_ =	shalt  }
0x87: {  	_ =	shalt  }
.Lfunc_end0:
.L_simem_size_0:
called_computation_lowered:
.L_overlay_start_0:
0x88: {  	s2 =	sld [smem:$0x3FD9]  }
0x89: {  	s3 =	sld [smem:$0x3FFE];
	_ =	sdelay $0x1  }
0x8a: {  	s1 =	srdreg.scid  }
0x8b: {  	s0 =	sand.u32 $0x1, s1  }
0x8c: {  	s17 =	sshll.u32 s0, $0xA;
	s2 =	sadd.s32 s3, s2  }
0x8d: {  	s2 =	sadd.s32 s2, s17  }
0x8e: {  	[smem:$0x3FC3] =	sst s2  }
0x8f: {  	_ = 	snop  }
0x90: {  	s2 =	sld [smem:$0x3FC9]  }
0x91: {  	s18 =	sld [smem:$0x3FC7]  }
0x92: {  	s4 =	sld [smem:$0x3FD0];
	(tm) =	ssettm $0x1  }
0x93: {  	s5 =	sld [smem:$0x3FFB];
	_ =	sdelay $0x3  }
0x94: {  	_ =	strace s5  }
0x95: {  	s5 =	sld [smem:$0x3FFC];
	_ =	sdelay $0x3  }
0x96: {  	_ =	strace s5  }
0x97: {  	s5 =	sld [smem:$0x3FFD];
	_ =	sdelay $0x3  }
0x98: {  	_ =	strace s5  }
0x99: {  	_ =	strace $0x8FFFFFFF  }
0x9a: {  	s19 =	sld [smem:$0x3FDB];
	_ =	sdelay $0x1  }
0x9b: {  	s6 =	simm.s32 $_scs_section_size  }
0x9c: {  	s7 =	simm.s32 $_size__tile_overlayer_lowered;
	s8 =	simm.s32 $_tile_overlayer_lowered  }
0x9d: {  	s22 =	simm.s32 $0x1BFF;
	s21 =	sshll.u32 s8, $0x1;
	s5 =	sadd.s32 s6, s19  }
0x9e: {  	s9 =	simm.s32 $0x0;
	s20 =	sshll.u32 s7, $0x1;
	s7 =	sadd.s32 s21, s5  }
0x9f: {  	[timem:s9], [sflag:s22] =	dma.local [hbm:s7], s20  }
0xa0: {  	_ =	swait.ge [sflag:s22], s20  }
0xa1: {  	s6 =	ssub.s32 $0x0, s20;
	[sflag:s22] =	ssyncset.done $0x0  }
0xa2: {  	[sflag:s22] =	ssyncadd.s32 s6;
	_ =	sdelay $0x1  }
0xa3: {  	s23 =	simm.s32 $0x1B8B  }
0xa4: {  	_ =	swait.ge [sflag:s23], $0x1  }
0xa5: {  	[sflag:s23] =	ssyncset.done $0x0  }
0xa6: {  	s25 =	simm.s32 $0x1B8E;
	s24 =	sld [smem:$0x3FFE];
	[sflag:s23] =	ssyncadd.s32 $0xFFFFFFFF  }
0xa7: {  	s26 =	simm.s32 $execute0_lowered;
	[smem:$0x3FD2] =	sst s25  }
0xa8: {  	s7 =	sshll.u32 s26, $0x1;
	_ =	strace $0x80000046;
	[dreg:$0x1] =	wrdreg $0xFFFFFFFF  }
0xa9: {  	s28 =	simm.s32 $_size_execute0_lowered;
	s5 =	sadd.s32 s5, s7;
	[dreg:$0x0] =	wrdreg $0x0  }
0xaa: {  	s7 =	sshll.u32 s28, $0x1;
	[dreg:$0x2] =	wrdreg s5  }
0xab: {  	[dreg:$0x3] =	wrdreg s7  }
0xac: {  	[dreg:$0x4] =	wrdreg $0xC0  }
0xad: {  	_ =	task [dreg:s9], $0x5FFFF  }
0xae: {  	[dreg:$0x1] =	wrdreg $0xFFFFFFFF  }
0xaf: {  	[dreg:$0x0] =	wrdreg $0x60  }
0xb0: {  	[dreg:$0x2] =	wrdreg s18  }
0xb1: {  	[dreg:$0x3] =	wrdreg s2  }
0xb2: {  	[dreg:$0x4] =	wrdreg s24  }
0xb3: {  	[dreg:$0x5] =	wrdreg s4  }
0xb4: {  	[dreg:$0x6] =	wrdreg $0xE6800  }
0xb5: {  	[dreg:$0x7] =	wrdreg $0x9  }
0xb6: {  	_ =	task.clear_ibuf [dreg:s9], $0x8FFFF;
	_ =	strace $0x90000046  }
0xb7: {  	s29 =	simm.s32 $0x9;
	_ =	strace $0x80000048  }
0xb8: {  	_ =	swait.ge [sflag:s29], $0x1  }
0xb9: {  	[sflag:s29] =	ssyncadd.s32 $0xFFFFFFFF  }
0xba: {  	_ =	strace $0x90000048  }
0xbb: {  	_ =	sfence  }
0xbc: {  	s30 =	sld [smem:$0x0];
	_ =	sdelay $0x2  }
0xbd: {  	s31 =	sshll.u32 s1, $0xD;
	s1 =	sshrl.u32 s1, $0x2  }
0xbe: {  	s3 =	sand.u32 $0x4000, s31;
	s1 =	sadd.s32 s1, s30  }
0xbf: {  	s0 =	sor.u32 s3, s0;
	s1 =	sshll.u32 s1, $0x11  }
0xc0: {  	s0 =	sor.u32 s1, s0  }
0xc1: {  	s0 =	sadd.s32 $0x8F2B, s0  }
0xc2: {  	[sflag:s0] =	ssyncadd.remote.s32 $0x1  }
0xc3: {  	_ =	sfence.sel $0xFFFF  }
0xc4: {  	[dreg:$0x0] =	wrdreg $0xFFFFFFFF;
	(pc) =	sbr.abs _section_cstart, $3  }
0xc5: {  	[dreg:$0x1] =	wrdreg $0xFFFFFFFF  }
0xc6: {  	_ =	task.clear_ibuf [dreg:s9], $0x2FFFF;
	_ =	strace $0x9FFFFFFF  }
0xc7: {  	(tm) =	ssettm $0x7FFFFFFF  }
tec
execute0_lowered:
.L_overlay_start_1:
0x0: {  	(tag) =	ssettag $0x1  }
0x1: {  	s14 =	stileid.u32  }
0x2: {  	v0 =	vmov s14  }
0x3: {  	[tilespmem:$0x1FF60] =	vst v0;
	v0 =	vlaneseq.u32  }
0x4: {  	v49 =	vor.u32 $0x10, v0  }
0x5: {  	v50 =	vor.u32 $0x20, v0;
	v52 =	vor.u32 $0x30, v0;
	v0 =	vimm.s32 $0xEDCBA987  }
0x6: {  	v2 =	vimm.s32 $0x65432100;
	v0 =	vunpack.c.l.s4.s8 v0  }
0x7: {  	v2 =	vunpack.c.l.s4.s8 v2  }
0x8: {  	s0 =	rddreg [dreg:$0x0];
	v0 =	vunpack.c.0.s8.s32 v0  }
0x9: {  	s2 =	rddreg [dreg:$0x1];
	v3 =	vimm.s32 $0xDCBA9876;
	v2 =	vunpack.c.0.s8.s32 v2  }
0xa: {  	s3 =	rddreg [dreg:$0x2];
	s4 =	srdreg.scid;
	v4 =	vimm.s32 $0x54321000;
	v3 =	vunpack.c.l.s4.s8 v3;
	v0 =	vand.u32 $0xF, v0  }
0xb: {  	s1 =	rddreg [dreg:$0x3];
	s10 =	sand.u32 $0x1, s4;
	s4 =	simm.s32 $0x0;
	v4 =	vunpack.c.l.s4.s8 v4;
	v0 =	vcombine.low v2, v0  }
0xc: {  	[smem:$0x7FF] =	sst s4;
	v3 =	vunpack.c.0.s8.s32 v3  }
0xd: {  	s15 =	rddreg [dreg:$0x4];
	v1 =	vimm.s32 $0x0;
	s16 =	simm.s32 $0x3;
	_ =	strace $0x80000047;
	[tilespmem:$0x1FF70] =	vst v0;
	v0 =	vunpack.c.0.s8.s32 v4  }
0xe: {  	v44 =	vimm.s32 $0x4;
	v5 =	vimm.s32 $0xE40000;
	s19 =	simm.s32 $0x600;
	s20 =	simm.s32 $0x680;
	s21 =	simm.s32 $0xC680;
	v2 =	vand.u32 $0xF, v3  }
0xf: {  	v46 =	vimm.s32 $0x1;
	s28 =	simm.s32 $0xA680;
	s29 =	simm.s32 $0xAE80;
	s30 =	simm.s32 $0xB680;
	v5 =	vunpack.c.l.s2.s4 v5;
	v0 =	vcombine.low v0, v2  }
0x10: {  	v47 =	vimm.s32 $0x2;
	v48 =	vimm.s32 $0x3;
	s31 =	simm.s32 $0xBE80;
	s17 =	simm.s32 $0x0;
	s6 =	sshll.u32 s14, $0x7;
	v3 =	vimm.s32 $0xBA987654  }
0x11: {  	s23 =	sshll.u32 s14, $0x4;
	s24 =	sshll.u32 s14, $0x6;
	s5 =	sshll.u32 s10, $0x6;
	v4 =	vunpack.c.l.s4.s8 v5;
	v2 =	vunpack.c.l.s4.s8 v3;
	[tilespmem:$0x1FF80] =	vst v0;
	v0 =	vimm.s32 $0x32100000  }
0x12: {  	vm1 =	vmmov $0x1;
	v54 =	vimm.s32 $0x5;
	s8 =	ssub.s32 $0x2, s10;
	s26 =	sor.u32 s10, s14;
	s14 =	sadd.s32 $0x200, s1;
	v0 =	vunpack.c.l.s4.s8 v0  }
0x13: {  	s6 =	sor.u32 s5, s6;
	s13 =	sshrl.u32 s8, $0x1;
	p0 =	sne.s32 s26, $0x0;
	v3 =	vimm.s32 $0x7060504;
	v4 =	vunpack.c.0.s8.s32 v4;
	v2 =	vunpack.c.0.s8.s32 v2  }
0x14: {  	v56 =	vimm.s32 $0x6;
	s26 =	simm.s32 $0x9E80;
	s7 =	sshll.u32 s6, $0x4;
	s9 =	sshrl.u32 s6, $0x3;
	[tilespmem:$0x1FFC0] =	vst v49;
	v3 =	vunpack.c.0.s8.s32 v3;
	v0 =	vunpack.c.0.s8.s32 v0  }
0x15: {  	vm0 =	vcmask $0x3F30;
	s6 =	sadd.s32 $0x11400, s3;
	s22 =	ssub.s32 s8, s13;
	s8 =	sadd.s32 s0, s23;
	[tilespmem:$0x1FFD0] =	vst v50;
	v4 =	vand.u32 $0x3, v4;
	v2 =	vand.u32 $0xF, v2  }
0x16: {  	v57 =	vimm.s32 $0x7;
	s13 =	sadd.s32 $0x100, s1;
	s0 =	simm.s32 $0x1;
	[tilespmem:$0x1FFE0] =	vst v52;
	s12 =	sadd.s32 s7, s3;
	v3 =	vsel vm0, v3, v4;
	v0 =	vcombine.low v0, v2  }
0x17: {  	v58 =	vimm.s32 $0x8;
	vm15 =	vmmov $0x7fff;
	s11 =	sadd.s32 s9, s3;
	s7 =	sadd.s32 $0x9400, s3;
	s25 =	smul.u32 $0x300, s9;
	v4 =	vimm.s32 $0x0;
	[tilespmem:$0x1FF90] =	vst v3  }
0x18: {  	v59 =	vimm.s32 $0x9;
	s9 =	sadd.s32 s24, s15;
	s15 =	smax.u32 s22, $0x1;
	s24 =	simm.s32 $0x8E80;
	v4 =	vsel vm15, $0xFFFFFFFF, v4;
	[tilespmem:$0x1FFB0] =	vst v0;
	v0 =	vimm.s32 $0x0  }
0x19: {  	v60 =	vimm.s32 $0xA;
	v61 =	vimm.s32 $0xB;
	s3 =	simm.s32 $0x2;
	s10 =	sadd.s32 $0x11600, s11;
	s12 =	sadd.s32 $0x1400, s12;
	[tilespmem:$0x1FFA0] =	vst v4;
	v0 =	vsel vm1, $0xFFFFFFFF, v0  }
0x1a: {  	v62 =	vimm.s32 $0xC;
	v63 =	vimm.s32 $0xD;
	s11 =	sadd.s32 s2, s25;
	s25 =	simm.s32 $0x9680;
	s2 =	simm.s32 $0x40;
	v3 =	vimm.s32 $0xE;
	[tilespmem:$0x1FFF0] =	vst v0  }
.LBB2_1:
0x1b: {  	[tilespmem:s4], [sflag:$0x3] =	stream.linear.gather [hbm4b:s8+s4], $0x80, $0x38;
	[tilespmem:$0xE6C0] =	vst v63  }
0x1c: {  	_ =	swait.ge [sflag:s16], $0x80  }
0x1d: {  	[sflag:s16] =	ssyncset.done $0x0  }
0x1e: {  	s18 =	simm.s32 $0x0;
	[sflag:s16] =	ssyncadd.s32 $0xFFFFFF80  }
0x1f: {  	v0 =	vld [tilespmem:s18+$0x0];
	_ =	sdelay $0x3  }
0x20: {  	v2 =	vimm.s32 $0xF  }
0x21: {  	v6 =	vperm.xlane v0, v3;
	v5 =	vperm.xlane v0, v2  }
0x22: {  	v8 =	vperm.xlane v0, v62;
	v7 =	vperm.xlane v0, v63  }
0x23: {  	v10 =	vperm.xlane v0, v60;
	v9 =	vperm.xlane v0, v61  }
0x24: {  	v37 =	vperm.xlane v0, v58;
	v19 =	vperm.xlane v0, v59  }
0x25: {  	v45 =	vperm.xlane v0, v56;
	v42 =	vperm.xlane v0, v57  }
0x26: {  	v55 =	vperm.xlane v0, v44;
	v51 =	vperm.xlane v0, v54  }
0x27: {  	v4 =	vperm.xlane v0, v47;
	v22 =	vperm.xlane v0, v48;
	v2 =	vand.u32 $0xF, v6  }
0x28: {  	v14 =	vperm.xlane v0, v1;
	v13 =	vperm.xlane v0, v46;
	v0 =	vand.u32 $0xF, v55;
	[tilespmem:$0x1FC00] =	vst v2  }
0x29: {  	v2 =	vand.u32 $0xF, v8;
	[tilespmem:$0x1FC40] =	vst v0  }
0x2a: {  	vm2 =	veq.s32 v7, v49;
	v0 =	vimm.s32 $0x0;
	[tilespmem:$0x1FC10] =	vst v2;
	v2 =	vand.u32 $0xF, v10  }
0x2b: {  	v0 =	vsel vm2, $0xFFFFFFFF, v0;
	[tilespmem:$0x1FC20] =	vst v2  }
0x2c: {  	vm6 =	veq.s32 v6, v52;
	v2 =	vand.u32 $0xF, v37;
	[tilespmem:$0x1FDA0] =	vst v0  }
0x2d: {  	vm4 =	veq.s32 v5, v50;
	v0 =	vsel vm6, $0x1, v1;
	[tilespmem:$0x1FC30] =	vst v2  }
0x2e: {  	vm7 =	veq.s32 v5, v52;
	[tilespmem:$0x1FC80] =	vst v0;
	v0 =	vsel vm4, $0x1, v1  }
0x2f: {  	vm8 =	veq.s32 v8, v52;
	[tilespmem:$0x1FC90] =	vst v0;
	v0 =	vsel vm7, $0x1, v1  }
0x30: {  	vm5 =	veq.s32 v7, v52;
	[tilespmem:$0x1FCA0] =	vst v0;
	v0 =	vsel vm8, $0x1, v1  }
0x31: {  	vm10 =	veq.s32 v6, v50;
	[tilespmem:$0x1FCC0] =	vst v0;
	v0 =	vsel vm5, $0x1, v1  }
0x32: {  	vm9 =	veq.s32 v7, v50;
	[tilespmem:$0x1FCD0] =	vst v0;
	v0 =	vsel vm10, $0x1, v1  }
0x33: {  	vm13 =	veq.s32 v6, v49;
	[tilespmem:$0x1FCE0] =	vst v0;
	v0 =	vsel vm9, $0x1, v1  }
0x34: {  	vm11 =	veq.s32 v9, v52;
	[tilespmem:$0x1FD00] =	vst v0;
	v0 =	vsel vm13, $0x1, v1  }
0x35: {  	v3 =	vlaneseq.u32;
	vm14 =	veq.s32 v8, v50;
	[tilespmem:$0x1FD10] =	vst v0;
	v0 =	vsel vm11, $0x1, v1  }
0x36: {  	v2 =	vimm.s32 $0x0;
	[tilespmem:$0x1FD30] =	vst v0;
	v0 =	vsel vm14, $0x1, v1;
	vm14 =	veq.s32 v19, v3  }
0x37: {  	vm2 =	veq.s32 v10, v52;
	v2 =	vsel vm14, $0xFFFFFFFF, v2  }
0x38: {  	vm0 =	veq.s32 v5, v3;
	[tilespmem:$0x1FD50] =	vst v2;
	v2 =	vsel vm2, $0x1, v1  }
0x39: {  	vm15 =	veq.s32 v7, v3;
	vm2 =	veq.s32 v45, v52;
	[tilespmem:$0x1FD60] =	vst v2;
	v2 =	vimm.s32 $0x0  }
0x3a: {  	[tilespmem:$0x1FC70] =	vst v7;
	v7 =	vsel vm0, $0x1, v1;
	vm0 =	veq.s32 v9, v50;
	v2 =	vsel vm2, $0xFFFFFFFF, v2  }
0x3b: {  	[tilespmem:$0x1FD70] =	vst v2;
	v2 =	vsel vm0, $0x1, v1  }
0x3c: {  	vm0 =	veq.s32 v42, v50;
	[tilespmem:$0x1FD80] =	vst v2;
	v2 =	vimm.s32 $0x0  }
0x3d: {  	v2 =	vsel vm0, $0xFFFFFFFF, v2  }
0x3e: {  	[tilespmem:$0x1FD90] =	vst v2;
	v2 =	vld [tilespmem:$0x1FDA0];
	_ =	sdelay $0x4  }
0x3f: {  	vm0 =	vnez.u8 v2  }
0x40: {  	v2 =	vsel vm0, $0x1, v1  }
0x41: {  	vm1 =	veq.s32 v5, v49;
	vm0 =	veq.s32 v19, v49;
	[tilespmem:$0x1FDB0] =	vst v2;
	v2 =	vimm.s32 $0x0  }
0x42: {  	v25 =	vsel vm1, $0x1, v1;
	vm1 =	veq.s32 v19, v52;
	v2 =	vsel vm0, $0xFFFFFFFF, v2  }
0x43: {  	[tilespmem:$0x1FDC0] =	vst v2;
	v2 =	vsel vm1, $0x1, v1  }
0x44: {  	vm0 =	veq.s32 v51, v52;
	[tilespmem:$0x1FDD0] =	vst v2;
	v2 =	vimm.s32 $0x0  }
0x45: {  	[tilespmem:$0x1FC50] =	vst v5;
	v5 =	vimm.s32 $0x0;
	v2 =	vsel vm0, $0xFFFFFFFF, v2;
	vm0 =	veq.s32 v37, v3  }
0x46: {  	vm7 =	veq.s32 v8, v49;
	v5 =	vsel vm0, $0xFFFFFFFF, v5  }
0x47: {  	[tilespmem:$0x1FDF0] =	vst v5;
	v5 =	vsel vm7, $0x1, v1  }
0x48: {  	vm0 =	veq.s32 v37, v49;
	[tilespmem:$0x1FE00] =	vst v5;
	v5 =	vimm.s32 $0x0  }
0x49: {  	vm4 =	veq.s32 v10, v50;
	v5 =	vsel vm0, $0xFFFFFFFF, v5  }
0x4a: {  	[tilespmem:$0x1FE10] =	vst v5;
	v5 =	vsel vm4, $0x1, v1  }
0x4b: {  	vm12 =	veq.s32 v6, v3;
	vm0 =	veq.s32 v45, v50;
	[tilespmem:$0x1FE20] =	vst v5;
	v5 =	vimm.s32 $0x0  }
0x4c: {  	[tilespmem:$0x1FC60] =	vst v6;
	v6 =	vimm.s32 $0x0;
	v5 =	vsel vm0, $0xFFFFFFFF, v5;
	vm0 =	veq.s32 v42, v3  }
0x4d: {  	vm10 =	veq.s32 v9, v49;
	v6 =	vsel vm0, $0xFFFFFFFF, v6  }
0x4e: {  	[tilespmem:$0x1FE40] =	vst v6;
	v6 =	vsel vm10, $0x1, v1  }
0x4f: {  	vm0 =	veq.s32 v42, v49;
	[tilespmem:$0x1FE50] =	vst v6;
	v6 =	vimm.s32 $0x0  }
0x50: {  	v6 =	vsel vm0, $0xFFFFFFFF, v6  }
0x51: {  	vm0 =	veq.s32 v55, v52;
	[tilespmem:$0x1FE60] =	vst v6;
	v6 =	vimm.s32 $0x0  }
0x52: {  	vm9 =	veq.s32 v19, v50;
	v6 =	vsel vm0, $0xFFFFFFFF, v6  }
0x53: {  	[tilespmem:$0x1FE70] =	vst v6;
	v6 =	vsel vm9, $0x1, v1  }
0x54: {  	vm0 =	veq.s32 v51, v50;
	[tilespmem:$0x1FE80] =	vst v6;
	v6 =	vimm.s32 $0x0  }
0x55: {  	v20 =	vimm.s32 $0x0;
	v6 =	vsel vm0, $0xFFFFFFFF, v6  }
0x56: {  	v18 =	vimm.s32 $0x0;
	vm0 =	veq.s32 v45, v3;
	[tilespmem:$0x1FE90] =	vst v6;
	v6 =	vimm.s32 $0x0  }
0x57: {  	v32 =	vimm.s32 $0x0;
	v39 =	vimm.s32 $0x0;
	v6 =	vsel vm0, $0xFFFFFFFF, v6  }
0x58: {  	v23 =	vand.u32 $0xF, v45;
	vm0 =	veq.s32 v22, v52;
	[tilespmem:$0x1FEA0] =	vst v6;
	v6 =	vimm.s32 $0x0  }
0x59: {  	vm3 =	veq.s32 v8, v3;
	v11 =	vsel vm12, $0x1, v1;
	v6 =	vsel vm0, $0xFFFFFFFF, v6  }
0x5a: {  	vm12 =	veq.s32 v10, v3;
	vm0 =	veq.s32 v55, v50;
	[tilespmem:$0x1FEB0] =	vst v6;
	v6 =	vimm.s32 $0x0  }
0x5b: {  	[tilespmem:$0x1FCB0] =	vst v8;
	v53 =	vsel vm12, $0x1, v1;
	vm12 =	veq.s32 v13, v50;
	v6 =	vsel vm0, $0xFFFFFFFF, v6  }
0x5c: {  	vm6 =	veq.s32 v37, v52;
	vm0 =	veq.s32 v45, v49;
	[tilespmem:$0x1FEC0] =	vst v6;
	v6 =	vimm.s32 $0x0  }
0x5d: {  	[tilespmem:$0x1FCF0] =	vst v9;
	v15 =	vsel vm6, $0x1, v1;
	vm6 =	veq.s32 v13, v52;
	v6 =	vsel vm0, $0xFFFFFFFF, v6  }
0x5e: {  	vm8 =	veq.s32 v9, v3;
	vm5 =	veq.s32 v10, v49;
	[tilespmem:$0x1FED0] =	vst v6;
	v6 =	vimm.s32 $0x0  }
0x5f: {  	v33 =	vsel vm5, $0x1, v1;
	vm5 =	veq.s32 v22, v50;
	[tilespmem:$0x1FEE0] =	vst v6;
	v6 =	vimm.s32 $0x0  }
0x60: {  	vm13 =	veq.s32 v37, v50;
	vm11 =	veq.s32 v42, v52;
	[tilespmem:$0x1FEF0] =	vst v6;
	v6 =	vimm.s32 $0x0  }
0x61: {  	v16 =	vsel vm13, $0x1, v1;
	vm13 =	veq.s32 v14, v50;
	[tilespmem:$0x1FF00] =	vst v6;
	v6 =	vimm.s32 $0x0  }
0x62: {  	v35 =	vsel vm11, $0x1, v1;
	vm0 =	veq.s32 v4, v52;
	[tilespmem:$0x1FF10] =	vst v6;
	v6 =	vimm.s32 $0x0  }
0x63: {  	vm11 =	veq.s32 v22, v3;
	[tilespmem:$0x1FD40] =	vst v0;
	v0 =	vsel vm15, $0x1, v1;
	v6 =	vsel vm0, $0xFFFFFFFF, v6  }
0x64: {  	vm14 =	veq.s32 v4, v49;
	vm0 =	veq.s32 v51, v49;
	[tilespmem:$0x1FF20] =	vst v6;
	v6 =	vimm.s32 $0x0  }
0x65: {  	vm15 =	veq.s32 v14, v49;
	vm2 =	veq.s32 v4, v3;
	[tilespmem:$0x1FDE0] =	vst v2;
	v6 =	vsel vm0, $0xFFFFFFFF, v6  }
0x66: {  	v2 =	vsel vm3, $0x1, v1;
	vm0 =	veq.s32 v55, v49;
	[tilespmem:$0x1FF30] =	vst v6;
	v6 =	vimm.s32 $0x0  }
0x67: {  	[tilespmem:$0x1FD20] =	vst v10;
	vm3 =	veq.s32 v13, v3;
	vm7 =	veq.s32 v22, v49;
	v6 =	vsel vm0, $0xFFFFFFFF, v6  }
0x68: {  	vm4 =	veq.s32 v14, v3;
	vm0 =	veq.s32 v4, v50;
	[tilespmem:$0x1FF40] =	vst v6;
	v6 =	vimm.s32 $0x0  }
0x69: {  	[tilespmem:$0x1FE30] =	vst v5;
	v5 =	vsel vm8, $0x1, v1;
	vm8 =	veq.s32 v14, v52;
	v6 =	vsel vm0, $0xFFFFFFFF, v6  }
0x6a: {  	s22 =	simm.s32 $0x40;
	vm10 =	veq.s32 v55, v3;
	vm9 =	veq.s32 v51, v3;
	vm0 =	veq.s32 v13, v49;
	[tilespmem:$0x1FF50] =	vst v6  }
.LBB2_2:
0x6b: {  	v6 =	vld [tilespmem:$0x1FD50]  }
0x6c: {  	v8 =	vld [tilespmem:$0x1FDC0];
	_ =	sdelay $0x3  }
0x6d: {  	vm1 =	vnez.u8 v6  }
0x6e: {  	v6 =	vsel vm1, $0x1, v1;
	vm1 =	vnez.u8 v8;
	v8 =	vld [tilespmem:$0x1FD70];
	_ =	sdelay $0x4  }
0x6f: {  	v28 =	vsel vm1, $0x1, v1;
	vm1 =	vnez.u8 v8;
	v8 =	vld [tilespmem:$0x1FD90];
	_ =	sdelay $0x4  }
0x70: {  	v38 =	vsel vm1, $0x1, v1;
	vm1 =	vnez.u8 v8;
	v8 =	vld [tilespmem:$0x1FDF0]  }
0x71: {  	v3 =	vsel vm4, $0x1, v1;
	v9 =	vld [tilespmem:$0x1FE10]  }
0x72: {  	v29 =	vadd.s32 v3, v20;
	v3 =	vsel vm3, $0x1, v1  }
0x73: {  	v34 =	vadd.s32 v3, v29;
	v3 =	vsel vm2, $0x1, v1  }
0x74: {  	v10 =	vadd.s32 v3, v34;
	v3 =	vsel vm11, $0x1, v1  }
0x75: {  	v63 =	vadd.s32 v3, v10;
	v41 =	vsel vm1, $0x1, v1;
	vm1 =	vnez.u8 v8  }
0x76: {  	v3 =	vsel vm10, $0x1, v1;
	v8 =	vsel vm1, $0x1, v1;
	vm1 =	vnez.u8 v9;
	v9 =	vld [tilespmem:$0x1FDE0]  }
0x77: {  	v31 =	vadd.s32 v3, v63;
	v3 =	vsel vm9, $0x1, v1  }
0x78: {  	v59 =	vadd.s32 v3, v31;
	v3 =	vld [tilespmem:$0x1FEA0];
	_ =	sdelay $0x2  }
0x79: {  	v48 =	vsel vm1, $0x1, v1;
	vm1 =	vnez.u8 v9;
	v9 =	vld [tilespmem:$0x1FE30];
	_ =	sdelay $0x1  }
0x7a: {  	v26 =	vsel vm1, $0x1, v1;
	vm1 =	vnez.u8 v3  }
0x7b: {  	v3 =	vsel vm1, $0x1, v1  }
0x7c: {  	v56 =	vadd.s32 v3, v59;
	v3 =	vld [tilespmem:$0x1FE40]  }
0x7d: {  	vm1 =	vnez.u8 v9;
	v9 =	vld [tilespmem:$0x1FE60];
	_ =	sdelay $0x3  }
0x7e: {  	v43 =	vsel vm1, $0x1, v1;
	vm1 =	vnez.u8 v3  }
0x7f: {  	v3 =	vsel vm1, $0x1, v1;
	vm1 =	vnez.u8 v9;
	v9 =	vld [tilespmem:$0x1FE70];
	_ =	sdelay $0x4  }
0x80: {  	v47 =	vsel vm1, $0x1, v1;
	vm1 =	vnez.u8 v9;
	v9 =	vld [tilespmem:$0x1FE90];
	_ =	sdelay $0x4  }
0x81: {  	v46 =	vsel vm1, $0x1, v1;
	vm1 =	vnez.u8 v9;
	v9 =	vld [tilespmem:$0x1FEB0]  }
0x82: {  	v12 =	vld [tilespmem:$0x1FED0];
	v3 =	vadd.s32 v3, v56  }
0x83: {  	[tilespmem:$0x1F8E0] =	vst v3;
	v3 =	vadd.s32 v8, v3;
	v8 =	vld [tilespmem:$0x1FEC0];
	_ =	sdelay $0x2  }
0x84: {  	v49 =	vsel vm1, $0x1, v1;
	vm1 =	vnez.u8 v9  }
0x85: {  	v6 =	vadd.s32 v6, v3;
	v9 =	vsel vm1, $0x1, v1;
	vm1 =	vnez.u8 v12  }
0x86: {  	[tilespmem:$0x1F900] =	vst v6;
	v6 =	vadd.s32 v53, v6;
	v50 =	vsel vm1, $0x1, v1;
	vm1 =	vnez.u8 v8;
	v8 =	vld [tilespmem:$0x1FF30]  }
0x87: {  	[tilespmem:$0x1F8F0] =	vst v3;
	v3 =	vld [tilespmem:$0x1FF20];
	v5 =	vadd.s32 v5, v6  }
0x88: {  	v27 =	vsel vm6, $0x1, v1;
	[tilespmem:$0x1F910] =	vst v6;
	v2 =	vadd.s32 v2, v5;
	v12 =	vld [tilespmem:$0x1FF40]  }
0x89: {  	v62 =	vsel vm8, $0x1, v1;
	v6 =	vld [tilespmem:$0x1FF50];
	[tilespmem:$0x1F930] =	vst v2;
	v2 =	vadd.s32 v0, v2;
	v0 =	vsel vm13, $0x1, v1  }
0x8a: {  	v52 =	vsel vm12, $0x1, v1;
	v21 =	vsel vm15, $0x1, v1;
	[tilespmem:$0x1F920] =	vst v5;
	v5 =	vadd.s32 v0, v32;
	v0 =	vld [tilespmem:$0x1FEE0]  }
0x8b: {  	v40 =	vsel vm0, $0x1, v1;
	v54 =	vsel vm1, $0x1, v1;
	vm1 =	vnez.u8 v8  }
0x8c: {  	v20 =	vsel vm14, $0x1, v1;
	v57 =	vsel vm1, $0x1, v1;
	vm1 =	vnez.u8 v3  }
0x8d: {  	[tilespmem:$0x1F960] =	vst v2;
	v2 =	vadd.s32 v11, v2;
	v3 =	vsel vm1, $0x1, v1;
	vm1 =	vnez.u8 v12  }
0x8e: {  	v17 =	vadd.s32 v7, v2;
	v58 =	vsel vm1, $0x1, v1;
	vm1 =	vnez.u8 v6  }
0x8f: {  	[tilespmem:$0x1F9A0] =	vst v2;
	v32 =	vadd.s32 v52, v5;
	v2 =	vadd.s32 v62, v0;
	v60 =	vsel vm1, $0x1, v1  }
0x90: {  	v11 =	vadd.s32 v27, v2;
	v8 =	vsel vm5, $0x1, v1;
	v24 =	vadd.s32 v60, v32  }
0x91: {  	v30 =	vadd.s32 v21, v18;
	v27 =	vadd.s32 v3, v11;
	v3 =	vadd.s32 v8, v24  }
0x92: {  	v7 =	vadd.s32 v40, v30;
	v6 =	vld [tilespmem:$0x1FE80];
	v8 =	vadd.s32 v9, v27;
	v9 =	vadd.s32 v54, v3  }
0x93: {  	v61 =	vsel vm7, $0x1, v1;
	v12 =	vadd.s32 v20, v7;
	v62 =	vadd.s32 v49, v9  }
0x94: {  	v36 =	vadd.s32 v61, v12;
	v61 =	vadd.s32 v46, v8;
	v46 =	vadd.s32 v43, v62  }
0x95: {  	v43 =	vadd.s32 v41, v46  }
0x96: {  	v54 =	vadd.s32 v16, v43  }
0x97: {  	v44 =	vadd.s32 v58, v36;
	v49 =	vadd.s32 v6, v54;
	v6 =	vld [tilespmem:$0x1FDD0]  }
0x98: {  	v0 =	vadd.s32 v57, v44;
	v60 =	vadd.s32 v26, v61  }
0x99: {  	v26 =	vadd.s32 v50, v0;
	v57 =	vadd.s32 v38, v60  }
0x9a: {  	v47 =	vadd.s32 v47, v26;
	v41 =	vadd.s32 v35, v57  }
0x9b: {  	v58 =	vadd.s32 v48, v47;
	v48 =	vadd.s32 v15, v41  }
0x9c: {  	v52 =	vadd.s32 v6, v48;
	v6 =	vld [tilespmem:$0x1FE20];
	_ =	sdelay $0x4  }
0x9d: {  	v38 =	vadd.s32 v6, v49;
	v6 =	vld [tilespmem:$0x1FD60];
	_ =	sdelay $0x4  }
0x9e: {  	v15 =	vadd.s32 v6, v52;
	v6 =	vld [tilespmem:$0x1FE50];
	_ =	sdelay $0x2  }
0x9f: {  	v28 =	vadd.s32 v28, v58  }
0xa0: {  	v50 =	vadd.s32 v33, v28  }
0xa1: {  	v40 =	vadd.s32 v6, v50;
	v6 =	vld [tilespmem:$0x1FD80];
	_ =	sdelay $0x4  }
0xa2: {  	v16 =	vadd.s32 v6, v38;
	v6 =	vld [tilespmem:$0x1FD30];
	_ =	sdelay $0x4  }
0xa3: {  	[tilespmem:$0x1F950] =	vst v15;
	v15 =	vadd.s32 v6, v15;
	v6 =	vld [tilespmem:$0x1FE00];
	_ =	sdelay $0x4  }
0xa4: {  	v21 =	vadd.s32 v6, v40;
	v6 =	vld [tilespmem:$0x1FD40];
	_ =	sdelay $0x4  }
0xa5: {  	[tilespmem:$0x1F940] =	vst v16;
	v16 =	vadd.s32 v6, v16;
	v6 =	vld [tilespmem:$0x1FCC0];
	_ =	sdelay $0x4  }
0xa6: {  	[tilespmem:$0x1F990] =	vst v15;
	v15 =	vadd.s32 v6, v15;
	v6 =	vld [tilespmem:$0x1FDB0];
	_ =	sdelay $0x4  }
0xa7: {  	v18 =	vadd.s32 v6, v21;
	v6 =	vld [tilespmem:$0x1FD00];
	_ =	sdelay $0x4  }
0xa8: {  	[tilespmem:$0x1F970] =	vst v16;
	v16 =	vadd.s32 v6, v16;
	v6 =	vld [tilespmem:$0x1FCD0];
	_ =	sdelay $0x4  }
0xa9: {  	[tilespmem:$0x1F9C0] =	vst v15;
	v15 =	vadd.s32 v6, v15;
	v6 =	vld [tilespmem:$0x1FD10];
	_ =	sdelay $0x4  }
0xaa: {  	[tilespmem:$0x1F980] =	vst v18;
	v18 =	vadd.s32 v6, v18;
	v6 =	vld [tilespmem:$0x1FCE0];
	_ =	sdelay $0x4  }
0xab: {  	[tilespmem:$0x1F9D0] =	vst v16;
	v16 =	vadd.s32 v6, v16;
	v6 =	vld [tilespmem:$0x1FC80];
	_ =	sdelay $0x4  }
0xac: {  	[tilespmem:$0x1FA00] =	vst v15;
	v15 =	vadd.s32 v6, v15;
	v6 =	vld [tilespmem:$0x1FC90];
	_ =	sdelay $0x4  }
0xad: {  	v20 =	vmov v37;
	v37 =	vadd.s32 v6, v16;
	v6 =	vld [tilespmem:$0x1FCA0]  }
0xae: {  	[tilespmem:$0x1FA10] =	vst v17;
	v0 =	vperm.xlane v0, v23;
	v35 =	vand.u32 $0xF, v4;
	v4 =	vshra.s32 v4, $0x4  }
0xaf: {  	v34 =	vperm.xlane v34, v35;
	v33 =	vand.u32 $0xF, v14;
	[tilespmem:$0x1F9B0] =	vst v18;
	v18 =	vadd.s32 v25, v18  }
0xb0: {  	v7 =	vperm.xlane v7, v35;
	v14 =	vshra.s32 v14, $0x4;
	v39 =	vperm.xlane v39, v33;
	[tilespmem:$0x1F9E0] =	vst v18  }
0xb1: {  	v53 =	vmovc v17;
	v11 =	vperm.xlane v11, v35;
	vm0 =	veq.s32 v14, $0x0;
	vm1 =	veq.s32 v14, $0x1;
	v17 =	vmovc v18;
	[tilespmem:$0x1FA20] =	vst v15  }
0xb2: {  	v39 =	vnsel vm0, $0x0, v39;
	vm0 =	veq.s32 v14, $0x2;
	v18 =	vmovc v37;
	v25 =	vadd.s32 v6, v15;
	v6 =	vld [tilespmem:$0x1FEF0];
	[tilespmem:$0x1FEF0] =	vst v17  }
0xb3: {  	v15 =	vand.u32 $0xF, v13;
	v13 =	vshra.s32 v13, $0x4;
	v17 =	vld [tilespmem:$0x1FF00];
	[tilespmem:$0x1FF00] =	vst v18;
	v18 =	vand.u32 $0xF, v22  }
0xb4: {  	v22 =	vshra.s32 v22, $0x4;
	v29 =	vperm.xlane v29, v15;
	v30 =	vperm.xlane v30, v15  }
0xb5: {  	v5 =	vperm.xlane v5, v15;
	vm2 =	veq.s32 v13, $0x0;
	v10 =	vperm.xlane v10, v18  }
0xb6: {  	vm3 =	veq.s32 v13, $0x1;
	v12 =	vperm.xlane v12, v18;
	v2 =	vperm.xlane v2, v15  }
0xb7: {  	v15 =	vperm.xlane v32, v35;
	v24 =	vperm.xlane v24, v18;
	vm4 =	veq.s32 v22, $0x1  }
0xb8: {  	v32 =	vld [tilespmem:$0x1FF10];
	v29 =	vnsel vm2, $0x0, v29;
	v30 =	vnsel vm3, $0x0, v30;
	vm2 =	veq.s32 v4, $0x0  }
0xb9: {  	vm3 =	veq.s32 v4, $0x1;
	v12 =	vnsel vm4, $0x0, v12;
	vm4 =	vcmask $0x308  }
0xba: {  	v29 =	vadd.s32 v30, v29;
	v30 =	vnsel vm2, $0x0, v34;
	v7 =	vnsel vm3, $0x0, v7  }
0xbb: {  	[tilespmem:$0x1F9F0] =	vst v16;
	vm2 =	veq.s32 v4, $0x2;
	vm3 =	veq.s32 v22, $0x0;
	v16 =	vperm.xlane v6, v33  }
0xbc: {  	v17 =	vperm.xlane v17, v33;
	v7 =	vadd.s32 v7, v30;
	v10 =	vnsel vm3, $0x0, v10  }
0xbd: {  	v15 =	vnsel vm2, $0x0, v15;
	v32 =	vperm.xlane v32, v33;
	v10 =	vadd.s32 v12, v10  }
0xbe: {  	v16 =	vnsel vm1, $0x0, v16;
	vm1 =	veq.s32 v13, $0x2;
	v17 =	vnsel vm0, $0x0, v17  }
0xbf: {  	vm0 =	veq.s32 v14, $0x3;
	v14 =	vand.u32 $0xF, v51;
	v5 =	vnsel vm1, $0x0, v5  }
0xc0: {  	v16 =	vadd.s32 v16, v39;
	vm1 =	veq.s32 v13, $0x3;
	v13 =	vshra.s32 v55, $0x4  }
0xc1: {  	v55 =	vperm.xlane v31, v14;
	v9 =	vperm.xlane v9, v14;
	v5 =	vadd.s32 v5, v29  }
0xc2: {  	v16 =	vadd.s32 v17, v16;
	v2 =	vnsel vm1, $0x0, v2;
	v17 =	vnsel vm0, $0x0, v32  }
0xc3: {  	[tilespmem:$0x1FEE0] =	vst v25;
	v33 =	vmovc v25;
	v25 =	vld [tilespmem:$0x1FC40];
	vm0 =	veq.s32 v4, $0x3;
	v4 =	vperm.xlane v27, v18;
	vm1 =	veq.s32 v22, $0x2  }
0xc4: {  	vm2 =	veq.s32 v13, $0x0;
	vm3 =	veq.s32 v13, $0x1;
	v27 =	vperm.xlane v62, v23  }
0xc5: {  	v62 =	vimm.s32 $0xC;
	v2 =	vadd.s32 v2, v5;
	v5 =	vadd.s32 v15, v7  }
0xc6: {  	v7 =	vshra.s32 v51, $0x4;
	v18 =	vnsel vm1, $0x0, v24;
	v24 =	vperm.xlane v59, v23  }
0xc7: {  	v16 =	vadd.s32 v17, v16;
	v11 =	vnsel vm0, $0x0, v11;
	vm0 =	veq.s32 v22, $0x3  }
0xc8: {  	[tilespmem:$0x1FF10] =	vst v33;
	vm1 =	veq.s32 v13, $0x2;
	v33 =	vperm.xlane v63, v25;
	v34 =	vperm.xlane v36, v25  }
0xc9: {  	v17 =	vshra.s32 v45, $0x4;
	v36 =	vperm.xlane v44, v14;
	v3 =	vperm.xlane v3, v25  }
0xca: {  	v8 =	vperm.xlane v8, v25;
	v2 =	vsel vm4, $0x0, v2;
	v5 =	vadd.s32 v11, v5  }
0xcb: {  	v11 =	vand.u32 $0xF, v42;
	v10 =	vadd.s32 v18, v10;
	v4 =	vnsel vm0, $0x0, v4  }
0xcc: {  	vm0 =	veq.s32 v13, $0x3;
	v13 =	vperm.xlane v61, v14;
	vm4 =	vcmask $0x70C  }
0xcd: {  	v14 =	vshra.s32 v42, $0x4;
	v22 =	vperm.xlane v56, v11;
	v26 =	vperm.xlane v26, v11  }
0xce: {  	v5 =	vsel vm4, $0x0, v5;
	v4 =	vadd.s32 v4, v10;
	vm4 =	vcmask $0xB10  }
0xcf: {  	v12 =	vnsel vm2, $0x0, v33;
	v15 =	vnsel vm3, $0x0, v34;
	vm2 =	veq.s32 v7, $0x0  }
0xd0: {  	vm3 =	veq.s32 v7, $0x1;
	v3 =	vnsel vm1, $0x0, v3;
	vm1 =	veq.s32 v7, $0x2  }
0xd1: {  	v39 =	vmovc v53;
	v53 =	vld [tilespmem:$0x1FC30];
	v8 =	vnsel vm0, $0x0, v8;
	vm0 =	veq.s32 v7, $0x3;
	v7 =	vperm.xlane v60, v23  }
0xd2: {  	v25 =	vld [tilespmem:$0x1FFF0];
	v4 =	vsel vm4, $0x0, v4;
	vm4 =	vcmask $0xF14;
	v12 =	vadd.s32 v15, v12  }
0xd3: {  	v15 =	vnsel vm2, $0x0, v55;
	v18 =	vnsel vm3, $0x0, v36;
	vm3 =	veq.s32 v17, $0x1  }
0xd4: {  	v9 =	vnsel vm1, $0x0, v9;
	vm1 =	veq.s32 v17, $0x2;
	v13 =	vnsel vm0, $0x0, v13  }
0xd5: {  	vm0 =	veq.s32 v17, $0x3;
	v3 =	vadd.s32 v3, v12;
	v10 =	vadd.s32 v18, v15  }
0xd6: {  	v0 =	vnsel vm3, $0x0, v0;
	v18 =	vperm.xlane v47, v53;
	vm3 =	veq.s32 v14, $0x1  }
0xd7: {  	v7 =	vnsel vm0, $0x0, v7;
	vm0 =	veq.s32 v14, $0x3;
	vm2 =	vnez.u8 v25  }
0xd8: {  	v3 =	vadd.s32 v8, v3;
	v8 =	vadd.s32 v9, v10;
	v10 =	vnsel vm3, $0x0, v26  }
0xd9: {  	v26 =	vperm.xlane v43, v53;
	v16 =	vnsel vm2, $0x0, v16;
	vm2 =	veq.s32 v17, $0x0  }
0xda: {  	v15 =	vld [tilespmem:$0x1F8E0];
	v3 =	vsel vm4, $0x0, v3;
	v8 =	vadd.s32 v13, v8;
	vm4 =	vcmask $0x1318  }
0xdb: {  	v2 =	vadd.s32 v16, v2;
	v12 =	vnsel vm2, $0x0, v24;
	v16 =	vperm.xlane v46, v11  }
0xdc: {  	vm2 =	veq.s32 v14, $0x0;
	v24 =	vand.u32 $0xF, v19;
	v11 =	vperm.xlane v57, v11  }
0xdd: {  	v2 =	vadd.s32 v5, v2;
	v5 =	vshra.s32 v20, $0x4;
	v0 =	vadd.s32 v0, v12  }
0xde: {  	v9 =	vnsel vm2, $0x0, v22;
	v12 =	vnsel vm1, $0x0, v27;
	v25 =	vperm.xlane v58, v24  }
0xdf: {  	v55 =	vld [tilespmem:$0x1FCF0];
	vm1 =	veq.s32 v14, $0x2;
	v17 =	vperm.xlane v54, v24;
	v15 =	vperm.xlane v15, v53  }
0xe0: {  	v6 =	vmovc v19;
	vm2 =	veq.s32 v5, $0x0;
	v2 =	vadd.s32 v4, v2;
	vm3 =	veq.s32 v5, $0x1  }
0xe1: {  	v4 =	vshra.s32 v6, $0x4;
	v0 =	vadd.s32 v12, v0;
	v9 =	vadd.s32 v10, v9  }
0xe2: {  	v13 =	vnsel vm1, $0x0, v16;
	v16 =	vperm.xlane v41, v53;
	vm1 =	veq.s32 v5, $0x2  }
0xe3: {  	v11 =	vnsel vm0, $0x0, v11;
	vm0 =	veq.s32 v5, $0x3;
	v5 =	vperm.xlane v48, v24  }
0xe4: {  	v19 =	vld [tilespmem:$0x1F8F0];
	v12 =	vnsel vm3, $0x0, v18;
	vm3 =	veq.s32 v4, $0x1;
	v18 =	vand.u32 $0xF, v55  }
0xe5: {  	v2 =	vadd.s32 v3, v2;
	v3 =	vsel vm4, $0x0, v8;
	v0 =	vadd.s32 v7, v0  }
0xe6: {  	v27 =	vld [tilespmem:$0x1FC20];
	v7 =	vadd.s32 v13, v9;
	vm4 =	vcmask $0x171C;
	v10 =	vnsel vm2, $0x0, v15  }
0xe7: {  	v14 =	vld [tilespmem:$0x1FD20];
	vm2 =	veq.s32 v4, $0x0;
	v13 =	vperm.xlane v50, v18;
	v2 =	vadd.s32 v3, v2  }
0xe8: {  	v6 =	vld [tilespmem:$0x1F900];
	v0 =	vsel vm4, $0x0, v0;
	v3 =	vadd.s32 v11, v7;
	vm4 =	vcmask $0x1B20  }
0xe9: {  	v22 =	vperm.xlane v19, v24;
	v8 =	vadd.s32 v12, v10;
	v10 =	vnsel vm3, $0x0, v25  }
0xea: {  	v19 =	vnsel vm1, $0x0, v26;
	vm1 =	veq.s32 v4, $0x2;
	v24 =	vshra.s32 v55, $0x4  }
0xeb: {  	v0 =	vadd.s32 v0, v2;
	v2 =	vsel vm4, $0x0, v3;
	vm4 =	vcmask $0x1F24  }
0xec: {  	v15 =	vperm.xlane v28, v27;
	v14 =	vshra.s32 v14, $0x4;
	v7 =	vadd.s32 v19, v8  }
0xed: {  	v0 =	vadd.s32 v2, v0;
	v6 =	vperm.xlane v6, v27;
	v9 =	vnsel vm2, $0x0, v22  }
0xee: {  	v12 =	vld [tilespmem:$0x1F910];
	v22 =	vperm.xlane v49, v27;
	vm2 =	veq.s32 v14, $0x0;
	vm3 =	veq.s32 v14, $0x1  }
0xef: {  	v25 =	vld [tilespmem:$0x1FC10];
	v8 =	vadd.s32 v10, v9;
	v9 =	vnsel vm3, $0x0, v15;
	v15 =	vnsel vm0, $0x0, v16  }
0xf0: {  	v26 =	vld [tilespmem:$0x1FC70];
	v16 =	vnsel vm1, $0x0, v17;
	v17 =	vperm.xlane v38, v18;
	vm0 =	veq.s32 v4, $0x3  }
0xf1: {  	vm1 =	veq.s32 v14, $0x2;
	v4 =	vperm.xlane v52, v27;
	vm3 =	veq.s32 v24, $0x1  }
0xf2: {  	v6 =	vnsel vm2, $0x0, v6;
	vm2 =	veq.s32 v24, $0x0;
	v7 =	vadd.s32 v15, v7  }
0xf3: {  	v19 =	vld [tilespmem:$0x1FCB0];
	v8 =	vadd.s32 v16, v8;
	v15 =	vnsel vm1, $0x0, v22;
	v5 =	vnsel vm0, $0x0, v5  }
0xf4: {  	v23 =	vld [tilespmem:$0x1FC50];
	vm0 =	veq.s32 v14, $0x3;
	vm1 =	veq.s32 v24, $0x2;
	v12 =	vperm.xlane v12, v18  }
0xf5: {  	v11 =	vperm.xlane v40, v25;
	v3 =	vand.u32 $0xF, v26;
	v6 =	vadd.s32 v9, v6  }
0xf6: {  	v2 =	vsel vm4, $0x0, v7;
	v7 =	vshra.s32 v26, $0x4;
	v5 =	vadd.s32 v5, v8  }
0xf7: {  	v10 =	vld [tilespmem:$0x1F920];
	v4 =	vnsel vm0, $0x0, v4;
	vm0 =	veq.s32 v24, $0x3;
	vm4 =	vcmask $0x2328  }
0xf8: {  	v19 =	vshra.s32 v19, $0x4;
	v20 =	vperm.xlane v21, v3;
	v6 =	vadd.s32 v15, v6  }
0xf9: {  	v16 =	vld [tilespmem:$0x1F940];
	v0 =	vadd.s32 v2, v0;
	v21 =	vand.u32 $0xF, v23;
	v5 =	vsel vm4, $0x0, v5  }
0xfa: {  	v14 =	vld [tilespmem:$0x1F950];
	vm4 =	vcmask $0x272C;
	v9 =	vnsel vm2, $0x0, v12;
	v12 =	vnsel vm3, $0x0, v13  }
0xfb: {  	v15 =	vld [tilespmem:$0x1F970];
	vm2 =	veq.s32 v19, $0x0;
	vm3 =	veq.s32 v19, $0x1;
	v4 =	vadd.s32 v4, v6  }
0xfc: {  	v2 =	vld [tilespmem:$0x1FC60];
	v0 =	vadd.s32 v5, v0;
	v5 =	vshra.s32 v23, $0x4;
	v10 =	vperm.xlane v10, v25  }
0xfd: {  	v13 =	vld [tilespmem:$0x1F930];
	v8 =	vadd.s32 v12, v9;
	v12 =	vnsel vm1, $0x0, v17;
	vm1 =	veq.s32 v19, $0x2  }
0xfe: {  	v22 =	vld [tilespmem:$0x1FC00];
	v4 =	vsel vm4, $0x0, v4;
	vm4 =	vcmask $0x2B30;
	v16 =	vperm.xlane v16, v25  }
0xff: {  	v17 =	vld [tilespmem:$0x1F980];
	v14 =	vperm.xlane v14, v18;
	v6 =	vadd.s32 v12, v8;
	v0 =	vadd.s32 v4, v0  }
0x100: {  	v18 =	vld [tilespmem:$0x1F990];
	v9 =	vnsel vm2, $0x0, v10;
	v10 =	vnsel vm3, $0x0, v11;
	vm2 =	veq.s32 v7, $0x0  }
0x101: {  	v11 =	vld [tilespmem:$0x1F960];
	vm3 =	veq.s32 v7, $0x1;
	v15 =	vperm.xlane v15, v3;
	v2 =	vshra.s32 v2, $0x4  }
0x102: {  	v8 =	vadd.s32 v10, v9;
	v10 =	vnsel vm3, $0x0, v20;
	v20 =	vld [tilespmem:$0x1F9C0];
	v13 =	vperm.xlane v13, v3  }
0x103: {  	v12 =	vnsel vm1, $0x0, v16;
	v14 =	vnsel vm0, $0x0, v14;
	vm0 =	veq.s32 v19, $0x3  }
0x104: {  	vm1 =	veq.s32 v7, $0x2;
	vm3 =	veq.s32 v2, $0x1;
	v9 =	vnsel vm2, $0x0, v13;
	v13 =	vld [tilespmem:$0x1F9A0]  }
0x105: {  	v6 =	vadd.s32 v14, v6;
	v8 =	vadd.s32 v12, v8;
	v17 =	vperm.xlane v17, v22  }
0x106: {  	v14 =	vnsel vm1, $0x0, v15;
	vm1 =	veq.s32 v2, $0x2;
	v18 =	vperm.xlane v18, v25  }
0x107: {  	v4 =	vsel vm4, $0x0, v6;
	v11 =	vperm.xlane v11, v22;
	v3 =	vperm.xlane v20, v3;
	v20 =	vld [tilespmem:$0x1F9D0]  }
0x108: {  	vm2 =	veq.s32 v2, $0x0;
	v12 =	vnsel vm0, $0x0, v18;
	vm0 =	veq.s32 v7, $0x3;
	v7 =	vld [tilespmem:$0x1FA00]  }
0x109: {  	v9 =	vadd.s32 v10, v9;
	v10 =	vnsel vm2, $0x0, v11;
	v13 =	vperm.xlane v13, v21  }
0x10a: {  	v11 =	vnsel vm3, $0x0, v17;
	vm2 =	veq.s32 v5, $0x0;
	v6 =	vadd.s32 v12, v8  }
0x10b: {  	v8 =	vadd.s32 v14, v9;
	v9 =	vadd.s32 v11, v10;
	v10 =	vnsel vm2, $0x0, v13;
	v13 =	vld [tilespmem:$0x1FA20]  }
0x10c: {  	v0 =	vadd.s32 v4, v0;
	vm3 =	veq.s32 v5, $0x1;
	v3 =	vnsel vm0, $0x0, v3  }
0x10d: {  	v20 =	vperm.xlane v20, v22;
	v7 =	vperm.xlane v7, v22;
	vm2 =	vcmask $0x2F34  }
0x10e: {  	vm0 =	veq.s32 v2, $0x3;
	v3 =	vadd.s32 v3, v8;
	v2 =	vsel vm2, $0x0, v6  }
0x10f: {  	v16 =	vld [tilespmem:$0x1F9B0];
	v12 =	vnsel vm1, $0x0, v20;
	vm1 =	veq.s32 v5, $0x2;
	v7 =	vnsel vm0, $0x0, v7  }
0x110: {  	v15 =	vld [tilespmem:$0x1F9F0];
	v0 =	vadd.s32 v2, v0;
	vm0 =	vcmask $0x3338;
	v13 =	vperm.xlane v13, v21  }
0x111: {  	v4 =	vadd.s32 v12, v9;
	v2 =	vsel vm0, $0x0, v3;
	vm0 =	veq.s32 v5, $0x3  }
0x112: {  	v3 =	vadd.s32 v7, v4;
	v5 =	vnsel vm0, $0x0, v13;
	vm0 =	vcmask $0x373C  }
0x113: {  	v59 =	vimm.s32 $0x9;
	v0 =	vadd.s32 v2, v0;
	v2 =	vsel vm0, $0x0, v3  }
0x114: {  	v63 =	vimm.s32 $0xD;
	v16 =	vperm.xlane v16, v21;
	v0 =	vadd.s32 v2, v0;
	v2 =	vld [tilespmem:$0x1FFA0]  }
0x115: {  	s23 =	sshra.s32 s22, $0x2;
	v44 =	vimm.s32 $0x4;
	v61 =	vimm.s32 $0xB;
	v15 =	vperm.xlane v15, v21  }
0x116: {  	v56 =	vimm.s32 $0x6;
	v60 =	vimm.s32 $0xA;
	v11 =	vnsel vm3, $0x0, v16;
	v6 =	vld [tilespmem:s23+$0x0]  }
0x117: {  	v47 =	vimm.s32 $0x2;
	v8 =	vadd.s32 v11, v10;
	v9 =	vnsel vm1, $0x0, v15  }
0x118: {  	v46 =	vimm.s32 $0x1;
	v57 =	vimm.s32 $0x7;
	v4 =	vadd.s32 v9, v8  }
0x119: {  	v58 =	vimm.s32 $0x8;
	v3 =	vadd.s32 v5, v4;
	vm0 =	vnez.u8 v2  }
0x11a: {  	v54 =	vimm.s32 $0x5;
	v2 =	vsel vm0, $0x0, v3;
	v3 =	vimm.s32 $0xE  }
0x11b: {  	v48 =	vimm.s32 $0x3;
	v7 =	vperm.xlane v6, v62;
	v5 =	vperm.xlane v6, v3  }
0x11c: {  	v9 =	vperm.xlane v6, v60;
	v8 =	vperm.xlane v6, v61;
	v0 =	vadd.s32 v2, v0  }
0x11d: {  	v32 =	vmovc v37;
	v37 =	vperm.xlane v6, v58;
	v19 =	vperm.xlane v6, v59;
	[tilespmem:s18+$0x80] =	vst v0;
	v0 =	vand.u32 $0xF, v5  }
0x11e: {  	v45 =	vperm.xlane v6, v56;
	v42 =	vperm.xlane v6, v57;
	[tilespmem:$0x1FC00] =	vst v0;
	v0 =	vand.u32 $0xF, v7  }
0x11f: {  	v55 =	vperm.xlane v6, v44;
	v51 =	vperm.xlane v6, v54;
	[tilespmem:$0x1FC10] =	vst v0;
	v0 =	vand.u32 $0xF, v9  }
0x120: {  	v49 =	vld [tilespmem:$0x1FFC0];
	v22 =	vperm.xlane v6, v48;
	v3 =	vimm.s32 $0xF;
	[tilespmem:$0x1FC20] =	vst v0;
	v0 =	vand.u32 $0xF, v37  }
0x121: {  	v14 =	vperm.xlane v6, v1;
	v3 =	vperm.xlane v6, v3;
	[tilespmem:$0x1FC30] =	vst v0;
	v0 =	vand.u32 $0xF, v55  }
0x122: {  	v50 =	vld [tilespmem:$0x1FFD0];
	v13 =	vperm.xlane v6, v46;
	v4 =	vperm.xlane v6, v47;
	[tilespmem:$0x1FC40] =	vst v0;
	v0 =	vlaneseq.u32  }
0x123: {  	v2 =	vperm.xlane v6, v63;
	v6 =	vimm.s32 $0x0;
	vm0 =	veq.s32 v3, v0  }
0x124: {  	v52 =	vld [tilespmem:$0x1FFE0];
	v6 =	vsel vm0, $0xFFFFFFFF, v6  }
0x125: {  	vm0 =	veq.s32 v3, v49;
	[tilespmem:$0x1FA30] =	vst v6;
	v6 =	vimm.s32 $0x0  }
0x126: {  	v6 =	vsel vm0, $0xFFFFFFFF, v6  }
0x127: {  	vm0 =	veq.s32 v3, v50;
	[tilespmem:$0x1FA40] =	vst v6;
	v6 =	vimm.s32 $0x0  }
0x128: {  	v6 =	vsel vm0, $0xFFFFFFFF, v6  }
0x129: {  	vm0 =	veq.s32 v2, v52;
	[tilespmem:$0x1FA60] =	vst v6;
	v6 =	vimm.s32 $0x0  }
0x12a: {  	v6 =	vsel vm0, $0xFFFFFFFF, v6  }
0x12b: {  	vm0 =	veq.s32 v5, v52;
	[tilespmem:$0x1FA90] =	vst v6;
	v6 =	vimm.s32 $0x0  }
0x12c: {  	[tilespmem:$0x1FC50] =	vst v3;
	v6 =	vsel vm0, $0xFFFFFFFF, v6;
	vm0 =	veq.s32 v3, v52;
	v3 =	vimm.s32 $0x0  }
0x12d: {  	v3 =	vsel vm0, $0xFFFFFFFF, v3  }
0x12e: {  	vm0 =	veq.s32 v7, v52;
	[tilespmem:$0x1FA70] =	vst v3;
	v3 =	vimm.s32 $0x0  }
0x12f: {  	v3 =	vsel vm0, $0xFFFFFFFF, v3  }
0x130: {  	vm0 =	veq.s32 v2, v50;
	[tilespmem:$0x1FA80] =	vst v3;
	v3 =	vimm.s32 $0x0  }
0x131: {  	v3 =	vsel vm0, $0xFFFFFFFF, v3  }
0x132: {  	vm0 =	veq.s32 v5, v50;
	[tilespmem:$0x1FAB0] =	vst v3;
	v3 =	vimm.s32 $0x0  }
0x133: {  	v3 =	vsel vm0, $0xFFFFFFFF, v3  }
0x134: {  	vm0 =	veq.s32 v8, v52;
	[tilespmem:$0x1FAA0] =	vst v3;
	v3 =	vimm.s32 $0x0  }
0x135: {  	v3 =	vsel vm0, $0xFFFFFFFF, v3  }
0x136: {  	vm0 =	veq.s32 v5, v0;
	[tilespmem:$0x1FAE0] =	vst v3;
	v3 =	vimm.s32 $0x0  }
0x137: {  	v3 =	vsel vm0, $0xFFFFFFFF, v3  }
0x138: {  	vm0 =	veq.s32 v5, v49;
	[tilespmem:$0x1FAC0] =	vst v3;
	v3 =	vimm.s32 $0x0  }
0x139: {  	v3 =	vsel vm0, $0xFFFFFFFF, v3  }
0x13a: {  	vm0 =	veq.s32 v7, v50;
	[tilespmem:$0x1FAD0] =	vst v3;
	v3 =	vimm.s32 $0x0  }
0x13b: {  	v3 =	vsel vm0, $0xFFFFFFFF, v3  }
0x13c: {  	vm0 =	veq.s32 v2, v0;
	[tilespmem:$0x1FAF0] =	vst v3;
	v3 =	vimm.s32 $0x0  }
0x13d: {  	[tilespmem:$0x1FC70] =	vst v2;
	v3 =	vsel vm0, $0xFFFFFFFF, v3;
	vm0 =	veq.s32 v2, v49;
	v2 =	vimm.s32 $0x0  }
0x13e: {  	v2 =	vsel vm0, $0xFFFFFFFF, v2  }
0x13f: {  	vm0 =	veq.s32 v9, v52;
	[tilespmem:$0x1FB30] =	vst v2;
	v2 =	vimm.s32 $0x0  }
0x140: {  	v2 =	vsel vm0, $0xFFFFFFFF, v2  }
0x141: {  	vm0 =	veq.s32 v8, v50;
	[tilespmem:$0x1FB10] =	vst v2;
	v2 =	vimm.s32 $0x0  }
0x142: {  	v2 =	vsel vm0, $0xFFFFFFFF, v2  }
0x143: {  	vm0 =	veq.s32 v7, v0;
	[tilespmem:$0x1FB20] =	vst v2;
	v2 =	vimm.s32 $0x0  }
0x144: {  	v2 =	vsel vm0, $0xFFFFFFFF, v2  }
0x145: {  	vm0 =	veq.s32 v19, v52;
	[tilespmem:$0x1FB50] =	vst v2;
	v2 =	vimm.s32 $0x0  }
0x146: {  	v2 =	vsel vm0, $0xFFFFFFFF, v2  }
0x147: {  	vm0 =	veq.s32 v9, v50;
	[tilespmem:$0x1FB40] =	vst v2;
	v2 =	vimm.s32 $0x0  }
0x148: {  	v2 =	vsel vm0, $0xFFFFFFFF, v2  }
0x149: {  	vm0 =	veq.s32 v7, v49;
	[tilespmem:$0x1FB70] =	vst v2;
	v2 =	vimm.s32 $0x0  }
0x14a: {  	v2 =	vsel vm0, $0xFFFFFFFF, v2  }
0x14b: {  	vm0 =	veq.s32 v37, v52;
	[tilespmem:$0x1FB60] =	vst v2;
	v2 =	vimm.s32 $0x0  }
0x14c: {  	v2 =	vsel vm0, $0xFFFFFFFF, v2  }
0x14d: {  	vm0 =	veq.s32 v8, v0;
	[tilespmem:$0x1FBA0] =	vst v2;
	v2 =	vimm.s32 $0x0  }
0x14e: {  	v2 =	vsel vm0, $0xFFFFFFFF, v2  }
0x14f: {  	vm0 =	veq.s32 v8, v49;
	[tilespmem:$0x1FB80] =	vst v2;
	v2 =	vimm.s32 $0x0  }
0x150: {  	v2 =	vsel vm0, $0xFFFFFFFF, v2  }
0x151: {  	vm0 =	veq.s32 v19, v50;
	[tilespmem:$0x1FB90] =	vst v2;
	v2 =	vimm.s32 $0x0  }
0x152: {  	v2 =	vsel vm0, $0xFFFFFFFF, v2  }
0x153: {  	vm0 =	veq.s32 v9, v0;
	[tilespmem:$0x1FBB0] =	vst v2;
	v2 =	vimm.s32 $0x0  }
0x154: {  	v2 =	vsel vm0, $0xFFFFFFFF, v2  }
0x155: {  	vm0 =	veq.s32 v9, v49;
	[tilespmem:$0x1FBC0] =	vst v2;
	v2 =	vimm.s32 $0x0  }
0x156: {  	v2 =	vsel vm0, $0xFFFFFFFF, v2  }
0x157: {  	vm0 =	veq.s32 v42, v52;
	[tilespmem:$0x1FBF0] =	vst v2;
	v2 =	vimm.s32 $0x0  }
0x158: {  	v2 =	vsel vm0, $0xFFFFFFFF, v2  }
0x159: {  	vm0 =	veq.s32 v37, v50;
	[tilespmem:$0x1FBD0] =	vst v2;
	v2 =	vimm.s32 $0x0  }
0x15a: {  	v2 =	vsel vm0, $0xFFFFFFFF, v2  }
0x15b: {  	vm0 =	veq.s32 v19, v0;
	[tilespmem:$0x1FBE0] =	vst v2;
	v2 =	vimm.s32 $0x0  }
0x15c: {  	v2 =	vsel vm0, $0xFFFFFFFF, v2  }
0x15d: {  	vm0 =	veq.s32 v45, v52;
	[tilespmem:$0x1FD50] =	vst v2;
	v2 =	vimm.s32 $0x0  }
0x15e: {  	v2 =	vsel vm0, $0xFFFFFFFF, v2  }
0x15f: {  	vm0 =	veq.s32 v42, v50;
	[tilespmem:$0x1FD70] =	vst v2;
	v2 =	vimm.s32 $0x0  }
0x160: {  	v2 =	vsel vm0, $0xFFFFFFFF, v2  }
0x161: {  	vm0 =	veq.s32 v19, v49;
	[tilespmem:$0x1FD90] =	vst v2;
	v2 =	vimm.s32 $0x0  }
0x162: {  	v2 =	vsel vm0, $0xFFFFFFFF, v2  }
0x163: {  	vm0 =	veq.s32 v51, v52;
	[tilespmem:$0x1FDC0] =	vst v2;
	v2 =	vimm.s32 $0x0  }
0x164: {  	v2 =	vsel vm0, $0xFFFFFFFF, v2  }
0x165: {  	vm0 =	veq.s32 v37, v0;
	[tilespmem:$0x1FDE0] =	vst v2;
	v2 =	vimm.s32 $0x0  }
0x166: {  	v2 =	vsel vm0, $0xFFFFFFFF, v2  }
0x167: {  	vm0 =	veq.s32 v37, v49;
	[tilespmem:$0x1FDF0] =	vst v2;
	v2 =	vimm.s32 $0x0  }
0x168: {  	v2 =	vsel vm0, $0xFFFFFFFF, v2  }
0x169: {  	vm0 =	veq.s32 v45, v50;
	[tilespmem:$0x1FE10] =	vst v2;
	v2 =	vimm.s32 $0x0  }
0x16a: {  	v2 =	vsel vm0, $0xFFFFFFFF, v2  }
0x16b: {  	vm0 =	veq.s32 v42, v0;
	[tilespmem:$0x1FE30] =	vst v2;
	v2 =	vimm.s32 $0x0  }
0x16c: {  	v2 =	vsel vm0, $0xFFFFFFFF, v2  }
0x16d: {  	vm0 =	veq.s32 v42, v49;
	[tilespmem:$0x1FE40] =	vst v2;
	v2 =	vimm.s32 $0x0  }
0x16e: {  	vm9 =	veq.s32 v51, v0;
	v2 =	vsel vm0, $0xFFFFFFFF, v2  }
0x16f: {  	vm10 =	veq.s32 v55, v0;
	vm0 =	veq.s32 v55, v52;
	[tilespmem:$0x1FE60] =	vst v2;
	v2 =	vimm.s32 $0x0  }
0x170: {  	vm11 =	veq.s32 v22, v0;
	vm2 =	veq.s32 v4, v0;
	v2 =	vsel vm0, $0xFFFFFFFF, v2  }
0x171: {  	vm4 =	veq.s32 v14, v0;
	vm0 =	veq.s32 v51, v50;
	[tilespmem:$0x1FE70] =	vst v2;
	v2 =	vimm.s32 $0x0  }
0x172: {  	vm3 =	veq.s32 v13, v0;
	v2 =	vsel vm0, $0xFFFFFFFF, v2;
	vm0 =	veq.s32 v45, v0;
	v0 =	vld [tilespmem:$0x1FA30];
	_ =	sdelay $0x4  }
0x173: {  	vm5 =	vnez.u8 v0;
	v0 =	vld [tilespmem:$0x1FA40];
	_ =	sdelay $0x3  }
0x174: {  	vm1 =	veq.s32 v22, v50;
	[tilespmem:$0x1FA50] =	vst v6  }
0x175: {  	[tilespmem:$0x1FCB0] =	vst v7;
	v7 =	vsel vm5, $0x1, v1;
	vm5 =	vmmov vm1;
	vm1 =	vnez.u8 v0;
	v0 =	vld [tilespmem:$0x1FA50];
	_ =	sdelay $0x4  }
0x176: {  	v25 =	vsel vm1, $0x1, v1;
	vm1 =	vnez.u8 v0  }
0x177: {  	v0 =	vsel vm1, $0x1, v1  }
0x178: {  	[tilespmem:$0x1FC80] =	vst v0;
	v0 =	vld [tilespmem:$0x1FA60];
	_ =	sdelay $0x4  }
0x179: {  	vm1 =	vnez.u8 v0  }
0x17a: {  	v0 =	vsel vm1, $0x1, v1  }
0x17b: {  	[tilespmem:$0x1FC90] =	vst v0;
	v0 =	vld [tilespmem:$0x1FA70];
	_ =	sdelay $0x4  }
0x17c: {  	vm1 =	vnez.u8 v0  }
0x17d: {  	v0 =	vsel vm1, $0x1, v1  }
0x17e: {  	[tilespmem:$0x1FCA0] =	vst v0;
	v0 =	vld [tilespmem:$0x1FA80];
	_ =	sdelay $0x4  }
0x17f: {  	vm1 =	vnez.u8 v0  }
0x180: {  	v0 =	vsel vm1, $0x1, v1  }
0x181: {  	[tilespmem:$0x1FCC0] =	vst v0;
	v0 =	vld [tilespmem:$0x1FA90];
	_ =	sdelay $0x4  }
0x182: {  	vm1 =	vnez.u8 v0  }
0x183: {  	v0 =	vsel vm1, $0x1, v1  }
0x184: {  	[tilespmem:$0x1FCD0] =	vst v0;
	v0 =	vld [tilespmem:$0x1FAA0];
	_ =	sdelay $0x4  }
0x185: {  	vm1 =	vnez.u8 v0  }
0x186: {  	v0 =	vsel vm1, $0x1, v1  }
0x187: {  	[tilespmem:$0x1FCE0] =	vst v0;
	v0 =	vld [tilespmem:$0x1FAB0];
	_ =	sdelay $0x4  }
0x188: {  	vm1 =	vnez.u8 v0  }
0x189: {  	v0 =	vsel vm1, $0x1, v1  }
0x18a: {  	[tilespmem:$0x1FD00] =	vst v0;
	v0 =	vld [tilespmem:$0x1FAC0];
	_ =	sdelay $0x4  }
0x18b: {  	vm1 =	vnez.u8 v0;
	v0 =	vld [tilespmem:$0x1FAD0];
	_ =	sdelay $0x3  }
0x18c: {  	[tilespmem:$0x1FE90] =	vst v2;
	v2 =	vimm.s32 $0x0  }
0x18d: {  	v2 =	vsel vm0, $0xFFFFFFFF, v2;
	v11 =	vsel vm1, $0x1, v1;
	vm1 =	vnez.u8 v0  }
0x18e: {  	[tilespmem:$0x1FEA0] =	vst v2;
	v0 =	vsel vm1, $0x1, v1  }
0x18f: {  	vm0 =	veq.s32 v22, v52;
	v2 =	vimm.s32 $0x0;
	[tilespmem:$0x1FD10] =	vst v0;
	v0 =	vld [tilespmem:$0x1FAE0]  }
0x190: {  	v2 =	vsel vm0, $0xFFFFFFFF, v2  }
0x191: {  	vm0 =	veq.s32 v55, v50;
	[tilespmem:$0x1FEB0] =	vst v2;
	v2 =	vimm.s32 $0x0  }
0x192: {  	v2 =	vsel vm0, $0xFFFFFFFF, v2  }
0x193: {  	vm0 =	veq.s32 v45, v49;
	[tilespmem:$0x1FEC0] =	vst v2;
	v2 =	vimm.s32 $0x0  }
0x194: {  	v2 =	vsel vm0, $0xFFFFFFFF, v2;
	vm1 =	vnez.u8 v0  }
0x195: {  	[tilespmem:$0x1FED0] =	vst v2;
	v0 =	vsel vm1, $0x1, v1  }
0x196: {  	vm0 =	veq.s32 v4, v52;
	v2 =	vimm.s32 $0x0;
	[tilespmem:$0x1FD30] =	vst v0;
	v0 =	vld [tilespmem:$0x1FAF0]  }
0x197: {  	v2 =	vsel vm0, $0xFFFFFFFF, v2  }
0x198: {  	vm0 =	veq.s32 v51, v49;
	[tilespmem:$0x1FF20] =	vst v2;
	v2 =	vimm.s32 $0x0  }
0x199: {  	v2 =	vsel vm0, $0xFFFFFFFF, v2  }
0x19a: {  	vm0 =	veq.s32 v55, v49;
	[tilespmem:$0x1FF30] =	vst v2;
	v2 =	vimm.s32 $0x0  }
0x19b: {  	[tilespmem:$0x1FB00] =	vst v3;
	v2 =	vsel vm0, $0xFFFFFFFF, v2;
	vm1 =	vnez.u8 v0  }
0x19c: {  	vm0 =	veq.s32 v4, v50;
	[tilespmem:$0x1FF40] =	vst v2;
	v2 =	vimm.s32 $0x0;
	v0 =	vsel vm1, $0x1, v1  }
0x19d: {  	v2 =	vsel vm0, $0xFFFFFFFF, v2;
	[tilespmem:$0x1FD40] =	vst v0;
	v0 =	vld [tilespmem:$0x1FB00]  }
0x19e: {  	[tilespmem:$0x1FF50] =	vst v2;
	v2 =	vld [tilespmem:$0x1FB10];
	_ =	sdelay $0x3  }
0x19f: {  	vm1 =	vnez.u8 v0  }
0x1a0: {  	v0 =	vsel vm1, $0x1, v1;
	vm1 =	vnez.u8 v2  }
0x1a1: {  	v2 =	vsel vm1, $0x1, v1  }
0x1a2: {  	[tilespmem:$0x1FD60] =	vst v2;
	v2 =	vld [tilespmem:$0x1FB20];
	_ =	sdelay $0x4  }
0x1a3: {  	vm1 =	vnez.u8 v2  }
0x1a4: {  	v2 =	vsel vm1, $0x1, v1  }
0x1a5: {  	[tilespmem:$0x1FD80] =	vst v2;
	v2 =	vld [tilespmem:$0x1FB30];
	_ =	sdelay $0x4  }
0x1a6: {  	vm1 =	vnez.u8 v2  }
0x1a7: {  	v2 =	vsel vm1, $0x1, v1  }
0x1a8: {  	[tilespmem:$0x1FDB0] =	vst v2;
	v2 =	vld [tilespmem:$0x1FB40];
	_ =	sdelay $0x4  }
0x1a9: {  	vm1 =	vnez.u8 v2  }
0x1aa: {  	v2 =	vsel vm1, $0x1, v1  }
0x1ab: {  	[tilespmem:$0x1FDD0] =	vst v2;
	v2 =	vld [tilespmem:$0x1FB50]  }
0x1ac: {  	v3 =	vld [tilespmem:$0x1FB60];
	_ =	sdelay $0x3  }
0x1ad: {  	vm1 =	vnez.u8 v2  }
0x1ae: {  	v2 =	vsel vm1, $0x1, v1;
	vm1 =	vnez.u8 v3  }
0x1af: {  	v3 =	vsel vm1, $0x1, v1  }
0x1b0: {  	[tilespmem:$0x1FE00] =	vst v3;
	v3 =	vld [tilespmem:$0x1FB70];
	_ =	sdelay $0x4  }
0x1b1: {  	vm1 =	vnez.u8 v3  }
0x1b2: {  	v3 =	vsel vm1, $0x1, v1  }
0x1b3: {  	[tilespmem:$0x1FE20] =	vst v3;
	v3 =	vld [tilespmem:$0x1FB80];
	_ =	sdelay $0x4  }
0x1b4: {  	vm1 =	vnez.u8 v3;
	v3 =	vld [tilespmem:$0x1FB90];
	_ =	sdelay $0x4  }
0x1b5: {  	[tilespmem:$0x1FC60] =	vst v5;
	v5 =	vsel vm1, $0x1, v1;
	vm1 =	vnez.u8 v3  }
0x1b6: {  	v3 =	vsel vm1, $0x1, v1  }
0x1b7: {  	[tilespmem:$0x1FE50] =	vst v3;
	v3 =	vld [tilespmem:$0x1FBA0];
	_ =	sdelay $0x4  }
0x1b8: {  	vm1 =	vnez.u8 v3;
	v3 =	vld [tilespmem:$0x1FBB0];
	_ =	sdelay $0x4  }
0x1b9: {  	v15 =	vsel vm1, $0x1, v1;
	vm1 =	vnez.u8 v3  }
0x1ba: {  	v3 =	vsel vm1, $0x1, v1  }
0x1bb: {  	[tilespmem:$0x1FE80] =	vst v3;
	v3 =	vld [tilespmem:$0x1FBC0];
	_ =	sdelay $0x4  }
0x1bc: {  	vm1 =	vnez.u8 v3;
	v3 =	vld [tilespmem:$0x1FBD0];
	_ =	sdelay $0x4  }
0x1bd: {  	v53 =	vsel vm1, $0x1, v1;
	vm1 =	vnez.u8 v3;
	v3 =	vld [tilespmem:$0x1FBE0];
	_ =	sdelay $0x4  }
0x1be: {  	v35 =	vsel vm1, $0x1, v1;
	vm1 =	vnez.u8 v3;
	v3 =	vld [tilespmem:$0x1FBF0]  }
0x1bf: {  	p1 =	sne.s32 s22, $0x1C0  }
.Ltmp0:
0x1c0: {  	_ = 	snop;
	(pc) =	sbr.rel @p1 .LBB2_2-.Ltmp0, $4  }
0x1c1: {  	v23 =	vand.u32 $0xF, v45;
	vm8 =	veq.s32 v14, v52;
	vm7 =	veq.s32 v22, v49  }
0x1c2: {  	vm13 =	veq.s32 v14, v50;
	vm15 =	veq.s32 v14, v49;
	vm6 =	veq.s32 v13, v52  }
0x1c3: {  	v18 =	vld [tilespmem:$0x1F9E0];
	[tilespmem:$0x1FCF0] =	vst v8;
	vm12 =	veq.s32 v13, v50;
	v16 =	vsel vm1, $0x1, v1;
	vm1 =	vnez.u8 v3  }
0x1c4: {  	s22 =	sadd.s32 $0x40, s22;
	v20 =	vld [tilespmem:$0x1FA10];
	[tilespmem:$0x1FD20] =	vst v9;
	vm14 =	veq.s32 v4, v49;
	s18 =	smov.u32 s23;
	vm0 =	veq.s32 v13, v49;
	v33 =	vsel vm1, $0x1, v1  }
0x1c5: {  	v3 =	vsel vm4, $0x1, v1;
	v6 =	vsel vm3, $0x1, v1  }
0x1c6: {  	v38 =	vsel vm2, $0x1, v1;
	v8 =	vsel vm12, $0x1, v1;
	v9 =	vsel vm13, $0x1, v1  }
0x1c7: {  	v10 =	vsel vm14, $0x1, v1;
	v40 =	vsel vm15, $0x1, v1;
	v12 =	vsel vm0, $0x1, v1  }
0x1c8: {  	v21 =	vand.u32 $0xF, v13;
	v13 =	vshra.s32 v13, $0x4;
	v31 =	vsel vm11, $0x1, v1  }
0x1c9: {  	v43 =	vld [tilespmem:$0x1FEF0];
	vm1 =	veq.s32 v13, $0x0;
	vm15 =	veq.s32 v13, $0x1;
	v9 =	vadd.s32 v9, v32  }
0x1ca: {  	[tilespmem:$0x1F8C0] =	vst v7;
	v29 =	vperm.xlane v9, v21;
	v7 =	vadd.s32 v8, v9;
	v9 =	vand.u32 $0xF, v22  }
0x1cb: {  	[tilespmem:$0x1F8B0] =	vst v11;
	v11 =	vadd.s32 v40, v18;
	v18 =	vand.u32 $0xF, v14;
	v14 =	vshra.s32 v14, $0x4  }
0x1cc: {  	v32 =	vld [tilespmem:$0x1FF00];
	v3 =	vadd.s32 v3, v20;
	v41 =	vperm.xlane v39, v18;
	v26 =	vperm.xlane v11, v21  }
0x1cd: {  	vm14 =	veq.s32 v14, $0x0;
	vm4 =	veq.s32 v14, $0x1;
	v11 =	vadd.s32 v12, v11  }
0x1ce: {  	v24 =	vperm.xlane v3, v21;
	v3 =	vadd.s32 v6, v3;
	v6 =	vperm.xlane v43, v18  }
0x1cf: {  	[tilespmem:$0x1F8D0] =	vst v25;
	v8 =	vadd.s32 v10, v11;
	v10 =	vshra.s32 v22, $0x4;
	v25 =	vnsel vm15, $0x0, v26  }
0x1d0: {  	v20 =	vnsel vm14, $0x0, v41;
	v26 =	vand.u32 $0xF, v4;
	v4 =	vshra.s32 v4, $0x4  }
0x1d1: {  	v28 =	vperm.xlane v32, v18;
	vm14 =	veq.s32 v14, $0x2;
	vm15 =	veq.s32 v13, $0x2  }
0x1d2: {  	v36 =	vperm.xlane v8, v9;
	v32 =	vsel vm10, $0x1, v1;
	vm10 =	veq.s32 v14, $0x3  }
0x1d3: {  	v39 =	vld [tilespmem:$0x1FEC0];
	v17 =	vnsel vm1, $0x0, v24;
	v27 =	vperm.xlane v3, v26;
	v6 =	vnsel vm4, $0x0, v6  }
0x1d4: {  	vm12 =	veq.s32 v4, $0x0;
	vm13 =	veq.s32 v4, $0x1;
	v29 =	vnsel vm15, $0x0, v29  }
0x1d5: {  	v40 =	vld [tilespmem:$0x1FF20];
	v3 =	vadd.s32 v38, v3;
	v30 =	vperm.xlane v7, v26;
	vm4 =	veq.s32 v10, $0x0  }
0x1d6: {  	v43 =	vld [tilespmem:$0x1FF50];
	[tilespmem:$0x1F8A0] =	vst v17;
	v17 =	vperm.xlane v11, v26;
	v28 =	vnsel vm14, $0x0, v28;
	v34 =	vperm.xlane v3, v9  }
0x1d7: {  	v3 =	vadd.s32 v31, v3;
	v6 =	vadd.s32 v6, v20;
	v12 =	vnsel vm12, $0x0, v27  }
0x1d8: {  	v41 =	vld [tilespmem:$0x1FEE0];
	vm12 =	veq.s32 v10, $0x1;
	vm15 =	vnez.u8 v39;
	v6 =	vadd.s32 v28, v6  }
0x1d9: {  	v27 =	vnsel vm13, $0x0, v17;
	v11 =	vnsel vm4, $0x0, v34;
	v22 =	vnsel vm12, $0x0, v36  }
0x1da: {  	v38 =	vld [tilespmem:$0x1FEB0];
	vm13 =	veq.s32 v4, $0x2;
	v34 =	vsel vm9, $0x1, v1;
	v36 =	vsel vm8, $0x1, v1  }
0x1db: {  	v24 =	vld [tilespmem:$0x1FF10];
	vm4 =	vnez.u8 v40;
	v40 =	vsel vm5, $0x1, v1;
	vm8 =	vnez.u8 v43  }
0x1dc: {  	vm9 =	veq.s32 v13, $0x3;
	vm12 =	veq.s32 v4, $0x3;
	v30 =	vnsel vm13, $0x0, v30  }
0x1dd: {  	v39 =	vsel vm4, $0x1, v1;
	v36 =	vadd.s32 v36, v41;
	v41 =	vsel vm6, $0x1, v1  }
0x1de: {  	v43 =	vsel vm8, $0x1, v1;
	v12 =	vadd.s32 v27, v12;
	v11 =	vadd.s32 v22, v11  }
0x1df: {  	vm14 =	vnez.u8 v38;
	v38 =	vsel vm15, $0x1, v1;
	v21 =	vperm.xlane v36, v21  }
0x1e0: {  	v18 =	vperm.xlane v24, v18;
	v24 =	vsel vm7, $0x1, v1;
	v31 =	vadd.s32 v41, v36  }
0x1e1: {  	v7 =	vadd.s32 v43, v7;
	v12 =	vadd.s32 v30, v12;
	v17 =	vsel vm14, $0x1, v1  }
0x1e2: {  	v8 =	vadd.s32 v24, v8;
	v41 =	vadd.s32 v39, v31;
	v4 =	vadd.s32 v40, v7  }
0x1e3: {  	v7 =	vperm.xlane v7, v9;
	vm14 =	veq.s32 v10, $0x2;
	v13 =	vnsel vm9, $0x0, v21  }
0x1e4: {  	v36 =	vld [tilespmem:$0x1F8A0];
	v14 =	vnsel vm10, $0x0, v18;
	v18 =	vperm.xlane v31, v26;
	v28 =	vadd.s32 v17, v41  }
0x1e5: {  	v43 =	vld [tilespmem:$0x1FF40];
	v9 =	vperm.xlane v41, v9;
	v26 =	vshra.s32 v55, $0x4;
	vm9 =	veq.s32 v10, $0x3  }
0x1e6: {  	v6 =	vadd.s32 v14, v6;
	v14 =	vadd.s32 v32, v3;
	v32 =	vadd.s32 v38, v4  }
0x1e7: {  	v40 =	vld [tilespmem:$0x1FE90];
	v7 =	vnsel vm14, $0x0, v7;
	vm6 =	veq.s32 v26, $0x0;
	vm7 =	veq.s32 v26, $0x1  }
0x1e8: {  	v38 =	vld [tilespmem:$0x1FDE0];
	v18 =	vnsel vm12, $0x0, v18;
	v7 =	vadd.s32 v7, v11;
	v55 =	vadd.s32 v34, v14  }
0x1e9: {  	v9 =	vnsel vm9, $0x0, v9;
	vm9 =	veq.s32 v26, $0x3;
	v21 =	vadd.s32 v25, v36  }
0x1ea: {  	v34 =	vld [tilespmem:$0x1FFF0];
	vm11 =	vnez.u8 v43;
	v12 =	vadd.s32 v18, v12;
	v7 =	vadd.s32 v9, v7  }
0x1eb: {  	v36 =	vld [tilespmem:$0x1FC40];
	v27 =	vperm.xlane v55, v23;
	v21 =	vadd.s32 v29, v21;
	v24 =	vsel vm11, $0x1, v1  }
0x1ec: {  	v43 =	vld [tilespmem:$0x1FF30];
	vm4 =	vnez.u8 v40;
	vm11 =	vcmask $0x308;
	v13 =	vadd.s32 v13, v21  }
0x1ed: {  	v29 =	vld [tilespmem:$0x1FE70];
	v31 =	vadd.s32 v24, v8;
	v41 =	vsel vm4, $0x1, v1;
	vm15 =	vnez.u8 v38  }
0x1ee: {  	v18 =	vadd.s32 v41, v32;
	v13 =	vsel vm11, $0x0, v13;
	vm11 =	vcmask $0x70C  }
0x1ef: {  	v39 =	vsel vm15, $0x1, v1;
	vm12 =	vnez.u8 v34;
	vm15 =	veq.s32 v26, $0x2  }
0x1f0: {  	v40 =	vld [tilespmem:$0x1FED0];
	v12 =	vsel vm11, $0x0, v12;
	v3 =	vperm.xlane v3, v36;
	v8 =	vperm.xlane v8, v36  }
0x1f1: {  	v4 =	vperm.xlane v4, v36;
	v24 =	vperm.xlane v28, v36;
	vm5 =	vnez.u8 v43  }
0x1f2: {  	v38 =	vld [tilespmem:$0x1FEA0];
	v6 =	vnsel vm12, $0x0, v6;
	vm13 =	vnez.u8 v29;
	v11 =	vsel vm5, $0x1, v1  }
0x1f3: {  	v6 =	vadd.s32 v6, v13;
	v30 =	vsel vm13, $0x1, v1;
	v3 =	vnsel vm6, $0x0, v3  }
0x1f4: {  	v8 =	vnsel vm7, $0x0, v8;
	v11 =	vadd.s32 v11, v31;
	v4 =	vnsel vm15, $0x0, v4  }
0x1f5: {  	vm7 =	vnez.u8 v40;
	v6 =	vadd.s32 v12, v6;
	v24 =	vnsel vm9, $0x0, v24  }
0x1f6: {  	v34 =	vld [tilespmem:$0x1FE60];
	v40 =	vshra.s32 v42, $0x4;
	v20 =	vadd.s32 v30, v28;
	v3 =	vadd.s32 v8, v3  }
0x1f7: {  	v36 =	vld [tilespmem:$0x1FD90];
	v30 =	vand.u32 $0xF, v51;
	vm14 =	vnez.u8 v38;
	v41 =	vsel vm7, $0x1, v1  }
0x1f8: {  	v38 =	vshra.s32 v45, $0x4;
	vm9 =	veq.s32 v40, $0x0;
	vm11 =	veq.s32 v40, $0x2  }
0x1f9: {  	v14 =	vperm.xlane v14, v30;
	v21 =	vperm.xlane v31, v30;
	v25 =	vadd.s32 v39, v20  }
0x1fa: {  	v22 =	vperm.xlane v32, v30;
	v8 =	vperm.xlane v20, v30;
	v9 =	vsel vm14, $0x1, v1  }
0x1fb: {  	v39 =	vshra.s32 v51, $0x4;
	v3 =	vadd.s32 v4, v3;
	vm15 =	vnez.u8 v34  }
0x1fc: {  	vm7 =	veq.s32 v38, $0x1;
	vm13 =	vnez.u8 v36;
	vm4 =	veq.s32 v39, $0x0  }
0x1fd: {  	vm5 =	veq.s32 v39, $0x1;
	v9 =	vadd.s32 v9, v55;
	vm14 =	veq.s32 v39, $0x3  }
0x1fe: {  	v31 =	vld [tilespmem:$0x1FD50];
	v36 =	vsel vm15, $0x1, v1;
	v3 =	vadd.s32 v24, v3;
	vm15 =	vcmask $0xB10  }
0x1ff: {  	v32 =	vld [tilespmem:$0x1FD70];
	v13 =	vsel vm13, $0x1, v1;
	v14 =	vnsel vm4, $0x0, v14;
	v21 =	vnsel vm5, $0x0, v21  }
0x200: {  	v4 =	vld [tilespmem:$0x1FE30];
	vm13 =	veq.s32 v39, $0x2;
	v39 =	vand.u32 $0xF, v42;
	v8 =	vnsel vm14, $0x0, v8  }
0x201: {  	v43 =	vld [tilespmem:$0x1FDF0];
	v7 =	vsel vm15, $0x0, v7;
	vm4 =	veq.s32 v38, $0x3;
	v14 =	vadd.s32 v21, v14  }
0x202: {  	v55 =	vld [tilespmem:$0x1FE10];
	v21 =	vadd.s32 v41, v11;
	v11 =	vperm.xlane v11, v23;
	v22 =	vnsel vm13, $0x0, v22  }
0x203: {  	v6 =	vadd.s32 v7, v6;
	v28 =	vadd.s32 v36, v21;
	v21 =	vperm.xlane v21, v39  }
0x204: {  	v14 =	vadd.s32 v22, v14;
	vm8 =	vnez.u8 v31;
	vm10 =	vnez.u8 v32  }
0x205: {  	vm6 =	vnez.u8 v4;
	v11 =	vnsel vm7, $0x0, v11;
	v7 =	vadd.s32 v8, v14  }
0x206: {  	vm7 =	vcmask $0xF14;
	v20 =	vsel vm8, $0x1, v1;
	v10 =	vsel vm10, $0x1, v1  }
0x207: {  	v4 =	vsel vm6, $0x1, v1;
	vm8 =	vnez.u8 v43;
	vm10 =	vnez.u8 v55  }
0x208: {  	v41 =	vld [tilespmem:$0x1FC30];
	vm6 =	veq.s32 v38, $0x0;
	v3 =	vsel vm7, $0x0, v3;
	vm7 =	vcmask $0x171C  }
0x209: {  	v4 =	vadd.s32 v4, v18;
	v10 =	vadd.s32 v10, v25;
	v18 =	vperm.xlane v18, v23  }
0x20a: {  	v25 =	vperm.xlane v25, v23;
	v51 =	vsel vm8, $0x1, v1;
	v23 =	vsel vm10, $0x1, v1  }
0x20b: {  	v27 =	vnsel vm6, $0x0, v27;
	vm8 =	veq.s32 v38, $0x2;
	vm10 =	veq.s32 v40, $0x1  }
0x20c: {  	v3 =	vadd.s32 v3, v6;
	v13 =	vadd.s32 v13, v4;
	v26 =	vadd.s32 v23, v28  }
0x20d: {  	v32 =	vld [tilespmem:$0x1FE40];
	v4 =	vperm.xlane v4, v39;
	v28 =	vperm.xlane v28, v41;
	v21 =	vnsel vm10, $0x0, v21  }
0x20e: {  	v11 =	vadd.s32 v11, v27;
	v42 =	vadd.s32 v35, v10;
	v10 =	vperm.xlane v10, v39  }
0x20f: {  	v18 =	vnsel vm8, $0x0, v18;
	v14 =	vadd.s32 v16, v13;
	v15 =	vadd.s32 v15, v42  }
0x210: {  	v43 =	vld [tilespmem:$0x1FDC0];
	v16 =	vand.u32 $0xF, v19;
	v19 =	vshra.s32 v19, $0x4;
	v35 =	vnsel vm4, $0x0, v25  }
0x211: {  	v13 =	vperm.xlane v13, v41;
	v17 =	vperm.xlane v42, v41;
	vm8 =	veq.s32 v40, $0x3  }
0x212: {  	vm12 =	vnez.u8 v32;
	v32 =	vshra.s32 v37, $0x4;
	v4 =	vnsel vm11, $0x0, v4  }
0x213: {  	v45 =	vadd.s32 v18, v11;
	v30 =	vperm.xlane v26, v16;
	vm5 =	veq.s32 v19, $0x0  }
0x214: {  	vm6 =	veq.s32 v19, $0x1;
	v10 =	vnsel vm8, $0x0, v10;
	v12 =	vsel vm12, $0x1, v1  }
0x215: {  	vm12 =	veq.s32 v32, $0x0;
	vm13 =	veq.s32 v32, $0x1;
	vm14 =	vnez.u8 v43  }
0x216: {  	v40 =	vld [tilespmem:$0x1FD20];
	v36 =	vadd.s32 v35, v45;
	v12 =	vadd.s32 v12, v9;
	v9 =	vperm.xlane v9, v39  }
0x217: {  	v28 =	vnsel vm13, $0x0, v28;
	v22 =	vsel vm14, $0x1, v1;
	vm13 =	vcmask $0x1318  }
0x218: {  	vm14 =	veq.s32 v19, $0x2;
	v6 =	vsel vm7, $0x0, v36;
	v29 =	vadd.s32 v51, v12  }
0x219: {  	v12 =	vperm.xlane v12, v41;
	v55 =	vadd.s32 v22, v26;
	v7 =	vsel vm13, $0x0, v7  }
0x21a: {  	v9 =	vnsel vm9, $0x0, v9;
	v51 =	vadd.s32 v20, v29;
	v29 =	vperm.xlane v29, v16  }
0x21b: {  	v38 =	vadd.s32 v33, v55;
	vm9 =	veq.s32 v32, $0x2;
	v23 =	vshra.s32 v40, $0x4  }
0x21c: {  	v3 =	vadd.s32 v7, v3;
	v12 =	vnsel vm12, $0x0, v12;
	v9 =	vadd.s32 v21, v9  }
0x21d: {  	v39 =	vld [tilespmem:$0x1FC20];
	v21 =	vnsel vm6, $0x0, v30;
	v37 =	vadd.s32 v53, v51;
	v13 =	vnsel vm9, $0x0, v13  }
0x21e: {  	v34 =	vld [tilespmem:$0x1FC10];
	vm10 =	veq.s32 v23, $0x0;
	vm11 =	veq.s32 v23, $0x1;
	vm12 =	veq.s32 v32, $0x3  }
0x21f: {  	vm6 =	veq.s32 v19, $0x3;
	v3 =	vadd.s32 v6, v3;
	v20 =	vnsel vm5, $0x0, v29  }
0x220: {  	v45 =	vld [tilespmem:$0x1FE80];
	v4 =	vadd.s32 v4, v9;
	v42 =	vadd.s32 v28, v12;
	v5 =	vadd.s32 v5, v37  }
0x221: {  	v27 =	vld [tilespmem:$0x1FE20];
	v17 =	vnsel vm12, $0x0, v17;
	vm5 =	veq.s32 v23, $0x2;
	vm12 =	vcmask $0x1B20  }
0x222: {  	v53 =	vld [tilespmem:$0x1FCF0];
	v11 =	vperm.xlane v51, v39;
	v18 =	vperm.xlane v55, v39;
	v4 =	vadd.s32 v10, v4  }
0x223: {  	v20 =	vadd.s32 v21, v20;
	v2 =	vadd.s32 v2, v5;
	v5 =	vperm.xlane v5, v34  }
0x224: {  	v4 =	vsel vm12, $0x0, v4;
	v0 =	vadd.s32 v0, v2;
	v41 =	vnsel vm10, $0x0, v11  }
0x225: {  	v32 =	vld [tilespmem:$0x1FD80];
	v43 =	vnsel vm11, $0x0, v18;
	v18 =	vadd.s32 v45, v14;
	v14 =	vperm.xlane v14, v16  }
0x226: {  	v51 =	vld [tilespmem:$0x1FDD0];
	v11 =	vadd.s32 v13, v42;
	vm11 =	veq.s32 v23, $0x3;
	v3 =	vadd.s32 v4, v3  }
0x227: {  	v28 =	vld [tilespmem:$0x1FE50];
	v55 =	vand.u32 $0xF, v53;
	v10 =	vadd.s32 v27, v18;
	v25 =	vshra.s32 v53, $0x4  }
0x228: {  	v35 =	vld [tilespmem:$0x1FCB0];
	v18 =	vperm.xlane v18, v39;
	v11 =	vadd.s32 v17, v11;
	v9 =	vadd.s32 v43, v41  }
0x229: {  	v30 =	vld [tilespmem:$0x1FD60];
	v8 =	vperm.xlane v37, v55;
	v22 =	vperm.xlane v38, v55;
	v14 =	vnsel vm14, $0x0, v14  }
0x22a: {  	v33 =	vld [tilespmem:$0x1FE00];
	vm15 =	veq.s32 v25, $0x0;
	vm4 =	veq.s32 v25, $0x1;
	v6 =	vadd.s32 v32, v10  }
0x22b: {  	v10 =	vperm.xlane v10, v55;
	vm10 =	veq.s32 v25, $0x2;
	v24 =	vadd.s32 v51, v15  }
0x22c: {  	v15 =	vperm.xlane v15, v16;
	v16 =	vadd.s32 v28, v38;
	v18 =	vnsel vm5, $0x0, v18  }
0x22d: {  	v36 =	vld [tilespmem:$0x1FD30];
	v14 =	vadd.s32 v14, v20;
	vm5 =	vcmask $0x1F24;
	v8 =	vnsel vm15, $0x0, v8  }
0x22e: {  	v4 =	vld [tilespmem:$0x1FD40];
	v29 =	vnsel vm4, $0x0, v22;
	v19 =	vadd.s32 v30, v24;
	v31 =	vperm.xlane v24, v39  }
0x22f: {  	v22 =	vadd.s32 v33, v16;
	v24 =	vshra.s32 v35, $0x4;
	v16 =	vperm.xlane v16, v34  }
0x230: {  	v10 =	vnsel vm10, $0x0, v10;
	v9 =	vadd.s32 v18, v9;
	vm4 =	veq.s32 v25, $0x3  }
0x231: {  	v40 =	vld [tilespmem:$0x1FCC0];
	v11 =	vsel vm5, $0x0, v11;
	v15 =	vnsel vm6, $0x0, v15;
	vm8 =	veq.s32 v24, $0x0  }
0x232: {  	v41 =	vld [tilespmem:$0x1F8B0];
	vm9 =	veq.s32 v24, $0x1;
	v12 =	vadd.s32 v36, v19;
	v7 =	vperm.xlane v19, v55  }
0x233: {  	v37 =	vld [tilespmem:$0x1FC70];
	v4 =	vadd.s32 v4, v6;
	v6 =	vperm.xlane v6, v34;
	vm15 =	veq.s32 v24, $0x2  }
0x234: {  	v43 =	vld [tilespmem:$0x1FCD0];
	v8 =	vadd.s32 v29, v8;
	v3 =	vadd.s32 v11, v3;
	vm6 =	vcmask $0x2328  }
0x235: {  	v5 =	vnsel vm8, $0x0, v5;
	v16 =	vnsel vm9, $0x0, v16;
	v14 =	vadd.s32 v15, v14  }
0x236: {  	v38 =	vld [tilespmem:$0x1FDB0];
	v21 =	vnsel vm11, $0x0, v31;
	v13 =	vadd.s32 v40, v12;
	v12 =	vperm.xlane v12, v34  }
0x237: {  	v42 =	vld [tilespmem:$0x1FD00];
	v20 =	vadd.s32 v41, v0;
	v8 =	vadd.s32 v10, v8;
	vm9 =	veq.s32 v24, $0x3  }
0x238: {  	v53 =	vld [tilespmem:$0x1FC80];
	vm11 =	vcmask $0x272C;
	v15 =	vand.u32 $0xF, v37;
	v19 =	vshra.s32 v37, $0x4  }
0x239: {  	v6 =	vnsel vm15, $0x0, v6;
	v23 =	vadd.s32 v43, v13;
	v14 =	vsel vm6, $0x0, v14  }
0x23a: {  	v45 =	vld [tilespmem:$0x1FD10];
	v9 =	vadd.s32 v21, v9;
	v5 =	vadd.s32 v16, v5;
	v7 =	vnsel vm4, $0x0, v7  }
0x23b: {  	v51 =	vld [tilespmem:$0x1FCE0];
	vm4 =	vcmask $0x2B30;
	v17 =	vadd.s32 v38, v22;
	v2 =	vperm.xlane v2, v15  }
0x23c: {  	v33 =	vld [tilespmem:$0x1FC60];
	v39 =	vperm.xlane v22, v15;
	vm13 =	veq.s32 v19, $0x0;
	vm14 =	veq.s32 v19, $0x1  }
0x23d: {  	v22 =	vadd.s32 v42, v4;
	v27 =	vadd.s32 v53, v23;
	v4 =	vperm.xlane v4, v15  }
0x23e: {  	v55 =	vld [tilespmem:$0x1FC00];
	v13 =	vperm.xlane v13, v15;
	v12 =	vnsel vm9, $0x0, v12;
	vm10 =	veq.s32 v19, $0x2  }
0x23f: {  	v3 =	vadd.s32 v14, v3;
	v9 =	vsel vm11, $0x0, v9;
	v7 =	vadd.s32 v7, v8  }
0x240: {  	v5 =	vadd.s32 v6, v5;
	v25 =	vadd.s32 v45, v17;
	v26 =	vadd.s32 v51, v22  }
0x241: {  	v11 =	vshra.s32 v33, $0x4;
	v3 =	vadd.s32 v9, v3;
	v7 =	vsel vm4, $0x0, v7  }
0x242: {  	v34 =	vld [tilespmem:$0x1FC50];
	v5 =	vadd.s32 v12, v5;
	v2 =	vnsel vm13, $0x0, v2;
	v18 =	vnsel vm14, $0x0, v39  }
0x243: {  	v0 =	vperm.xlane v0, v55;
	v17 =	vperm.xlane v17, v55;
	vm7 =	veq.s32 v11, $0x0  }
0x244: {  	vm8 =	veq.s32 v11, $0x1;
	v38 =	vperm.xlane v22, v55;
	v4 =	vnsel vm10, $0x0, v4  }
0x245: {  	vm14 =	veq.s32 v19, $0x3;
	vm15 =	veq.s32 v11, $0x2;
	v43 =	vperm.xlane v23, v55  }
0x246: {  	vm5 =	veq.s32 v11, $0x3;
	v3 =	vadd.s32 v7, v3;
	vm10 =	vcmask $0x373C  }
0x247: {  	v35 =	vand.u32 $0xF, v34;
	v39 =	vshra.s32 v34, $0x4;
	v2 =	vadd.s32 v18, v2  }
0x248: {  	v13 =	vnsel vm14, $0x0, v13;
	v0 =	vnsel vm7, $0x0, v0;
	v17 =	vnsel vm8, $0x0, v17  }
0x249: {  	v2 =	vadd.s32 v4, v2;
	v4 =	vnsel vm15, $0x0, v38;
	v51 =	vnsel vm5, $0x0, v43  }
0x24a: {  	vm7 =	vcmask $0x2F34;
	vm8 =	vcmask $0x3338;
	v0 =	vadd.s32 v17, v0  }
0x24b: {  	v5 =	vsel vm7, $0x0, v5;
	v2 =	vadd.s32 v13, v2;
	v0 =	vadd.s32 v4, v0  }
0x24c: {  	v3 =	vadd.s32 v5, v3;
	v2 =	vsel vm8, $0x0, v2;
	v0 =	vadd.s32 v51, v0  }
0x24d: {  	v36 =	vperm.xlane v20, v35;
	v2 =	vadd.s32 v2, v3;
	v0 =	vsel vm10, $0x0, v0  }
0x24e: {  	v37 =	vperm.xlane v25, v35;
	vm12 =	veq.s32 v39, $0x0;
	v0 =	vadd.s32 v0, v2;
	v2 =	vld [tilespmem:$0x1FFA0]  }
0x24f: {  	vm13 =	veq.s32 v39, $0x1;
	v42 =	vperm.xlane v26, v35;
	v45 =	vperm.xlane v27, v35  }
0x250: {  	vm6 =	veq.s32 v39, $0x2;
	v40 =	vnsel vm12, $0x0, v36;
	v41 =	vnsel vm13, $0x0, v37  }
0x251: {  	vm9 =	veq.s32 v39, $0x3;
	v53 =	vnsel vm6, $0x0, v42;
	v4 =	vadd.s32 v41, v40  }
0x252: {  	v5 =	vnsel vm9, $0x0, v45;
	v4 =	vadd.s32 v53, v4  }
0x253: {  	v3 =	vadd.s32 v5, v4;
	vm11 =	vnez.u8 v2  }
0x254: {  	v2 =	vsel vm11, $0x0, v3  }
0x255: {  	v0 =	vadd.s32 v2, v0;
	v2 =	vld [tilespmem:$0x1F8C0]  }
0x256: {  	[tilespmem:s18+$0x80] =	vst v0;
	v0 =	vld [tilespmem:$0x1F8D0];
	_ =	sdelay $0x3  }
0x257: {  	v2 =	vadd.s32 v2, v20  }
0x258: {  	v0 =	vadd.s32 v0, v25;
	[tilespmem:$0x100] =	vst v2;
	v2 =	vld [tilespmem:$0x1FC90]  }
0x259: {  	[tilespmem:$0x110] =	vst v0;
	v0 =	vld [tilespmem:$0x1FCA0];
	_ =	sdelay $0x3  }
0x25a: {  	v2 =	vadd.s32 v2, v26  }
0x25b: {  	v0 =	vadd.s32 v0, v27;
	[tilespmem:$0x120] =	vst v2  }
0x25c: {  	s22 =	simm.s32 $0x100;
	[tilespmem:$0x130] =	vst v0  }
0x25d: {  	[spmem:s9] =	stream.linear.scatter [tilespmem:s22], [sflag:$0x3], $0x40, $0x38;
	[tilespmem:$0xE6C0] =	vst v63  }
0x25e: {  	_ =	swait.ge [sflag:s16], $0x40  }
0x25f: {  	[sflag:s16] =	ssyncset.done $0x0  }
0x260: {  	[sflag:s16] =	ssyncadd.s32 $0xFFFFFFC0  }
0x261: {  	[bflag:$0x0] =	sbarrier.arrive $0xFFFF  }
0x262: {  	s22 =	simm.s32 $0x180;
	s23 =	rddreg [dreg:$0x4]  }
0x263: {  	[tilespmem:s22], [sflag:$0x3] =	stream.linear.gather [spmem:s23], $0x400, $0x38;
	[tilespmem:$0xE6C0] =	vst v63  }
0x264: {  	_ =	swait.ge [sflag:s16], $0x400  }
0x265: {  	[sflag:s16] =	ssyncset.done $0x0  }
0x266: {  	v37 =	vld [tilespmem:$0x1FF60];
	[sflag:s16] =	ssyncadd.s32 $0xFFFFFC00  }
0x267: {  	v0 =	vld [tilespmem:$0x180]  }
0x268: {  	v2 =	vld [tilespmem:$0x190]  }
0x269: {  	v3 =	vld [tilespmem:$0x1A0]  }
0x26a: {  	v4 =	vld [tilespmem:$0x1B0]  }
0x26b: {  	v5 =	vld [tilespmem:$0x1C0]  }
0x26c: {  	v6 =	vld [tilespmem:$0x1D0]  }
0x26d: {  	v7 =	vld [tilespmem:$0x1E0]  }
0x26e: {  	v8 =	vld [tilespmem:$0x1F0]  }
0x26f: {  	v9 =	vld [tilespmem:$0x200]  }
0x270: {  	v10 =	vld [tilespmem:$0x210]  }
0x271: {  	v11 =	vld [tilespmem:$0x220]  }
0x272: {  	v12 =	vld [tilespmem:$0x230]  }
0x273: {  	v13 =	vld [tilespmem:$0x240]  }
0x274: {  	v14 =	vld [tilespmem:$0x250]  }
0x275: {  	v15 =	vld [tilespmem:$0x260]  }
0x276: {  	v16 =	vld [tilespmem:$0x270];
	vm12 =	veq.s32 v37, $0x0  }
0x277: {  	v17 =	vld [tilespmem:$0x280];
	vm13 =	vgt.u32 v37, $0x1;
	vm14 =	vgt.u32 v37, $0x2;
	vm15 =	vgt.u32 v37, $0x3  }
0x278: {  	v18 =	vld [tilespmem:$0x290];
	vm4 =	vgt.u32 v37, $0x4;
	vm5 =	vgt.u32 v37, $0x5;
	vm6 =	vgt.u32 v37, $0x6  }
0x279: {  	v21 =	vld [tilespmem:$0x2A0];
	vm7 =	vgt.u32 v37, $0x7;
	vm8 =	vgt.u32 v37, $0x8;
	vm9 =	vgt.u32 v37, $0x9  }
0x27a: {  	v24 =	vld [tilespmem:$0x2B0];
	vm10 =	vgt.u32 v37, $0xA;
	v19 =	vsel vm12, $0x0, v0;
	v55 =	vsel vm12, $0x0, v2  }
0x27b: {  	v28 =	vld [tilespmem:$0x2C0];
	v36 =	vsel vm12, $0x0, v3;
	v38 =	vsel vm12, $0x0, v4;
	v39 =	vnsel vm13, $0x0, v5  }
0x27c: {  	v33 =	vld [tilespmem:$0x2E0];
	v40 =	vnsel vm13, $0x0, v6;
	v41 =	vnsel vm13, $0x0, v7;
	v42 =	vnsel vm13, $0x0, v8  }
0x27d: {  	v25 =	vld [tilespmem:$0x2F0];
	v0 =	vadd.s32 v0, v5;
	v43 =	vnsel vm14, $0x0, v9;
	v45 =	vnsel vm14, $0x0, v10  }
0x27e: {  	v22 =	vld [tilespmem:$0x310];
	v51 =	vnsel vm14, $0x0, v11;
	v53 =	vnsel vm14, $0x0, v12;
	v2 =	vadd.s32 v2, v6  }
0x27f: {  	v23 =	vld [tilespmem:$0x320];
	v3 =	vadd.s32 v3, v7;
	v4 =	vadd.s32 v4, v8;
	vm12 =	vmmov $0x3  }
0x280: {  	v30 =	vld [tilespmem:$0x330];
	vm13 =	vmmov $0xf;
	vm14 =	vmmov $0xff;
	v19 =	vadd.s32 v19, v39  }
0x281: {  	v32 =	vld [tilespmem:$0x370];
	v55 =	vadd.s32 v55, v40;
	v35 =	vadd.s32 v36, v41;
	v36 =	vadd.s32 v38, v42  }
0x282: {  	v29 =	vld [tilespmem:$0x3C0];
	v0 =	vadd.s32 v9, v0;
	v39 =	vnsel vm15, $0x0, v13;
	v40 =	vnsel vm15, $0x0, v14  }
0x283: {  	v20 =	vld [tilespmem:$0x3D0];
	v41 =	vnsel vm15, $0x0, v15;
	v42 =	vnsel vm15, $0x0, v16;
	v2 =	vadd.s32 v10, v2  }
0x284: {  	v31 =	vld [tilespmem:$0x400];
	v3 =	vadd.s32 v11, v3;
	v4 =	vadd.s32 v12, v4;
	vm15 =	vgt.u32 v37, $0xB  }
0x285: {  	v26 =	vld [tilespmem:$0x420];
	v38 =	vadd.s32 v43, v19;
	v6 =	vadd.s32 v45, v55;
	v43 =	vadd.s32 v51, v35  }
0x286: {  	v27 =	vld [tilespmem:$0x430];
	v8 =	vadd.s32 v53, v36;
	v0 =	vadd.s32 v13, v0;
	v45 =	vnsel vm4, $0x0, v17  }
0x287: {  	v5 =	vld [tilespmem:$0x2D0];
	v51 =	vnsel vm4, $0x0, v18;
	v53 =	vnsel vm4, $0x0, v21;
	v55 =	vnsel vm4, $0x0, v24  }
0x288: {  	v7 =	vld [tilespmem:$0x300];
	v2 =	vadd.s32 v14, v2;
	v3 =	vadd.s32 v15, v3;
	v4 =	vadd.s32 v16, v4  }
0x289: {  	v10 =	vld [tilespmem:$0x340];
	v36 =	vnsel vm5, $0x0, v28;
	vm4 =	vgt.u32 v37, $0xC;
	v9 =	vadd.s32 v39, v38  }
0x28a: {  	v12 =	vld [tilespmem:$0x350];
	v6 =	vadd.s32 v40, v6;
	v11 =	vadd.s32 v41, v43;
	v8 =	vadd.s32 v42, v8  }
0x28b: {  	v13 =	vld [tilespmem:$0x360];
	v0 =	vadd.s32 v17, v0;
	v2 =	vadd.s32 v18, v2;
	v39 =	vnsel vm5, $0x0, v33  }
0x28c: {  	v14 =	vld [tilespmem:$0x380];
	v40 =	vnsel vm5, $0x0, v25;
	v3 =	vadd.s32 v21, v3;
	v4 =	vadd.s32 v24, v4  }
0x28d: {  	v15 =	vld [tilespmem:$0x390];
	v41 =	vnsel vm6, $0x0, v22;
	v42 =	vnsel vm6, $0x0, v23;
	v43 =	vnsel vm6, $0x0, v30  }
0x28e: {  	v16 =	vld [tilespmem:$0x3A0];
	v9 =	vadd.s32 v45, v9;
	v6 =	vadd.s32 v51, v6;
	v11 =	vadd.s32 v53, v11  }
0x28f: {  	v19 =	vld [tilespmem:$0x410];
	v8 =	vadd.s32 v55, v8;
	v0 =	vadd.s32 v28, v0;
	v3 =	vadd.s32 v33, v3  }
0x290: {  	v18 =	vld [tilespmem:$0x3B0];
	v25 =	vadd.s32 v25, v4;
	v55 =	vnsel vm7, $0x0, v32;
	v38 =	vnsel vm5, $0x0, v5  }
0x291: {  	v21 =	vld [tilespmem:$0x3E0];
	v9 =	vadd.s32 v36, v9;
	v2 =	vadd.s32 v5, v2;
	v5 =	vnsel vm6, $0x0, v7  }
0x292: {  	v17 =	vld [tilespmem:$0x3F0];
	v11 =	vadd.s32 v39, v11;
	v8 =	vadd.s32 v40, v8;
	v7 =	vadd.s32 v7, v0  }
0x293: {  	v4 =	vld [tilespmem:$0x450];
	v23 =	vadd.s32 v23, v3;
	v25 =	vadd.s32 v30, v25;
	v36 =	vnsel vm9, $0x0, v20  }
0x294: {  	v0 =	vld [tilespmem:$0x440];
	vm5 =	vgt.u32 v37, $0xD;
	vm6 =	veq.s32 v37, $0xF;
	v6 =	vadd.s32 v38, v6  }
0x295: {  	v3 =	vld [tilespmem:$0x480];
	v9 =	vadd.s32 v5, v9;
	v22 =	vadd.s32 v22, v2;
	v45 =	vnsel vm7, $0x0, v10  }
0x296: {  	v51 =	vnsel vm7, $0x0, v12;
	v11 =	vadd.s32 v42, v11;
	v5 =	vld [tilespmem:$0x460];
	v8 =	vadd.s32 v43, v8  }
0x297: {  	v10 =	vadd.s32 v10, v7;
	v2 =	vld [tilespmem:$0x470];
	v25 =	vadd.s32 v32, v25;
	v6 =	vadd.s32 v41, v6  }
0x298: {  	v7 =	vld [tilespmem:$0x4A0];
	v53 =	vnsel vm7, $0x0, v13;
	v9 =	vadd.s32 v45, v9;
	v12 =	vadd.s32 v12, v22  }
0x299: {  	v41 =	vnsel vm8, $0x0, v14;
	v42 =	vnsel vm8, $0x0, v15;
	v10 =	vadd.s32 v14, v10;
	v14 =	vld [tilespmem:$0x4F0]  }
0x29a: {  	v43 =	vnsel vm8, $0x0, v16;
	v13 =	vadd.s32 v13, v23;
	v40 =	vadd.s32 v51, v6;
	v6 =	vld [tilespmem:$0x490]  }
0x29b: {  	v45 =	vnsel vm8, $0x0, v18;
	v51 =	vadd.s32 v53, v11;
	v53 =	vadd.s32 v55, v8;
	v8 =	vld [tilespmem:$0x4B0]  }
0x29c: {  	v24 =	vadd.s32 v41, v9;
	v15 =	vadd.s32 v15, v12;
	v11 =	vld [tilespmem:$0x4C0];
	v13 =	vadd.s32 v16, v13  }
0x29d: {  	v55 =	vnsel vm9, $0x0, v29;
	v12 =	vld [tilespmem:$0x4D0];
	v38 =	vnsel vm9, $0x0, v21;
	v35 =	vnsel vm9, $0x0, v17  }
0x29e: {  	v9 =	vld [tilespmem:$0x4E0];
	v18 =	vadd.s32 v18, v25;
	v29 =	vadd.s32 v29, v10;
	v41 =	vnsel vm10, $0x0, v31  }
0x29f: {  	v10 =	vld [tilespmem:$0x500];
	v22 =	vadd.s32 v42, v40;
	v23 =	vadd.s32 v43, v51;
	v25 =	vadd.s32 v45, v53  }
0x2a0: {  	v16 =	vld [tilespmem:$0x530];
	v24 =	vadd.s32 v55, v24;
	v39 =	vadd.s32 v20, v15;
	v21 =	vadd.s32 v21, v13  }
0x2a1: {  	v13 =	vld [tilespmem:$0x510];
	v17 =	vadd.s32 v17, v18;
	v40 =	vadd.s32 v31, v29;
	v20 =	vadd.s32 v36, v22  }
0x2a2: {  	v15 =	vld [tilespmem:$0x520];
	v22 =	vadd.s32 v38, v23;
	v42 =	vadd.s32 v19, v39;
	v19 =	vnsel vm10, $0x0, v19  }
0x2a3: {  	v43 =	vld [tilespmem:$0x540];
	v21 =	vadd.s32 v26, v21;
	v26 =	vnsel vm10, $0x0, v26;
	v17 =	vadd.s32 v27, v17  }
0x2a4: {  	v45 =	vld [tilespmem:$0x550];
	v27 =	vnsel vm10, $0x0, v27;
	v18 =	vadd.s32 v0, v40;
	v36 =	vlaneseq.u32  }
0x2a5: {  	v51 =	vld [tilespmem:$0x560];
	v25 =	vadd.s32 v35, v25;
	v23 =	vadd.s32 v41, v24;
	v0 =	vnsel vm15, $0x0, v0  }
0x2a6: {  	v55 =	vld [tilespmem:$0x1FF70];
	v28 =	vadd.s32 v4, v42;
	v21 =	vadd.s32 v5, v21;
	v17 =	vadd.s32 v2, v17  }
0x2a7: {  	v53 =	vld [tilespmem:$0x570];
	v18 =	vadd.s32 v3, v18;
	v21 =	vadd.s32 v7, v21;
	v28 =	vadd.s32 v6, v28  }
0x2a8: {  	v18 =	vadd.s32 v11, v18;
	v17 =	vadd.s32 v8, v17;
	v21 =	vadd.s32 v9, v21  }
0x2a9: {  	v28 =	vadd.s32 v12, v28;
	v18 =	vadd.s32 v10, v18;
	v17 =	vadd.s32 v14, v17  }
0x2aa: {  	v21 =	vadd.s32 v15, v21;
	v18 =	vadd.s32 v43, v18;
	v28 =	vadd.s32 v13, v28  }
0x2ab: {  	v38 =	vld [tilespmem:$0x1FF80];
	v17 =	vadd.s32 v16, v17;
	v21 =	vadd.s32 v51, v21;
	v29 =	vperm.xlane v18, v55  }
0x2ac: {  	v28 =	vadd.s32 v45, v28;
	v17 =	vadd.s32 v53, v17;
	v31 =	vperm.xlane v21, v55  }
0x2ad: {  	vm11 =	veq.s32 v36, $0x0;
	v30 =	vperm.xlane v28, v55;
	v32 =	vperm.xlane v17, v55  }
0x2ae: {  	v19 =	vadd.s32 v19, v20;
	v29 =	vsel vm11, $0x0, v29;
	v31 =	vsel vm11, $0x0, v31  }
0x2af: {  	v43 =	vld [tilespmem:$0x1FFB0];
	v29 =	vadd.s32 v18, v29;
	v30 =	vsel vm11, $0x0, v30;
	v32 =	vsel vm11, $0x0, v32  }
0x2b0: {  	v31 =	vadd.s32 v21, v31;
	v39 =	vperm.xlane v29, v38;
	v30 =	vadd.s32 v28, v30  }
0x2b1: {  	v32 =	vadd.s32 v17, v32;
	v42 =	vperm.xlane v31, v38;
	v41 =	vperm.xlane v30, v38  }
0x2b2: {  	v22 =	vadd.s32 v26, v22;
	v34 =	vperm.xlane v32, v38;
	v40 =	vsel vm12, $0x0, v39  }
0x2b3: {  	v24 =	vadd.s32 v40, v29;
	v33 =	vsel vm12, $0x0, v41;
	v29 =	vsel vm12, $0x0, v42  }
0x2b4: {  	v38 =	vld [tilespmem:$0x1FF90];
	v34 =	vsel vm12, $0x0, v34;
	v45 =	vperm.xlane v24, v43;
	v30 =	vadd.s32 v33, v30  }
0x2b5: {  	v29 =	vadd.s32 v29, v31;
	v32 =	vadd.s32 v34, v32;
	v51 =	vperm.xlane v30, v43  }
0x2b6: {  	v53 =	vperm.xlane v29, v43;
	v55 =	vperm.xlane v32, v43;
	v20 =	vsel vm13, $0x0, v45  }
0x2b7: {  	v25 =	vadd.s32 v27, v25;
	v4 =	vnsel vm15, $0x0, v4;
	v20 =	vadd.s32 v20, v24  }
0x2b8: {  	v31 =	vsel vm13, $0x0, v51;
	v33 =	vsel vm13, $0x0, v53;
	v24 =	vsel vm13, $0x0, v55  }
0x2b9: {  	v39 =	vperm.xlane v20, v38;
	v30 =	vadd.s32 v31, v30;
	v29 =	vadd.s32 v33, v29  }
0x2ba: {  	v24 =	vadd.s32 v24, v32;
	v31 =	vperm.xlane v30, v38;
	v33 =	vperm.xlane v29, v38  }
0x2bb: {  	v0 =	vadd.s32 v0, v23;
	v51 =	vimm.s32 $0xF;
	v32 =	vperm.xlane v24, v38  }
0x2bc: {  	v26 =	vsel vm14, $0x0, v39;
	v40 =	vsel vm14, $0x0, v31;
	v41 =	vsel vm14, $0x0, v33  }
0x2bd: {  	v20 =	vadd.s32 v26, v20;
	v45 =	vsel vm14, $0x0, v32;
	v42 =	vadd.s32 v40, v30  }
0x2be: {  	v43 =	vadd.s32 v41, v29;
	v18 =	vsub.s32 v20, v18;
	v20 =	vperm.xlane v20, v51  }
0x2bf: {  	v30 =	vimm.s32 @!p0 $0x800;
	v17 =	vsub.s32 v45, v17;
	v26 =	vperm.xlane v42, v51  }
0x2c0: {  	v28 =	vsub.s32 v42, v28;
	[tilespmem:$0x5C0] =	vst @!p0 v30;
	v21 =	vsub.s32 v43, v21;
	v27 =	vperm.xlane v43, v51  }
0x2c1: {  	v17 =	vadd.s32 v24, v17;
	[tilespmem:$0x580] =	vst @!p0 v18;
	v28 =	vadd.s32 v28, v20;
	v20 =	vadd.s32 v20, v26  }
0x2c2: {  	v5 =	vnsel vm15, $0x0, v5;
	v17 =	vadd.s32 v27, v17;
	[tilespmem:$0x590] =	vst @!p0 v28;
	v21 =	vadd.s32 v21, v20  }
0x2c3: {  	v2 =	vnsel vm15, $0x0, v2;
	v3 =	vnsel vm4, $0x0, v3;
	v17 =	vadd.s32 v20, v17;
	[tilespmem:$0x5A0] =	vst @!p0 v21  }
0x2c4: {  	s18 =	simm.s32 @!p0 $0x0;
	s22 =	simm.s32 @!p0 $0x580;
	v4 =	vadd.s32 v4, v19;
	v5 =	vadd.s32 v5, v22;
	v2 =	vadd.s32 v2, v25;
	[tilespmem:$0x5B0] =	vst @!p0 v17  }
0x2c5: {  	v0 =	vadd.s32 v3, v0;
	v6 =	vnsel vm4, $0x0, v6;
	v19 =	vnsel vm6, $0x0, v10;
	[hbm4b:s6+s18] =	stream.linear.scatter @!p0 [tilespmem:s22], [sflag:$0x3], $0x80, $0x38;
	[tilespmem:$0xE6C0] =	vst v63  }
0x2c6: {  	v23 =	vnsel vm6, $0x0, v16;
	v3 =	vadd.s32 v6, v4;
	v4 =	vnsel vm4, $0x0, v7;
	s18 =	simm.s32 @!p0 $0x3  }
0x2c7: {  	v14 =	vnsel vm5, $0x0, v14;
	v4 =	vadd.s32 v4, v5;
	v5 =	vnsel vm4, $0x0, v8;
	_ =	swait.ge @!p0 [sflag:s18], $0x80  }
0x2c8: {  	v2 =	vadd.s32 v5, v2;
	v53 =	vnsel vm5, $0x0, v11;
	v55 =	vnsel vm5, $0x0, v12;
	[sflag:s18] =	ssyncset.done @!p0 $0x0  }
0x2c9: {  	v0 =	vadd.s32 v53, v0;
	v3 =	vadd.s32 v55, v3;
	v20 =	vnsel vm6, $0x0, v13;
	[sflag:s18] =	ssyncadd.s32 @!p0 $0xFFFFFF80  }
0x2ca: {  	v2 =	vadd.s32 v14, v2;
	v0 =	vadd.s32 v19, v0;
	v3 =	vadd.s32 v20, v3;
	v5 =	vld [tilespmem:$0x0]  }
0x2cb: {  	v24 =	vadd.s32 v23, v2;
	v2 =	vadd.s32 v18, v0;
	v0 =	vadd.s32 v28, v3;
	v28 =	vld [tilespmem:$0x10]  }
0x2cc: {  	v12 =	vnsel vm5, $0x0, v9;
	v37 =	vld [tilespmem:$0x20]  }
0x2cd: {  	v22 =	vnsel vm6, $0x0, v15;
	v4 =	vadd.s32 v12, v4;
	v45 =	vld [tilespmem:$0x30]  }
0x2ce: {  	v4 =	vadd.s32 v22, v4;
	v19 =	vld [tilespmem:$0x40]  }
0x2cf: {  	v3 =	vadd.s32 v21, v4  }
0x2d0: {  	v4 =	vadd.s32 v17, v24;
	v26 =	vand.u32 $0xF, v5;
	v5 =	vshra.s32 v5, $0x4  }
0x2d1: {  	v33 =	vand.u32 $0xF, v28;
	v34 =	vshra.s32 v28, $0x4;
	v41 =	vand.u32 $0xF, v37  }
0x2d2: {  	v42 =	vshra.s32 v37, $0x4;
	v16 =	vand.u32 $0xF, v45;
	v17 =	vshra.s32 v45, $0x4  }
0x2d3: {  	v23 =	vand.u32 $0xF, v19;
	v24 =	vshra.s32 v19, $0x4;
	v27 =	vperm.xlane v2, v26  }
0x2d4: {  	vm7 =	veq.s32 v5, $0x0;
	v29 =	vperm.xlane v0, v26;
	vm8 =	veq.s32 v5, $0x1  }
0x2d5: {  	v30 =	vperm.xlane v3, v26;
	vm9 =	veq.s32 v5, $0x2;
	v8 =	vperm.xlane v4, v26  }
0x2d6: {  	vm10 =	veq.s32 v5, $0x3;
	v35 =	vperm.xlane v2, v33;
	vm11 =	veq.s32 v34, $0x0  }
0x2d7: {  	v38 =	vperm.xlane v0, v33;
	vm12 =	veq.s32 v34, $0x1;
	v39 =	vperm.xlane v3, v33  }
0x2d8: {  	vm13 =	veq.s32 v34, $0x2;
	vm14 =	veq.s32 v34, $0x3;
	v43 =	vperm.xlane v2, v41  }
0x2d9: {  	vm15 =	veq.s32 v42, $0x0;
	v51 =	vperm.xlane v0, v41;
	vm4 =	veq.s32 v42, $0x1  }
0x2da: {  	v53 =	vperm.xlane v3, v41;
	vm5 =	veq.s32 v42, $0x2;
	v18 =	vperm.xlane v2, v16  }
0x2db: {  	vm6 =	veq.s32 v42, $0x3;
	v20 =	vperm.xlane v0, v16;
	v21 =	vperm.xlane v3, v16  }
0x2dc: {  	v28 =	vperm.xlane v3, v23;
	v9 =	vnsel vm7, $0x0, v27;
	v6 =	vnsel vm8, $0x0, v29  }
0x2dd: {  	v25 =	vld [tilespmem:$0x80];
	v11 =	vnsel vm9, $0x0, v30;
	v31 =	vnsel vm10, $0x0, v8;
	v10 =	vnsel vm11, $0x0, v35  }
0x2de: {  	v7 =	vnsel vm12, $0x0, v38;
	v8 =	vperm.xlane v4, v33;
	v12 =	vnsel vm13, $0x0, v39  }
0x2df: {  	v32 =	vld [tilespmem:$0x90];
	v13 =	vnsel vm5, $0x0, v53;
	vm7 =	veq.s32 v17, $0x0;
	vm8 =	veq.s32 v17, $0x1  }
0x2e0: {  	vm9 =	veq.s32 v17, $0x2;
	vm10 =	veq.s32 v17, $0x3;
	vm11 =	veq.s32 v24, $0x0  }
0x2e1: {  	v26 =	vld [tilespmem:$0x50];
	v27 =	vperm.xlane v0, v23;
	vm12 =	veq.s32 v24, $0x1;
	vm13 =	veq.s32 v24, $0x2  }
0x2e2: {  	v40 =	vld [tilespmem:$0xA0];
	v5 =	vadd.s32 v25, v9;
	v9 =	vperm.xlane v4, v41;
	v14 =	vnsel vm9, $0x0, v21  }
0x2e3: {  	v25 =	vperm.xlane v2, v23;
	v15 =	vnsel vm13, $0x0, v28;
	v5 =	vadd.s32 v6, v5  }
0x2e4: {  	v6 =	vadd.s32 v32, v10;
	v8 =	vnsel vm14, $0x0, v8;
	v10 =	vperm.xlane v4, v16  }
0x2e5: {  	vm14 =	veq.s32 v24, $0x3;
	v5 =	vadd.s32 v11, v5;
	v6 =	vadd.s32 v7, v6  }
0x2e6: {  	v11 =	vnsel vm15, $0x0, v43;
	v9 =	vnsel vm6, $0x0, v9;
	v30 =	vand.u32 $0xF, v26  }
0x2e7: {  	v33 =	vld [tilespmem:$0x60];
	v5 =	vadd.s32 v31, v5;
	v6 =	vadd.s32 v12, v6;
	v7 =	vadd.s32 v40, v11  }
0x2e8: {  	v55 =	vld [tilespmem:$0xB0];
	v12 =	vnsel vm7, $0x0, v18;
	v10 =	vnsel vm10, $0x0, v10;
	v11 =	vperm.xlane v4, v23  }
0x2e9: {  	v31 =	vshra.s32 v26, $0x4;
	v32 =	vperm.xlane v2, v30;
	v34 =	vperm.xlane v0, v30  }
0x2ea: {  	v35 =	vperm.xlane v3, v30;
	v6 =	vadd.s32 v8, v6;
	v8 =	vnsel vm4, $0x0, v51  }
0x2eb: {  	v41 =	vld [tilespmem:$0x70];
	vm15 =	veq.s32 v31, $0x0;
	vm4 =	veq.s32 v31, $0x1;
	vm5 =	veq.s32 v31, $0x2  }
0x2ec: {  	vm6 =	veq.s32 v31, $0x3;
	v38 =	vand.u32 $0xF, v33;
	v39 =	vshra.s32 v33, $0x4  }
0x2ed: {  	v7 =	vadd.s32 v8, v7;
	v8 =	vadd.s32 v55, v12;
	v11 =	vnsel vm14, $0x0, v11  }
0x2ee: {  	v12 =	vperm.xlane v4, v30;
	v16 =	vnsel vm5, $0x0, v35;
	v40 =	vperm.xlane v2, v38  }
0x2ef: {  	vm7 =	veq.s32 v39, $0x0;
	v42 =	vperm.xlane v0, v38;
	v43 =	vperm.xlane v3, v38  }
0x2f0: {  	vm9 =	veq.s32 v39, $0x2;
	vm10 =	veq.s32 v39, $0x3;
	v53 =	vand.u32 $0xF, v41  }
0x2f1: {  	v22 =	vld [tilespmem:$0xC0];
	v55 =	vshra.s32 v41, $0x4;
	v7 =	vadd.s32 v13, v7;
	v13 =	vnsel vm11, $0x0, v25  }
0x2f2: {  	v2 =	vperm.xlane v2, v53;
	vm11 =	veq.s32 v55, $0x0;
	v0 =	vperm.xlane v0, v53  }
0x2f3: {  	v51 =	vld [tilespmem:$0xF0];
	v3 =	vperm.xlane v3, v53;
	vm13 =	veq.s32 v55, $0x2;
	vm14 =	veq.s32 v55, $0x3  }
0x2f4: {  	v29 =	vld [tilespmem:$0xD0];
	v7 =	vadd.s32 v9, v7;
	v9 =	vnsel vm8, $0x0, v20;
	v12 =	vnsel vm6, $0x0, v12  }
0x2f5: {  	vm8 =	veq.s32 v39, $0x1;
	v45 =	vnsel vm9, $0x0, v43;
	v8 =	vadd.s32 v9, v8  }
0x2f6: {  	v9 =	vadd.s32 v22, v13;
	v2 =	vnsel vm11, $0x0, v2;
	v8 =	vadd.s32 v14, v8  }
0x2f7: {  	v3 =	vnsel vm13, $0x0, v3;
	v8 =	vadd.s32 v10, v8;
	v10 =	vnsel vm12, $0x0, v27  }
0x2f8: {  	v37 =	vld [tilespmem:$0xE0];
	v14 =	vnsel vm15, $0x0, v32;
	v2 =	vadd.s32 v51, v2;
	v9 =	vadd.s32 v10, v9  }
0x2f9: {  	vm12 =	veq.s32 v55, $0x1;
	v10 =	vadd.s32 v29, v14;
	v9 =	vadd.s32 v15, v9  }
0x2fa: {  	[tilespmem:$0x80] =	vst v5;
	v0 =	vnsel vm12, $0x0, v0;
	v9 =	vadd.s32 v11, v9;
	v11 =	vnsel vm4, $0x0, v34  }
0x2fb: {  	[tilespmem:$0x90] =	vst v6;
	v15 =	vnsel vm7, $0x0, v40;
	v0 =	vadd.s32 v0, v2;
	v10 =	vadd.s32 v11, v10  }
0x2fc: {  	[tilespmem:$0xA0] =	vst v7;
	v11 =	vperm.xlane v4, v38;
	v4 =	vperm.xlane v4, v53;
	v10 =	vadd.s32 v16, v10  }
0x2fd: {  	[tilespmem:$0xB0] =	vst v8;
	v13 =	vadd.s32 v37, v15;
	v10 =	vadd.s32 v12, v10;
	v12 =	vnsel vm8, $0x0, v42  }
0x2fe: {  	v0 =	vadd.s32 v3, v0;
	[tilespmem:$0xC0] =	vst v9;
	v4 =	vnsel vm14, $0x0, v4;
	v12 =	vadd.s32 v12, v13  }
0x2ff: {  	v5 =	vnsel vm10, $0x0, v11;
	[tilespmem:$0xD0] =	vst v10;
	v0 =	vadd.s32 v4, v0;
	v12 =	vadd.s32 v45, v12  }
0x300: {  	[tilespmem:$0xF0] =	vst v0;
	v2 =	vadd.s32 v5, v12  }
0x301: {  	[tilespmem:$0xE0] =	vst v2  }
0x302: {  	v0 =	vld [tilespmem:s5+$0x80];
	_ =	sdelay $0x4  }
0x303: {  	[tilespmem:$0x600] =	vst v0  }
0x304: {  	v0 =	vld [tilespmem:s5+$0x90];
	_ =	sdelay $0x4  }
0x305: {  	[tilespmem:$0x610] =	vst v0  }
0x306: {  	v0 =	vld [tilespmem:s5+$0xA0];
	_ =	sdelay $0x4  }
0x307: {  	[tilespmem:$0x620] =	vst v0  }
0x308: {  	v0 =	vld [tilespmem:s5+$0xB0];
	_ =	sdelay $0x4  }
0x309: {  	[tilespmem:$0x630] =	vst v0  }
0x30a: {  	[hbm4b:s10+s4] =	stream.linear.scatter [tilespmem:s19], [sflag:$0x3], $0x40, $0x38;
	[tilespmem:$0xE6C0] =	vst v63  }
0x30b: {  	_ =	swait.ge [sflag:s16], $0x40  }
0x30c: {  	[sflag:s16] =	ssyncset.done $0x0  }
0x30d: {  	[sflag:s16] =	ssyncadd.s32 $0xFFFFFFC0  }
0x30e: {  	[tilespmem:s20], [sflag:$0x3] =	stream.linear.gather [hbm4b:s11+s4], $0xC000, $0x38;
	[tilespmem:$0xE6C0] =	vst v63  }
0x30f: {  	_ =	swait.ge [sflag:s16], $0xC000  }
0x310: {  	[sflag:s16] =	ssyncset.done $0x0  }
0x311: {  	[sflag:s16] =	ssyncadd.s32 $0xFFFF4000  }
0x312: {  	[tilespmem:s21], [sflag:$0x3] =	stream.linear.gather [hbm4b:s12+s4], $0x2000, $0x38;
	[tilespmem:$0xE6C0] =	vst v63  }
0x313: {  	_ =	swait.ge [sflag:s16], $0x2000  }
0x314: {  	[sflag:s16] =	ssyncset.done $0x0  }
0x315: {  	[sflag:s16] =	ssyncadd.s32 $0xFFFFE000  }
0x316: {  	v0 =	vld [tilespmem:$0x600];
	_ =	sdelay $0x4  }
0x317: {  	v2 =	vshrl.u32 v0, $0x3  }
0x318: {  	v2 =	vmul.u32 $0x30, v2  }
0x319: {  	v0 =	vand.u32 $0x7, v0  }
0x31a: {  	v3 =	vshrl.u32 v36, $0x3;
	v0 =	vor.u32 v0, v2;
	v2 =	vand.u32 $0x7, v36  }
0x31b: {  	v3 =	vmul.u32 $0x8, v3;
	v4 =	vperm.xlane v0, v2;
	_ =	sdelay $0x1  }
0x31c: {  	v4 =	vadd.s32 v3, v4;
	_ =	sdelay $0x2  }
0x31d: {  	v5 =	vor.u32 $0x8, v36  }
0x31e: {  	vm15 =	vmmov $0xffff;
	v0 =	vperm.xlane v0, v5  }
0x31f: {  	[hbm4b:s1+s4] =	stream.indirect_vreg.scatter [tilespmem:s20], [sflag:$0x1], $0x80, v4, vm15, $0xb8;
	[tilespmem:$0xE6C0] =	vst v63  }
0x320: {  	s22 =	simm.s32 $0xE80;
	v0 =	vadd.s32 v3, v0  }
0x321: {  	[hbm4b:s13+s4] =	stream.indirect_vreg.scatter [tilespmem:s22], [sflag:$0x1], $0x80, v4, vm15, $0xb8;
	[tilespmem:$0xE6C0] =	vst v63  }
0x322: {  	s23 =	simm.s32 $0x1680  }
0x323: {  	[hbm4b:s14+s4] =	stream.indirect_vreg.scatter [tilespmem:s23], [sflag:$0x1], $0x80, v4, vm15, $0xb8;
	[tilespmem:$0xE6C0] =	vst v63  }
0x324: {  	s22 =	simm.s32 $0x1E80  }
0x325: {  	[hbm4b:s1+s4] =	stream.indirect_vreg.scatter [tilespmem:s22], [sflag:$0x1], $0x80, v0, vm15, $0xb8;
	[tilespmem:$0xE6C0] =	vst v63  }
0x326: {  	s23 =	simm.s32 $0x2680  }
0x327: {  	[hbm4b:s13+s4] =	stream.indirect_vreg.scatter [tilespmem:s23], [sflag:$0x1], $0x80, v0, vm15, $0xb8;
	[tilespmem:$0xE6C0] =	vst v63  }
0x328: {  	s22 =	simm.s32 $0x2E80  }
0x329: {  	[hbm4b:s14+s4] =	stream.indirect_vreg.scatter [tilespmem:s22], [sflag:$0x1], $0x80, v0, vm15, $0xb8;
	[tilespmem:$0xE6C0] =	vst v63  }
0x32a: {  	v0 =	vld [tilespmem:$0x610];
	_ =	sdelay $0x4  }
0x32b: {  	v4 =	vshrl.u32 v0, $0x3  }
0x32c: {  	v4 =	vmul.u32 $0x30, v4  }
0x32d: {  	v0 =	vand.u32 $0x7, v0  }
0x32e: {  	v0 =	vor.u32 v0, v4  }
0x32f: {  	v4 =	vperm.xlane v0, v2;
	_ =	sdelay $0x1  }
0x330: {  	v4 =	vadd.s32 v3, v4;
	_ =	sdelay $0x3  }
0x331: {  	s23 =	simm.s32 $0x3680;
	v0 =	vperm.xlane v0, v5  }
0x332: {  	[hbm4b:s1+s4] =	stream.indirect_vreg.scatter [tilespmem:s23], [sflag:$0x1], $0x80, v4, vm15, $0xb8;
	[tilespmem:$0xE6C0] =	vst v63  }
0x333: {  	s22 =	simm.s32 $0x3E80;
	v0 =	vadd.s32 v3, v0  }
0x334: {  	[hbm4b:s13+s4] =	stream.indirect_vreg.scatter [tilespmem:s22], [sflag:$0x1], $0x80, v4, vm15, $0xb8;
	[tilespmem:$0xE6C0] =	vst v63  }
0x335: {  	s23 =	simm.s32 $0x4680  }
0x336: {  	[hbm4b:s14+s4] =	stream.indirect_vreg.scatter [tilespmem:s23], [sflag:$0x1], $0x80, v4, vm15, $0xb8;
	[tilespmem:$0xE6C0] =	vst v63  }
0x337: {  	s22 =	simm.s32 $0x4E80  }
0x338: {  	[hbm4b:s1+s4] =	stream.indirect_vreg.scatter [tilespmem:s22], [sflag:$0x1], $0x80, v0, vm15, $0xb8;
	[tilespmem:$0xE6C0] =	vst v63  }
0x339: {  	s23 =	simm.s32 $0x5680  }
0x33a: {  	[hbm4b:s13+s4] =	stream.indirect_vreg.scatter [tilespmem:s23], [sflag:$0x1], $0x80, v0, vm15, $0xb8;
	[tilespmem:$0xE6C0] =	vst v63  }
0x33b: {  	s22 =	simm.s32 $0x5E80  }
0x33c: {  	[hbm4b:s14+s4] =	stream.indirect_vreg.scatter [tilespmem:s22], [sflag:$0x1], $0x80, v0, vm15, $0xb8;
	[tilespmem:$0xE6C0] =	vst v63  }
0x33d: {  	v0 =	vld [tilespmem:$0x620];
	_ =	sdelay $0x4  }
0x33e: {  	v4 =	vshrl.u32 v0, $0x3  }
0x33f: {  	v4 =	vmul.u32 $0x30, v4  }
0x340: {  	v0 =	vand.u32 $0x7, v0  }
0x341: {  	v0 =	vor.u32 v0, v4  }
0x342: {  	v4 =	vperm.xlane v0, v2;
	_ =	sdelay $0x1  }
0x343: {  	v4 =	vadd.s32 v3, v4;
	_ =	sdelay $0x3  }
0x344: {  	s23 =	simm.s32 $0x6680;
	v0 =	vperm.xlane v0, v5  }
0x345: {  	[hbm4b:s1+s4] =	stream.indirect_vreg.scatter [tilespmem:s23], [sflag:$0x1], $0x80, v4, vm15, $0xb8;
	[tilespmem:$0xE6C0] =	vst v63  }
0x346: {  	s22 =	simm.s32 $0x6E80;
	v0 =	vadd.s32 v3, v0  }
0x347: {  	[hbm4b:s13+s4] =	stream.indirect_vreg.scatter [tilespmem:s22], [sflag:$0x1], $0x80, v4, vm15, $0xb8;
	[tilespmem:$0xE6C0] =	vst v63  }
0x348: {  	s23 =	simm.s32 $0x7680  }
0x349: {  	[hbm4b:s14+s4] =	stream.indirect_vreg.scatter [tilespmem:s23], [sflag:$0x1], $0x80, v4, vm15, $0xb8;
	[tilespmem:$0xE6C0] =	vst v63  }
0x34a: {  	s22 =	simm.s32 $0x7E80  }
0x34b: {  	[hbm4b:s1+s4] =	stream.indirect_vreg.scatter [tilespmem:s22], [sflag:$0x1], $0x80, v0, vm15, $0xb8;
	[tilespmem:$0xE6C0] =	vst v63  }
0x34c: {  	s23 =	simm.s32 $0x8680  }
0x34d: {  	[hbm4b:s13+s4] =	stream.indirect_vreg.scatter [tilespmem:s23], [sflag:$0x1], $0x80, v0, vm15, $0xb8;
	[tilespmem:$0xE6C0] =	vst v63  }
0x34e: {  	_ = 	snop  }
0x34f: {  	[hbm4b:s14+s4] =	stream.indirect_vreg.scatter [tilespmem:s24], [sflag:$0x1], $0x80, v0, vm15, $0xb8;
	[tilespmem:$0xE6C0] =	vst v63  }
0x350: {  	v0 =	vld [tilespmem:$0x630];
	_ =	sdelay $0x4  }
0x351: {  	v4 =	vshrl.u32 v0, $0x3  }
0x352: {  	v4 =	vmul.u32 $0x30, v4  }
0x353: {  	v0 =	vand.u32 $0x7, v0  }
0x354: {  	v0 =	vor.u32 v0, v4  }
0x355: {  	v2 =	vperm.xlane v0, v2;
	_ =	sdelay $0x1  }
0x356: {  	v2 =	vadd.s32 v3, v2;
	_ =	sdelay $0x3  }
0x357: {  	v0 =	vperm.xlane v0, v5  }
0x358: {  	[hbm4b:s1+s4] =	stream.indirect_vreg.scatter [tilespmem:s25], [sflag:$0x1], $0x80, v2, vm15, $0xb8;
	[tilespmem:$0xE6C0] =	vst v63  }
0x359: {  	v0 =	vadd.s32 v3, v0  }
0x35a: {  	[hbm4b:s13+s4] =	stream.indirect_vreg.scatter [tilespmem:s26], [sflag:$0x1], $0x80, v2, vm15, $0xb8;
	[tilespmem:$0xE6C0] =	vst v63  }
0x35b: {  	_ = 	snop  }
0x35c: {  	[hbm4b:s14+s4] =	stream.indirect_vreg.scatter [tilespmem:s28], [sflag:$0x1], $0x80, v2, vm15, $0xb8;
	[tilespmem:$0xE6C0] =	vst v63  }
0x35d: {  	_ = 	snop  }
0x35e: {  	[hbm4b:s1+s4] =	stream.indirect_vreg.scatter [tilespmem:s29], [sflag:$0x1], $0x80, v0, vm15, $0xb8;
	[tilespmem:$0xE6C0] =	vst v63  }
0x35f: {  	_ = 	snop  }
0x360: {  	[hbm4b:s13+s4] =	stream.indirect_vreg.scatter [tilespmem:s30], [sflag:$0x1], $0x80, v0, vm15, $0xb8;
	[tilespmem:$0xE6C0] =	vst v63  }
0x361: {  	_ = 	snop  }
0x362: {  	[hbm4b:s14+s4] =	stream.indirect_vreg.scatter [tilespmem:s31], [sflag:$0x1], $0x80, v0, vm15, $0xb8;
	[tilespmem:$0xE6C0] =	vst v63  }
0x363: {  	s17 =	sadd.s32 $0x1, s17  }
0x364: {  	[hbm4b:s7+s2] =	stream.indirect.scatter [tilespmem:s21], [sflag:$0x2], $0x80, s19, s2, $0xb8;
	[tilespmem:$0xE6C0] =	vst v63  }
0x365: {  	p1 =	sne.s32 s17, s15;
	_ =	swait.ge [sflag:s0], $0xC000  }
.Ltmp1:
0x366: {  	[sflag:s0] =	ssyncset.done $0x0;
	(pc) =	sbr.rel @p1 .LBB2_1-.Ltmp1, $4  }
0x367: {  	[sflag:s0] =	ssyncadd.s32 $0xFFFF4000  }
0x368: {  	_ =	swait.ge [sflag:s3], $0x2000  }
0x369: {  	[sflag:s3] =	ssyncset.done $0x0  }
0x36a: {  	v3 =	vimm.s32 $0xE;
	[sflag:s3] =	ssyncadd.s32 $0xFFFFE000  }
0x36b: {  	_ =	sfence.sel $0x180000  }
0x36c: {  	[bflag:$0x0] =	sbarrier.arrive $0xFFFF  }
0x36d: {  	_ =	strace $0x90000047  }
0x36e: {  	s0 =	stileid.u32;
	[bflag:$0x2] =	sbarrier.arrive $0xFFFF  }
0x36f: {  	p0 =	sne.s32 s0, $0x0;
	s0 =	rddreg [dreg:$0x5]  }
0x370: {  	s0 =	sadd.s32 @!p0 $0x100000, s0  }
0x371: {  	[sflag:s0] =	ssyncadd.tile.s32 @!p0 $0x1;
	_ =	shalt  }
.Lfunc_end2:
_tile_overlayer_lowered:
.L_overlay_start_2:
0x372: {  	(tag) =	ssettag $0x2  }
0x373: {  	s0 =	rddreg [dreg:$0x0];
	s2 =	stileid.u32  }
0x374: {  	s1 =	rddreg [dreg:$0x1];
	p0 =	sne.s32 s2, $0x0  }
0x375: {  	s3 =	rddreg [dreg:$0x2];
	[bflag:$0x3] =	sbarrier.arrive $0xFFFF;
	s2 =	simm.s32 @!p0 $0x1C03  }
0x376: {  	[timem:s3], [sflag:s2] =	dma.local @!p0 [hbm:s0], s1  }
0x377: {  	s0 =	simm.s32 @!p0 $0x3  }
0x378: {  	_ =	swait.ge @!p0 [sflag:s0], s1  }
0x379: {  	s1 =	ssub.s32 @!p0 $0x0, s1;
	[sflag:s0] =	ssyncset.done @!p0 $0x0  }
0x37a: {  	[sflag:s0] =	ssyncadd.s32 @!p0 s1  }
0x37b: {  	[bflag:$0x3] =	sbarrier.arrive $0xFFFF  }
0x37c: {  	_ =	shalt  }

// kernel: kernel.8.cloned.1.call-start
scs
__scs_entry_jumppad:
0x0: {  	(pc) =	sbr.rel $0x88, $3  }
0x1: {  	(tag) =	ssettag $0x0;
	lr =	simm.s32 $0x1  }
0x2: {  	[smem:$0x3F9C] =	sst lr;
	_ =	strace $0xD0000000  }
0x3: {  	_ = 	snop  }
0x4: {  	_ = 	snop  }
0x5: {  	_ = 	snop  }
0x6: {  	_ = 	snop  }
0x7: {  	_ = 	snop  }
__scs_overlays_trampoline_lowered:
0x8: {  	[smem:$0x3FAB] =	sst s0  }
0x9: {  	[smem:$0x3FAC] =	sst s1  }
0xa: {  	[smem:$0x3FAD] =	sst s2  }
0xb: {  	[smem:$0x3FAE] =	sst s3  }
0xc: {  	[smem:$0x3FAF] =	sst s4  }
0xd: {  	[smem:$0x3FB0] =	sst s5  }
0xe: {  	[smem:$0x3FB1] =	sst s6  }
0xf: {  	[smem:$0x3FB2] =	sst s7  }
0x10: {  	[smem:$0x3FB3] =	sst s8  }
0x11: {  	[smem:$0x3FB4] =	sst s9;
	s0 =	simm.s32 @!p0 $0x0  }
0x12: {  	s1 =	sld [smem:$0x3F9A];
	s0 =	simm.s32 @p0 $0x1  }
0x13: {  	[smem:$0x3FB5] =	sst s0;
	s0 =	simm.s32 @!p1 $0x0  }
0x14: {  	s2 =	sld [smem:$0x3F99];
	s0 =	simm.s32 @p1 $0x1  }
0x15: {  	[smem:$0x3FB6] =	sst s0;
	s0 =	simm.s32 @!p2 $0x0  }
0x16: {  	s3 =	sld [smem:$0x3FDB];
	s0 =	simm.s32 @p2 $0x1  }
0x17: {  	s4 =	simm.s32 $0x1BF5;
	[smem:$0x3FB8] =	sst s0  }
0x18: {  	s0 =	sld [smem:$0x3F9B];
	_ =	swait.ge [sflag:s4], $0x0  }
0x19: {  	s7 =	sld [smem:$0x3F9C]  }
0x1a: {  	s8 =	sadd.s32 $0xFFFFE003, lr  }
0x1b: {  	s9 =	sadd.s32 $0xFFFFFEF7, lr;
	s5 =	simm.s32 $0xFFFFFFFF;
	p2 =	slt.u32 s8, $0xFFFFF086  }
0x1c: {  	p1 =	slt.u32 s9, $0xF7A;
	s5 =	simm.s32 @!p2 $0x0  }
0x1d: {  	s5 =	simm.s32 @p1 $0x1;
	p0 =	seq.s32 s7, s2  }
0x1e: {  	s7 =	smul.u32 @!p0 $0xF7A, s2;
	p2 =	seq.s32 @!p0 s5, $0x0  }
0x1f: {  	s9 =	smul.u32 $0xF7A, s1;
	s8 =	simm.s32 @!p0 $0x1BF5;
	p2 =	por !p2, p0  }
0x20: {  	[sflag:s8] =	ssyncset.s32 @!p0 $0xFFFFF086;
	s6 =	sadd.s32 @!p0 s3, s7;
	s7 =	simm.s32 @!p0 $0x108  }
0x21: {  	s3 =	sadd.s32 s3, s9;
	s6 =	sadd.s32 @!p0 $0x88, s6;
	s7 =	simm.s32 @p2 $0x1082  }
0x22: {  	[simem:s7], [sflag:s8] =	dma.local @!p0 [hbm:s6], $0xF7A  }
0x23: {  	s9 =	sor.u32 $0xD0000000, s2;
	s6 =	simm.s32 $0x108;
	_ =	swait.ge @!p0 [sflag:s8], $0x0  }
0x24: {  	s3 =	sadd.s32 $0x88, s3;
	s6 =	simm.s32 @!p1 $0x1082;
	[sflag:s4] =	ssyncset.s32 $0xFFFFF086  }
0x25: {  	[simem:s6], [sflag:s4] =	dma.local [hbm:s3], $0xF7A  }
0x26: {  	[smem:$0x3F9C] =	sst s1;
	(tag) =	ssettag s2;
	_ =	strace s9  }
0x27: {  	s1 =	sld [smem:$0x3FAC]  }
0x28: {  	s2 =	sld [smem:$0x3FAD]  }
0x29: {  	s4 =	sld [smem:$0x3FAF]  }
0x2a: {  	p0 =	seq.s32 s5, $0x0;
	s5 =	sld [smem:$0x3FB0]  }
0x2b: {  	s6 =	sld [smem:$0x3FB1]  }
0x2c: {  	s7 =	sld [smem:$0x3FB2]  }
0x2d: {  	s3 =	simm.s32 $0x108;
	s8 =	sld [smem:$0x3FB3]  }
0x2e: {  	s3 =	simm.s32 @!p0 $0x1082;
	s9 =	sld [smem:$0x3FB4]  }
0x2f: {  	lr =	sadd.s32 s0, s3;
	s0 =	sld [smem:$0x3FAB]  }
0x30: {  	s3 =	sld [smem:$0x3FAE]  }
0x31: {  	[smem:$0x3FB7] =	sst s10  }
0x32: {  	s10 =	sld [smem:$0x3FB5];
	_ =	sdelay $0x3  }
0x33: {  	p0 =	seq.s32 s10, $0x1;
	s10 =	sld [smem:$0x3FB7];
	_ =	sdelay $0x3  }
0x34: {  	[smem:$0x3FB7] =	sst s10  }
0x35: {  	s10 =	sld [smem:$0x3FB6];
	_ =	sdelay $0x3  }
0x36: {  	p1 =	seq.s32 s10, $0x1;
	s10 =	sld [smem:$0x3FB7];
	_ =	sdelay $0x3  }
0x37: {  	[smem:$0x3FB7] =	sst s10  }
0x38: {  	s10 =	sld [smem:$0x3FB8]  }
0x39: {  	_ = 	snop;
	(pc) =	sbr.ind lr, $3  }
0x3a: {  	_ = 	snop  }
0x3b: {  	_ = 	snop  }
0x3c: {  	p2 =	seq.s32 s10, $0x1;
	s10 =	sld [smem:$0x3FB7]  }
0x3d: {  	_ =	shalt  }
0x3e: {  	_ =	shalt  }
0x3f: {  	_ =	shalt  }
0x40: {  	_ =	shalt  }
0x41: {  	_ =	shalt  }
0x42: {  	_ =	shalt  }
0x43: {  	_ =	shalt  }
0x44: {  	_ =	shalt  }
0x45: {  	_ =	shalt  }
0x46: {  	_ =	shalt  }
0x47: {  	_ =	shalt  }
0x48: {  	_ =	shalt  }
0x49: {  	_ =	shalt  }
0x4a: {  	_ =	shalt  }
0x4b: {  	_ =	shalt  }
0x4c: {  	_ =	shalt  }
0x4d: {  	_ =	shalt  }
0x4e: {  	_ =	shalt  }
0x4f: {  	_ =	shalt  }
0x50: {  	_ =	shalt  }
0x51: {  	_ =	shalt  }
0x52: {  	_ =	shalt  }
0x53: {  	_ =	shalt  }
0x54: {  	_ =	shalt  }
0x55: {  	_ =	shalt  }
0x56: {  	_ =	shalt  }
0x57: {  	_ =	shalt  }
0x58: {  	_ =	shalt  }
0x59: {  	_ =	shalt  }
0x5a: {  	_ =	shalt  }
0x5b: {  	_ =	shalt  }
0x5c: {  	_ =	shalt  }
0x5d: {  	_ =	shalt  }
0x5e: {  	_ =	shalt  }
0x5f: {  	_ =	shalt  }
0x60: {  	_ =	shalt  }
0x61: {  	_ =	shalt  }
0x62: {  	_ =	shalt  }
0x63: {  	_ =	shalt  }
0x64: {  	_ =	shalt  }
0x65: {  	_ =	shalt  }
0x66: {  	_ =	shalt  }
0x67: {  	_ =	shalt  }
0x68: {  	_ =	shalt  }
0x69: {  	_ =	shalt  }
0x6a: {  	_ =	shalt  }
0x6b: {  	_ =	shalt  }
0x6c: {  	_ =	shalt  }
0x6d: {  	_ =	shalt  }
0x6e: {  	_ =	shalt  }
0x6f: {  	_ =	shalt  }
0x70: {  	_ =	shalt  }
0x71: {  	_ =	shalt  }
0x72: {  	_ =	shalt  }
0x73: {  	_ =	shalt  }
0x74: {  	_ =	shalt  }
0x75: {  	_ =	shalt  }
0x76: {  	_ =	shalt  }
0x77: {  	_ =	shalt  }
0x78: {  	_ =	shalt  }
0x79: {  	_ =	shalt  }
0x7a: {  	_ =	shalt  }
0x7b: {  	_ =	shalt  }
0x7c: {  	_ =	shalt  }
0x7d: {  	_ =	shalt  }
0x7e: {  	_ =	shalt  }
0x7f: {  	_ =	shalt  }
0x80: {  	_ =	shalt  }
0x81: {  	_ =	shalt  }
0x82: {  	_ =	shalt  }
0x83: {  	_ =	shalt  }
0x84: {  	_ =	shalt  }
0x85: {  	_ =	shalt  }
0x86: {  	_ =	shalt  }
0x87: {  	_ =	shalt  }
.Lfunc_end0:
.L_simem_size_0:
called_computation.1_lowered:
.L_overlay_start_0:
0x88: {  	s2 =	sld [smem:$0x3FD9]  }
0x89: {  	s3 =	sld [smem:$0x3FFE];
	_ =	sdelay $0x1  }
0x8a: {  	s1 =	srdreg.scid  }
0x8b: {  	s0 =	sand.u32 $0x1, s1  }
0x8c: {  	s17 =	sshll.u32 s0, $0xA;
	s2 =	sadd.s32 s3, s2  }
0x8d: {  	s2 =	sadd.s32 s2, s17  }
0x8e: {  	[smem:$0x3FC3] =	sst s2  }
0x8f: {  	_ = 	snop  }
0x90: {  	s2 =	sld [smem:$0x3FD0];
	(tm) =	ssettm $0x1  }
0x91: {  	s18 =	sld [smem:$0x3FFB];
	_ =	sdelay $0x3  }
0x92: {  	_ =	strace s18  }
0x93: {  	s3 =	sld [smem:$0x3FFC];
	_ =	sdelay $0x3  }
0x94: {  	_ =	strace s3  }
0x95: {  	s3 =	sld [smem:$0x3FFD];
	_ =	sdelay $0x3  }
0x96: {  	_ =	strace s3  }
0x97: {  	_ =	strace $0x8FFFFFFF  }
0x98: {  	s19 =	sld [smem:$0x3FDB];
	_ =	sdelay $0x1  }
0x99: {  	s4 =	simm.s32 $_scs_section_size  }
0x9a: {  	s5 =	simm.s32 $_size__tile_overlayer_lowered;
	s6 =	simm.s32 $_tile_overlayer_lowered  }
0x9b: {  	s22 =	simm.s32 $0x1BFF;
	s21 =	sshll.u32 s6, $0x1;
	s3 =	sadd.s32 s4, s19  }
0x9c: {  	s7 =	simm.s32 $0x0;
	s20 =	sshll.u32 s5, $0x1;
	s5 =	sadd.s32 s21, s3  }
0x9d: {  	[timem:s7], [sflag:s22] =	dma.local [hbm:s5], s20  }
0x9e: {  	_ =	swait.ge [sflag:s22], s20  }
0x9f: {  	s4 =	ssub.s32 $0x0, s20;
	[sflag:s22] =	ssyncset.done $0x0  }
0xa0: {  	[sflag:s22] =	ssyncadd.s32 s4;
	_ =	sdelay $0x1  }
0xa1: {  	s23 =	simm.s32 $0x1B8B  }
0xa2: {  	_ =	swait.ge [sflag:s23], $0x1  }
0xa3: {  	[sflag:s23] =	ssyncset.done $0x0  }
0xa4: {  	s25 =	simm.s32 $0x1B8E;
	s24 =	sld [smem:$0x3FFE];
	[sflag:s23] =	ssyncadd.s32 $0xFFFFFFFF  }
0xa5: {  	s26 =	simm.s32 $execute0_lowered;
	[smem:$0x3FD2] =	sst s25  }
0xa6: {  	s5 =	sshll.u32 s26, $0x1;
	_ =	strace $0x80000049;
	[dreg:$0x1] =	wrdreg $0xFFFFFFFF  }
0xa7: {  	s28 =	simm.s32 $_size_execute0_lowered;
	s3 =	sadd.s32 s3, s5;
	[dreg:$0x0] =	wrdreg $0x0  }
0xa8: {  	s5 =	sshll.u32 s28, $0x1;
	[dreg:$0x2] =	wrdreg s3  }
0xa9: {  	[dreg:$0x3] =	wrdreg s5  }
0xaa: {  	[dreg:$0x4] =	wrdreg $0xC0  }
0xab: {  	_ =	task [dreg:s7], $0x5FFFF  }
0xac: {  	[dreg:$0x1] =	wrdreg $0xFFFFFFFF  }
0xad: {  	[dreg:$0x0] =	wrdreg $0x60  }
0xae: {  	[dreg:$0x2] =	wrdreg s24  }
0xaf: {  	[dreg:$0x3] =	wrdreg s2  }
0xb0: {  	[dreg:$0x4] =	wrdreg $0x9  }
0xb1: {  	_ =	task.clear_ibuf [dreg:s7], $0x5FFFF;
	_ =	strace $0x90000049  }
0xb2: {  	s29 =	simm.s32 $0x9;
	_ =	strace $0x8000004B  }
0xb3: {  	_ =	swait.ge [sflag:s29], $0x1  }
0xb4: {  	[sflag:s29] =	ssyncadd.s32 $0xFFFFFFFF  }
0xb5: {  	_ =	strace $0x9000004B  }
0xb6: {  	_ =	sfence  }
0xb7: {  	s30 =	sld [smem:$0x0];
	_ =	sdelay $0x2  }
0xb8: {  	s31 =	sshll.u32 s1, $0xD;
	s1 =	sshrl.u32 s1, $0x2  }
0xb9: {  	s3 =	sand.u32 $0x4000, s31;
	s1 =	sadd.s32 s1, s30  }
0xba: {  	s0 =	sor.u32 s3, s0;
	s1 =	sshll.u32 s1, $0x11  }
0xbb: {  	s0 =	sor.u32 s1, s0  }
0xbc: {  	s0 =	sadd.s32 $0x8F2B, s0  }
0xbd: {  	[sflag:s0] =	ssyncadd.remote.s32 $0x1  }
0xbe: {  	_ =	sfence.sel $0xFFFF  }
0xbf: {  	[dreg:$0x0] =	wrdreg $0xFFFFFFFF;
	(pc) =	sbr.abs _section_cstart, $3  }
0xc0: {  	[dreg:$0x1] =	wrdreg $0xFFFFFFFF  }
0xc1: {  	_ =	task.clear_ibuf [dreg:s7], $0x2FFFF;
	_ =	strace $0x9FFFFFFF  }
0xc2: {  	(tm) =	ssettm $0x7FFFFFFF  }
0xc3: {  	_ =	shalt  }
tec
execute0_lowered:
.L_overlay_start_1:
0x0: {  	(tag) =	ssettag $0x1  }
0x1: {  	s0 =	rddreg [dreg:$0x0]  }
0x2: {  	s5 =	rddreg [dreg:$0x1];
	s3 =	srdreg.scid  }
0x3: {  	s2 =	simm.s32 $0x0;
	s1 =	stileid.u32;
	s26 =	simm.s32 $0x880  }
0x4: {  	s10 =	simm.s32 $0x1880;
	s11 =	simm.s32 $0x2080;
	s12 =	simm.s32 $0x2880  }
0x5: {  	s13 =	simm.s32 $0x3080;
	s14 =	simm.s32 $0x3880;
	s15 =	simm.s32 $0x4080  }
0x6: {  	s16 =	simm.s32 $0x4880;
	s17 =	simm.s32 $0x5080;
	s18 =	simm.s32 $0x5880  }
0x7: {  	s19 =	simm.s32 $0x6080;
	s20 =	simm.s32 $0x6880;
	s21 =	simm.s32 $0x7080  }
0x8: {  	s22 =	simm.s32 $0x7880;
	s28 =	simm.s32 $0xA080;
	s29 =	simm.s32 $0xA880  }
0x9: {  	s30 =	simm.s32 $0xB080;
	s31 =	simm.s32 $0xB880;
	s3 =	sand.u32 $0x1, s3  }
0xa: {  	[smem:$0x7FF] =	sst s2;
	s4 =	sshll.u32 s1, $0x4;
	s6 =	sshll.u32 s3, $0x3  }
0xb: {  	_ =	strace $0x8000004A;
	s23 =	ssub.s32 $0x2, s3;
	s3 =	sadd.s32 $0x11800, s0  }
0xc: {  	[dreg:$0x5] =	wrdreg s26;
	s26 =	simm.s32 $0x9880;
	s4 =	sor.u32 s6, s4  }
0xd: {  	s8 =	sshrl.u32 s23, $0x1;
	s7 =	sadd.s32 s4, s0;
	s9 =	smul.u32 $0x300, s4  }
0xe: {  	s6 =	ssub.s32 s23, s8;
	s4 =	sadd.s32 $0x11900, s0;
	s8 =	simm.s32 $0x80  }
0xf: {  	s23 =	simm.s32 $0x8080;
	s24 =	sadd.s32 $0x11600, s7;
	s6 =	smax.u32 s6, $0x1  }
0x10: {  	v2 =	vlaneseq.u32;
	s7 =	simm.s32 $0x2;
	[dreg:$0x3] =	wrdreg s24;
	s25 =	sadd.s32 s5, s9  }
0x11: {  	vm0 =	vmmov $0xffff;
	v1 =	vshrl.u32 v2, $0x3;
	s5 =	sadd.s32 $0x11A00, s0;
	s9 =	simm.s32 $0x1080;
	s24 =	simm.s32 $0x8880  }
0x12: {  	v0 =	vand.u32 $0x7, v2;
	v2 =	vor.u32 $0x8, v2;
	v1 =	vmul.u32 $0x8, v1;
	s0 =	simm.s32 $0x1;
	[dreg:$0x4] =	wrdreg s25;
	s25 =	simm.s32 $0x9080  }
.LBB2_1:
0x13: {  	s1 =	rddreg [dreg:$0x3]  }
0x14: {  	[tilespmem:s2], [sflag:$0x2] =	stream.linear.gather [hbm4b:s1+s2], $0x40, $0x38;
	[tilespmem:$0xC080] =	vst v63  }
0x15: {  	_ =	swait.ge [sflag:s7], $0x40  }
0x16: {  	[sflag:s7] =	ssyncset.done $0x0  }
0x17: {  	[sflag:s7] =	ssyncadd.s32 $0xFFFFFFC0  }
0x18: {  	v3 =	vld [tilespmem:$0x0];
	_ =	sdelay $0x4  }
0x19: {  	v4 =	vshrl.u32 v3, $0x3  }
0x1a: {  	v4 =	vmul.u32 $0x30, v4  }
0x1b: {  	v3 =	vand.u32 $0x7, v3  }
0x1c: {  	v3 =	vor.u32 v3, v4  }
0x1d: {  	v4 =	vperm.xlane v3, v0;
	_ =	sdelay $0x1  }
0x1e: {  	v4 =	vadd.s32 v1, v4;
	_ =	sdelay $0x3  }
0x1f: {  	v3 =	vperm.xlane v3, v2  }
0x20: {  	[tilespmem:s8], [sflag:$0x1] =	stream.indirect_vreg.gather [hbm4b:s3+s2], $0x80, v4, vm0, $0xb8;
	[tilespmem:$0xC080] =	vst v63  }
0x21: {  	s1 =	rddreg [dreg:$0x5];
	v3 =	vadd.s32 v1, v3  }
0x22: {  	[tilespmem:s1], [sflag:$0x1] =	stream.indirect_vreg.gather [hbm4b:s4+s2], $0x80, v4, vm0, $0xb8;
	[tilespmem:$0xC080] =	vst v63  }
0x23: {  	_ = 	snop  }
0x24: {  	[tilespmem:s9], [sflag:$0x1] =	stream.indirect_vreg.gather [hbm4b:s5+s2], $0x80, v4, vm0, $0xb8;
	[tilespmem:$0xC080] =	vst v63  }
0x25: {  	_ = 	snop  }
0x26: {  	[tilespmem:s10], [sflag:$0x1] =	stream.indirect_vreg.gather [hbm4b:s3+s2], $0x80, v3, vm0, $0xb8;
	[tilespmem:$0xC080] =	vst v63  }
0x27: {  	_ = 	snop  }
0x28: {  	[tilespmem:s11], [sflag:$0x1] =	stream.indirect_vreg.gather [hbm4b:s4+s2], $0x80, v3, vm0, $0xb8;
	[tilespmem:$0xC080] =	vst v63  }
0x29: {  	_ = 	snop  }
0x2a: {  	[tilespmem:s12], [sflag:$0x1] =	stream.indirect_vreg.gather [hbm4b:s5+s2], $0x80, v3, vm0, $0xb8;
	[tilespmem:$0xC080] =	vst v63  }
0x2b: {  	v3 =	vld [tilespmem:$0x10];
	_ =	sdelay $0x4  }
0x2c: {  	v61 =	vshrl.u32 v3, $0x3  }
0x2d: {  	v4 =	vmul.u32 $0x30, v61  }
0x2e: {  	v3 =	vand.u32 $0x7, v3  }
0x2f: {  	v3 =	vor.u32 v3, v4  }
0x30: {  	v4 =	vperm.xlane v3, v0;
	_ =	sdelay $0x1  }
0x31: {  	v4 =	vadd.s32 v1, v4;
	_ =	sdelay $0x3  }
0x32: {  	v3 =	vperm.xlane v3, v2  }
0x33: {  	[tilespmem:s13], [sflag:$0x1] =	stream.indirect_vreg.gather [hbm4b:s3+s2], $0x80, v4, vm0, $0xb8;
	[tilespmem:$0xC080] =	vst v63  }
0x34: {  	v3 =	vadd.s32 v1, v3  }
0x35: {  	[tilespmem:s14], [sflag:$0x1] =	stream.indirect_vreg.gather [hbm4b:s4+s2], $0x80, v4, vm0, $0xb8;
	[tilespmem:$0xC080] =	vst v63  }
0x36: {  	_ = 	snop  }
0x37: {  	[tilespmem:s15], [sflag:$0x1] =	stream.indirect_vreg.gather [hbm4b:s5+s2], $0x80, v4, vm0, $0xb8;
	[tilespmem:$0xC080] =	vst v63  }
0x38: {  	_ = 	snop  }
0x39: {  	[tilespmem:s16], [sflag:$0x1] =	stream.indirect_vreg.gather [hbm4b:s3+s2], $0x80, v3, vm0, $0xb8;
	[tilespmem:$0xC080] =	vst v63  }
0x3a: {  	_ = 	snop  }
0x3b: {  	[tilespmem:s17], [sflag:$0x1] =	stream.indirect_vreg.gather [hbm4b:s4+s2], $0x80, v3, vm0, $0xb8;
	[tilespmem:$0xC080] =	vst v63  }
0x3c: {  	_ = 	snop  }
0x3d: {  	[tilespmem:s18], [sflag:$0x1] =	stream.indirect_vreg.gather [hbm4b:s5+s2], $0x80, v3, vm0, $0xb8;
	[tilespmem:$0xC080] =	vst v63  }
0x3e: {  	v3 =	vld [tilespmem:$0x20];
	_ =	sdelay $0x4  }
0x3f: {  	v62 =	vshrl.u32 v3, $0x3  }
0x40: {  	v4 =	vmul.u32 $0x30, v62  }
0x41: {  	v3 =	vand.u32 $0x7, v3  }
0x42: {  	v3 =	vor.u32 v3, v4  }
0x43: {  	v4 =	vperm.xlane v3, v0;
	_ =	sdelay $0x1  }
0x44: {  	v4 =	vadd.s32 v1, v4;
	_ =	sdelay $0x3  }
0x45: {  	v3 =	vperm.xlane v3, v2  }
0x46: {  	[tilespmem:s19], [sflag:$0x1] =	stream.indirect_vreg.gather [hbm4b:s3+s2], $0x80, v4, vm0, $0xb8;
	[tilespmem:$0xC080] =	vst v63  }
0x47: {  	v3 =	vadd.s32 v1, v3  }
0x48: {  	[tilespmem:s20], [sflag:$0x1] =	stream.indirect_vreg.gather [hbm4b:s4+s2], $0x80, v4, vm0, $0xb8;
	[tilespmem:$0xC080] =	vst v63  }
0x49: {  	_ = 	snop  }
0x4a: {  	[tilespmem:s21], [sflag:$0x1] =	stream.indirect_vreg.gather [hbm4b:s5+s2], $0x80, v4, vm0, $0xb8;
	[tilespmem:$0xC080] =	vst v63  }
0x4b: {  	_ = 	snop  }
0x4c: {  	[tilespmem:s22], [sflag:$0x1] =	stream.indirect_vreg.gather [hbm4b:s3+s2], $0x80, v3, vm0, $0xb8;
	[tilespmem:$0xC080] =	vst v63  }
0x4d: {  	_ = 	snop  }
0x4e: {  	[tilespmem:s23], [sflag:$0x1] =	stream.indirect_vreg.gather [hbm4b:s4+s2], $0x80, v3, vm0, $0xb8;
	[tilespmem:$0xC080] =	vst v63  }
0x4f: {  	_ = 	snop  }
0x50: {  	[tilespmem:s24], [sflag:$0x1] =	stream.indirect_vreg.gather [hbm4b:s5+s2], $0x80, v3, vm0, $0xb8;
	[tilespmem:$0xC080] =	vst v63  }
0x51: {  	v3 =	vld [tilespmem:$0x30];
	_ =	sdelay $0x4  }
0x52: {  	v63 =	vshrl.u32 v3, $0x3  }
0x53: {  	v4 =	vmul.u32 $0x30, v63  }
0x54: {  	v3 =	vand.u32 $0x7, v3  }
0x55: {  	v3 =	vor.u32 v3, v4  }
0x56: {  	v4 =	vperm.xlane v3, v0;
	_ =	sdelay $0x1  }
0x57: {  	v4 =	vadd.s32 v1, v4;
	_ =	sdelay $0x3  }
0x58: {  	v3 =	vperm.xlane v3, v2  }
0x59: {  	[tilespmem:s25], [sflag:$0x1] =	stream.indirect_vreg.gather [hbm4b:s3+s2], $0x80, v4, vm0, $0xb8;
	[tilespmem:$0xC080] =	vst v63  }
0x5a: {  	v3 =	vadd.s32 v1, v3  }
0x5b: {  	[tilespmem:s26], [sflag:$0x1] =	stream.indirect_vreg.gather [hbm4b:s4+s2], $0x80, v4, vm0, $0xb8;
	[tilespmem:$0xC080] =	vst v63  }
0x5c: {  	_ = 	snop  }
0x5d: {  	[tilespmem:s28], [sflag:$0x1] =	stream.indirect_vreg.gather [hbm4b:s5+s2], $0x80, v4, vm0, $0xb8;
	[tilespmem:$0xC080] =	vst v63  }
0x5e: {  	_ = 	snop  }
0x5f: {  	[tilespmem:s29], [sflag:$0x1] =	stream.indirect_vreg.gather [hbm4b:s3+s2], $0x80, v3, vm0, $0xb8;
	[tilespmem:$0xC080] =	vst v63  }
0x60: {  	_ = 	snop  }
0x61: {  	[tilespmem:s30], [sflag:$0x1] =	stream.indirect_vreg.gather [hbm4b:s4+s2], $0x80, v3, vm0, $0xb8;
	[tilespmem:$0xC080] =	vst v63  }
0x62: {  	_ = 	snop  }
0x63: {  	[tilespmem:s31], [sflag:$0x1] =	stream.indirect_vreg.gather [hbm4b:s5+s2], $0x80, v3, vm0, $0xb8;
	[tilespmem:$0xC080] =	vst v63  }
0x64: {  	_ =	swait.ge [sflag:s0], $0xC000  }
0x65: {  	p0 =	sne.s32 s6, $0x1;
	[sflag:s0] =	ssyncset.done $0x0  }
.Ltmp0:
0x66: {  	s1 =	rddreg [dreg:$0x4];
	[sflag:s0] =	ssyncadd.s32 $0xFFFF4000;
	(pc) =	sbr.rel @p0 .LBB2_1-.Ltmp0, $4  }
0x67: {  	[hbm4b:s1+s2] =	stream.linear.scatter [tilespmem:s8], [sflag:$0x2], $0xC000, $0x38;
	[tilespmem:$0xC080] =	vst v63  }
0x68: {  	_ =	swait.ge [sflag:s7], $0xC000  }
0x69: {  	[sflag:s7] =	ssyncset.done $0x0  }
0x6a: {  	s6 =	sadd.s32 $0xFFFFFFFF, s6;
	[sflag:s7] =	ssyncadd.s32 $0xFFFF4000  }
0x6b: {  	_ =	sfence.sel $0x180000  }
0x6c: {  	[bflag:$0x0] =	sbarrier.arrive $0xFFFF  }
0x6d: {  	_ =	strace $0x9000004A  }
0x6e: {  	s0 =	stileid.u32;
	[bflag:$0x2] =	sbarrier.arrive $0xFFFF  }
0x6f: {  	p0 =	sne.s32 s0, $0x0;
	s0 =	rddreg [dreg:$0x2]  }
0x70: {  	s0 =	sadd.s32 @!p0 $0x100000, s0  }
0x71: {  	[sflag:s0] =	ssyncadd.tile.s32 @!p0 $0x1;
	_ =	shalt  }
.Lfunc_end2:
_tile_overlayer_lowered:
.L_overlay_start_2:
0x72: {  	(tag) =	ssettag $0x2  }
0x73: {  	s0 =	rddreg [dreg:$0x0];
	s2 =	stileid.u32  }
0x74: {  	s1 =	rddreg [dreg:$0x1];
	p0 =	sne.s32 s2, $0x0  }
0x75: {  	s3 =	rddreg [dreg:$0x2];
	[bflag:$0x3] =	sbarrier.arrive $0xFFFF;
	s2 =	simm.s32 @!p0 $0x1C02  }
0x76: {  	[timem:s3], [sflag:s2] =	dma.local @!p0 [hbm:s0], s1  }
0x77: {  	s0 =	simm.s32 @!p0 $0x2  }
0x78: {  	_ =	swait.ge @!p0 [sflag:s0], s1  }
0x79: {  	s1 =	ssub.s32 @!p0 $0x0, s1;
	[sflag:s0] =	ssyncset.done @!p0 $0x0  }
0x7a: {  	[sflag:s0] =	ssyncadd.s32 @!p0 s1  }
0x7b: {  	[bflag:$0x3] =	sbarrier.arrive $0xFFFF  }
0x7c: {  	_ =	shalt  }

</sc_bundles>
